<compile_context>
chip_gen: v7x
topology: tpu7x:2x2x1
jax: 0.10.2.dev20260603
libtpu: 0.0.44.dev20260713+nightly
codegen_flags: <defaults>
</compile_context>

<pallas_src>
import functools

import jax
import jax.numpy as jnp
from jax import lax
from jax.experimental import pallas as pl
from jax.experimental.pallas import tpu as pltpu
from jax.experimental.pallas import tpu_sc as plsc

N = 10000
E = 320000
D = 128

NC = 2
NS = 16
NW = NC * NS

NPAD = 10240

K3_CHUNK = 128
K3_NCHUNK = 80
E3_PER_TILE = K3_CHUNK * K3_NCHUNK
IBLK = 16

ROWS_PER_TILE = NPAD // NS


def _zero_1d(ref, nwords):
    zeros = jnp.zeros((16,), ref.dtype)

    def body(i, _):
        ref[pl.ds(i * 16, 16)] = zeros
        return _

    lax.fori_loop(0, nwords // 16, body, None)


def _k1_body(dst_hbm, hist_hbm, dstv, histv):
    c = lax.axis_index("c")
    s = lax.axis_index("s")
    w = s * NC + c

    pltpu.sync_copy(dst_hbm.at[w], dstv)
    _zero_1d(histv, NPAD)
    ones_f = jnp.ones((16,), jnp.float32)

    def chunk_body(j, _):
        for k in range(K3_CHUNK // 16):
            d = dstv[j, pl.ds(k * 16, 16)]
            plsc.addupdate_scatter(histv, [d], ones_f)
        return _

    lax.fori_loop(0, K3_NCHUNK, chunk_body, None)
    pltpu.sync_copy(histv, hist_hbm.at[w])


def _k3_body(src_hbm, dst_hbm, fpre_hbm, h0_hbm, h1_hbm,
             sidx, didx, rowsv, rows2v, zrow, acc_sh, gsem, gsem2):
    c = lax.axis_index("c")
    s = lax.axis_index("s")
    w = s * NC + c

    zeros = jnp.zeros((16,), jnp.float32)
    for i in range(16):
        for k in range(D // 16):
            zrow[i, pl.ds(k * 16, 16)] = zeros
    NZB = 10
    for g in range(ROWS_PER_TILE // 16 // NZB):
        for b in range(NZB):
            roff = s * ROWS_PER_TILE + (g * NZB + b) * 16
            pltpu.async_copy(zrow, acc_sh.at[pl.ds(roff, 16)], gsem)
        for b in range(NZB):
            roff = s * ROWS_PER_TILE + (g * NZB + b) * 16
            pltpu.make_async_copy(zrow, acc_sh.at[pl.ds(roff, 16)],
                                  gsem).wait()
    plsc.subcore_barrier()

    for b in range(K3_NCHUNK // IBLK):
        pltpu.sync_copy(src_hbm.at[w, pl.ds(b * IBLK, IBLK)], sidx)
        pltpu.sync_copy(dst_hbm.at[w, pl.ds(b * IBLK, IBLK)], didx)
        pltpu.async_copy(fpre_hbm.at[sidx.at[0]], rowsv, gsem)
        pltpu.async_copy(fpre_hbm.at[sidx.at[1]], rows2v, gsem2)

        def mbody(ii, _):
            i0 = 2 * ii
            pltpu.make_async_copy(fpre_hbm.at[sidx.at[i0]], rowsv,
                                  gsem).wait()
            pltpu.sync_copy(rowsv, acc_sh.at[didx.at[i0]], add=True)
            pltpu.async_copy(fpre_hbm.at[sidx.at[i0 + 2]], rowsv, gsem)
            pltpu.make_async_copy(fpre_hbm.at[sidx.at[i0 + 1]], rows2v,
                                  gsem2).wait()
            pltpu.sync_copy(rows2v, acc_sh.at[didx.at[i0 + 1]], add=True)
            pltpu.async_copy(fpre_hbm.at[sidx.at[i0 + 3]], rows2v, gsem2)
            return _

        lax.fori_loop(0, IBLK // 2 - 1, mbody, None)
        ilast = IBLK - 2
        pltpu.make_async_copy(fpre_hbm.at[sidx.at[ilast]], rowsv,
                              gsem).wait()
        pltpu.sync_copy(rowsv, acc_sh.at[didx.at[ilast]], add=True)
        pltpu.make_async_copy(fpre_hbm.at[sidx.at[ilast + 1]], rows2v,
                              gsem2).wait()
        pltpu.sync_copy(rows2v, acc_sh.at[didx.at[ilast + 1]], add=True)
    plsc.subcore_barrier()

    roff = s * ROWS_PER_TILE

    @pl.when(c == 0)
    def _():
        pltpu.sync_copy(acc_sh.at[pl.ds(roff, ROWS_PER_TILE)],
                        h0_hbm.at[pl.ds(roff, ROWS_PER_TILE)])

    @pl.when(c == 1)
    def _():
        pltpu.sync_copy(acc_sh.at[pl.ds(roff, ROWS_PER_TILE)],
                        h1_hbm.at[pl.ds(roff, ROWS_PER_TILE)])


_ROWBLK = 2048
_GRID = NPAD // _ROWBLK


def _norm_col(norm2d):
    nq = _ROWBLK // D
    e1 = (lax.broadcasted_iota(jnp.int32, (_ROWBLK, nq), 1)
          == lax.broadcasted_iota(jnp.int32, (_ROWBLK, nq), 0) // D
          ).astype(jnp.float32)
    t = jnp.dot(e1, norm2d, preferred_element_type=jnp.float32)
    sel = (lax.broadcasted_iota(jnp.int32, (_ROWBLK, D), 1)
           == lax.broadcasted_iota(jnp.int32, (_ROWBLK, D), 0) % D
           ).astype(jnp.float32)
    return jnp.sum(t * sel, axis=1, keepdims=True)


def _k2_body(hist_ref, feat_ref, fpre_ref, norm_ref):
    deg = jnp.sum(hist_ref[...], axis=0)
    norm2d = lax.rsqrt(jnp.maximum(deg, 1.0))
    norm_ref[...] = norm2d
    fpre_ref[...] = feat_ref[...] * _norm_col(norm2d)


def _k2(hist3, features):
    return pl.pallas_call(
        _k2_body,
        grid=(_GRID,),
        in_specs=[
            pl.BlockSpec((NW, _ROWBLK // D, D), lambda i: (0, i, 0)),
            pl.BlockSpec((_ROWBLK, D), lambda i: (i, 0)),
        ],
        out_specs=[
            pl.BlockSpec((_ROWBLK, D), lambda i: (i, 0)),
            pl.BlockSpec((_ROWBLK // D, D), lambda i: (i, 0)),
        ],
        out_shape=[
            jax.ShapeDtypeStruct((NPAD, D), jnp.float32),
            jax.ShapeDtypeStruct((NPAD // D, D), jnp.float32),
        ],
    )(hist3, features)


def _k4_body(h0_ref, h1_ref, norm_ref, feat_ref, init_ref, aw_ref, out_ref):
    h = (h0_ref[...] + h1_ref[...]) * _norm_col(norm_ref[...])
    f = feat_ref[...]
    a1 = aw_ref[0:1, 0:D]
    a2 = aw_ref[0:1, D:2 * D]
    logit = (jnp.sum(f * a1, axis=1, keepdims=True)
             + jnp.sum(h * a2, axis=1, keepdims=True))
    alpha = jax.nn.sigmoid(logit)
    out_ref[...] = alpha * h + init_ref[...]


def _k4(h0, h1, norm2d, features, initial_features, a_weight):
    blk = lambda i: (i, 0)
    return pl.pallas_call(
        _k4_body,
        grid=(_GRID,),
        in_specs=[
            pl.BlockSpec((_ROWBLK, D), blk),
            pl.BlockSpec((_ROWBLK, D), blk),
            pl.BlockSpec((_ROWBLK // D, D), blk),
            pl.BlockSpec((_ROWBLK, D), blk),
            pl.BlockSpec((_ROWBLK, D), blk),
            pl.BlockSpec((1, 2 * D), lambda i: (0, 0)),
        ],
        out_specs=pl.BlockSpec((_ROWBLK, D), blk),
        out_shape=jax.ShapeDtypeStruct((N, D), jnp.float32),
    )(h0, h1, norm2d, features, initial_features, a_weight)


_sc_mesh = plsc.VectorSubcoreMesh(core_axis_name="c", subcore_axis_name="s")

_k1 = functools.partial(
    pl.kernel,
    out_type=jax.ShapeDtypeStruct((NW, NPAD), jnp.float32),
    mesh=_sc_mesh,
    compiler_params=pltpu.CompilerParams(needs_layout_passes=False),
    scratch_types=[
        pltpu.VMEM((K3_NCHUNK, K3_CHUNK), jnp.int32),
        pltpu.VMEM((NPAD,), jnp.float32),
    ],
)(_k1_body)

_k3 = functools.partial(
    pl.kernel,
    out_type=(
        jax.ShapeDtypeStruct((NPAD, D), jnp.float32),
        jax.ShapeDtypeStruct((NPAD, D), jnp.float32),
    ),
    mesh=_sc_mesh,
    scratch_types=[
        pltpu.VMEM((IBLK, K3_CHUNK), jnp.int32),
        pltpu.VMEM((IBLK, K3_CHUNK), jnp.int32),
        pltpu.VMEM((K3_CHUNK, D), jnp.float32),
        pltpu.VMEM((K3_CHUNK, D), jnp.float32),
        pltpu.VMEM((16, D), jnp.float32),
        pltpu.VMEM_SHARED((NPAD, D), jnp.float32),
        pltpu.SemaphoreType.DMA,
        pltpu.SemaphoreType.DMA,
    ],
)(_k3_body)


def kernel(features, initial_features, edge_index, a_weight):
    src = edge_index[0]
    dst = edge_index[1]

    pad3 = NW * E3_PER_TILE - E
    dummy_dst = N + jnp.arange(pad3, dtype=jnp.int32) % (NPAD - N)
    dummy_src = jnp.arange(pad3, dtype=jnp.int32) % N
    src3 = jnp.concatenate(
        [src, dummy_src]).reshape(NW, K3_NCHUNK, K3_CHUNK)
    dst3 = jnp.concatenate(
        [dst, dummy_dst]).reshape(NW, K3_NCHUNK, K3_CHUNK)

    hist = _k1(dst3)
    fpre, norm2d = _k2(hist.reshape(NW, NPAD // D, D), features)
    h0, h1 = _k3(src3, dst3, fpre)
    out = _k4(h0, h1, norm2d, features, initial_features, a_weight)
    return out

# --- scband reference (transcript-rebuilt; emitter-appended) ---
"""Pipeline reference for scband-asgclayer-26834955666032 (READ-ONLY COPY).

The authoritative reference and input builder live on the scoring server;
editing this copy changes nothing except your own understanding.
"""

import jax, jax.numpy as jnp
import numpy as np

N = 10000
E = 320000
D = 128

def setup_inputs(seed: int = 0) -> dict:
    key = jax.random.key(seed)
    k1, k2, k3, k4 = jax.random.split(key, 4)
    features = jax.random.normal(k1, (N, D), dtype=jnp.float32)
    initial_features = jax.random.normal(k2, (N, D), dtype=jnp.float32)
    edge_index = jax.random.randint(k3, (2, E), 0, N, dtype=jnp.int32)
    # nn.Linear(in_dim+out_dim, 1, bias=False) weight, xavier_uniform init
    fan_in = 2 * D
    fan_out = 1
    bound = float(np.sqrt(6.0 / (fan_in + fan_out)))
    a_weight = jax.random.uniform(k4, (1, 2 * D), dtype=jnp.float32, minval=-bound, maxval=bound)
    return {"features": features, "initial_features": initial_features, "edge_index": edge_index, "a_weight": a_weight}

def reference(features, initial_features, edge_index, a_weight):
    src = edge_index[0]
    dst = edge_index[1]
    # in_degrees per node (number of edges whose dst is the node)
    deg = jax.ops.segment_sum(jnp.ones((E,), dtype=jnp.float32), dst, num_segments=N)
    norm = jnp.power(jnp.clip(deg, 1.0, None), -0.5)[:, None]
    h_pre = features
    h = features * norm
    # copy_u -> sum: scatter-add source features into destination nodes
    h = jax.ops.segment_sum(jnp.take(h, src, axis=0), dst, num_segments=N)
    h = h * norm
    hs = jnp.concatenate([h_pre, h], axis=1)
    alpha = jax.nn.sigmoid(hs @ a_weight.T)
    h = alpha * h + initial_features
    return h

if __name__ == "__main__":
    import jax
    _d = setup_inputs()
    print(jax.jit(kernel)(*tuple(_d.values())))

</pallas_src>

<mosaic_0001>
#map = affine_map<(d0, d1) -> (0, 0, 0)>
#map1 = affine_map<(d0, d1) -> (0, 0)>
module attributes {stable_mosaic.version = 14 : i64} {
  func.func @_k3_body(%arg0: i32, %arg1: i32, %arg2: memref<32x80x128xi32, #tpu.memory_space<hbm>>, %arg3: memref<32x80x128xi32, #tpu.memory_space<hbm>>, %arg4: memref<10240x128xf32, #tpu.memory_space<hbm>>, %arg5: memref<10240x128xf32, #tpu.memory_space<hbm>>, %arg6: memref<10240x128xf32, #tpu.memory_space<hbm>>, %arg7: memref<16x128xi32, #tpu.memory_space<vmem>>, %arg8: memref<16x128xi32, #tpu.memory_space<vmem>>, %arg9: memref<128x128xf32, #tpu.memory_space<vmem>>, %arg10: memref<128x128xf32, #tpu.memory_space<vmem>>, %arg11: memref<16x128xf32, #tpu.memory_space<vmem>>, %arg12: memref<10240x128xf32, #tpu.memory_space<vmem_shared>>, %arg13: memref<!tpu.dma_semaphore, #tpu.memory_space<semaphore_mem>>, %arg14: memref<!tpu.dma_semaphore, #tpu.memory_space<semaphore_mem>>) attributes {dimension_semantics = [#tpu.dimension_semantics<core_parallel>, #tpu.dimension_semantics<subcore_parallel>], iteration_bounds = array<i64: 2, 16>, scalar_prefetch = 0 : i64, scratch_operands = 8 : i64, tpu.core_type = #tpu.core_type<sc_vector_subcore>, window_params = [{transform_indices = #map}, {transform_indices = #map}, {transform_indices = #map1}, {transform_indices = #map1}, {transform_indices = #map1}]} {
    %mul3A = arith.constant 2 : i32
    %mul3A_0 = arith.muli %arg1, %mul3A : i32
    %add3A = arith.addi %mul3A_0, %arg0 : i32
    %broadcast_in_dim3A = arith.constant 0.000000e+00 : f32
    %broadcast_in_dim3A_1 = vector.broadcast %broadcast_in_dim3A : f32 to vector<16xf32>
    %swap3A = arith.constant 0 : i32
    %swap3A_2 = arith.index_cast %swap3A : i32 to index
    %swap3A_3 = arith.constant 0 : index
    %swap3A_4 = tpu.vector_load %arg11[%swap3A_2, %swap3A_3] {strides = array<i32>} : memref<16x128xf32, #tpu.memory_space<vmem>>, vector<1x16xf32>,
    %swap3A_5 = vector.shape_cast %swap3A_4 : vector<1x16xf32> to vector<16xf32>
    %swap3A_6 = vector.shape_cast %broadcast_in_dim3A_1 : vector<16xf32> to vector<1x16xf32>
    tpu.vector_store %arg11[%swap3A_2, %swap3A_3], %swap3A_6 {strides = array<i32>} : memref<16x128xf32, #tpu.memory_space<vmem>>, vector<1x16xf32>,
    %swap3A_7 = arith.constant 0 : i32
    %swap3A_8 = arith.index_cast %swap3A_7 : i32 to index
    %swap3A_9 = arith.constant 16 : index
    %swap3A_10 = tpu.vector_load %arg11[%swap3A_8, %swap3A_9] {strides = array<i32>} : memref<16x128xf32, #tpu.memory_space<vmem>>, vector<1x16xf32>,
    %swap3A_11 = vector.shape_cast %swap3A_10 : vector<1x16xf32> to vector<16xf32>
    %swap3A_12 = vector.shape_cast %broadcast_in_dim3A_1 : vector<16xf32> to vector<1x16xf32>
    tpu.vector_store %arg11[%swap3A_8, %swap3A_9], %swap3A_12 {strides = array<i32>} : memref<16x128xf32, #tpu.memory_space<vmem>>, vector<1x16xf32>,
    %swap3A_13 = arith.constant 0 : i32
    %swap3A_14 = arith.index_cast %swap3A_13 : i32 to index
    %swap3A_15 = arith.constant 32 : index
    %swap3A_16 = tpu.vector_load %arg11[%swap3A_14, %swap3A_15] {strides = array<i32>} : memref<16x128xf32, #tpu.memory_space<vmem>>, vector<1x16xf32>,
    %swap3A_17 = vector.shape_cast %swap3A_16 : vector<1x16xf32> to vector<16xf32>
    %swap3A_18 = vector.shape_cast %broadcast_in_dim3A_1 : vector<16xf32> to vector<1x16xf32>
    tpu.vector_store %arg11[%swap3A_14, %swap3A_15], %swap3A_18 {strides = array<i32>} : memref<16x128xf32, #tpu.memory_space<vmem>>, vector<1x16xf32>,
    %swap3A_19 = arith.constant 0 : i32
    %swap3A_20 = arith.index_cast %swap3A_19 : i32 to index
    %swap3A_21 = arith.constant 48 : index
    %swap3A_22 = tpu.vector_load %arg11[%swap3A_20, %swap3A_21] {strides = array<i32>} : memref<16x128xf32, #tpu.memory_space<vmem>>, vector<1x16xf32>,
    %swap3A_23 = vector.shape_cast %swap3A_22 : vector<1x16xf32> to vector<16xf32>
    %swap3A_24 = vector.shape_cast %broadcast_in_dim3A_1 : vector<16xf32> to vector<1x16xf32>
    tpu.vector_store %arg11[%swap3A_20, %swap3A_21], %swap3A_24 {strides = array<i32>} : memref<16x128xf32, #tpu.memory_space<vmem>>, vector<1x16xf32>,
    %swap3A_25 = arith.constant 0 : i32
    %swap3A_26 = arith.index_cast %swap3A_25 : i32 to index
    %swap3A_27 = arith.constant 64 : index
    %swap3A_28 = tpu.vector_load %arg11[%swap3A_26, %swap3A_27] {strides = array<i32>} : memref<16x128xf32, #tpu.memory_space<vmem>>, vector<1x16xf32>,
    %swap3A_29 = vector.shape_cast %swap3A_28 : vector<1x16xf32> to vector<16xf32>
    %swap3A_30 = vector.shape_cast %broadcast_in_dim3A_1 : vector<16xf32> to vector<1x16xf32>
    tpu.vector_store %arg11[%swap3A_26, %swap3A_27], %swap3A_30 {strides = array<i32>} : memref<16x128xf32, #tpu.memory_space<vmem>>, vector<1x16xf32>,
    %swap3A_31 = arith.constant 0 : i32
    %swap3A_32 = arith.index_cast %swap3A_31 : i32 to index
    %swap3A_33 = arith.constant 80 : index
    %swap3A_34 = tpu.vector_load %arg11[%swap3A_32, %swap3A_33] {strides = array<i32>} : memref<16x128xf32, #tpu.memory_space<vmem>>, vector<1x16xf32>,
    %swap3A_35 = vector.shape_cast %swap3A_34 : vector<1x16xf32> to vector<16xf32>
    %swap3A_36 = vector.shape_cast %broadcast_in_dim3A_1 : vector<16xf32> to vector<1x16xf32>
    tpu.vector_store %arg11[%swap3A_32, %swap3A_33], %swap3A_36 {strides = array<i32>} : memref<16x128xf32, #tpu.memory_space<vmem>>, vector<1x16xf32>,
    %swap3A_37 = arith.constant 0 : i32
    %swap3A_38 = arith.index_cast %swap3A_37 : i32 to index
    %swap3A_39 = arith.constant 96 : index
    %swap3A_40 = tpu.vector_load %arg11[%swap3A_38, %swap3A_39] {strides = array<i32>} : memref<16x128xf32, #tpu.memory_space<vmem>>, vector<1x16xf32>,
    %swap3A_41 = vector.shape_cast %swap3A_40 : vector<1x16xf32> to vector<16xf32>
    %swap3A_42 = vector.shape_cast %broadcast_in_dim3A_1 : vector<16xf32> to vector<1x16xf32>
    tpu.vector_store %arg11[%swap3A_38, %swap3A_39], %swap3A_42 {strides = array<i32>} : memref<16x128xf32, #tpu.memory_space<vmem>>, vector<1x16xf32>,
    %swap3A_43 = arith.constant 0 : i32
    %swap3A_44 = arith.index_cast %swap3A_43 : i32 to index
    %swap3A_45 = arith.constant 112 : index
    %swap3A_46 = tpu.vector_load %arg11[%swap3A_44, %swap3A_45] {strides = array<i32>} : memref<16x128xf32, #tpu.memory_space<vmem>>, vector<1x16xf32>,
    %swap3A_47 = vector.shape_cast %swap3A_46 : vector<1x16xf32> to vector<16xf32>
    %swap3A_48 = vector.shape_cast %broadcast_in_dim3A_1 : vector<16xf32> to vector<1x16xf32>
    tpu.vector_store %arg11[%swap3A_44, %swap3A_45], %swap3A_48 {strides = array<i32>} : memref<16x128xf32, #tpu.memory_space<vmem>>, vector<1x16xf32>,
    %swap3A_49 = arith.constant 1 : i32
    %swap3A_50 = arith.index_cast %swap3A_49 : i32 to index
    %swap3A_51 = arith.constant 0 : index
    %swap3A_52 = tpu.vector_load %arg11[%swap3A_50, %swap3A_51] {strides = array<i32>} : memref<16x128xf32, #tpu.memory_space<vmem>>, vector<1x16xf32>,
    %swap3A_53 = vector.shape_cast %swap3A_52 : vector<1x16xf32> to vector<16xf32>
    %swap3A_54 = vector.shape_cast %broadcast_in_dim3A_1 : vector<16xf32> to vector<1x16xf32>
    tpu.vector_store %arg11[%swap3A_50, %swap3A_51], %swap3A_54 {strides = array<i32>} : memref<16x128xf32, #tpu.memory_space<vmem>>, vector<1x16xf32>,
    %swap3A_55 = arith.constant 1 : i32
    %swap3A_56 = arith.index_cast %swap3A_55 : i32 to index
    %swap3A_57 = arith.constant 16 : index
    %swap3A_58 = tpu.vector_load %arg11[%swap3A_56, %swap3A_57] {strides = array<i32>} : memref<16x128xf32, #tpu.memory_space<vmem>>, vector<1x16xf32>,
    %swap3A_59 = vector.shape_cast %swap3A_58 : vector<1x16xf32> to vector<16xf32>
    %swap3A_60 = vector.shape_cast %broadcast_in_dim3A_1 : vector<16xf32> to vector<1x16xf32>
    tpu.vector_store %arg11[%swap3A_56, %swap3A_57], %swap3A_60 {strides = array<i32>} : memref<16x128xf32, #tpu.memory_space<vmem>>, vector<1x16xf32>,
    %swap3A_61 = arith.constant 1 : i32
    %swap3A_62 = arith.index_cast %swap3A_61 : i32 to index
    %swap3A_63 = arith.constant 32 : index
    %swap3A_64 = tpu.vector_load %arg11[%swap3A_62, %swap3A_63] {strides = array<i32>} : memref<16x128xf32, #tpu.memory_space<vmem>>, vector<1x16xf32>,
    %swap3A_65 = vector.shape_cast %swap3A_64 : vector<1x16xf32> to vector<16xf32>
    %swap3A_66 = vector.shape_cast %broadcast_in_dim3A_1 : vector<16xf32> to vector<1x16xf32>
    tpu.vector_store %arg11[%swap3A_62, %swap3A_63], %swap3A_66 {strides = array<i32>} : memref<16x128xf32, #tpu.memory_space<vmem>>, vector<1x16xf32>,
    %swap3A_67 = arith.constant 1 : i32
    %swap3A_68 = arith.index_cast %swap3A_67 : i32 to index
    %swap3A_69 = arith.constant 48 : index
    %swap3A_70 = tpu.vector_load %arg11[%swap3A_68, %swap3A_69] {strides = array<i32>} : memref<16x128xf32, #tpu.memory_space<vmem>>, vector<1x16xf32>,
    %swap3A_71 = vector.shape_cast %swap3A_70 : vector<1x16xf32> to vector<16xf32>
    %swap3A_72 = vector.shape_cast %broadcast_in_dim3A_1 : vector<16xf32> to vector<1x16xf32>
    tpu.vector_store %arg11[%swap3A_68, %swap3A_69], %swap3A_72 {strides = array<i32>} : memref<16x128xf32, #tpu.memory_space<vmem>>, vector<1x16xf32>,
    %swap3A_73 = arith.constant 1 : i32
    %swap3A_74 = arith.index_cast %swap3A_73 : i32 to index
    %swap3A_75 = arith.constant 64 : index
    %swap3A_76 = tpu.vector_load %arg11[%swap3A_74, %swap3A_75] {strides = array<i32>} : memref<16x128xf32, #tpu.memory_space<vmem>>, vector<1x16xf32>,
    %swap3A_77 = vector.shape_cast %swap3A_76 : vector<1x16xf32> to vector<16xf32>
    %swap3A_78 = vector.shape_cast %broadcast_in_dim3A_1 : vector<16xf32> to vector<1x16xf32>
    tpu.vector_store %arg11[%swap3A_74, %swap3A_75], %swap3A_78 {strides = array<i32>} : memref<16x128xf32, #tpu.memory_space<vmem>>, vector<1x16xf32>,
    %swap3A_79 = arith.constant 1 : i32
    %swap3A_80 = arith.index_cast %swap3A_79 : i32 to index
    %swap3A_81 = arith.constant 80 : index
    %swap3A_82 = tpu.vector_load %arg11[%swap3A_80, %swap3A_81] {strides = array<i32>} : memref<16x128xf32, #tpu.memory_space<vmem>>, vector<1x16xf32>,
    %swap3A_83 = vector.shape_cast %swap3A_82 : vector<1x16xf32> to vector<16xf32>
    %swap3A_84 = vector.shape_cast %broadcast_in_dim3A_1 : vector<16xf32> to vector<1x16xf32>
    tpu.vector_store %arg11[%swap3A_80, %swap3A_81], %swap3A_84 {strides = array<i32>} : memref<16x128xf32, #tpu.memory_space<vmem>>, vector<1x16xf32>,
    %swap3A_85 = arith.constant 1 : i32
    %swap3A_86 = arith.index_cast %swap3A_85 : i32 to index
    %swap3A_87 = arith.constant 96 : index
    %swap3A_88 = tpu.vector_load %arg11[%swap3A_86, %swap3A_87] {strides = array<i32>} : memref<16x128xf32, #tpu.memory_space<vmem>>, vector<1x16xf32>,
    %swap3A_89 = vector.shape_cast %swap3A_88 : vector<1x16xf32> to vector<16xf32>
    %swap3A_90 = vector.shape_cast %broadcast_in_dim3A_1 : vector<16xf32> to vector<1x16xf32>
    tpu.vector_store %arg11[%swap3A_86, %swap3A_87], %swap3A_90 {strides = array<i32>} : memref<16x128xf32, #tpu.memory_space<vmem>>, vector<1x16xf32>,
    %swap3A_91 = arith.constant 1 : i32
    %swap3A_92 = arith.index_cast %swap3A_91 : i32 to index
    %swap3A_93 = arith.constant 112 : index
    %swap3A_94 = tpu.vector_load %arg11[%swap3A_92, %swap3A_93] {strides = array<i32>} : memref<16x128xf32, #tpu.memory_space<vmem>>, vector<1x16xf32>,
    %swap3A_95 = vector.shape_cast %swap3A_94 : vector<1x16xf32> to vector<16xf32>
    %swap3A_96 = vector.shape_cast %broadcast_in_dim3A_1 : vector<16xf32> to vector<1x16xf32>
    tpu.vector_store %arg11[%swap3A_92, %swap3A_93], %swap3A_96 {strides = array<i32>} : memref<16x128xf32, #tpu.memory_space<vmem>>, vector<1x16xf32>,
    %swap3A_97 = arith.constant 2 : i32
    %swap3A_98 = arith.index_cast %swap3A_97 : i32 to index
    %swap3A_99 = arith.constant 0 : index
    %swap3A_100 = tpu.vector_load %arg11[%swap3A_98, %swap3A_99] {strides = array<i32>} : memref<16x128xf32, #tpu.memory_space<vmem>>, vector<1x16xf32>,
    %swap3A_101 = vector.shape_cast %swap3A_100 : vector<1x16xf32> to vector<16xf32>
    %swap3A_102 = vector.shape_cast %broadcast_in_dim3A_1 : vector<16xf32> to vector<1x16xf32>
    tpu.vector_store %arg11[%swap3A_98, %swap3A_99], %swap3A_102 {strides = array<i32>} : memref<16x128xf32, #tpu.memory_space<vmem>>, vector<1x16xf32>,
    %swap3A_103 = arith.constant 2 : i32
    %swap3A_104 = arith.index_cast %swap3A_103 : i32 to index
    %swap3A_105 = arith.constant 16 : index
    %swap3A_106 = tpu.vector_load %arg11[%swap3A_104, %swap3A_105] {strides = array<i32>} : memref<16x128xf32, #tpu.memory_space<vmem>>, vector<1x16xf32>,
    %swap3A_107 = vector.shape_cast %swap3A_106 : vector<1x16xf32> to vector<16xf32>
    %swap3A_108 = vector.shape_cast %broadcast_in_dim3A_1 : vector<16xf32> to vector<1x16xf32>
    tpu.vector_store %arg11[%swap3A_104, %swap3A_105], %swap3A_108 {strides = array<i32>} : memref<16x128xf32, #tpu.memory_space<vmem>>, vector<1x16xf32>,
    %swap3A_109 = arith.constant 2 : i32
    %swap3A_110 = arith.index_cast %swap3A_109 : i32 to index
    %swap3A_111 = arith.constant 32 : index
    %swap3A_112 = tpu.vector_load %arg11[%swap3A_110, %swap3A_111] {strides = array<i32>} : memref<16x128xf32, #tpu.memory_space<vmem>>, vector<1x16xf32>,
    %swap3A_113 = vector.shape_cast %swap3A_112 : vector<1x16xf32> to vector<16xf32>
    %swap3A_114 = vector.shape_cast %broadcast_in_dim3A_1 : vector<16xf32> to vector<1x16xf32>
    tpu.vector_store %arg11[%swap3A_110, %swap3A_111], %swap3A_114 {strides = array<i32>} : memref<16x128xf32, #tpu.memory_space<vmem>>, vector<1x16xf32>,
    %swap3A_115 = arith.constant 2 : i32
    %swap3A_116 = arith.index_cast %swap3A_115 : i32 to index
    %swap3A_117 = arith.constant 48 : index
    %swap3A_118 = tpu.vector_load %arg11[%swap3A_116, %swap3A_117] {strides = array<i32>} : memref<16x128xf32, #tpu.memory_space<vmem>>, vector<1x16xf32>,
    %swap3A_119 = vector.shape_cast %swap3A_118 : vector<1x16xf32> to vector<16xf32>
    %swap3A_120 = vector.shape_cast %broadcast_in_dim3A_1 : vector<16xf32> to vector<1x16xf32>
    tpu.vector_store %arg11[%swap3A_116, %swap3A_117], %swap3A_120 {strides = array<i32>} : memref<16x128xf32, #tpu.memory_space<vmem>>, vector<1x16xf32>,
    %swap3A_121 = arith.constant 2 : i32
    %swap3A_122 = arith.index_cast %swap3A_121 : i32 to index
    %swap3A_123 = arith.constant 64 : index
    %swap3A_124 = tpu.vector_load %arg11[%swap3A_122, %swap3A_123] {strides = array<i32>} : memref<16x128xf32, #tpu.memory_space<vmem>>, vector<1x16xf32>,
    %swap3A_125 = vector.shape_cast %swap3A_124 : vector<1x16xf32> to vector<16xf32>
    %swap3A_126 = vector.shape_cast %broadcast_in_dim3A_1 : vector<16xf32> to vector<1x16xf32>
    tpu.vector_store %arg11[%swap3A_122, %swap3A_123], %swap3A_126 {strides = array<i32>} : memref<16x128xf32, #tpu.memory_space<vmem>>, vector<1x16xf32>,
    %swap3A_127 = arith.constant 2 : i32
    %swap3A_128 = arith.index_cast %swap3A_127 : i32 to index
    %swap3A_129 = arith.constant 80 : index
    %swap3A_130 = tpu.vector_load %arg11[%swap3A_128, %swap3A_129] {strides = array<i32>} : memref<16x128xf32, #tpu.memory_space<vmem>>, vector<1x16xf32>,
    %swap3A_131 = vector.shape_cast %swap3A_130 : vector<1x16xf32> to vector<16xf32>
    %swap3A_132 = vector.shape_cast %broadcast_in_dim3A_1 : vector<16xf32> to vector<1x16xf32>
    tpu.vector_store %arg11[%swap3A_128, %swap3A_129], %swap3A_132 {strides = array<i32>} : memref<16x128xf32, #tpu.memory_space<vmem>>, vector<1x16xf32>,
    %swap3A_133 = arith.constant 2 : i32
    %swap3A_134 = arith.index_cast %swap3A_133 : i32 to index
    %swap3A_135 = arith.constant 96 : index
    %swap3A_136 = tpu.vector_load %arg11[%swap3A_134, %swap3A_135] {strides = array<i32>} : memref<16x128xf32, #tpu.memory_space<vmem>>, vector<1x16xf32>,
    %swap3A_137 = vector.shape_cast %swap3A_136 : vector<1x16xf32> to vector<16xf32>
    %swap3A_138 = vector.shape_cast %broadcast_in_dim3A_1 : vector<16xf32> to vector<1x16xf32>
    tpu.vector_store %arg11[%swap3A_134, %swap3A_135], %swap3A_138 {strides = array<i32>} : memref<16x128xf32, #tpu.memory_space<vmem>>, vector<1x16xf32>,
    %swap3A_139 = arith.constant 2 : i32
    %swap3A_140 = arith.index_cast %swap3A_139 : i32 to index
    %swap3A_141 = arith.constant 112 : index
    %swap3A_142 = tpu.vector_load %arg11[%swap3A_140, %swap3A_141] {strides = array<i32>} : memref<16x128xf32, #tpu.memory_space<vmem>>, vector<1x16xf32>,
    %swap3A_143 = vector.shape_cast %swap3A_142 : vector<1x16xf32> to vector<16xf32>
    %swap3A_144 = vector.shape_cast %broadcast_in_dim3A_1 : vector<16xf32> to vector<1x16xf32>
    tpu.vector_store %arg11[%swap3A_140, %swap3A_141], %swap3A_144 {strides = array<i32>} : memref<16x128xf32, #tpu.memory_space<vmem>>, vector<1x16xf32>,
    %swap3A_145 = arith.constant 3 : i32
    %swap3A_146 = arith.index_cast %swap3A_145 : i32 to index
    %swap3A_147 = arith.constant 0 : index
    %swap3A_148 = tpu.vector_load %arg11[%swap3A_146, %swap3A_147] {strides = array<i32>} : memref<16x128xf32, #tpu.memory_space<vmem>>, vector<1x16xf32>,
    %swap3A_149 = vector.shape_cast %swap3A_148 : vector<1x16xf32> to vector<16xf32>
    %swap3A_150 = vector.shape_cast %broadcast_in_dim3A_1 : vector<16xf32> to vector<1x16xf32>
    tpu.vector_store %arg11[%swap3A_146, %swap3A_147], %swap3A_150 {strides = array<i32>} : memref<16x128xf32, #tpu.memory_space<vmem>>, vector<1x16xf32>,
    %swap3A_151 = arith.constant 3 : i32
    %swap3A_152 = arith.index_cast %swap3A_151 : i32 to index
    %swap3A_153 = arith.constant 16 : index
    %swap3A_154 = tpu.vector_load %arg11[%swap3A_152, %swap3A_153] {strides = array<i32>} : memref<16x128xf32, #tpu.memory_space<vmem>>, vector<1x16xf32>,
    %swap3A_155 = vector.shape_cast %swap3A_154 : vector<1x16xf32> to vector<16xf32>
    %swap3A_156 = vector.shape_cast %broadcast_in_dim3A_1 : vector<16xf32> to vector<1x16xf32>
    tpu.vector_store %arg11[%swap3A_152, %swap3A_153], %swap3A_156 {strides = array<i32>} : memref<16x128xf32, #tpu.memory_space<vmem>>, vector<1x16xf32>,
    %swap3A_157 = arith.constant 3 : i32
    %swap3A_158 = arith.index_cast %swap3A_157 : i32 to index
    %swap3A_159 = arith.constant 32 : index
    %swap3A_160 = tpu.vector_load %arg11[%swap3A_158, %swap3A_159] {strides = array<i32>} : memref<16x128xf32, #tpu.memory_space<vmem>>, vector<1x16xf32>,
    %swap3A_161 = vector.shape_cast %swap3A_160 : vector<1x16xf32> to vector<16xf32>
    %swap3A_162 = vector.shape_cast %broadcast_in_dim3A_1 : vector<16xf32> to vector<1x16xf32>
    tpu.vector_store %arg11[%swap3A_158, %swap3A_159], %swap3A_162 {strides = array<i32>} : memref<16x128xf32, #tpu.memory_space<vmem>>, vector<1x16xf32>,
    %swap3A_163 = arith.constant 3 : i32
    %swap3A_164 = arith.index_cast %swap3A_163 : i32 to index
    %swap3A_165 = arith.constant 48 : index
    %swap3A_166 = tpu.vector_load %arg11[%swap3A_164, %swap3A_165] {strides = array<i32>} : memref<16x128xf32, #tpu.memory_space<vmem>>, vector<1x16xf32>,
    %swap3A_167 = vector.shape_cast %swap3A_166 : vector<1x16xf32> to vector<16xf32>
    %swap3A_168 = vector.shape_cast %broadcast_in_dim3A_1 : vector<16xf32> to vector<1x16xf32>
    tpu.vector_store %arg11[%swap3A_164, %swap3A_165], %swap3A_168 {strides = array<i32>} : memref<16x128xf32, #tpu.memory_space<vmem>>, vector<1x16xf32>,
    %swap3A_169 = arith.constant 3 : i32
    %swap3A_170 = arith.index_cast %swap3A_169 : i32 to index
    %swap3A_171 = arith.constant 64 : index
    %swap3A_172 = tpu.vector_load %arg11[%swap3A_170, %swap3A_171] {strides = array<i32>} : memref<16x128xf32, #tpu.memory_space<vmem>>, vector<1x16xf32>,
    %swap3A_173 = vector.shape_cast %swap3A_172 : vector<1x16xf32> to vector<16xf32>
    %swap3A_174 = vector.shape_cast %broadcast_in_dim3A_1 : vector<16xf32> to vector<1x16xf32>
    tpu.vector_store %arg11[%swap3A_170, %swap3A_171], %swap3A_174 {strides = array<i32>} : memref<16x128xf32, #tpu.memory_space<vmem>>, vector<1x16xf32>,
    %swap3A_175 = arith.constant 3 : i32
    %swap3A_176 = arith.index_cast %swap3A_175 : i32 to index
    %swap3A_177 = arith.constant 80 : index
    %swap3A_178 = tpu.vector_load %arg11[%swap3A_176, %swap3A_177] {strides = array<i32>} : memref<16x128xf32, #tpu.memory_space<vmem>>, vector<1x16xf32>,
    %swap3A_179 = vector.shape_cast %swap3A_178 : vector<1x16xf32> to vector<16xf32>
    %swap3A_180 = vector.shape_cast %broadcast_in_dim3A_1 : vector<16xf32> to vector<1x16xf32>
    tpu.vector_store %arg11[%swap3A_176, %swap3A_177], %swap3A_180 {strides = array<i32>} : memref<16x128xf32, #tpu.memory_space<vmem>>, vector<1x16xf32>,
    %swap3A_181 = arith.constant 3 : i32
    %swap3A_182 = arith.index_cast %swap3A_181 : i32 to index
    %swap3A_183 = arith.constant 96 : index
    %swap3A_184 = tpu.vector_load %arg11[%swap3A_182, %swap3A_183] {strides = array<i32>} : memref<16x128xf32, #tpu.memory_space<vmem>>, vector<1x16xf32>,
    %swap3A_185 = vector.shape_cast %swap3A_184 : vector<1x16xf32> to vector<16xf32>
    %swap3A_186 = vector.shape_cast %broadcast_in_dim3A_1 : vector<16xf32> to vector<1x16xf32>
    tpu.vector_store %arg11[%swap3A_182, %swap3A_183], %swap3A_186 {strides = array<i32>} : memref<16x128xf32, #tpu.memory_space<vmem>>, vector<1x16xf32>,
    %swap3A_187 = arith.constant 3 : i32
    %swap3A_188 = arith.index_cast %swap3A_187 : i32 to index
    %swap3A_189 = arith.constant 112 : index
    %swap3A_190 = tpu.vector_load %arg11[%swap3A_188, %swap3A_189] {strides = array<i32>} : memref<16x128xf32, #tpu.memory_space<vmem>>, vector<1x16xf32>,
    %swap3A_191 = vector.shape_cast %swap3A_190 : vector<1x16xf32> to vector<16xf32>
    %swap3A_192 = vector.shape_cast %broadcast_in_dim3A_1 : vector<16xf32> to vector<1x16xf32>
    tpu.vector_store %arg11[%swap3A_188, %swap3A_189], %swap3A_192 {strides = array<i32>} : memref<16x128xf32, #tpu.memory_space<vmem>>, vector<1x16xf32>,
    %swap3A_193 = arith.constant 4 : i32
    %swap3A_194 = arith.index_cast %swap3A_193 : i32 to index
    %swap3A_195 = arith.constant 0 : index
    %swap3A_196 = tpu.vector_load %arg11[%swap3A_194, %swap3A_195] {strides = array<i32>} : memref<16x128xf32, #tpu.memory_space<vmem>>, vector<1x16xf32>,
    %swap3A_197 = vector.shape_cast %swap3A_196 : vector<1x16xf32> to vector<16xf32>
    %swap3A_198 = vector.shape_cast %broadcast_in_dim3A_1 : vector<16xf32> to vector<1x16xf32>
    tpu.vector_store %arg11[%swap3A_194, %swap3A_195], %swap3A_198 {strides = array<i32>} : memref<16x128xf32, #tpu.memory_space<vmem>>, vector<1x16xf32>,
    %swap3A_199 = arith.constant 4 : i32
    %swap3A_200 = arith.index_cast %swap3A_199 : i32 to index
    %swap3A_201 = arith.constant 16 : index
    %swap3A_202 = tpu.vector_load %arg11[%swap3A_200, %swap3A_201] {strides = array<i32>} : memref<16x128xf32, #tpu.memory_space<vmem>>, vector<1x16xf32>,
    %swap3A_203 = vector.shape_cast %swap3A_202 : vector<1x16xf32> to vector<16xf32>
    %swap3A_204 = vector.shape_cast %broadcast_in_dim3A_1 : vector<16xf32> to vector<1x16xf32>
    tpu.vector_store %arg11[%swap3A_200, %swap3A_201], %swap3A_204 {strides = array<i32>} : memref<16x128xf32, #tpu.memory_space<vmem>>, vector<1x16xf32>,
    %swap3A_205 = arith.constant 4 : i32
    %swap3A_206 = arith.index_cast %swap3A_205 : i32 to index
    %swap3A_207 = arith.constant 32 : index
    %swap3A_208 = tpu.vector_load %arg11[%swap3A_206, %swap3A_207] {strides = array<i32>} : memref<16x128xf32, #tpu.memory_space<vmem>>, vector<1x16xf32>,
    %swap3A_209 = vector.shape_cast %swap3A_208 : vector<1x16xf32> to vector<16xf32>
    %swap3A_210 = vector.shape_cast %broadcast_in_dim3A_1 : vector<16xf32> to vector<1x16xf32>
    tpu.vector_store %arg11[%swap3A_206, %swap3A_207], %swap3A_210 {strides = array<i32>} : memref<16x128xf32, #tpu.memory_space<vmem>>, vector<1x16xf32>,
    %swap3A_211 = arith.constant 4 : i32
    %swap3A_212 = arith.index_cast %swap3A_211 : i32 to index
    %swap3A_213 = arith.constant 48 : index
    %swap3A_214 = tpu.vector_load %arg11[%swap3A_212, %swap3A_213] {strides = array<i32>} : memref<16x128xf32, #tpu.memory_space<vmem>>, vector<1x16xf32>,
    %swap3A_215 = vector.shape_cast %swap3A_214 : vector<1x16xf32> to vector<16xf32>
    %swap3A_216 = vector.shape_cast %broadcast_in_dim3A_1 : vector<16xf32> to vector<1x16xf32>
    tpu.vector_store %arg11[%swap3A_212, %swap3A_213], %swap3A_216 {strides = array<i32>} : memref<16x128xf32, #tpu.memory_space<vmem>>, vector<1x16xf32>,
    %swap3A_217 = arith.constant 4 : i32
    %swap3A_218 = arith.index_cast %swap3A_217 : i32 to index
    %swap3A_219 = arith.constant 64 : index
    %swap3A_220 = tpu.vector_load %arg11[%swap3A_218, %swap3A_219] {strides = array<i32>} : memref<16x128xf32, #tpu.memory_space<vmem>>, vector<1x16xf32>,
    %swap3A_221 = vector.shape_cast %swap3A_220 : vector<1x16xf32> to vector<16xf32>
    %swap3A_222 = vector.shape_cast %broadcast_in_dim3A_1 : vector<16xf32> to vector<1x16xf32>
    tpu.vector_store %arg11[%swap3A_218, %swap3A_219], %swap3A_222 {strides = array<i32>} : memref<16x128xf32, #tpu.memory_space<vmem>>, vector<1x16xf32>,
    %swap3A_223 = arith.constant 4 : i32
    %swap3A_224 = arith.index_cast %swap3A_223 : i32 to index
    %swap3A_225 = arith.constant 80 : index
    %swap3A_226 = tpu.vector_load %arg11[%swap3A_224, %swap3A_225] {strides = array<i32>} : memref<16x128xf32, #tpu.memory_space<vmem>>, vector<1x16xf32>,
    %swap3A_227 = vector.shape_cast %swap3A_226 : vector<1x16xf32> to vector<16xf32>
    %swap3A_228 = vector.shape_cast %broadcast_in_dim3A_1 : vector<16xf32> to vector<1x16xf32>
    tpu.vector_store %arg11[%swap3A_224, %swap3A_225], %swap3A_228 {strides = array<i32>} : memref<16x128xf32, #tpu.memory_space<vmem>>, vector<1x16xf32>,
    %swap3A_229 = arith.constant 4 : i32
    %swap3A_230 = arith.index_cast %swap3A_229 : i32 to index
    %swap3A_231 = arith.constant 96 : index
    %swap3A_232 = tpu.vector_load %arg11[%swap3A_230, %swap3A_231] {strides = array<i32>} : memref<16x128xf32, #tpu.memory_space<vmem>>, vector<1x16xf32>,
    %swap3A_233 = vector.shape_cast %swap3A_232 : vector<1x16xf32> to vector<16xf32>
    %swap3A_234 = vector.shape_cast %broadcast_in_dim3A_1 : vector<16xf32> to vector<1x16xf32>
    tpu.vector_store %arg11[%swap3A_230, %swap3A_231], %swap3A_234 {strides = array<i32>} : memref<16x128xf32, #tpu.memory_space<vmem>>, vector<1x16xf32>,
    %swap3A_235 = arith.constant 4 : i32
    %swap3A_236 = arith.index_cast %swap3A_235 : i32 to index
    %swap3A_237 = arith.constant 112 : index
    %swap3A_238 = tpu.vector_load %arg11[%swap3A_236, %swap3A_237] {strides = array<i32>} : memref<16x128xf32, #tpu.memory_space<vmem>>, vector<1x16xf32>,
    %swap3A_239 = vector.shape_cast %swap3A_238 : vector<1x16xf32> to vector<16xf32>
    %swap3A_240 = vector.shape_cast %broadcast_in_dim3A_1 : vector<16xf32> to vector<1x16xf32>
    tpu.vector_store %arg11[%swap3A_236, %swap3A_237], %swap3A_240 {strides = array<i32>} : memref<16x128xf32, #tpu.memory_space<vmem>>, vector<1x16xf32>,
    %swap3A_241 = arith.constant 5 : i32
    %swap3A_242 = arith.index_cast %swap3A_241 : i32 to index
    %swap3A_243 = arith.constant 0 : index
    %swap3A_244 = tpu.vector_load %arg11[%swap3A_242, %swap3A_243] {strides = array<i32>} : memref<16x128xf32, #tpu.memory_space<vmem>>, vector<1x16xf32>,
    %swap3A_245 = vector.shape_cast %swap3A_244 : vector<1x16xf32> to vector<16xf32>
    %swap3A_246 = vector.shape_cast %broadcast_in_dim3A_1 : vector<16xf32> to vector<1x16xf32>
    tpu.vector_store %arg11[%swap3A_242, %swap3A_243], %swap3A_246 {strides = array<i32>} : memref<16x128xf32, #tpu.memory_space<vmem>>, vector<1x16xf32>,
    %swap3A_247 = arith.constant 5 : i32
    %swap3A_248 = arith.index_cast %swap3A_247 : i32 to index
    %swap3A_249 = arith.constant 16 : index
    %swap3A_250 = tpu.vector_load %arg11[%swap3A_248, %swap3A_249] {strides = array<i32>} : memref<16x128xf32, #tpu.memory_space<vmem>>, vector<1x16xf32>,
    %swap3A_251 = vector.shape_cast %swap3A_250 : vector<1x16xf32> to vector<16xf32>
    %swap3A_252 = vector.shape_cast %broadcast_in_dim3A_1 : vector<16xf32> to vector<1x16xf32>
    tpu.vector_store %arg11[%swap3A_248, %swap3A_249], %swap3A_252 {strides = array<i32>} : memref<16x128xf32, #tpu.memory_space<vmem>>, vector<1x16xf32>,
    %swap3A_253 = arith.constant 5 : i32
    %swap3A_254 = arith.index_cast %swap3A_253 : i32 to index
    %swap3A_255 = arith.constant 32 : index
    %swap3A_256 = tpu.vector_load %arg11[%swap3A_254, %swap3A_255] {strides = array<i32>} : memref<16x128xf32, #tpu.memory_space<vmem>>, vector<1x16xf32>,
    %swap3A_257 = vector.shape_cast %swap3A_256 : vector<1x16xf32> to vector<16xf32>
    %swap3A_258 = vector.shape_cast %broadcast_in_dim3A_1 : vector<16xf32> to vector<1x16xf32>
    tpu.vector_store %arg11[%swap3A_254, %swap3A_255], %swap3A_258 {strides = array<i32>} : memref<16x128xf32, #tpu.memory_space<vmem>>, vector<1x16xf32>,
    %swap3A_259 = arith.constant 5 : i32
    %swap3A_260 = arith.index_cast %swap3A_259 : i32 to index
    %swap3A_261 = arith.constant 48 : index
    %swap3A_262 = tpu.vector_load %arg11[%swap3A_260, %swap3A_261] {strides = array<i32>} : memref<16x128xf32, #tpu.memory_space<vmem>>, vector<1x16xf32>,
    %swap3A_263 = vector.shape_cast %swap3A_262 : vector<1x16xf32> to vector<16xf32>
    %swap3A_264 = vector.shape_cast %broadcast_in_dim3A_1 : vector<16xf32> to vector<1x16xf32>
    tpu.vector_store %arg11[%swap3A_260, %swap3A_261], %swap3A_264 {strides = array<i32>} : memref<16x128xf32, #tpu.memory_space<vmem>>, vector<1x16xf32>,
    %swap3A_265 = arith.constant 5 : i32
    %swap3A_266 = arith.index_cast %swap3A_265 : i32 to index
    %swap3A_267 = arith.constant 64 : index
    %swap3A_268 = tpu.vector_load %arg11[%swap3A_266, %swap3A_267] {strides = array<i32>} : memref<16x128xf32, #tpu.memory_space<vmem>>, vector<1x16xf32>,
    %swap3A_269 = vector.shape_cast %swap3A_268 : vector<1x16xf32> to vector<16xf32>
    %swap3A_270 = vector.shape_cast %broadcast_in_dim3A_1 : vector<16xf32> to vector<1x16xf32>
    tpu.vector_store %arg11[%swap3A_266, %swap3A_267], %swap3A_270 {strides = array<i32>} : memref<16x128xf32, #tpu.memory_space<vmem>>, vector<1x16xf32>,
    %swap3A_271 = arith.constant 5 : i32
    %swap3A_272 = arith.index_cast %swap3A_271 : i32 to index
    %swap3A_273 = arith.constant 80 : index
    %swap3A_274 = tpu.vector_load %arg11[%swap3A_272, %swap3A_273] {strides = array<i32>} : memref<16x128xf32, #tpu.memory_space<vmem>>, vector<1x16xf32>,
    %swap3A_275 = vector.shape_cast %swap3A_274 : vector<1x16xf32> to vector<16xf32>
    %swap3A_276 = vector.shape_cast %broadcast_in_dim3A_1 : vector<16xf32> to vector<1x16xf32>
    tpu.vector_store %arg11[%swap3A_272, %swap3A_273], %swap3A_276 {strides = array<i32>} : memref<16x128xf32, #tpu.memory_space<vmem>>, vector<1x16xf32>,
    %swap3A_277 = arith.constant 5 : i32
    %swap3A_278 = arith.index_cast %swap3A_277 : i32 to index
    %swap3A_279 = arith.constant 96 : index
    %swap3A_280 = tpu.vector_load %arg11[%swap3A_278, %swap3A_279] {strides = array<i32>} : memref<16x128xf32, #tpu.memory_space<vmem>>, vector<1x16xf32>,
    %swap3A_281 = vector.shape_cast %swap3A_280 : vector<1x16xf32> to vector<16xf32>
    %swap3A_282 = vector.shape_cast %broadcast_in_dim3A_1 : vector<16xf32> to vector<1x16xf32>
    tpu.vector_store %arg11[%swap3A_278, %swap3A_279], %swap3A_282 {strides = array<i32>} : memref<16x128xf32, #tpu.memory_space<vmem>>, vector<1x16xf32>,
    %swap3A_283 = arith.constant 5 : i32
    %swap3A_284 = arith.index_cast %swap3A_283 : i32 to index
    %swap3A_285 = arith.constant 112 : index
    %swap3A_286 = tpu.vector_load %arg11[%swap3A_284, %swap3A_285] {strides = array<i32>} : memref<16x128xf32, #tpu.memory_space<vmem>>, vector<1x16xf32>,
    %swap3A_287 = vector.shape_cast %swap3A_286 : vector<1x16xf32> to vector<16xf32>
    %swap3A_288 = vector.shape_cast %broadcast_in_dim3A_1 : vector<16xf32> to vector<1x16xf32>
    tpu.vector_store %arg11[%swap3A_284, %swap3A_285], %swap3A_288 {strides = array<i32>} : memref<16x128xf32, #tpu.memory_space<vmem>>, vector<1x16xf32>,
    %swap3A_289 = arith.constant 6 : i32
    %swap3A_290 = arith.index_cast %swap3A_289 : i32 to index
    %swap3A_291 = arith.constant 0 : index
    %swap3A_292 = tpu.vector_load %arg11[%swap3A_290, %swap3A_291] {strides = array<i32>} : memref<16x128xf32, #tpu.memory_space<vmem>>, vector<1x16xf32>,
    %swap3A_293 = vector.shape_cast %swap3A_292 : vector<1x16xf32> to vector<16xf32>
    %swap3A_294 = vector.shape_cast %broadcast_in_dim3A_1 : vector<16xf32> to vector<1x16xf32>
    tpu.vector_store %arg11[%swap3A_290, %swap3A_291], %swap3A_294 {strides = array<i32>} : memref<16x128xf32, #tpu.memory_space<vmem>>, vector<1x16xf32>,
    %swap3A_295 = arith.constant 6 : i32
    %swap3A_296 = arith.index_cast %swap3A_295 : i32 to index
    %swap3A_297 = arith.constant 16 : index
    %swap3A_298 = tpu.vector_load %arg11[%swap3A_296, %swap3A_297] {strides = array<i32>} : memref<16x128xf32, #tpu.memory_space<vmem>>, vector<1x16xf32>,
    %swap3A_299 = vector.shape_cast %swap3A_298 : vector<1x16xf32> to vector<16xf32>
    %swap3A_300 = vector.shape_cast %broadcast_in_dim3A_1 : vector<16xf32> to vector<1x16xf32>
    tpu.vector_store %arg11[%swap3A_296, %swap3A_297], %swap3A_300 {strides = array<i32>} : memref<16x128xf32, #tpu.memory_space<vmem>>, vector<1x16xf32>,
    %swap3A_301 = arith.constant 6 : i32
    %swap3A_302 = arith.index_cast %swap3A_301 : i32 to index
    %swap3A_303 = arith.constant 32 : index
    %swap3A_304 = tpu.vector_load %arg11[%swap3A_302, %swap3A_303] {strides = array<i32>} : memref<16x128xf32, #tpu.memory_space<vmem>>, vector<1x16xf32>,
    %swap3A_305 = vector.shape_cast %swap3A_304 : vector<1x16xf32> to vector<16xf32>
    %swap3A_306 = vector.shape_cast %broadcast_in_dim3A_1 : vector<16xf32> to vector<1x16xf32>
    tpu.vector_store %arg11[%swap3A_302, %swap3A_303], %swap3A_306 {strides = array<i32>} : memref<16x128xf32, #tpu.memory_space<vmem>>, vector<1x16xf32>,
    %swap3A_307 = arith.constant 6 : i32
    %swap3A_308 = arith.index_cast %swap3A_307 : i32 to index
    %swap3A_309 = arith.constant 48 : index
    %swap3A_310 = tpu.vector_load %arg11[%swap3A_308, %swap3A_309] {strides = array<i32>} : memref<16x128xf32, #tpu.memory_space<vmem>>, vector<1x16xf32>,
    %swap3A_311 = vector.shape_cast %swap3A_310 : vector<1x16xf32> to vector<16xf32>
    %swap3A_312 = vector.shape_cast %broadcast_in_dim3A_1 : vector<16xf32> to vector<1x16xf32>
    tpu.vector_store %arg11[%swap3A_308, %swap3A_309], %swap3A_312 {strides = array<i32>} : memref<16x128xf32, #tpu.memory_space<vmem>>, vector<1x16xf32>,
    %swap3A_313 = arith.constant 6 : i32
    %swap3A_314 = arith.index_cast %swap3A_313 : i32 to index
    %swap3A_315 = arith.constant 64 : index
    %swap3A_316 = tpu.vector_load %arg11[%swap3A_314, %swap3A_315] {strides = array<i32>} : memref<16x128xf32, #tpu.memory_space<vmem>>, vector<1x16xf32>,
    %swap3A_317 = vector.shape_cast %swap3A_316 : vector<1x16xf32> to vector<16xf32>
    %swap3A_318 = vector.shape_cast %broadcast_in_dim3A_1 : vector<16xf32> to vector<1x16xf32>
    tpu.vector_store %arg11[%swap3A_314, %swap3A_315], %swap3A_318 {strides = array<i32>} : memref<16x128xf32, #tpu.memory_space<vmem>>, vector<1x16xf32>,
    %swap3A_319 = arith.constant 6 : i32
    %swap3A_320 = arith.index_cast %swap3A_319 : i32 to index
    %swap3A_321 = arith.constant 80 : index
    %swap3A_322 = tpu.vector_load %arg11[%swap3A_320, %swap3A_321] {strides = array<i32>} : memref<16x128xf32, #tpu.memory_space<vmem>>, vector<1x16xf32>,
    %swap3A_323 = vector.shape_cast %swap3A_322 : vector<1x16xf32> to vector<16xf32>
    %swap3A_324 = vector.shape_cast %broadcast_in_dim3A_1 : vector<16xf32> to vector<1x16xf32>
    tpu.vector_store %arg11[%swap3A_320, %swap3A_321], %swap3A_324 {strides = array<i32>} : memref<16x128xf32, #tpu.memory_space<vmem>>, vector<1x16xf32>,
    %swap3A_325 = arith.constant 6 : i32
    %swap3A_326 = arith.index_cast %swap3A_325 : i32 to index
    %swap3A_327 = arith.constant 96 : index
    %swap3A_328 = tpu.vector_load %arg11[%swap3A_326, %swap3A_327] {strides = array<i32>} : memref<16x128xf32, #tpu.memory_space<vmem>>, vector<1x16xf32>,
    %swap3A_329 = vector.shape_cast %swap3A_328 : vector<1x16xf32> to vector<16xf32>
    %swap3A_330 = vector.shape_cast %broadcast_in_dim3A_1 : vector<16xf32> to vector<1x16xf32>
    tpu.vector_store %arg11[%swap3A_326, %swap3A_327], %swap3A_330 {strides = array<i32>} : memref<16x128xf32, #tpu.memory_space<vmem>>, vector<1x16xf32>,
    %swap3A_331 = arith.constant 6 : i32
    %swap3A_332 = arith.index_cast %swap3A_331 : i32 to index
    %swap3A_333 = arith.constant 112 : index
    %swap3A_334 = tpu.vector_load %arg11[%swap3A_332, %swap3A_333] {strides = array<i32>} : memref<16x128xf32, #tpu.memory_space<vmem>>, vector<1x16xf32>,
    %swap3A_335 = vector.shape_cast %swap3A_334 : vector<1x16xf32> to vector<16xf32>
    %swap3A_336 = vector.shape_cast %broadcast_in_dim3A_1 : vector<16xf32> to vector<1x16xf32>
    tpu.vector_store %arg11[%swap3A_332, %swap3A_333], %swap3A_336 {strides = array<i32>} : memref<16x128xf32, #tpu.memory_space<vmem>>, vector<1x16xf32>,
    %swap3A_337 = arith.constant 7 : i32
    %swap3A_338 = arith.index_cast %swap3A_337 : i32 to index
    %swap3A_339 = arith.constant 0 : index
    %swap3A_340 = tpu.vector_load %arg11[%swap3A_338, %swap3A_339] {strides = array<i32>} : memref<16x128xf32, #tpu.memory_space<vmem>>, vector<1x16xf32>,
    %swap3A_341 = vector.shape_cast %swap3A_340 : vector<1x16xf32> to vector<16xf32>
    %swap3A_342 = vector.shape_cast %broadcast_in_dim3A_1 : vector<16xf32> to vector<1x16xf32>
    tpu.vector_store %arg11[%swap3A_338, %swap3A_339], %swap3A_342 {strides = array<i32>} : memref<16x128xf32, #tpu.memory_space<vmem>>, vector<1x16xf32>,
    %swap3A_343 = arith.constant 7 : i32
    %swap3A_344 = arith.index_cast %swap3A_343 : i32 to index
    %swap3A_345 = arith.constant 16 : index
    %swap3A_346 = tpu.vector_load %arg11[%swap3A_344, %swap3A_345] {strides = array<i32>} : memref<16x128xf32, #tpu.memory_space<vmem>>, vector<1x16xf32>,
    %swap3A_347 = vector.shape_cast %swap3A_346 : vector<1x16xf32> to vector<16xf32>
    %swap3A_348 = vector.shape_cast %broadcast_in_dim3A_1 : vector<16xf32> to vector<1x16xf32>
    tpu.vector_store %arg11[%swap3A_344, %swap3A_345], %swap3A_348 {strides = array<i32>} : memref<16x128xf32, #tpu.memory_space<vmem>>, vector<1x16xf32>,
    %swap3A_349 = arith.constant 7 : i32
    %swap3A_350 = arith.index_cast %swap3A_349 : i32 to index
    %swap3A_351 = arith.constant 32 : index
    %swap3A_352 = tpu.vector_load %arg11[%swap3A_350, %swap3A_351] {strides = array<i32>} : memref<16x128xf32, #tpu.memory_space<vmem>>, vector<1x16xf32>,
    %swap3A_353 = vector.shape_cast %swap3A_352 : vector<1x16xf32> to vector<16xf32>
    %swap3A_354 = vector.shape_cast %broadcast_in_dim3A_1 : vector<16xf32> to vector<1x16xf32>
    tpu.vector_store %arg11[%swap3A_350, %swap3A_351], %swap3A_354 {strides = array<i32>} : memref<16x128xf32, #tpu.memory_space<vmem>>, vector<1x16xf32>,
    %swap3A_355 = arith.constant 7 : i32
    %swap3A_356 = arith.index_cast %swap3A_355 : i32 to index
    %swap3A_357 = arith.constant 48 : index
    %swap3A_358 = tpu.vector_load %arg11[%swap3A_356, %swap3A_357] {strides = array<i32>} : memref<16x128xf32, #tpu.memory_space<vmem>>, vector<1x16xf32>,
    %swap3A_359 = vector.shape_cast %swap3A_358 : vector<1x16xf32> to vector<16xf32>
    %swap3A_360 = vector.shape_cast %broadcast_in_dim3A_1 : vector<16xf32> to vector<1x16xf32>
    tpu.vector_store %arg11[%swap3A_356, %swap3A_357], %swap3A_360 {strides = array<i32>} : memref<16x128xf32, #tpu.memory_space<vmem>>, vector<1x16xf32>,
    %swap3A_361 = arith.constant 7 : i32
    %swap3A_362 = arith.index_cast %swap3A_361 : i32 to index
    %swap3A_363 = arith.constant 64 : index
    %swap3A_364 = tpu.vector_load %arg11[%swap3A_362, %swap3A_363] {strides = array<i32>} : memref<16x128xf32, #tpu.memory_space<vmem>>, vector<1x16xf32>,
    %swap3A_365 = vector.shape_cast %swap3A_364 : vector<1x16xf32> to vector<16xf32>
    %swap3A_366 = vector.shape_cast %broadcast_in_dim3A_1 : vector<16xf32> to vector<1x16xf32>
    tpu.vector_store %arg11[%swap3A_362, %swap3A_363], %swap3A_366 {strides = array<i32>} : memref<16x128xf32, #tpu.memory_space<vmem>>, vector<1x16xf32>,
    %swap3A_367 = arith.constant 7 : i32
    %swap3A_368 = arith.index_cast %swap3A_367 : i32 to index
    %swap3A_369 = arith.constant 80 : index
    %swap3A_370 = tpu.vector_load %arg11[%swap3A_368, %swap3A_369] {strides = array<i32>} : memref<16x128xf32, #tpu.memory_space<vmem>>, vector<1x16xf32>,
    %swap3A_371 = vector.shape_cast %swap3A_370 : vector<1x16xf32> to vector<16xf32>
    %swap3A_372 = vector.shape_cast %broadcast_in_dim3A_1 : vector<16xf32> to vector<1x16xf32>
    tpu.vector_store %arg11[%swap3A_368, %swap3A_369], %swap3A_372 {strides = array<i32>} : memref<16x128xf32, #tpu.memory_space<vmem>>, vector<1x16xf32>,
    %swap3A_373 = arith.constant 7 : i32
    %swap3A_374 = arith.index_cast %swap3A_373 : i32 to index
    %swap3A_375 = arith.constant 96 : index
    %swap3A_376 = tpu.vector_load %arg11[%swap3A_374, %swap3A_375] {strides = array<i32>} : memref<16x128xf32, #tpu.memory_space<vmem>>, vector<1x16xf32>,
    %swap3A_377 = vector.shape_cast %swap3A_376 : vector<1x16xf32> to vector<16xf32>
    %swap3A_378 = vector.shape_cast %broadcast_in_dim3A_1 : vector<16xf32> to vector<1x16xf32>
    tpu.vector_store %arg11[%swap3A_374, %swap3A_375], %swap3A_378 {strides = array<i32>} : memref<16x128xf32, #tpu.memory_space<vmem>>, vector<1x16xf32>,
    %swap3A_379 = arith.constant 7 : i32
    %swap3A_380 = arith.index_cast %swap3A_379 : i32 to index
    %swap3A_381 = arith.constant 112 : index
    %swap3A_382 = tpu.vector_load %arg11[%swap3A_380, %swap3A_381] {strides = array<i32>} : memref<16x128xf32, #tpu.memory_space<vmem>>, vector<1x16xf32>,
    %swap3A_383 = vector.shape_cast %swap3A_382 : vector<1x16xf32> to vector<16xf32>
    %swap3A_384 = vector.shape_cast %broadcast_in_dim3A_1 : vector<16xf32> to vector<1x16xf32>
    tpu.vector_store %arg11[%swap3A_380, %swap3A_381], %swap3A_384 {strides = array<i32>} : memref<16x128xf32, #tpu.memory_space<vmem>>, vector<1x16xf32>,
    %swap3A_385 = arith.constant 8 : i32
    %swap3A_386 = arith.index_cast %swap3A_385 : i32 to index
    %swap3A_387 = arith.constant 0 : index
    %swap3A_388 = tpu.vector_load %arg11[%swap3A_386, %swap3A_387] {strides = array<i32>} : memref<16x128xf32, #tpu.memory_space<vmem>>, vector<1x16xf32>,
    %swap3A_389 = vector.shape_cast %swap3A_388 : vector<1x16xf32> to vector<16xf32>
    %swap3A_390 = vector.shape_cast %broadcast_in_dim3A_1 : vector<16xf32> to vector<1x16xf32>
    tpu.vector_store %arg11[%swap3A_386, %swap3A_387], %swap3A_390 {strides = array<i32>} : memref<16x128xf32, #tpu.memory_space<vmem>>, vector<1x16xf32>,
    %swap3A_391 = arith.constant 8 : i32
    %swap3A_392 = arith.index_cast %swap3A_391 : i32 to index
    %swap3A_393 = arith.constant 16 : index
    %swap3A_394 = tpu.vector_load %arg11[%swap3A_392, %swap3A_393] {strides = array<i32>} : memref<16x128xf32, #tpu.memory_space<vmem>>, vector<1x16xf32>,
    %swap3A_395 = vector.shape_cast %swap3A_394 : vector<1x16xf32> to vector<16xf32>
    %swap3A_396 = vector.shape_cast %broadcast_in_dim3A_1 : vector<16xf32> to vector<1x16xf32>
    tpu.vector_store %arg11[%swap3A_392, %swap3A_393], %swap3A_396 {strides = array<i32>} : memref<16x128xf32, #tpu.memory_space<vmem>>, vector<1x16xf32>,
    %swap3A_397 = arith.constant 8 : i32
    %swap3A_398 = arith.index_cast %swap3A_397 : i32 to index
    %swap3A_399 = arith.constant 32 : index
    %swap3A_400 = tpu.vector_load %arg11[%swap3A_398, %swap3A_399] {strides = array<i32>} : memref<16x128xf32, #tpu.memory_space<vmem>>, vector<1x16xf32>,
    %swap3A_401 = vector.shape_cast %swap3A_400 : vector<1x16xf32> to vector<16xf32>
    %swap3A_402 = vector.shape_cast %broadcast_in_dim3A_1 : vector<16xf32> to vector<1x16xf32>
    tpu.vector_store %arg11[%swap3A_398, %swap3A_399], %swap3A_402 {strides = array<i32>} : memref<16x128xf32, #tpu.memory_space<vmem>>, vector<1x16xf32>,
    %swap3A_403 = arith.constant 8 : i32
    %swap3A_404 = arith.index_cast %swap3A_403 : i32 to index
    %swap3A_405 = arith.constant 48 : index
    %swap3A_406 = tpu.vector_load %arg11[%swap3A_404, %swap3A_405] {strides = array<i32>} : memref<16x128xf32, #tpu.memory_space<vmem>>, vector<1x16xf32>,
    %swap3A_407 = vector.shape_cast %swap3A_406 : vector<1x16xf32> to vector<16xf32>
    %swap3A_408 = vector.shape_cast %broadcast_in_dim3A_1 : vector<16xf32> to vector<1x16xf32>
    tpu.vector_store %arg11[%swap3A_404, %swap3A_405], %swap3A_408 {strides = array<i32>} : memref<16x128xf32, #tpu.memory_space<vmem>>, vector<1x16xf32>,
    %swap3A_409 = arith.constant 8 : i32
    %swap3A_410 = arith.index_cast %swap3A_409 : i32 to index
    %swap3A_411 = arith.constant 64 : index
    %swap3A_412 = tpu.vector_load %arg11[%swap3A_410, %swap3A_411] {strides = array<i32>} : memref<16x128xf32, #tpu.memory_space<vmem>>, vector<1x16xf32>,
    %swap3A_413 = vector.shape_cast %swap3A_412 : vector<1x16xf32> to vector<16xf32>
    %swap3A_414 = vector.shape_cast %broadcast_in_dim3A_1 : vector<16xf32> to vector<1x16xf32>
    tpu.vector_store %arg11[%swap3A_410, %swap3A_411], %swap3A_414 {strides = array<i32>} : memref<16x128xf32, #tpu.memory_space<vmem>>, vector<1x16xf32>,
    %swap3A_415 = arith.constant 8 : i32
    %swap3A_416 = arith.index_cast %swap3A_415 : i32 to index
    %swap3A_417 = arith.constant 80 : index
    %swap3A_418 = tpu.vector_load %arg11[%swap3A_416, %swap3A_417] {strides = array<i32>} : memref<16x128xf32, #tpu.memory_space<vmem>>, vector<1x16xf32>,
    %swap3A_419 = vector.shape_cast %swap3A_418 : vector<1x16xf32> to vector<16xf32>
    %swap3A_420 = vector.shape_cast %broadcast_in_dim3A_1 : vector<16xf32> to vector<1x16xf32>
    tpu.vector_store %arg11[%swap3A_416, %swap3A_417], %swap3A_420 {strides = array<i32>} : memref<16x128xf32, #tpu.memory_space<vmem>>, vector<1x16xf32>,
    %swap3A_421 = arith.constant 8 : i32
    %swap3A_422 = arith.index_cast %swap3A_421 : i32 to index
    %swap3A_423 = arith.constant 96 : index
    %swap3A_424 = tpu.vector_load %arg11[%swap3A_422, %swap3A_423] {strides = array<i32>} : memref<16x128xf32, #tpu.memory_space<vmem>>, vector<1x16xf32>,
    %swap3A_425 = vector.shape_cast %swap3A_424 : vector<1x16xf32> to vector<16xf32>
    %swap3A_426 = vector.shape_cast %broadcast_in_dim3A_1 : vector<16xf32> to vector<1x16xf32>
    tpu.vector_store %arg11[%swap3A_422, %swap3A_423], %swap3A_426 {strides = array<i32>} : memref<16x128xf32, #tpu.memory_space<vmem>>, vector<1x16xf32>,
    %swap3A_427 = arith.constant 8 : i32
    %swap3A_428 = arith.index_cast %swap3A_427 : i32 to index
    %swap3A_429 = arith.constant 112 : index
    %swap3A_430 = tpu.vector_load %arg11[%swap3A_428, %swap3A_429] {strides = array<i32>} : memref<16x128xf32, #tpu.memory_space<vmem>>, vector<1x16xf32>,
    %swap3A_431 = vector.shape_cast %swap3A_430 : vector<1x16xf32> to vector<16xf32>
    %swap3A_432 = vector.shape_cast %broadcast_in_dim3A_1 : vector<16xf32> to vector<1x16xf32>
    tpu.vector_store %arg11[%swap3A_428, %swap3A_429], %swap3A_432 {strides = array<i32>} : memref<16x128xf32, #tpu.memory_space<vmem>>, vector<1x16xf32>,
    %swap3A_433 = arith.constant 9 : i32
    %swap3A_434 = arith.index_cast %swap3A_433 : i32 to index
    %swap3A_435 = arith.constant 0 : index
    %swap3A_436 = tpu.vector_load %arg11[%swap3A_434, %swap3A_435] {strides = array<i32>} : memref<16x128xf32, #tpu.memory_space<vmem>>, vector<1x16xf32>,
    %swap3A_437 = vector.shape_cast %swap3A_436 : vector<1x16xf32> to vector<16xf32>
    %swap3A_438 = vector.shape_cast %broadcast_in_dim3A_1 : vector<16xf32> to vector<1x16xf32>
    tpu.vector_store %arg11[%swap3A_434, %swap3A_435], %swap3A_438 {strides = array<i32>} : memref<16x128xf32, #tpu.memory_space<vmem>>, vector<1x16xf32>,
    %swap3A_439 = arith.constant 9 : i32
    %swap3A_440 = arith.index_cast %swap3A_439 : i32 to index
    %swap3A_441 = arith.constant 16 : index
    %swap3A_442 = tpu.vector_load %arg11[%swap3A_440, %swap3A_441] {strides = array<i32>} : memref<16x128xf32, #tpu.memory_space<vmem>>, vector<1x16xf32>,
    %swap3A_443 = vector.shape_cast %swap3A_442 : vector<1x16xf32> to vector<16xf32>
    %swap3A_444 = vector.shape_cast %broadcast_in_dim3A_1 : vector<16xf32> to vector<1x16xf32>
    tpu.vector_store %arg11[%swap3A_440, %swap3A_441], %swap3A_444 {strides = array<i32>} : memref<16x128xf32, #tpu.memory_space<vmem>>, vector<1x16xf32>,
    %swap3A_445 = arith.constant 9 : i32
    %swap3A_446 = arith.index_cast %swap3A_445 : i32 to index
    %swap3A_447 = arith.constant 32 : index
    %swap3A_448 = tpu.vector_load %arg11[%swap3A_446, %swap3A_447] {strides = array<i32>} : memref<16x128xf32, #tpu.memory_space<vmem>>, vector<1x16xf32>,
    %swap3A_449 = vector.shape_cast %swap3A_448 : vector<1x16xf32> to vector<16xf32>
    %swap3A_450 = vector.shape_cast %broadcast_in_dim3A_1 : vector<16xf32> to vector<1x16xf32>
    tpu.vector_store %arg11[%swap3A_446, %swap3A_447], %swap3A_450 {strides = array<i32>} : memref<16x128xf32, #tpu.memory_space<vmem>>, vector<1x16xf32>,
    %swap3A_451 = arith.constant 9 : i32
    %swap3A_452 = arith.index_cast %swap3A_451 : i32 to index
    %swap3A_453 = arith.constant 48 : index
    %swap3A_454 = tpu.vector_load %arg11[%swap3A_452, %swap3A_453] {strides = array<i32>} : memref<16x128xf32, #tpu.memory_space<vmem>>, vector<1x16xf32>,
    %swap3A_455 = vector.shape_cast %swap3A_454 : vector<1x16xf32> to vector<16xf32>
    %swap3A_456 = vector.shape_cast %broadcast_in_dim3A_1 : vector<16xf32> to vector<1x16xf32>
    tpu.vector_store %arg11[%swap3A_452, %swap3A_453], %swap3A_456 {strides = array<i32>} : memref<16x128xf32, #tpu.memory_space<vmem>>, vector<1x16xf32>,
    %swap3A_457 = arith.constant 9 : i32
    %swap3A_458 = arith.index_cast %swap3A_457 : i32 to index
    %swap3A_459 = arith.constant 64 : index
    %swap3A_460 = tpu.vector_load %arg11[%swap3A_458, %swap3A_459] {strides = array<i32>} : memref<16x128xf32, #tpu.memory_space<vmem>>, vector<1x16xf32>,
    %swap3A_461 = vector.shape_cast %swap3A_460 : vector<1x16xf32> to vector<16xf32>
    %swap3A_462 = vector.shape_cast %broadcast_in_dim3A_1 : vector<16xf32> to vector<1x16xf32>
    tpu.vector_store %arg11[%swap3A_458, %swap3A_459], %swap3A_462 {strides = array<i32>} : memref<16x128xf32, #tpu.memory_space<vmem>>, vector<1x16xf32>,
    %swap3A_463 = arith.constant 9 : i32
    %swap3A_464 = arith.index_cast %swap3A_463 : i32 to index
    %swap3A_465 = arith.constant 80 : index
    %swap3A_466 = tpu.vector_load %arg11[%swap3A_464, %swap3A_465] {strides = array<i32>} : memref<16x128xf32, #tpu.memory_space<vmem>>, vector<1x16xf32>,
    %swap3A_467 = vector.shape_cast %swap3A_466 : vector<1x16xf32> to vector<16xf32>
    %swap3A_468 = vector.shape_cast %broadcast_in_dim3A_1 : vector<16xf32> to vector<1x16xf32>
    tpu.vector_store %arg11[%swap3A_464, %swap3A_465], %swap3A_468 {strides = array<i32>} : memref<16x128xf32, #tpu.memory_space<vmem>>, vector<1x16xf32>,
    %swap3A_469 = arith.constant 9 : i32
    %swap3A_470 = arith.index_cast %swap3A_469 : i32 to index
    %swap3A_471 = arith.constant 96 : index
    %swap3A_472 = tpu.vector_load %arg11[%swap3A_470, %swap3A_471] {strides = array<i32>} : memref<16x128xf32, #tpu.memory_space<vmem>>, vector<1x16xf32>,
    %swap3A_473 = vector.shape_cast %swap3A_472 : vector<1x16xf32> to vector<16xf32>
    %swap3A_474 = vector.shape_cast %broadcast_in_dim3A_1 : vector<16xf32> to vector<1x16xf32>
    tpu.vector_store %arg11[%swap3A_470, %swap3A_471], %swap3A_474 {strides = array<i32>} : memref<16x128xf32, #tpu.memory_space<vmem>>, vector<1x16xf32>,
    %swap3A_475 = arith.constant 9 : i32
    %swap3A_476 = arith.index_cast %swap3A_475 : i32 to index
    %swap3A_477 = arith.constant 112 : index
    %swap3A_478 = tpu.vector_load %arg11[%swap3A_476, %swap3A_477] {strides = array<i32>} : memref<16x128xf32, #tpu.memory_space<vmem>>, vector<1x16xf32>,
    %swap3A_479 = vector.shape_cast %swap3A_478 : vector<1x16xf32> to vector<16xf32>
    %swap3A_480 = vector.shape_cast %broadcast_in_dim3A_1 : vector<16xf32> to vector<1x16xf32>
    tpu.vector_store %arg11[%swap3A_476, %swap3A_477], %swap3A_480 {strides = array<i32>} : memref<16x128xf32, #tpu.memory_space<vmem>>, vector<1x16xf32>,
    %swap3A_481 = arith.constant 10 : i32
    %swap3A_482 = arith.index_cast %swap3A_481 : i32 to index
    %swap3A_483 = arith.constant 0 : index
    %swap3A_484 = tpu.vector_load %arg11[%swap3A_482, %swap3A_483] {strides = array<i32>} : memref<16x128xf32, #tpu.memory_space<vmem>>, vector<1x16xf32>,
    %swap3A_485 = vector.shape_cast %swap3A_484 : vector<1x16xf32> to vector<16xf32>
    %swap3A_486 = vector.shape_cast %broadcast_in_dim3A_1 : vector<16xf32> to vector<1x16xf32>
    tpu.vector_store %arg11[%swap3A_482, %swap3A_483], %swap3A_486 {strides = array<i32>} : memref<16x128xf32, #tpu.memory_space<vmem>>, vector<1x16xf32>,
    %swap3A_487 = arith.constant 10 : i32
    %swap3A_488 = arith.index_cast %swap3A_487 : i32 to index
    %swap3A_489 = arith.constant 16 : index
    %swap3A_490 = tpu.vector_load %arg11[%swap3A_488, %swap3A_489] {strides = array<i32>} : memref<16x128xf32, #tpu.memory_space<vmem>>, vector<1x16xf32>,
    %swap3A_491 = vector.shape_cast %swap3A_490 : vector<1x16xf32> to vector<16xf32>
    %swap3A_492 = vector.shape_cast %broadcast_in_dim3A_1 : vector<16xf32> to vector<1x16xf32>
    tpu.vector_store %arg11[%swap3A_488, %swap3A_489], %swap3A_492 {strides = array<i32>} : memref<16x128xf32, #tpu.memory_space<vmem>>, vector<1x16xf32>,
    %swap3A_493 = arith.constant 10 : i32
    %swap3A_494 = arith.index_cast %swap3A_493 : i32 to index
    %swap3A_495 = arith.constant 32 : index
    %swap3A_496 = tpu.vector_load %arg11[%swap3A_494, %swap3A_495] {strides = array<i32>} : memref<16x128xf32, #tpu.memory_space<vmem>>, vector<1x16xf32>,
    %swap3A_497 = vector.shape_cast %swap3A_496 : vector<1x16xf32> to vector<16xf32>
    %swap3A_498 = vector.shape_cast %broadcast_in_dim3A_1 : vector<16xf32> to vector<1x16xf32>
    tpu.vector_store %arg11[%swap3A_494, %swap3A_495], %swap3A_498 {strides = array<i32>} : memref<16x128xf32, #tpu.memory_space<vmem>>, vector<1x16xf32>,
    %swap3A_499 = arith.constant 10 : i32
    %swap3A_500 = arith.index_cast %swap3A_499 : i32 to index
    %swap3A_501 = arith.constant 48 : index
    %swap3A_502 = tpu.vector_load %arg11[%swap3A_500, %swap3A_501] {strides = array<i32>} : memref<16x128xf32, #tpu.memory_space<vmem>>, vector<1x16xf32>,
    %swap3A_503 = vector.shape_cast %swap3A_502 : vector<1x16xf32> to vector<16xf32>
    %swap3A_504 = vector.shape_cast %broadcast_in_dim3A_1 : vector<16xf32> to vector<1x16xf32>
    tpu.vector_store %arg11[%swap3A_500, %swap3A_501], %swap3A_504 {strides = array<i32>} : memref<16x128xf32, #tpu.memory_space<vmem>>, vector<1x16xf32>,
    %swap3A_505 = arith.constant 10 : i32
    %swap3A_506 = arith.index_cast %swap3A_505 : i32 to index
    %swap3A_507 = arith.constant 64 : index
    %swap3A_508 = tpu.vector_load %arg11[%swap3A_506, %swap3A_507] {strides = array<i32>} : memref<16x128xf32, #tpu.memory_space<vmem>>, vector<1x16xf32>,
    %swap3A_509 = vector.shape_cast %swap3A_508 : vector<1x16xf32> to vector<16xf32>
    %swap3A_510 = vector.shape_cast %broadcast_in_dim3A_1 : vector<16xf32> to vector<1x16xf32>
    tpu.vector_store %arg11[%swap3A_506, %swap3A_507], %swap3A_510 {strides = array<i32>} : memref<16x128xf32, #tpu.memory_space<vmem>>, vector<1x16xf32>,
    %swap3A_511 = arith.constant 10 : i32
    %swap3A_512 = arith.index_cast %swap3A_511 : i32 to index
    %swap3A_513 = arith.constant 80 : index
    %swap3A_514 = tpu.vector_load %arg11[%swap3A_512, %swap3A_513] {strides = array<i32>} : memref<16x128xf32, #tpu.memory_space<vmem>>, vector<1x16xf32>,
    %swap3A_515 = vector.shape_cast %swap3A_514 : vector<1x16xf32> to vector<16xf32>
    %swap3A_516 = vector.shape_cast %broadcast_in_dim3A_1 : vector<16xf32> to vector<1x16xf32>
    tpu.vector_store %arg11[%swap3A_512, %swap3A_513], %swap3A_516 {strides = array<i32>} : memref<16x128xf32, #tpu.memory_space<vmem>>, vector<1x16xf32>,
    %swap3A_517 = arith.constant 10 : i32
    %swap3A_518 = arith.index_cast %swap3A_517 : i32 to index
    %swap3A_519 = arith.constant 96 : index
    %swap3A_520 = tpu.vector_load %arg11[%swap3A_518, %swap3A_519] {strides = array<i32>} : memref<16x128xf32, #tpu.memory_space<vmem>>, vector<1x16xf32>,
    %swap3A_521 = vector.shape_cast %swap3A_520 : vector<1x16xf32> to vector<16xf32>
    %swap3A_522 = vector.shape_cast %broadcast_in_dim3A_1 : vector<16xf32> to vector<1x16xf32>
    tpu.vector_store %arg11[%swap3A_518, %swap3A_519], %swap3A_522 {strides = array<i32>} : memref<16x128xf32, #tpu.memory_space<vmem>>, vector<1x16xf32>,
    %swap3A_523 = arith.constant 10 : i32
    %swap3A_524 = arith.index_cast %swap3A_523 : i32 to index
    %swap3A_525 = arith.constant 112 : index
    %swap3A_526 = tpu.vector_load %arg11[%swap3A_524, %swap3A_525] {strides = array<i32>} : memref<16x128xf32, #tpu.memory_space<vmem>>, vector<1x16xf32>,
    %swap3A_527 = vector.shape_cast %swap3A_526 : vector<1x16xf32> to vector<16xf32>
    %swap3A_528 = vector.shape_cast %broadcast_in_dim3A_1 : vector<16xf32> to vector<1x16xf32>
    tpu.vector_store %arg11[%swap3A_524, %swap3A_525], %swap3A_528 {strides = array<i32>} : memref<16x128xf32, #tpu.memory_space<vmem>>, vector<1x16xf32>,
    %swap3A_529 = arith.constant 11 : i32
    %swap3A_530 = arith.index_cast %swap3A_529 : i32 to index
    %swap3A_531 = arith.constant 0 : index
    %swap3A_532 = tpu.vector_load %arg11[%swap3A_530, %swap3A_531] {strides = array<i32>} : memref<16x128xf32, #tpu.memory_space<vmem>>, vector<1x16xf32>,
    %swap3A_533 = vector.shape_cast %swap3A_532 : vector<1x16xf32> to vector<16xf32>
    %swap3A_534 = vector.shape_cast %broadcast_in_dim3A_1 : vector<16xf32> to vector<1x16xf32>
    tpu.vector_store %arg11[%swap3A_530, %swap3A_531], %swap3A_534 {strides = array<i32>} : memref<16x128xf32, #tpu.memory_space<vmem>>, vector<1x16xf32>,
    %swap3A_535 = arith.constant 11 : i32
    %swap3A_536 = arith.index_cast %swap3A_535 : i32 to index
    %swap3A_537 = arith.constant 16 : index
    %swap3A_538 = tpu.vector_load %arg11[%swap3A_536, %swap3A_537] {strides = array<i32>} : memref<16x128xf32, #tpu.memory_space<vmem>>, vector<1x16xf32>,
    %swap3A_539 = vector.shape_cast %swap3A_538 : vector<1x16xf32> to vector<16xf32>
    %swap3A_540 = vector.shape_cast %broadcast_in_dim3A_1 : vector<16xf32> to vector<1x16xf32>
    tpu.vector_store %arg11[%swap3A_536, %swap3A_537], %swap3A_540 {strides = array<i32>} : memref<16x128xf32, #tpu.memory_space<vmem>>, vector<1x16xf32>,
    %swap3A_541 = arith.constant 11 : i32
    %swap3A_542 = arith.index_cast %swap3A_541 : i32 to index
    %swap3A_543 = arith.constant 32 : index
    %swap3A_544 = tpu.vector_load %arg11[%swap3A_542, %swap3A_543] {strides = array<i32>} : memref<16x128xf32, #tpu.memory_space<vmem>>, vector<1x16xf32>,
    %swap3A_545 = vector.shape_cast %swap3A_544 : vector<1x16xf32> to vector<16xf32>
    %swap3A_546 = vector.shape_cast %broadcast_in_dim3A_1 : vector<16xf32> to vector<1x16xf32>
    tpu.vector_store %arg11[%swap3A_542, %swap3A_543], %swap3A_546 {strides = array<i32>} : memref<16x128xf32, #tpu.memory_space<vmem>>, vector<1x16xf32>,
    %swap3A_547 = arith.constant 11 : i32
    %swap3A_548 = arith.index_cast %swap3A_547 : i32 to index
    %swap3A_549 = arith.constant 48 : index
    %swap3A_550 = tpu.vector_load %arg11[%swap3A_548, %swap3A_549] {strides = array<i32>} : memref<16x128xf32, #tpu.memory_space<vmem>>, vector<1x16xf32>,
    %swap3A_551 = vector.shape_cast %swap3A_550 : vector<1x16xf32> to vector<16xf32>
    %swap3A_552 = vector.shape_cast %broadcast_in_dim3A_1 : vector<16xf32> to vector<1x16xf32>
    tpu.vector_store %arg11[%swap3A_548, %swap3A_549], %swap3A_552 {strides = array<i32>} : memref<16x128xf32, #tpu.memory_space<vmem>>, vector<1x16xf32>,
    %swap3A_553 = arith.constant 11 : i32
    %swap3A_554 = arith.index_cast %swap3A_553 : i32 to index
    %swap3A_555 = arith.constant 64 : index
    %swap3A_556 = tpu.vector_load %arg11[%swap3A_554, %swap3A_555] {strides = array<i32>} : memref<16x128xf32, #tpu.memory_space<vmem>>, vector<1x16xf32>,
    %swap3A_557 = vector.shape_cast %swap3A_556 : vector<1x16xf32> to vector<16xf32>
    %swap3A_558 = vector.shape_cast %broadcast_in_dim3A_1 : vector<16xf32> to vector<1x16xf32>
    tpu.vector_store %arg11[%swap3A_554, %swap3A_555], %swap3A_558 {strides = array<i32>} : memref<16x128xf32, #tpu.memory_space<vmem>>, vector<1x16xf32>,
    %swap3A_559 = arith.constant 11 : i32
    %swap3A_560 = arith.index_cast %swap3A_559 : i32 to index
    %swap3A_561 = arith.constant 80 : index
    %swap3A_562 = tpu.vector_load %arg11[%swap3A_560, %swap3A_561] {strides = array<i32>} : memref<16x128xf32, #tpu.memory_space<vmem>>, vector<1x16xf32>,
    %swap3A_563 = vector.shape_cast %swap3A_562 : vector<1x16xf32> to vector<16xf32>
    %swap3A_564 = vector.shape_cast %broadcast_in_dim3A_1 : vector<16xf32> to vector<1x16xf32>
    tpu.vector_store %arg11[%swap3A_560, %swap3A_561], %swap3A_564 {strides = array<i32>} : memref<16x128xf32, #tpu.memory_space<vmem>>, vector<1x16xf32>,
    %swap3A_565 = arith.constant 11 : i32
    %swap3A_566 = arith.index_cast %swap3A_565 : i32 to index
    %swap3A_567 = arith.constant 96 : index
    %swap3A_568 = tpu.vector_load %arg11[%swap3A_566, %swap3A_567] {strides = array<i32>} : memref<16x128xf32, #tpu.memory_space<vmem>>, vector<1x16xf32>,
    %swap3A_569 = vector.shape_cast %swap3A_568 : vector<1x16xf32> to vector<16xf32>
    %swap3A_570 = vector.shape_cast %broadcast_in_dim3A_1 : vector<16xf32> to vector<1x16xf32>
    tpu.vector_store %arg11[%swap3A_566, %swap3A_567], %swap3A_570 {strides = array<i32>} : memref<16x128xf32, #tpu.memory_space<vmem>>, vector<1x16xf32>,
    %swap3A_571 = arith.constant 11 : i32
    %swap3A_572 = arith.index_cast %swap3A_571 : i32 to index
    %swap3A_573 = arith.constant 112 : index
    %swap3A_574 = tpu.vector_load %arg11[%swap3A_572, %swap3A_573] {strides = array<i32>} : memref<16x128xf32, #tpu.memory_space<vmem>>, vector<1x16xf32>,
    %swap3A_575 = vector.shape_cast %swap3A_574 : vector<1x16xf32> to vector<16xf32>
    %swap3A_576 = vector.shape_cast %broadcast_in_dim3A_1 : vector<16xf32> to vector<1x16xf32>
    tpu.vector_store %arg11[%swap3A_572, %swap3A_573], %swap3A_576 {strides = array<i32>} : memref<16x128xf32, #tpu.memory_space<vmem>>, vector<1x16xf32>,
    %swap3A_577 = arith.constant 12 : i32
    %swap3A_578 = arith.index_cast %swap3A_577 : i32 to index
    %swap3A_579 = arith.constant 0 : index
    %swap3A_580 = tpu.vector_load %arg11[%swap3A_578, %swap3A_579] {strides = array<i32>} : memref<16x128xf32, #tpu.memory_space<vmem>>, vector<1x16xf32>,
    %swap3A_581 = vector.shape_cast %swap3A_580 : vector<1x16xf32> to vector<16xf32>
    %swap3A_582 = vector.shape_cast %broadcast_in_dim3A_1 : vector<16xf32> to vector<1x16xf32>
    tpu.vector_store %arg11[%swap3A_578, %swap3A_579], %swap3A_582 {strides = array<i32>} : memref<16x128xf32, #tpu.memory_space<vmem>>, vector<1x16xf32>,
    %swap3A_583 = arith.constant 12 : i32
    %swap3A_584 = arith.index_cast %swap3A_583 : i32 to index
    %swap3A_585 = arith.constant 16 : index
    %swap3A_586 = tpu.vector_load %arg11[%swap3A_584, %swap3A_585] {strides = array<i32>} : memref<16x128xf32, #tpu.memory_space<vmem>>, vector<1x16xf32>,
    %swap3A_587 = vector.shape_cast %swap3A_586 : vector<1x16xf32> to vector<16xf32>
    %swap3A_588 = vector.shape_cast %broadcast_in_dim3A_1 : vector<16xf32> to vector<1x16xf32>
    tpu.vector_store %arg11[%swap3A_584, %swap3A_585], %swap3A_588 {strides = array<i32>} : memref<16x128xf32, #tpu.memory_space<vmem>>, vector<1x16xf32>,
    %swap3A_589 = arith.constant 12 : i32
    %swap3A_590 = arith.index_cast %swap3A_589 : i32 to index
    %swap3A_591 = arith.constant 32 : index
    %swap3A_592 = tpu.vector_load %arg11[%swap3A_590, %swap3A_591] {strides = array<i32>} : memref<16x128xf32, #tpu.memory_space<vmem>>, vector<1x16xf32>,
    %swap3A_593 = vector.shape_cast %swap3A_592 : vector<1x16xf32> to vector<16xf32>
    %swap3A_594 = vector.shape_cast %broadcast_in_dim3A_1 : vector<16xf32> to vector<1x16xf32>
    tpu.vector_store %arg11[%swap3A_590, %swap3A_591], %swap3A_594 {strides = array<i32>} : memref<16x128xf32, #tpu.memory_space<vmem>>, vector<1x16xf32>,
    %swap3A_595 = arith.constant 12 : i32
    %swap3A_596 = arith.index_cast %swap3A_595 : i32 to index
    %swap3A_597 = arith.constant 48 : index
    %swap3A_598 = tpu.vector_load %arg11[%swap3A_596, %swap3A_597] {strides = array<i32>} : memref<16x128xf32, #tpu.memory_space<vmem>>, vector<1x16xf32>,
    %swap3A_599 = vector.shape_cast %swap3A_598 : vector<1x16xf32> to vector<16xf32>
    %swap3A_600 = vector.shape_cast %broadcast_in_dim3A_1 : vector<16xf32> to vector<1x16xf32>
    tpu.vector_store %arg11[%swap3A_596, %swap3A_597], %swap3A_600 {strides = array<i32>} : memref<16x128xf32, #tpu.memory_space<vmem>>, vector<1x16xf32>,
    %swap3A_601 = arith.constant 12 : i32
    %swap3A_602 = arith.index_cast %swap3A_601 : i32 to index
    %swap3A_603 = arith.constant 64 : index
    %swap3A_604 = tpu.vector_load %arg11[%swap3A_602, %swap3A_603] {strides = array<i32>} : memref<16x128xf32, #tpu.memory_space<vmem>>, vector<1x16xf32>,
    %swap3A_605 = vector.shape_cast %swap3A_604 : vector<1x16xf32> to vector<16xf32>
    %swap3A_606 = vector.shape_cast %broadcast_in_dim3A_1 : vector<16xf32> to vector<1x16xf32>
    tpu.vector_store %arg11[%swap3A_602, %swap3A_603], %swap3A_606 {strides = array<i32>} : memref<16x128xf32, #tpu.memory_space<vmem>>, vector<1x16xf32>,
    %swap3A_607 = arith.constant 12 : i32
    %swap3A_608 = arith.index_cast %swap3A_607 : i32 to index
    %swap3A_609 = arith.constant 80 : index
    %swap3A_610 = tpu.vector_load %arg11[%swap3A_608, %swap3A_609] {strides = array<i32>} : memref<16x128xf32, #tpu.memory_space<vmem>>, vector<1x16xf32>,
    %swap3A_611 = vector.shape_cast %swap3A_610 : vector<1x16xf32> to vector<16xf32>
    %swap3A_612 = vector.shape_cast %broadcast_in_dim3A_1 : vector<16xf32> to vector<1x16xf32>
    tpu.vector_store %arg11[%swap3A_608, %swap3A_609], %swap3A_612 {strides = array<i32>} : memref<16x128xf32, #tpu.memory_space<vmem>>, vector<1x16xf32>,
    %swap3A_613 = arith.constant 12 : i32
    %swap3A_614 = arith.index_cast %swap3A_613 : i32 to index
    %swap3A_615 = arith.constant 96 : index
    %swap3A_616 = tpu.vector_load %arg11[%swap3A_614, %swap3A_615] {strides = array<i32>} : memref<16x128xf32, #tpu.memory_space<vmem>>, vector<1x16xf32>,
    %swap3A_617 = vector.shape_cast %swap3A_616 : vector<1x16xf32> to vector<16xf32>
    %swap3A_618 = vector.shape_cast %broadcast_in_dim3A_1 : vector<16xf32> to vector<1x16xf32>
    tpu.vector_store %arg11[%swap3A_614, %swap3A_615], %swap3A_618 {strides = array<i32>} : memref<16x128xf32, #tpu.memory_space<vmem>>, vector<1x16xf32>,
    %swap3A_619 = arith.constant 12 : i32
    %swap3A_620 = arith.index_cast %swap3A_619 : i32 to index
    %swap3A_621 = arith.constant 112 : index
    %swap3A_622 = tpu.vector_load %arg11[%swap3A_620, %swap3A_621] {strides = array<i32>} : memref<16x128xf32, #tpu.memory_space<vmem>>, vector<1x16xf32>,
    %swap3A_623 = vector.shape_cast %swap3A_622 : vector<1x16xf32> to vector<16xf32>
    %swap3A_624 = vector.shape_cast %broadcast_in_dim3A_1 : vector<16xf32> to vector<1x16xf32>
    tpu.vector_store %arg11[%swap3A_620, %swap3A_621], %swap3A_624 {strides = array<i32>} : memref<16x128xf32, #tpu.memory_space<vmem>>, vector<1x16xf32>,
    %swap3A_625 = arith.constant 13 : i32
    %swap3A_626 = arith.index_cast %swap3A_625 : i32 to index
    %swap3A_627 = arith.constant 0 : index
    %swap3A_628 = tpu.vector_load %arg11[%swap3A_626, %swap3A_627] {strides = array<i32>} : memref<16x128xf32, #tpu.memory_space<vmem>>, vector<1x16xf32>,
    %swap3A_629 = vector.shape_cast %swap3A_628 : vector<1x16xf32> to vector<16xf32>
    %swap3A_630 = vector.shape_cast %broadcast_in_dim3A_1 : vector<16xf32> to vector<1x16xf32>
    tpu.vector_store %arg11[%swap3A_626, %swap3A_627], %swap3A_630 {strides = array<i32>} : memref<16x128xf32, #tpu.memory_space<vmem>>, vector<1x16xf32>,
    %swap3A_631 = arith.constant 13 : i32
    %swap3A_632 = arith.index_cast %swap3A_631 : i32 to index
    %swap3A_633 = arith.constant 16 : index
    %swap3A_634 = tpu.vector_load %arg11[%swap3A_632, %swap3A_633] {strides = array<i32>} : memref<16x128xf32, #tpu.memory_space<vmem>>, vector<1x16xf32>,
    %swap3A_635 = vector.shape_cast %swap3A_634 : vector<1x16xf32> to vector<16xf32>
    %swap3A_636 = vector.shape_cast %broadcast_in_dim3A_1 : vector<16xf32> to vector<1x16xf32>
    tpu.vector_store %arg11[%swap3A_632, %swap3A_633], %swap3A_636 {strides = array<i32>} : memref<16x128xf32, #tpu.memory_space<vmem>>, vector<1x16xf32>,
    %swap3A_637 = arith.constant 13 : i32
    %swap3A_638 = arith.index_cast %swap3A_637 : i32 to index
    %swap3A_639 = arith.constant 32 : index
    %swap3A_640 = tpu.vector_load %arg11[%swap3A_638, %swap3A_639] {strides = array<i32>} : memref<16x128xf32, #tpu.memory_space<vmem>>, vector<1x16xf32>,
    %swap3A_641 = vector.shape_cast %swap3A_640 : vector<1x16xf32> to vector<16xf32>
    %swap3A_642 = vector.shape_cast %broadcast_in_dim3A_1 : vector<16xf32> to vector<1x16xf32>
    tpu.vector_store %arg11[%swap3A_638, %swap3A_639], %swap3A_642 {strides = array<i32>} : memref<16x128xf32, #tpu.memory_space<vmem>>, vector<1x16xf32>,
    %swap3A_643 = arith.constant 13 : i32
    %swap3A_644 = arith.index_cast %swap3A_643 : i32 to index
    %swap3A_645 = arith.constant 48 : index
    %swap3A_646 = tpu.vector_load %arg11[%swap3A_644, %swap3A_645] {strides = array<i32>} : memref<16x128xf32, #tpu.memory_space<vmem>>, vector<1x16xf32>,
    %swap3A_647 = vector.shape_cast %swap3A_646 : vector<1x16xf32> to vector<16xf32>
    %swap3A_648 = vector.shape_cast %broadcast_in_dim3A_1 : vector<16xf32> to vector<1x16xf32>
    tpu.vector_store %arg11[%swap3A_644, %swap3A_645], %swap3A_648 {strides = array<i32>} : memref<16x128xf32, #tpu.memory_space<vmem>>, vector<1x16xf32>,
    %swap3A_649 = arith.constant 13 : i32
    %swap3A_650 = arith.index_cast %swap3A_649 : i32 to index
    %swap3A_651 = arith.constant 64 : index
    %swap3A_652 = tpu.vector_load %arg11[%swap3A_650, %swap3A_651] {strides = array<i32>} : memref<16x128xf32, #tpu.memory_space<vmem>>, vector<1x16xf32>,
    %swap3A_653 = vector.shape_cast %swap3A_652 : vector<1x16xf32> to vector<16xf32>
    %swap3A_654 = vector.shape_cast %broadcast_in_dim3A_1 : vector<16xf32> to vector<1x16xf32>
    tpu.vector_store %arg11[%swap3A_650, %swap3A_651], %swap3A_654 {strides = array<i32>} : memref<16x128xf32, #tpu.memory_space<vmem>>, vector<1x16xf32>,
    %swap3A_655 = arith.constant 13 : i32
    %swap3A_656 = arith.index_cast %swap3A_655 : i32 to index
    %swap3A_657 = arith.constant 80 : index
    %swap3A_658 = tpu.vector_load %arg11[%swap3A_656, %swap3A_657] {strides = array<i32>} : memref<16x128xf32, #tpu.memory_space<vmem>>, vector<1x16xf32>,
    %swap3A_659 = vector.shape_cast %swap3A_658 : vector<1x16xf32> to vector<16xf32>
    %swap3A_660 = vector.shape_cast %broadcast_in_dim3A_1 : vector<16xf32> to vector<1x16xf32>
    tpu.vector_store %arg11[%swap3A_656, %swap3A_657], %swap3A_660 {strides = array<i32>} : memref<16x128xf32, #tpu.memory_space<vmem>>, vector<1x16xf32>,
    %swap3A_661 = arith.constant 13 : i32
    %swap3A_662 = arith.index_cast %swap3A_661 : i32 to index
    %swap3A_663 = arith.constant 96 : index
    %swap3A_664 = tpu.vector_load %arg11[%swap3A_662, %swap3A_663] {strides = array<i32>} : memref<16x128xf32, #tpu.memory_space<vmem>>, vector<1x16xf32>,
    %swap3A_665 = vector.shape_cast %swap3A_664 : vector<1x16xf32> to vector<16xf32>
    %swap3A_666 = vector.shape_cast %broadcast_in_dim3A_1 : vector<16xf32> to vector<1x16xf32>
    tpu.vector_store %arg11[%swap3A_662, %swap3A_663], %swap3A_666 {strides = array<i32>} : memref<16x128xf32, #tpu.memory_space<vmem>>, vector<1x16xf32>,
    %swap3A_667 = arith.constant 13 : i32
    %swap3A_668 = arith.index_cast %swap3A_667 : i32 to index
    %swap3A_669 = arith.constant 112 : index
    %swap3A_670 = tpu.vector_load %arg11[%swap3A_668, %swap3A_669] {strides = array<i32>} : memref<16x128xf32, #tpu.memory_space<vmem>>, vector<1x16xf32>,
    %swap3A_671 = vector.shape_cast %swap3A_670 : vector<1x16xf32> to vector<16xf32>
    %swap3A_672 = vector.shape_cast %broadcast_in_dim3A_1 : vector<16xf32> to vector<1x16xf32>
    tpu.vector_store %arg11[%swap3A_668, %swap3A_669], %swap3A_672 {strides = array<i32>} : memref<16x128xf32, #tpu.memory_space<vmem>>, vector<1x16xf32>,
    %swap3A_673 = arith.constant 14 : i32
    %swap3A_674 = arith.index_cast %swap3A_673 : i32 to index
    %swap3A_675 = arith.constant 0 : index
    %swap3A_676 = tpu.vector_load %arg11[%swap3A_674, %swap3A_675] {strides = array<i32>} : memref<16x128xf32, #tpu.memory_space<vmem>>, vector<1x16xf32>,
    %swap3A_677 = vector.shape_cast %swap3A_676 : vector<1x16xf32> to vector<16xf32>
    %swap3A_678 = vector.shape_cast %broadcast_in_dim3A_1 : vector<16xf32> to vector<1x16xf32>
    tpu.vector_store %arg11[%swap3A_674, %swap3A_675], %swap3A_678 {strides = array<i32>} : memref<16x128xf32, #tpu.memory_space<vmem>>, vector<1x16xf32>,
    %swap3A_679 = arith.constant 14 : i32
    %swap3A_680 = arith.index_cast %swap3A_679 : i32 to index
    %swap3A_681 = arith.constant 16 : index
    %swap3A_682 = tpu.vector_load %arg11[%swap3A_680, %swap3A_681] {strides = array<i32>} : memref<16x128xf32, #tpu.memory_space<vmem>>, vector<1x16xf32>,
    %swap3A_683 = vector.shape_cast %swap3A_682 : vector<1x16xf32> to vector<16xf32>
    %swap3A_684 = vector.shape_cast %broadcast_in_dim3A_1 : vector<16xf32> to vector<1x16xf32>
    tpu.vector_store %arg11[%swap3A_680, %swap3A_681], %swap3A_684 {strides = array<i32>} : memref<16x128xf32, #tpu.memory_space<vmem>>, vector<1x16xf32>,
    %swap3A_685 = arith.constant 14 : i32
    %swap3A_686 = arith.index_cast %swap3A_685 : i32 to index
    %swap3A_687 = arith.constant 32 : index
    %swap3A_688 = tpu.vector_load %arg11[%swap3A_686, %swap3A_687] {strides = array<i32>} : memref<16x128xf32, #tpu.memory_space<vmem>>, vector<1x16xf32>,
    %swap3A_689 = vector.shape_cast %swap3A_688 : vector<1x16xf32> to vector<16xf32>
    %swap3A_690 = vector.shape_cast %broadcast_in_dim3A_1 : vector<16xf32> to vector<1x16xf32>
    tpu.vector_store %arg11[%swap3A_686, %swap3A_687], %swap3A_690 {strides = array<i32>} : memref<16x128xf32, #tpu.memory_space<vmem>>, vector<1x16xf32>,
    %swap3A_691 = arith.constant 14 : i32
    %swap3A_692 = arith.index_cast %swap3A_691 : i32 to index
    %swap3A_693 = arith.constant 48 : index
    %swap3A_694 = tpu.vector_load %arg11[%swap3A_692, %swap3A_693] {strides = array<i32>} : memref<16x128xf32, #tpu.memory_space<vmem>>, vector<1x16xf32>,
    %swap3A_695 = vector.shape_cast %swap3A_694 : vector<1x16xf32> to vector<16xf32>
    %swap3A_696 = vector.shape_cast %broadcast_in_dim3A_1 : vector<16xf32> to vector<1x16xf32>
    tpu.vector_store %arg11[%swap3A_692, %swap3A_693], %swap3A_696 {strides = array<i32>} : memref<16x128xf32, #tpu.memory_space<vmem>>, vector<1x16xf32>,
    %swap3A_697 = arith.constant 14 : i32
    %swap3A_698 = arith.index_cast %swap3A_697 : i32 to index
    %swap3A_699 = arith.constant 64 : index
    %swap3A_700 = tpu.vector_load %arg11[%swap3A_698, %swap3A_699] {strides = array<i32>} : memref<16x128xf32, #tpu.memory_space<vmem>>, vector<1x16xf32>,
    %swap3A_701 = vector.shape_cast %swap3A_700 : vector<1x16xf32> to vector<16xf32>
    %swap3A_702 = vector.shape_cast %broadcast_in_dim3A_1 : vector<16xf32> to vector<1x16xf32>
    tpu.vector_store %arg11[%swap3A_698, %swap3A_699], %swap3A_702 {strides = array<i32>} : memref<16x128xf32, #tpu.memory_space<vmem>>, vector<1x16xf32>,
    %swap3A_703 = arith.constant 14 : i32
    %swap3A_704 = arith.index_cast %swap3A_703 : i32 to index
    %swap3A_705 = arith.constant 80 : index
    %swap3A_706 = tpu.vector_load %arg11[%swap3A_704, %swap3A_705] {strides = array<i32>} : memref<16x128xf32, #tpu.memory_space<vmem>>, vector<1x16xf32>,
    %swap3A_707 = vector.shape_cast %swap3A_706 : vector<1x16xf32> to vector<16xf32>
    %swap3A_708 = vector.shape_cast %broadcast_in_dim3A_1 : vector<16xf32> to vector<1x16xf32>
    tpu.vector_store %arg11[%swap3A_704, %swap3A_705], %swap3A_708 {strides = array<i32>} : memref<16x128xf32, #tpu.memory_space<vmem>>, vector<1x16xf32>,
    %swap3A_709 = arith.constant 14 : i32
    %swap3A_710 = arith.index_cast %swap3A_709 : i32 to index
    %swap3A_711 = arith.constant 96 : index
    %swap3A_712 = tpu.vector_load %arg11[%swap3A_710, %swap3A_711] {strides = array<i32>} : memref<16x128xf32, #tpu.memory_space<vmem>>, vector<1x16xf32>,
    %swap3A_713 = vector.shape_cast %swap3A_712 : vector<1x16xf32> to vector<16xf32>
    %swap3A_714 = vector.shape_cast %broadcast_in_dim3A_1 : vector<16xf32> to vector<1x16xf32>
    tpu.vector_store %arg11[%swap3A_710, %swap3A_711], %swap3A_714 {strides = array<i32>} : memref<16x128xf32, #tpu.memory_space<vmem>>, vector<1x16xf32>,
    %swap3A_715 = arith.constant 14 : i32
    %swap3A_716 = arith.index_cast %swap3A_715 : i32 to index
    %swap3A_717 = arith.constant 112 : index
    %swap3A_718 = tpu.vector_load %arg11[%swap3A_716, %swap3A_717] {strides = array<i32>} : memref<16x128xf32, #tpu.memory_space<vmem>>, vector<1x16xf32>,
    %swap3A_719 = vector.shape_cast %swap3A_718 : vector<1x16xf32> to vector<16xf32>
    %swap3A_720 = vector.shape_cast %broadcast_in_dim3A_1 : vector<16xf32> to vector<1x16xf32>
    tpu.vector_store %arg11[%swap3A_716, %swap3A_717], %swap3A_720 {strides = array<i32>} : memref<16x128xf32, #tpu.memory_space<vmem>>, vector<1x16xf32>,
    %swap3A_721 = arith.constant 15 : i32
    %swap3A_722 = arith.index_cast %swap3A_721 : i32 to index
    %swap3A_723 = arith.constant 0 : index
    %swap3A_724 = tpu.vector_load %arg11[%swap3A_722, %swap3A_723] {strides = array<i32>} : memref<16x128xf32, #tpu.memory_space<vmem>>, vector<1x16xf32>,
    %swap3A_725 = vector.shape_cast %swap3A_724 : vector<1x16xf32> to vector<16xf32>
    %swap3A_726 = vector.shape_cast %broadcast_in_dim3A_1 : vector<16xf32> to vector<1x16xf32>
    tpu.vector_store %arg11[%swap3A_722, %swap3A_723], %swap3A_726 {strides = array<i32>} : memref<16x128xf32, #tpu.memory_space<vmem>>, vector<1x16xf32>,
    %swap3A_727 = arith.constant 15 : i32
    %swap3A_728 = arith.index_cast %swap3A_727 : i32 to index
    %swap3A_729 = arith.constant 16 : index
    %swap3A_730 = tpu.vector_load %arg11[%swap3A_728, %swap3A_729] {strides = array<i32>} : memref<16x128xf32, #tpu.memory_space<vmem>>, vector<1x16xf32>,
    %swap3A_731 = vector.shape_cast %swap3A_730 : vector<1x16xf32> to vector<16xf32>
    %swap3A_732 = vector.shape_cast %broadcast_in_dim3A_1 : vector<16xf32> to vector<1x16xf32>
    tpu.vector_store %arg11[%swap3A_728, %swap3A_729], %swap3A_732 {strides = array<i32>} : memref<16x128xf32, #tpu.memory_space<vmem>>, vector<1x16xf32>,
    %swap3A_733 = arith.constant 15 : i32
    %swap3A_734 = arith.index_cast %swap3A_733 : i32 to index
    %swap3A_735 = arith.constant 32 : index
    %swap3A_736 = tpu.vector_load %arg11[%swap3A_734, %swap3A_735] {strides = array<i32>} : memref<16x128xf32, #tpu.memory_space<vmem>>, vector<1x16xf32>,
    %swap3A_737 = vector.shape_cast %swap3A_736 : vector<1x16xf32> to vector<16xf32>
    %swap3A_738 = vector.shape_cast %broadcast_in_dim3A_1 : vector<16xf32> to vector<1x16xf32>
    tpu.vector_store %arg11[%swap3A_734, %swap3A_735], %swap3A_738 {strides = array<i32>} : memref<16x128xf32, #tpu.memory_space<vmem>>, vector<1x16xf32>,
    %swap3A_739 = arith.constant 15 : i32
    %swap3A_740 = arith.index_cast %swap3A_739 : i32 to index
    %swap3A_741 = arith.constant 48 : index
    %swap3A_742 = tpu.vector_load %arg11[%swap3A_740, %swap3A_741] {strides = array<i32>} : memref<16x128xf32, #tpu.memory_space<vmem>>, vector<1x16xf32>,
    %swap3A_743 = vector.shape_cast %swap3A_742 : vector<1x16xf32> to vector<16xf32>
    %swap3A_744 = vector.shape_cast %broadcast_in_dim3A_1 : vector<16xf32> to vector<1x16xf32>
    tpu.vector_store %arg11[%swap3A_740, %swap3A_741], %swap3A_744 {strides = array<i32>} : memref<16x128xf32, #tpu.memory_space<vmem>>, vector<1x16xf32>,
    %swap3A_745 = arith.constant 15 : i32
    %swap3A_746 = arith.index_cast %swap3A_745 : i32 to index
    %swap3A_747 = arith.constant 64 : index
    %swap3A_748 = tpu.vector_load %arg11[%swap3A_746, %swap3A_747] {strides = array<i32>} : memref<16x128xf32, #tpu.memory_space<vmem>>, vector<1x16xf32>,
    %swap3A_749 = vector.shape_cast %swap3A_748 : vector<1x16xf32> to vector<16xf32>
    %swap3A_750 = vector.shape_cast %broadcast_in_dim3A_1 : vector<16xf32> to vector<1x16xf32>
    tpu.vector_store %arg11[%swap3A_746, %swap3A_747], %swap3A_750 {strides = array<i32>} : memref<16x128xf32, #tpu.memory_space<vmem>>, vector<1x16xf32>,
    %swap3A_751 = arith.constant 15 : i32
    %swap3A_752 = arith.index_cast %swap3A_751 : i32 to index
    %swap3A_753 = arith.constant 80 : index
    %swap3A_754 = tpu.vector_load %arg11[%swap3A_752, %swap3A_753] {strides = array<i32>} : memref<16x128xf32, #tpu.memory_space<vmem>>, vector<1x16xf32>,
    %swap3A_755 = vector.shape_cast %swap3A_754 : vector<1x16xf32> to vector<16xf32>
    %swap3A_756 = vector.shape_cast %broadcast_in_dim3A_1 : vector<16xf32> to vector<1x16xf32>
    tpu.vector_store %arg11[%swap3A_752, %swap3A_753], %swap3A_756 {strides = array<i32>} : memref<16x128xf32, #tpu.memory_space<vmem>>, vector<1x16xf32>,
    %swap3A_757 = arith.constant 15 : i32
    %swap3A_758 = arith.index_cast %swap3A_757 : i32 to index
    %swap3A_759 = arith.constant 96 : index
    %swap3A_760 = tpu.vector_load %arg11[%swap3A_758, %swap3A_759] {strides = array<i32>} : memref<16x128xf32, #tpu.memory_space<vmem>>, vector<1x16xf32>,
    %swap3A_761 = vector.shape_cast %swap3A_760 : vector<1x16xf32> to vector<16xf32>
    %swap3A_762 = vector.shape_cast %broadcast_in_dim3A_1 : vector<16xf32> to vector<1x16xf32>
    tpu.vector_store %arg11[%swap3A_758, %swap3A_759], %swap3A_762 {strides = array<i32>} : memref<16x128xf32, #tpu.memory_space<vmem>>, vector<1x16xf32>,
    %swap3A_763 = arith.constant 15 : i32
    %swap3A_764 = arith.index_cast %swap3A_763 : i32 to index
    %swap3A_765 = arith.constant 112 : index
    %swap3A_766 = tpu.vector_load %arg11[%swap3A_764, %swap3A_765] {strides = array<i32>} : memref<16x128xf32, #tpu.memory_space<vmem>>, vector<1x16xf32>,
    %swap3A_767 = vector.shape_cast %swap3A_766 : vector<1x16xf32> to vector<16xf32>
    %swap3A_768 = vector.shape_cast %broadcast_in_dim3A_1 : vector<16xf32> to vector<1x16xf32>
    tpu.vector_store %arg11[%swap3A_764, %swap3A_765], %swap3A_768 {strides = array<i32>} : memref<16x128xf32, #tpu.memory_space<vmem>>, vector<1x16xf32>,
    %mul3A_769 = arith.constant 640 : i32
    %mul3A_770 = arith.muli %arg1, %mul3A_769 : i32
    %add3A_771 = arith.constant 0 : i32
    %add3A_772 = arith.addi %mul3A_770, %add3A_771 : i32
    %dma_start3A = arith.constant 0 : i32
    %dma_start3A_773 = tpu.memref_slice %arg12[%add3A_772, %dma_start3A] : memref<10240x128xf32, #tpu.memory_space<vmem_shared>> -> memref<16x128xf32, #tpu.memory_space<vmem_shared>>
    %dma_start3A_774 = arith.constant 0 : i32
    %dma_start3A_775 = tpu.memref_slice %arg12[%add3A_772, %dma_start3A_774] : memref<10240x128xf32, #tpu.memory_space<vmem_shared>> -> memref<16x128xf32, #tpu.memory_space<vmem_shared>>
    tpu.enqueue_dma source(%arg11 : memref<16x128xf32, #tpu.memory_space<vmem>>) target(%dma_start3A_775 : memref<16x128xf32, #tpu.memory_space<vmem_shared>>) target_semaphore(%arg13 : memref<!tpu.dma_semaphore, #tpu.memory_space<semaphore_mem>>)
    %mul3A_776 = arith.constant 640 : i32
    %mul3A_777 = arith.muli %arg1, %mul3A_776 : i32
    %add3A_778 = arith.constant 16 : i32
    %add3A_779 = arith.addi %mul3A_777, %add3A_778 : i32
    %dma_start3A_780 = arith.constant 0 : i32
    %dma_start3A_781 = tpu.memref_slice %arg12[%add3A_779, %dma_start3A_780] : memref<10240x128xf32, #tpu.memory_space<vmem_shared>> -> memref<16x128xf32, #tpu.memory_space<vmem_shared>>
    %dma_start3A_782 = arith.constant 0 : i32
    %dma_start3A_783 = tpu.memref_slice %arg12[%add3A_779, %dma_start3A_782] : memref<10240x128xf32, #tpu.memory_space<vmem_shared>> -> memref<16x128xf32, #tpu.memory_space<vmem_shared>>
    tpu.enqueue_dma source(%arg11 : memref<16x128xf32, #tpu.memory_space<vmem>>) target(%dma_start3A_783 : memref<16x128xf32, #tpu.memory_space<vmem_shared>>) target_semaphore(%arg13 : memref<!tpu.dma_semaphore, #tpu.memory_space<semaphore_mem>>)
    %mul3A_784 = arith.constant 640 : i32
    %mul3A_785 = arith.muli %arg1, %mul3A_784 : i32
    %add3A_786 = arith.constant 32 : i32
    %add3A_787 = arith.addi %mul3A_785, %add3A_786 : i32
    %dma_start3A_788 = arith.constant 0 : i32
    %dma_start3A_789 = tpu.memref_slice %arg12[%add3A_787, %dma_start3A_788] : memref<10240x128xf32, #tpu.memory_space<vmem_shared>> -> memref<16x128xf32, #tpu.memory_space<vmem_shared>>
    %dma_start3A_790 = arith.constant 0 : i32
    %dma_start3A_791 = tpu.memref_slice %arg12[%add3A_787, %dma_start3A_790] : memref<10240x128xf32, #tpu.memory_space<vmem_shared>> -> memref<16x128xf32, #tpu.memory_space<vmem_shared>>
    tpu.enqueue_dma source(%arg11 : memref<16x128xf32, #tpu.memory_space<vmem>>) target(%dma_start3A_791 : memref<16x128xf32, #tpu.memory_space<vmem_shared>>) target_semaphore(%arg13 : memref<!tpu.dma_semaphore, #tpu.memory_space<semaphore_mem>>)
    %mul3A_792 = arith.constant 640 : i32
    %mul3A_793 = arith.muli %arg1, %mul3A_792 : i32
    %add3A_794 = arith.constant 48 : i32
    %add3A_795 = arith.addi %mul3A_793, %add3A_794 : i32
    %dma_start3A_796 = arith.constant 0 : i32
    %dma_start3A_797 = tpu.memref_slice %arg12[%add3A_795, %dma_start3A_796] : memref<10240x128xf32, #tpu.memory_space<vmem_shared>> -> memref<16x128xf32, #tpu.memory_space<vmem_shared>>
    %dma_start3A_798 = arith.constant 0 : i32
    %dma_start3A_799 = tpu.memref_slice %arg12[%add3A_795, %dma_start3A_798] : memref<10240x128xf32, #tpu.memory_space<vmem_shared>> -> memref<16x128xf32, #tpu.memory_space<vmem_shared>>
    tpu.enqueue_dma source(%arg11 : memref<16x128xf32, #tpu.memory_space<vmem>>) target(%dma_start3A_799 : memref<16x128xf32, #tpu.memory_space<vmem_shared>>) target_semaphore(%arg13 : memref<!tpu.dma_semaphore, #tpu.memory_space<semaphore_mem>>)
    %mul3A_800 = arith.constant 640 : i32
    %mul3A_801 = arith.muli %arg1, %mul3A_800 : i32
    %add3A_802 = arith.constant 64 : i32
    %add3A_803 = arith.addi %mul3A_801, %add3A_802 : i32
    %dma_start3A_804 = arith.constant 0 : i32
    %dma_start3A_805 = tpu.memref_slice %arg12[%add3A_803, %dma_start3A_804] : memref<10240x128xf32, #tpu.memory_space<vmem_shared>> -> memref<16x128xf32, #tpu.memory_space<vmem_shared>>
    %dma_start3A_806 = arith.constant 0 : i32
    %dma_start3A_807 = tpu.memref_slice %arg12[%add3A_803, %dma_start3A_806] : memref<10240x128xf32, #tpu.memory_space<vmem_shared>> -> memref<16x128xf32, #tpu.memory_space<vmem_shared>>
    tpu.enqueue_dma source(%arg11 : memref<16x128xf32, #tpu.memory_space<vmem>>) target(%dma_start3A_807 : memref<16x128xf32, #tpu.memory_space<vmem_shared>>) target_semaphore(%arg13 : memref<!tpu.dma_semaphore, #tpu.memory_space<semaphore_mem>>)
    %mul3A_808 = arith.constant 640 : i32
    %mul3A_809 = arith.muli %arg1, %mul3A_808 : i32
    %add3A_810 = arith.constant 80 : i32
    %add3A_811 = arith.addi %mul3A_809, %add3A_810 : i32
    %dma_start3A_812 = arith.constant 0 : i32
    %dma_start3A_813 = tpu.memref_slice %arg12[%add3A_811, %dma_start3A_812] : memref<10240x128xf32, #tpu.memory_space<vmem_shared>> -> memref<16x128xf32, #tpu.memory_space<vmem_shared>>
    %dma_start3A_814 = arith.constant 0 : i32
    %dma_start3A_815 = tpu.memref_slice %arg12[%add3A_811, %dma_start3A_814] : memref<10240x128xf32, #tpu.memory_space<vmem_shared>> -> memref<16x128xf32, #tpu.memory_space<vmem_shared>>
    tpu.enqueue_dma source(%arg11 : memref<16x128xf32, #tpu.memory_space<vmem>>) target(%dma_start3A_815 : memref<16x128xf32, #tpu.memory_space<vmem_shared>>) target_semaphore(%arg13 : memref<!tpu.dma_semaphore, #tpu.memory_space<semaphore_mem>>)
    %mul3A_816 = arith.constant 640 : i32
    %mul3A_817 = arith.muli %arg1, %mul3A_816 : i32
    %add3A_818 = arith.constant 96 : i32
    %add3A_819 = arith.addi %mul3A_817, %add3A_818 : i32
    %dma_start3A_820 = arith.constant 0 : i32
    %dma_start3A_821 = tpu.memref_slice %arg12[%add3A_819, %dma_start3A_820] : memref<10240x128xf32, #tpu.memory_space<vmem_shared>> -> memref<16x128xf32, #tpu.memory_space<vmem_shared>>
    %dma_start3A_822 = arith.constant 0 : i32
    %dma_start3A_823 = tpu.memref_slice %arg12[%add3A_819, %dma_start3A_822] : memref<10240x128xf32, #tpu.memory_space<vmem_shared>> -> memref<16x128xf32, #tpu.memory_space<vmem_shared>>
    tpu.enqueue_dma source(%arg11 : memref<16x128xf32, #tpu.memory_space<vmem>>) target(%dma_start3A_823 : memref<16x128xf32, #tpu.memory_space<vmem_shared>>) target_semaphore(%arg13 : memref<!tpu.dma_semaphore, #tpu.memory_space<semaphore_mem>>)
    %mul3A_824 = arith.constant 640 : i32
    %mul3A_825 = arith.muli %arg1, %mul3A_824 : i32
    %add3A_826 = arith.constant 112 : i32
    %add3A_827 = arith.addi %mul3A_825, %add3A_826 : i32
    %dma_start3A_828 = arith.constant 0 : i32
    %dma_start3A_829 = tpu.memref_slice %arg12[%add3A_827, %dma_start3A_828] : memref<10240x128xf32, #tpu.memory_space<vmem_shared>> -> memref<16x128xf32, #tpu.memory_space<vmem_shared>>
    %dma_start3A_830 = arith.constant 0 : i32
    %dma_start3A_831 = tpu.memref_slice %arg12[%add3A_827, %dma_start3A_830] : memref<10240x128xf32, #tpu.memory_space<vmem_shared>> -> memref<16x128xf32, #tpu.memory_space<vmem_shared>>
    tpu.enqueue_dma source(%arg11 : memref<16x128xf32, #tpu.memory_space<vmem>>) target(%dma_start3A_831 : memref<16x128xf32, #tpu.memory_space<vmem_shared>>) target_semaphore(%arg13 : memref<!tpu.dma_semaphore, #tpu.memory_space<semaphore_mem>>)
    %mul3A_832 = arith.constant 640 : i32
    %mul3A_833 = arith.muli %arg1, %mul3A_832 : i32
    %add3A_834 = arith.constant 128 : i32
    %add3A_835 = arith.addi %mul3A_833, %add3A_834 : i32
    %dma_start3A_836 = arith.constant 0 : i32
    %dma_start3A_837 = tpu.memref_slice %arg12[%add3A_835, %dma_start3A_836] : memref<10240x128xf32, #tpu.memory_space<vmem_shared>> -> memref<16x128xf32, #tpu.memory_space<vmem_shared>>
    %dma_start3A_838 = arith.constant 0 : i32
    %dma_start3A_839 = tpu.memref_slice %arg12[%add3A_835, %dma_start3A_838] : memref<10240x128xf32, #tpu.memory_space<vmem_shared>> -> memref<16x128xf32, #tpu.memory_space<vmem_shared>>
    tpu.enqueue_dma source(%arg11 : memref<16x128xf32, #tpu.memory_space<vmem>>) target(%dma_start3A_839 : memref<16x128xf32, #tpu.memory_space<vmem_shared>>) target_semaphore(%arg13 : memref<!tpu.dma_semaphore, #tpu.memory_space<semaphore_mem>>)
    %mul3A_840 = arith.constant 640 : i32
    %mul3A_841 = arith.muli %arg1, %mul3A_840 : i32
    %add3A_842 = arith.constant 144 : i32
    %add3A_843 = arith.addi %mul3A_841, %add3A_842 : i32
    %dma_start3A_844 = arith.constant 0 : i32
    %dma_start3A_845 = tpu.memref_slice %arg12[%add3A_843, %dma_start3A_844] : memref<10240x128xf32, #tpu.memory_space<vmem_shared>> -> memref<16x128xf32, #tpu.memory_space<vmem_shared>>
    %dma_start3A_846 = arith.constant 0 : i32
    %dma_start3A_847 = tpu.memref_slice %arg12[%add3A_843, %dma_start3A_846] : memref<10240x128xf32, #tpu.memory_space<vmem_shared>> -> memref<16x128xf32, #tpu.memory_space<vmem_shared>>
    tpu.enqueue_dma source(%arg11 : memref<16x128xf32, #tpu.memory_space<vmem>>) target(%dma_start3A_847 : memref<16x128xf32, #tpu.memory_space<vmem_shared>>) target_semaphore(%arg13 : memref<!tpu.dma_semaphore, #tpu.memory_space<semaphore_mem>>)
    %mul3A_848 = arith.constant 640 : i32
    %mul3A_849 = arith.muli %arg1, %mul3A_848 : i32
    %add3A_850 = arith.constant 0 : i32
    %add3A_851 = arith.addi %mul3A_849, %add3A_850 : i32
    %dma_wait3A = arith.constant 0 : i32
    %dma_wait3A_852 = tpu.memref_slice %arg12[%add3A_851, %dma_wait3A] : memref<10240x128xf32, #tpu.memory_space<vmem_shared>> -> memref<16x128xf32, #tpu.memory_space<vmem_shared>>
    %dma_wait3A_853 = arith.constant 0 : i32
    %dma_wait3A_854 = tpu.memref_slice %arg12[%add3A_851, %dma_wait3A_853] : memref<10240x128xf32, #tpu.memory_space<vmem_shared>> -> memref<16x128xf32, #tpu.memory_space<vmem_shared>>
    tpu.wait_dma2 semaphore(%arg13 : memref<!tpu.dma_semaphore, #tpu.memory_space<semaphore_mem>>) src(%arg11 : memref<16x128xf32, #tpu.memory_space<vmem>>) dst(%dma_wait3A_854 : memref<16x128xf32, #tpu.memory_space<vmem_shared>>)
    %mul3A_855 = arith.constant 640 : i32
    %mul3A_856 = arith.muli %arg1, %mul3A_855 : i32
    %add3A_857 = arith.constant 16 : i32
    %add3A_858 = arith.addi %mul3A_856, %add3A_857 : i32
    %dma_wait3A_859 = arith.constant 0 : i32
    %dma_wait3A_860 = tpu.memref_slice %arg12[%add3A_858, %dma_wait3A_859] : memref<10240x128xf32, #tpu.memory_space<vmem_shared>> -> memref<16x128xf32, #tpu.memory_space<vmem_shared>>
    %dma_wait3A_861 = arith.constant 0 : i32
    %dma_wait3A_862 = tpu.memref_slice %arg12[%add3A_858, %dma_wait3A_861] : memref<10240x128xf32, #tpu.memory_space<vmem_shared>> -> memref<16x128xf32, #tpu.memory_space<vmem_shared>>
    tpu.wait_dma2 semaphore(%arg13 : memref<!tpu.dma_semaphore, #tpu.memory_space<semaphore_mem>>) src(%arg11 : memref<16x128xf32, #tpu.memory_space<vmem>>) dst(%dma_wait3A_862 : memref<16x128xf32, #tpu.memory_space<vmem_shared>>)
    %mul3A_863 = arith.constant 640 : i32
    %mul3A_864 = arith.muli %arg1, %mul3A_863 : i32
    %add3A_865 = arith.constant 32 : i32
    %add3A_866 = arith.addi %mul3A_864, %add3A_865 : i32
    %dma_wait3A_867 = arith.constant 0 : i32
    %dma_wait3A_868 = tpu.memref_slice %arg12[%add3A_866, %dma_wait3A_867] : memref<10240x128xf32, #tpu.memory_space<vmem_shared>> -> memref<16x128xf32, #tpu.memory_space<vmem_shared>>
    %dma_wait3A_869 = arith.constant 0 : i32
    %dma_wait3A_870 = tpu.memref_slice %arg12[%add3A_866, %dma_wait3A_869] : memref<10240x128xf32, #tpu.memory_space<vmem_shared>> -> memref<16x128xf32, #tpu.memory_space<vmem_shared>>
    tpu.wait_dma2 semaphore(%arg13 : memref<!tpu.dma_semaphore, #tpu.memory_space<semaphore_mem>>) src(%arg11 : memref<16x128xf32, #tpu.memory_space<vmem>>) dst(%dma_wait3A_870 : memref<16x128xf32, #tpu.memory_space<vmem_shared>>)
    %mul3A_871 = arith.constant 640 : i32
    %mul3A_872 = arith.muli %arg1, %mul3A_871 : i32
    %add3A_873 = arith.constant 48 : i32
    %add3A_874 = arith.addi %mul3A_872, %add3A_873 : i32
    %dma_wait3A_875 = arith.constant 0 : i32
    %dma_wait3A_876 = tpu.memref_slice %arg12[%add3A_874, %dma_wait3A_875] : memref<10240x128xf32, #tpu.memory_space<vmem_shared>> -> memref<16x128xf32, #tpu.memory_space<vmem_shared>>
    %dma_wait3A_877 = arith.constant 0 : i32
    %dma_wait3A_878 = tpu.memref_slice %arg12[%add3A_874, %dma_wait3A_877] : memref<10240x128xf32, #tpu.memory_space<vmem_shared>> -> memref<16x128xf32, #tpu.memory_space<vmem_shared>>
    tpu.wait_dma2 semaphore(%arg13 : memref<!tpu.dma_semaphore, #tpu.memory_space<semaphore_mem>>) src(%arg11 : memref<16x128xf32, #tpu.memory_space<vmem>>) dst(%dma_wait3A_878 : memref<16x128xf32, #tpu.memory_space<vmem_shared>>)
    %mul3A_879 = arith.constant 640 : i32
    %mul3A_880 = arith.muli %arg1, %mul3A_879 : i32
    %add3A_881 = arith.constant 64 : i32
    %add3A_882 = arith.addi %mul3A_880, %add3A_881 : i32
    %dma_wait3A_883 = arith.constant 0 : i32
    %dma_wait3A_884 = tpu.memref_slice %arg12[%add3A_882, %dma_wait3A_883] : memref<10240x128xf32, #tpu.memory_space<vmem_shared>> -> memref<16x128xf32, #tpu.memory_space<vmem_shared>>
    %dma_wait3A_885 = arith.constant 0 : i32
    %dma_wait3A_886 = tpu.memref_slice %arg12[%add3A_882, %dma_wait3A_885] : memref<10240x128xf32, #tpu.memory_space<vmem_shared>> -> memref<16x128xf32, #tpu.memory_space<vmem_shared>>
    tpu.wait_dma2 semaphore(%arg13 : memref<!tpu.dma_semaphore, #tpu.memory_space<semaphore_mem>>) src(%arg11 : memref<16x128xf32, #tpu.memory_space<vmem>>) dst(%dma_wait3A_886 : memref<16x128xf32, #tpu.memory_space<vmem_shared>>)
    %mul3A_887 = arith.constant 640 : i32
    %mul3A_888 = arith.muli %arg1, %mul3A_887 : i32
    %add3A_889 = arith.constant 80 : i32
    %add3A_890 = arith.addi %mul3A_888, %add3A_889 : i32
    %dma_wait3A_891 = arith.constant 0 : i32
    %dma_wait3A_892 = tpu.memref_slice %arg12[%add3A_890, %dma_wait3A_891] : memref<10240x128xf32, #tpu.memory_space<vmem_shared>> -> memref<16x128xf32, #tpu.memory_space<vmem_shared>>
    %dma_wait3A_893 = arith.constant 0 : i32
    %dma_wait3A_894 = tpu.memref_slice %arg12[%add3A_890, %dma_wait3A_893] : memref<10240x128xf32, #tpu.memory_space<vmem_shared>> -> memref<16x128xf32, #tpu.memory_space<vmem_shared>>
    tpu.wait_dma2 semaphore(%arg13 : memref<!tpu.dma_semaphore, #tpu.memory_space<semaphore_mem>>) src(%arg11 : memref<16x128xf32, #tpu.memory_space<vmem>>) dst(%dma_wait3A_894 : memref<16x128xf32, #tpu.memory_space<vmem_shared>>)
    %mul3A_895 = arith.constant 640 : i32
    %mul3A_896 = arith.muli %arg1, %mul3A_895 : i32
    %add3A_897 = arith.constant 96 : i32
    %add3A_898 = arith.addi %mul3A_896, %add3A_897 : i32
    %dma_wait3A_899 = arith.constant 0 : i32
    %dma_wait3A_900 = tpu.memref_slice %arg12[%add3A_898, %dma_wait3A_899] : memref<10240x128xf32, #tpu.memory_space<vmem_shared>> -> memref<16x128xf32, #tpu.memory_space<vmem_shared>>
    %dma_wait3A_901 = arith.constant 0 : i32
    %dma_wait3A_902 = tpu.memref_slice %arg12[%add3A_898, %dma_wait3A_901] : memref<10240x128xf32, #tpu.memory_space<vmem_shared>> -> memref<16x128xf32, #tpu.memory_space<vmem_shared>>
    tpu.wait_dma2 semaphore(%arg13 : memref<!tpu.dma_semaphore, #tpu.memory_space<semaphore_mem>>) src(%arg11 : memref<16x128xf32, #tpu.memory_space<vmem>>) dst(%dma_wait3A_902 : memref<16x128xf32, #tpu.memory_space<vmem_shared>>)
    %mul3A_903 = arith.constant 640 : i32
    %mul3A_904 = arith.muli %arg1, %mul3A_903 : i32
    %add3A_905 = arith.constant 112 : i32
    %add3A_906 = arith.addi %mul3A_904, %add3A_905 : i32
    %dma_wait3A_907 = arith.constant 0 : i32
    %dma_wait3A_908 = tpu.memref_slice %arg12[%add3A_906, %dma_wait3A_907] : memref<10240x128xf32, #tpu.memory_space<vmem_shared>> -> memref<16x128xf32, #tpu.memory_space<vmem_shared>>
    %dma_wait3A_909 = arith.constant 0 : i32
    %dma_wait3A_910 = tpu.memref_slice %arg12[%add3A_906, %dma_wait3A_909] : memref<10240x128xf32, #tpu.memory_space<vmem_shared>> -> memref<16x128xf32, #tpu.memory_space<vmem_shared>>
    tpu.wait_dma2 semaphore(%arg13 : memref<!tpu.dma_semaphore, #tpu.memory_space<semaphore_mem>>) src(%arg11 : memref<16x128xf32, #tpu.memory_space<vmem>>) dst(%dma_wait3A_910 : memref<16x128xf32, #tpu.memory_space<vmem_shared>>)
    %mul3A_911 = arith.constant 640 : i32
    %mul3A_912 = arith.muli %arg1, %mul3A_911 : i32
    %add3A_913 = arith.constant 128 : i32
    %add3A_914 = arith.addi %mul3A_912, %add3A_913 : i32
    %dma_wait3A_915 = arith.constant 0 : i32
    %dma_wait3A_916 = tpu.memref_slice %arg12[%add3A_914, %dma_wait3A_915] : memref<10240x128xf32, #tpu.memory_space<vmem_shared>> -> memref<16x128xf32, #tpu.memory_space<vmem_shared>>
    %dma_wait3A_917 = arith.constant 0 : i32
    %dma_wait3A_918 = tpu.memref_slice %arg12[%add3A_914, %dma_wait3A_917] : memref<10240x128xf32, #tpu.memory_space<vmem_shared>> -> memref<16x128xf32, #tpu.memory_space<vmem_shared>>
    tpu.wait_dma2 semaphore(%arg13 : memref<!tpu.dma_semaphore, #tpu.memory_space<semaphore_mem>>) src(%arg11 : memref<16x128xf32, #tpu.memory_space<vmem>>) dst(%dma_wait3A_918 : memref<16x128xf32, #tpu.memory_space<vmem_shared>>)
    %mul3A_919 = arith.constant 640 : i32
    %mul3A_920 = arith.muli %arg1, %mul3A_919 : i32
    %add3A_921 = arith.constant 144 : i32
    %add3A_922 = arith.addi %mul3A_920, %add3A_921 : i32
    %dma_wait3A_923 = arith.constant 0 : i32
    %dma_wait3A_924 = tpu.memref_slice %arg12[%add3A_922, %dma_wait3A_923] : memref<10240x128xf32, #tpu.memory_space<vmem_shared>> -> memref<16x128xf32, #tpu.memory_space<vmem_shared>>
    %dma_wait3A_925 = arith.constant 0 : i32
    %dma_wait3A_926 = tpu.memref_slice %arg12[%add3A_922, %dma_wait3A_925] : memref<10240x128xf32, #tpu.memory_space<vmem_shared>> -> memref<16x128xf32, #tpu.memory_space<vmem_shared>>
    tpu.wait_dma2 semaphore(%arg13 : memref<!tpu.dma_semaphore, #tpu.memory_space<semaphore_mem>>) src(%arg11 : memref<16x128xf32, #tpu.memory_space<vmem>>) dst(%dma_wait3A_926 : memref<16x128xf32, #tpu.memory_space<vmem_shared>>)
    %mul3A_927 = arith.constant 640 : i32
    %mul3A_928 = arith.muli %arg1, %mul3A_927 : i32
    %add3A_929 = arith.constant 160 : i32
    %add3A_930 = arith.addi %mul3A_928, %add3A_929 : i32
    %dma_start3A_931 = arith.constant 0 : i32
    %dma_start3A_932 = tpu.memref_slice %arg12[%add3A_930, %dma_start3A_931] : memref<10240x128xf32, #tpu.memory_space<vmem_shared>> -> memref<16x128xf32, #tpu.memory_space<vmem_shared>>
    %dma_start3A_933 = arith.constant 0 : i32
    %dma_start3A_934 = tpu.memref_slice %arg12[%add3A_930, %dma_start3A_933] : memref<10240x128xf32, #tpu.memory_space<vmem_shared>> -> memref<16x128xf32, #tpu.memory_space<vmem_shared>>
    tpu.enqueue_dma source(%arg11 : memref<16x128xf32, #tpu.memory_space<vmem>>) target(%dma_start3A_934 : memref<16x128xf32, #tpu.memory_space<vmem_shared>>) target_semaphore(%arg13 : memref<!tpu.dma_semaphore, #tpu.memory_space<semaphore_mem>>)
    %mul3A_935 = arith.constant 640 : i32
    %mul3A_936 = arith.muli %arg1, %mul3A_935 : i32
    %add3A_937 = arith.constant 176 : i32
    %add3A_938 = arith.addi %mul3A_936, %add3A_937 : i32
    %dma_start3A_939 = arith.constant 0 : i32
    %dma_start3A_940 = tpu.memref_slice %arg12[%add3A_938, %dma_start3A_939] : memref<10240x128xf32, #tpu.memory_space<vmem_shared>> -> memref<16x128xf32, #tpu.memory_space<vmem_shared>>
    %dma_start3A_941 = arith.constant 0 : i32
    %dma_start3A_942 = tpu.memref_slice %arg12[%add3A_938, %dma_start3A_941] : memref<10240x128xf32, #tpu.memory_space<vmem_shared>> -> memref<16x128xf32, #tpu.memory_space<vmem_shared>>
    tpu.enqueue_dma source(%arg11 : memref<16x128xf32, #tpu.memory_space<vmem>>) target(%dma_start3A_942 : memref<16x128xf32, #tpu.memory_space<vmem_shared>>) target_semaphore(%arg13 : memref<!tpu.dma_semaphore, #tpu.memory_space<semaphore_mem>>)
    %mul3A_943 = arith.constant 640 : i32
    %mul3A_944 = arith.muli %arg1, %mul3A_943 : i32
    %add3A_945 = arith.constant 192 : i32
    %add3A_946 = arith.addi %mul3A_944, %add3A_945 : i32
    %dma_start3A_947 = arith.constant 0 : i32
    %dma_start3A_948 = tpu.memref_slice %arg12[%add3A_946, %dma_start3A_947] : memref<10240x128xf32, #tpu.memory_space<vmem_shared>> -> memref<16x128xf32, #tpu.memory_space<vmem_shared>>
    %dma_start3A_949 = arith.constant 0 : i32
    %dma_start3A_950 = tpu.memref_slice %arg12[%add3A_946, %dma_start3A_949] : memref<10240x128xf32, #tpu.memory_space<vmem_shared>> -> memref<16x128xf32, #tpu.memory_space<vmem_shared>>
    tpu.enqueue_dma source(%arg11 : memref<16x128xf32, #tpu.memory_space<vmem>>) target(%dma_start3A_950 : memref<16x128xf32, #tpu.memory_space<vmem_shared>>) target_semaphore(%arg13 : memref<!tpu.dma_semaphore, #tpu.memory_space<semaphore_mem>>)
    %mul3A_951 = arith.constant 640 : i32
    %mul3A_952 = arith.muli %arg1, %mul3A_951 : i32
    %add3A_953 = arith.constant 208 : i32
    %add3A_954 = arith.addi %mul3A_952, %add3A_953 : i32
    %dma_start3A_955 = arith.constant 0 : i32
    %dma_start3A_956 = tpu.memref_slice %arg12[%add3A_954, %dma_start3A_955] : memref<10240x128xf32, #tpu.memory_space<vmem_shared>> -> memref<16x128xf32, #tpu.memory_space<vmem_shared>>
    %dma_start3A_957 = arith.constant 0 : i32
    %dma_start3A_958 = tpu.memref_slice %arg12[%add3A_954, %dma_start3A_957] : memref<10240x128xf32, #tpu.memory_space<vmem_shared>> -> memref<16x128xf32, #tpu.memory_space<vmem_shared>>
    tpu.enqueue_dma source(%arg11 : memref<16x128xf32, #tpu.memory_space<vmem>>) target(%dma_start3A_958 : memref<16x128xf32, #tpu.memory_space<vmem_shared>>) target_semaphore(%arg13 : memref<!tpu.dma_semaphore, #tpu.memory_space<semaphore_mem>>)
    %mul3A_959 = arith.constant 640 : i32
    %mul3A_960 = arith.muli %arg1, %mul3A_959 : i32
    %add3A_961 = arith.constant 224 : i32
    %add3A_962 = arith.addi %mul3A_960, %add3A_961 : i32
    %dma_start3A_963 = arith.constant 0 : i32
    %dma_start3A_964 = tpu.memref_slice %arg12[%add3A_962, %dma_start3A_963] : memref<10240x128xf32, #tpu.memory_space<vmem_shared>> -> memref<16x128xf32, #tpu.memory_space<vmem_shared>>
    %dma_start3A_965 = arith.constant 0 : i32
    %dma_start3A_966 = tpu.memref_slice %arg12[%add3A_962, %dma_start3A_965] : memref<10240x128xf32, #tpu.memory_space<vmem_shared>> -> memref<16x128xf32, #tpu.memory_space<vmem_shared>>
    tpu.enqueue_dma source(%arg11 : memref<16x128xf32, #tpu.memory_space<vmem>>) target(%dma_start3A_966 : memref<16x128xf32, #tpu.memory_space<vmem_shared>>) target_semaphore(%arg13 : memref<!tpu.dma_semaphore, #tpu.memory_space<semaphore_mem>>)
    %mul3A_967 = arith.constant 640 : i32
    %mul3A_968 = arith.muli %arg1, %mul3A_967 : i32
    %add3A_969 = arith.constant 240 : i32
    %add3A_970 = arith.addi %mul3A_968, %add3A_969 : i32
    %dma_start3A_971 = arith.constant 0 : i32
    %dma_start3A_972 = tpu.memref_slice %arg12[%add3A_970, %dma_start3A_971] : memref<10240x128xf32, #tpu.memory_space<vmem_shared>> -> memref<16x128xf32, #tpu.memory_space<vmem_shared>>
    %dma_start3A_973 = arith.constant 0 : i32
    %dma_start3A_974 = tpu.memref_slice %arg12[%add3A_970, %dma_start3A_973] : memref<10240x128xf32, #tpu.memory_space<vmem_shared>> -> memref<16x128xf32, #tpu.memory_space<vmem_shared>>
    tpu.enqueue_dma source(%arg11 : memref<16x128xf32, #tpu.memory_space<vmem>>) target(%dma_start3A_974 : memref<16x128xf32, #tpu.memory_space<vmem_shared>>) target_semaphore(%arg13 : memref<!tpu.dma_semaphore, #tpu.memory_space<semaphore_mem>>)
    %mul3A_975 = arith.constant 640 : i32
    %mul3A_976 = arith.muli %arg1, %mul3A_975 : i32
    %add3A_977 = arith.constant 256 : i32
    %add3A_978 = arith.addi %mul3A_976, %add3A_977 : i32
    %dma_start3A_979 = arith.constant 0 : i32
    %dma_start3A_980 = tpu.memref_slice %arg12[%add3A_978, %dma_start3A_979] : memref<10240x128xf32, #tpu.memory_space<vmem_shared>> -> memref<16x128xf32, #tpu.memory_space<vmem_shared>>
    %dma_start3A_981 = arith.constant 0 : i32
    %dma_start3A_982 = tpu.memref_slice %arg12[%add3A_978, %dma_start3A_981] : memref<10240x128xf32, #tpu.memory_space<vmem_shared>> -> memref<16x128xf32, #tpu.memory_space<vmem_shared>>
    tpu.enqueue_dma source(%arg11 : memref<16x128xf32, #tpu.memory_space<vmem>>) target(%dma_start3A_982 : memref<16x128xf32, #tpu.memory_space<vmem_shared>>) target_semaphore(%arg13 : memref<!tpu.dma_semaphore, #tpu.memory_space<semaphore_mem>>)
    %mul3A_983 = arith.constant 640 : i32
    %mul3A_984 = arith.muli %arg1, %mul3A_983 : i32
    %add3A_985 = arith.constant 272 : i32
    %add3A_986 = arith.addi %mul3A_984, %add3A_985 : i32
    %dma_start3A_987 = arith.constant 0 : i32
    %dma_start3A_988 = tpu.memref_slice %arg12[%add3A_986, %dma_start3A_987] : memref<10240x128xf32, #tpu.memory_space<vmem_shared>> -> memref<16x128xf32, #tpu.memory_space<vmem_shared>>
    %dma_start3A_989 = arith.constant 0 : i32
    %dma_start3A_990 = tpu.memref_slice %arg12[%add3A_986, %dma_start3A_989] : memref<10240x128xf32, #tpu.memory_space<vmem_shared>> -> memref<16x128xf32, #tpu.memory_space<vmem_shared>>
    tpu.enqueue_dma source(%arg11 : memref<16x128xf32, #tpu.memory_space<vmem>>) target(%dma_start3A_990 : memref<16x128xf32, #tpu.memory_space<vmem_shared>>) target_semaphore(%arg13 : memref<!tpu.dma_semaphore, #tpu.memory_space<semaphore_mem>>)
    %mul3A_991 = arith.constant 640 : i32
    %mul3A_992 = arith.muli %arg1, %mul3A_991 : i32
    %add3A_993 = arith.constant 288 : i32
    %add3A_994 = arith.addi %mul3A_992, %add3A_993 : i32
    %dma_start3A_995 = arith.constant 0 : i32
    %dma_start3A_996 = tpu.memref_slice %arg12[%add3A_994, %dma_start3A_995] : memref<10240x128xf32, #tpu.memory_space<vmem_shared>> -> memref<16x128xf32, #tpu.memory_space<vmem_shared>>
    %dma_start3A_997 = arith.constant 0 : i32
    %dma_start3A_998 = tpu.memref_slice %arg12[%add3A_994, %dma_start3A_997] : memref<10240x128xf32, #tpu.memory_space<vmem_shared>> -> memref<16x128xf32, #tpu.memory_space<vmem_shared>>
    tpu.enqueue_dma source(%arg11 : memref<16x128xf32, #tpu.memory_space<vmem>>) target(%dma_start3A_998 : memref<16x128xf32, #tpu.memory_space<vmem_shared>>) target_semaphore(%arg13 : memref<!tpu.dma_semaphore, #tpu.memory_space<semaphore_mem>>)
    %mul3A_999 = arith.constant 640 : i32
    %mul3A_1000 = arith.muli %arg1, %mul3A_999 : i32
    %add3A_1001 = arith.constant 304 : i32
    %add3A_1002 = arith.addi %mul3A_1000, %add3A_1001 : i32
    %dma_start3A_1003 = arith.constant 0 : i32
    %dma_start3A_1004 = tpu.memref_slice %arg12[%add3A_1002, %dma_start3A_1003] : memref<10240x128xf32, #tpu.memory_space<vmem_shared>> -> memref<16x128xf32, #tpu.memory_space<vmem_shared>>
    %dma_start3A_1005 = arith.constant 0 : i32
    %dma_start3A_1006 = tpu.memref_slice %arg12[%add3A_1002, %dma_start3A_1005] : memref<10240x128xf32, #tpu.memory_space<vmem_shared>> -> memref<16x128xf32, #tpu.memory_space<vmem_shared>>
    tpu.enqueue_dma source(%arg11 : memref<16x128xf32, #tpu.memory_space<vmem>>) target(%dma_start3A_1006 : memref<16x128xf32, #tpu.memory_space<vmem_shared>>) target_semaphore(%arg13 : memref<!tpu.dma_semaphore, #tpu.memory_space<semaphore_mem>>)
    %mul3A_1007 = arith.constant 640 : i32
    %mul3A_1008 = arith.muli %arg1, %mul3A_1007 : i32
    %add3A_1009 = arith.constant 160 : i32
    %add3A_1010 = arith.addi %mul3A_1008, %add3A_1009 : i32
    %dma_wait3A_1011 = arith.constant 0 : i32
    %dma_wait3A_1012 = tpu.memref_slice %arg12[%add3A_1010, %dma_wait3A_1011] : memref<10240x128xf32, #tpu.memory_space<vmem_shared>> -> memref<16x128xf32, #tpu.memory_space<vmem_shared>>
    %dma_wait3A_1013 = arith.constant 0 : i32
    %dma_wait3A_1014 = tpu.memref_slice %arg12[%add3A_1010, %dma_wait3A_1013] : memref<10240x128xf32, #tpu.memory_space<vmem_shared>> -> memref<16x128xf32, #tpu.memory_space<vmem_shared>>
    tpu.wait_dma2 semaphore(%arg13 : memref<!tpu.dma_semaphore, #tpu.memory_space<semaphore_mem>>) src(%arg11 : memref<16x128xf32, #tpu.memory_space<vmem>>) dst(%dma_wait3A_1014 : memref<16x128xf32, #tpu.memory_space<vmem_shared>>)
    %mul3A_1015 = arith.constant 640 : i32
    %mul3A_1016 = arith.muli %arg1, %mul3A_1015 : i32
    %add3A_1017 = arith.constant 176 : i32
    %add3A_1018 = arith.addi %mul3A_1016, %add3A_1017 : i32
    %dma_wait3A_1019 = arith.constant 0 : i32
    %dma_wait3A_1020 = tpu.memref_slice %arg12[%add3A_1018, %dma_wait3A_1019] : memref<10240x128xf32, #tpu.memory_space<vmem_shared>> -> memref<16x128xf32, #tpu.memory_space<vmem_shared>>
    %dma_wait3A_1021 = arith.constant 0 : i32
    %dma_wait3A_1022 = tpu.memref_slice %arg12[%add3A_1018, %dma_wait3A_1021] : memref<10240x128xf32, #tpu.memory_space<vmem_shared>> -> memref<16x128xf32, #tpu.memory_space<vmem_shared>>
    tpu.wait_dma2 semaphore(%arg13 : memref<!tpu.dma_semaphore, #tpu.memory_space<semaphore_mem>>) src(%arg11 : memref<16x128xf32, #tpu.memory_space<vmem>>) dst(%dma_wait3A_1022 : memref<16x128xf32, #tpu.memory_space<vmem_shared>>)
    %mul3A_1023 = arith.constant 640 : i32
    %mul3A_1024 = arith.muli %arg1, %mul3A_1023 : i32
    %add3A_1025 = arith.constant 192 : i32
    %add3A_1026 = arith.addi %mul3A_1024, %add3A_1025 : i32
    %dma_wait3A_1027 = arith.constant 0 : i32
    %dma_wait3A_1028 = tpu.memref_slice %arg12[%add3A_1026, %dma_wait3A_1027] : memref<10240x128xf32, #tpu.memory_space<vmem_shared>> -> memref<16x128xf32, #tpu.memory_space<vmem_shared>>
    %dma_wait3A_1029 = arith.constant 0 : i32
    %dma_wait3A_1030 = tpu.memref_slice %arg12[%add3A_1026, %dma_wait3A_1029] : memref<10240x128xf32, #tpu.memory_space<vmem_shared>> -> memref<16x128xf32, #tpu.memory_space<vmem_shared>>
    tpu.wait_dma2 semaphore(%arg13 : memref<!tpu.dma_semaphore, #tpu.memory_space<semaphore_mem>>) src(%arg11 : memref<16x128xf32, #tpu.memory_space<vmem>>) dst(%dma_wait3A_1030 : memref<16x128xf32, #tpu.memory_space<vmem_shared>>)
    %mul3A_1031 = arith.constant 640 : i32
    %mul3A_1032 = arith.muli %arg1, %mul3A_1031 : i32
    %add3A_1033 = arith.constant 208 : i32
    %add3A_1034 = arith.addi %mul3A_1032, %add3A_1033 : i32
    %dma_wait3A_1035 = arith.constant 0 : i32
    %dma_wait3A_1036 = tpu.memref_slice %arg12[%add3A_1034, %dma_wait3A_1035] : memref<10240x128xf32, #tpu.memory_space<vmem_shared>> -> memref<16x128xf32, #tpu.memory_space<vmem_shared>>
    %dma_wait3A_1037 = arith.constant 0 : i32
    %dma_wait3A_1038 = tpu.memref_slice %arg12[%add3A_1034, %dma_wait3A_1037] : memref<10240x128xf32, #tpu.memory_space<vmem_shared>> -> memref<16x128xf32, #tpu.memory_space<vmem_shared>>
    tpu.wait_dma2 semaphore(%arg13 : memref<!tpu.dma_semaphore, #tpu.memory_space<semaphore_mem>>) src(%arg11 : memref<16x128xf32, #tpu.memory_space<vmem>>) dst(%dma_wait3A_1038 : memref<16x128xf32, #tpu.memory_space<vmem_shared>>)
    %mul3A_1039 = arith.constant 640 : i32
    %mul3A_1040 = arith.muli %arg1, %mul3A_1039 : i32
    %add3A_1041 = arith.constant 224 : i32
    %add3A_1042 = arith.addi %mul3A_1040, %add3A_1041 : i32
    %dma_wait3A_1043 = arith.constant 0 : i32
    %dma_wait3A_1044 = tpu.memref_slice %arg12[%add3A_1042, %dma_wait3A_1043] : memref<10240x128xf32, #tpu.memory_space<vmem_shared>> -> memref<16x128xf32, #tpu.memory_space<vmem_shared>>
    %dma_wait3A_1045 = arith.constant 0 : i32
    %dma_wait3A_1046 = tpu.memref_slice %arg12[%add3A_1042, %dma_wait3A_1045] : memref<10240x128xf32, #tpu.memory_space<vmem_shared>> -> memref<16x128xf32, #tpu.memory_space<vmem_shared>>
    tpu.wait_dma2 semaphore(%arg13 : memref<!tpu.dma_semaphore, #tpu.memory_space<semaphore_mem>>) src(%arg11 : memref<16x128xf32, #tpu.memory_space<vmem>>) dst(%dma_wait3A_1046 : memref<16x128xf32, #tpu.memory_space<vmem_shared>>)
    %mul3A_1047 = arith.constant 640 : i32
    %mul3A_1048 = arith.muli %arg1, %mul3A_1047 : i32
    %add3A_1049 = arith.constant 240 : i32
    %add3A_1050 = arith.addi %mul3A_1048, %add3A_1049 : i32
    %dma_wait3A_1051 = arith.constant 0 : i32
    %dma_wait3A_1052 = tpu.memref_slice %arg12[%add3A_1050, %dma_wait3A_1051] : memref<10240x128xf32, #tpu.memory_space<vmem_shared>> -> memref<16x128xf32, #tpu.memory_space<vmem_shared>>
    %dma_wait3A_1053 = arith.constant 0 : i32
    %dma_wait3A_1054 = tpu.memref_slice %arg12[%add3A_1050, %dma_wait3A_1053] : memref<10240x128xf32, #tpu.memory_space<vmem_shared>> -> memref<16x128xf32, #tpu.memory_space<vmem_shared>>
    tpu.wait_dma2 semaphore(%arg13 : memref<!tpu.dma_semaphore, #tpu.memory_space<semaphore_mem>>) src(%arg11 : memref<16x128xf32, #tpu.memory_space<vmem>>) dst(%dma_wait3A_1054 : memref<16x128xf32, #tpu.memory_space<vmem_shared>>)
    %mul3A_1055 = arith.constant 640 : i32
    %mul3A_1056 = arith.muli %arg1, %mul3A_1055 : i32
    %add3A_1057 = arith.constant 256 : i32
    %add3A_1058 = arith.addi %mul3A_1056, %add3A_1057 : i32
    %dma_wait3A_1059 = arith.constant 0 : i32
    %dma_wait3A_1060 = tpu.memref_slice %arg12[%add3A_1058, %dma_wait3A_1059] : memref<10240x128xf32, #tpu.memory_space<vmem_shared>> -> memref<16x128xf32, #tpu.memory_space<vmem_shared>>
    %dma_wait3A_1061 = arith.constant 0 : i32
    %dma_wait3A_1062 = tpu.memref_slice %arg12[%add3A_1058, %dma_wait3A_1061] : memref<10240x128xf32, #tpu.memory_space<vmem_shared>> -> memref<16x128xf32, #tpu.memory_space<vmem_shared>>
    tpu.wait_dma2 semaphore(%arg13 : memref<!tpu.dma_semaphore, #tpu.memory_space<semaphore_mem>>) src(%arg11 : memref<16x128xf32, #tpu.memory_space<vmem>>) dst(%dma_wait3A_1062 : memref<16x128xf32, #tpu.memory_space<vmem_shared>>)
    %mul3A_1063 = arith.constant 640 : i32
    %mul3A_1064 = arith.muli %arg1, %mul3A_1063 : i32
    %add3A_1065 = arith.constant 272 : i32
    %add3A_1066 = arith.addi %mul3A_1064, %add3A_1065 : i32
    %dma_wait3A_1067 = arith.constant 0 : i32
    %dma_wait3A_1068 = tpu.memref_slice %arg12[%add3A_1066, %dma_wait3A_1067] : memref<10240x128xf32, #tpu.memory_space<vmem_shared>> -> memref<16x128xf32, #tpu.memory_space<vmem_shared>>
    %dma_wait3A_1069 = arith.constant 0 : i32
    %dma_wait3A_1070 = tpu.memref_slice %arg12[%add3A_1066, %dma_wait3A_1069] : memref<10240x128xf32, #tpu.memory_space<vmem_shared>> -> memref<16x128xf32, #tpu.memory_space<vmem_shared>>
    tpu.wait_dma2 semaphore(%arg13 : memref<!tpu.dma_semaphore, #tpu.memory_space<semaphore_mem>>) src(%arg11 : memref<16x128xf32, #tpu.memory_space<vmem>>) dst(%dma_wait3A_1070 : memref<16x128xf32, #tpu.memory_space<vmem_shared>>)
    %mul3A_1071 = arith.constant 640 : i32
    %mul3A_1072 = arith.muli %arg1, %mul3A_1071 : i32
    %add3A_1073 = arith.constant 288 : i32
    %add3A_1074 = arith.addi %mul3A_1072, %add3A_1073 : i32
    %dma_wait3A_1075 = arith.constant 0 : i32
    %dma_wait3A_1076 = tpu.memref_slice %arg12[%add3A_1074, %dma_wait3A_1075] : memref<10240x128xf32, #tpu.memory_space<vmem_shared>> -> memref<16x128xf32, #tpu.memory_space<vmem_shared>>
    %dma_wait3A_1077 = arith.constant 0 : i32
    %dma_wait3A_1078 = tpu.memref_slice %arg12[%add3A_1074, %dma_wait3A_1077] : memref<10240x128xf32, #tpu.memory_space<vmem_shared>> -> memref<16x128xf32, #tpu.memory_space<vmem_shared>>
    tpu.wait_dma2 semaphore(%arg13 : memref<!tpu.dma_semaphore, #tpu.memory_space<semaphore_mem>>) src(%arg11 : memref<16x128xf32, #tpu.memory_space<vmem>>) dst(%dma_wait3A_1078 : memref<16x128xf32, #tpu.memory_space<vmem_shared>>)
    %mul3A_1079 = arith.constant 640 : i32
    %mul3A_1080 = arith.muli %arg1, %mul3A_1079 : i32
    %add3A_1081 = arith.constant 304 : i32
    %add3A_1082 = arith.addi %mul3A_1080, %add3A_1081 : i32
    %dma_wait3A_1083 = arith.constant 0 : i32
    %dma_wait3A_1084 = tpu.memref_slice %arg12[%add3A_1082, %dma_wait3A_1083] : memref<10240x128xf32, #tpu.memory_space<vmem_shared>> -> memref<16x128xf32, #tpu.memory_space<vmem_shared>>
    %dma_wait3A_1085 = arith.constant 0 : i32
    %dma_wait3A_1086 = tpu.memref_slice %arg12[%add3A_1082, %dma_wait3A_1085] : memref<10240x128xf32, #tpu.memory_space<vmem_shared>> -> memref<16x128xf32, #tpu.memory_space<vmem_shared>>
    tpu.wait_dma2 semaphore(%arg13 : memref<!tpu.dma_semaphore, #tpu.memory_space<semaphore_mem>>) src(%arg11 : memref<16x128xf32, #tpu.memory_space<vmem>>) dst(%dma_wait3A_1086 : memref<16x128xf32, #tpu.memory_space<vmem_shared>>)
    %mul3A_1087 = arith.constant 640 : i32
    %mul3A_1088 = arith.muli %arg1, %mul3A_1087 : i32
    %add3A_1089 = arith.constant 320 : i32
    %add3A_1090 = arith.addi %mul3A_1088, %add3A_1089 : i32
    %dma_start3A_1091 = arith.constant 0 : i32
    %dma_start3A_1092 = tpu.memref_slice %arg12[%add3A_1090, %dma_start3A_1091] : memref<10240x128xf32, #tpu.memory_space<vmem_shared>> -> memref<16x128xf32, #tpu.memory_space<vmem_shared>>
    %dma_start3A_1093 = arith.constant 0 : i32
    %dma_start3A_1094 = tpu.memref_slice %arg12[%add3A_1090, %dma_start3A_1093] : memref<10240x128xf32, #tpu.memory_space<vmem_shared>> -> memref<16x128xf32, #tpu.memory_space<vmem_shared>>
    tpu.enqueue_dma source(%arg11 : memref<16x128xf32, #tpu.memory_space<vmem>>) target(%dma_start3A_1094 : memref<16x128xf32, #tpu.memory_space<vmem_shared>>) target_semaphore(%arg13 : memref<!tpu.dma_semaphore, #tpu.memory_space<semaphore_mem>>)
    %mul3A_1095 = arith.constant 640 : i32
    %mul3A_1096 = arith.muli %arg1, %mul3A_1095 : i32
    %add3A_1097 = arith.constant 336 : i32
    %add3A_1098 = arith.addi %mul3A_1096, %add3A_1097 : i32
    %dma_start3A_1099 = arith.constant 0 : i32
    %dma_start3A_1100 = tpu.memref_slice %arg12[%add3A_1098, %dma_start3A_1099] : memref<10240x128xf32, #tpu.memory_space<vmem_shared>> -> memref<16x128xf32, #tpu.memory_space<vmem_shared>>
    %dma_start3A_1101 = arith.constant 0 : i32
    %dma_start3A_1102 = tpu.memref_slice %arg12[%add3A_1098, %dma_start3A_1101] : memref<10240x128xf32, #tpu.memory_space<vmem_shared>> -> memref<16x128xf32, #tpu.memory_space<vmem_shared>>
    tpu.enqueue_dma source(%arg11 : memref<16x128xf32, #tpu.memory_space<vmem>>) target(%dma_start3A_1102 : memref<16x128xf32, #tpu.memory_space<vmem_shared>>) target_semaphore(%arg13 : memref<!tpu.dma_semaphore, #tpu.memory_space<semaphore_mem>>)
    %mul3A_1103 = arith.constant 640 : i32
    %mul3A_1104 = arith.muli %arg1, %mul3A_1103 : i32
    %add3A_1105 = arith.constant 352 : i32
    %add3A_1106 = arith.addi %mul3A_1104, %add3A_1105 : i32
    %dma_start3A_1107 = arith.constant 0 : i32
    %dma_start3A_1108 = tpu.memref_slice %arg12[%add3A_1106, %dma_start3A_1107] : memref<10240x128xf32, #tpu.memory_space<vmem_shared>> -> memref<16x128xf32, #tpu.memory_space<vmem_shared>>
    %dma_start3A_1109 = arith.constant 0 : i32
    %dma_start3A_1110 = tpu.memref_slice %arg12[%add3A_1106, %dma_start3A_1109] : memref<10240x128xf32, #tpu.memory_space<vmem_shared>> -> memref<16x128xf32, #tpu.memory_space<vmem_shared>>
    tpu.enqueue_dma source(%arg11 : memref<16x128xf32, #tpu.memory_space<vmem>>) target(%dma_start3A_1110 : memref<16x128xf32, #tpu.memory_space<vmem_shared>>) target_semaphore(%arg13 : memref<!tpu.dma_semaphore, #tpu.memory_space<semaphore_mem>>)
    %mul3A_1111 = arith.constant 640 : i32
    %mul3A_1112 = arith.muli %arg1, %mul3A_1111 : i32
    %add3A_1113 = arith.constant 368 : i32
    %add3A_1114 = arith.addi %mul3A_1112, %add3A_1113 : i32
    %dma_start3A_1115 = arith.constant 0 : i32
    %dma_start3A_1116 = tpu.memref_slice %arg12[%add3A_1114, %dma_start3A_1115] : memref<10240x128xf32, #tpu.memory_space<vmem_shared>> -> memref<16x128xf32, #tpu.memory_space<vmem_shared>>
    %dma_start3A_1117 = arith.constant 0 : i32
    %dma_start3A_1118 = tpu.memref_slice %arg12[%add3A_1114, %dma_start3A_1117] : memref<10240x128xf32, #tpu.memory_space<vmem_shared>> -> memref<16x128xf32, #tpu.memory_space<vmem_shared>>
    tpu.enqueue_dma source(%arg11 : memref<16x128xf32, #tpu.memory_space<vmem>>) target(%dma_start3A_1118 : memref<16x128xf32, #tpu.memory_space<vmem_shared>>) target_semaphore(%arg13 : memref<!tpu.dma_semaphore, #tpu.memory_space<semaphore_mem>>)
    %mul3A_1119 = arith.constant 640 : i32
    %mul3A_1120 = arith.muli %arg1, %mul3A_1119 : i32
    %add3A_1121 = arith.constant 384 : i32
    %add3A_1122 = arith.addi %mul3A_1120, %add3A_1121 : i32
    %dma_start3A_1123 = arith.constant 0 : i32
    %dma_start3A_1124 = tpu.memref_slice %arg12[%add3A_1122, %dma_start3A_1123] : memref<10240x128xf32, #tpu.memory_space<vmem_shared>> -> memref<16x128xf32, #tpu.memory_space<vmem_shared>>
    %dma_start3A_1125 = arith.constant 0 : i32
    %dma_start3A_1126 = tpu.memref_slice %arg12[%add3A_1122, %dma_start3A_1125] : memref<10240x128xf32, #tpu.memory_space<vmem_shared>> -> memref<16x128xf32, #tpu.memory_space<vmem_shared>>
    tpu.enqueue_dma source(%arg11 : memref<16x128xf32, #tpu.memory_space<vmem>>) target(%dma_start3A_1126 : memref<16x128xf32, #tpu.memory_space<vmem_shared>>) target_semaphore(%arg13 : memref<!tpu.dma_semaphore, #tpu.memory_space<semaphore_mem>>)
    %mul3A_1127 = arith.constant 640 : i32
    %mul3A_1128 = arith.muli %arg1, %mul3A_1127 : i32
    %add3A_1129 = arith.constant 400 : i32
    %add3A_1130 = arith.addi %mul3A_1128, %add3A_1129 : i32
    %dma_start3A_1131 = arith.constant 0 : i32
    %dma_start3A_1132 = tpu.memref_slice %arg12[%add3A_1130, %dma_start3A_1131] : memref<10240x128xf32, #tpu.memory_space<vmem_shared>> -> memref<16x128xf32, #tpu.memory_space<vmem_shared>>
    %dma_start3A_1133 = arith.constant 0 : i32
    %dma_start3A_1134 = tpu.memref_slice %arg12[%add3A_1130, %dma_start3A_1133] : memref<10240x128xf32, #tpu.memory_space<vmem_shared>> -> memref<16x128xf32, #tpu.memory_space<vmem_shared>>
    tpu.enqueue_dma source(%arg11 : memref<16x128xf32, #tpu.memory_space<vmem>>) target(%dma_start3A_1134 : memref<16x128xf32, #tpu.memory_space<vmem_shared>>) target_semaphore(%arg13 : memref<!tpu.dma_semaphore, #tpu.memory_space<semaphore_mem>>)
    %mul3A_1135 = arith.constant 640 : i32
    %mul3A_1136 = arith.muli %arg1, %mul3A_1135 : i32
    %add3A_1137 = arith.constant 416 : i32
    %add3A_1138 = arith.addi %mul3A_1136, %add3A_1137 : i32
    %dma_start3A_1139 = arith.constant 0 : i32
    %dma_start3A_1140 = tpu.memref_slice %arg12[%add3A_1138, %dma_start3A_1139] : memref<10240x128xf32, #tpu.memory_space<vmem_shared>> -> memref<16x128xf32, #tpu.memory_space<vmem_shared>>
    %dma_start3A_1141 = arith.constant 0 : i32
    %dma_start3A_1142 = tpu.memref_slice %arg12[%add3A_1138, %dma_start3A_1141] : memref<10240x128xf32, #tpu.memory_space<vmem_shared>> -> memref<16x128xf32, #tpu.memory_space<vmem_shared>>
    tpu.enqueue_dma source(%arg11 : memref<16x128xf32, #tpu.memory_space<vmem>>) target(%dma_start3A_1142 : memref<16x128xf32, #tpu.memory_space<vmem_shared>>) target_semaphore(%arg13 : memref<!tpu.dma_semaphore, #tpu.memory_space<semaphore_mem>>)
    %mul3A_1143 = arith.constant 640 : i32
    %mul3A_1144 = arith.muli %arg1, %mul3A_1143 : i32
    %add3A_1145 = arith.constant 432 : i32
    %add3A_1146 = arith.addi %mul3A_1144, %add3A_1145 : i32
    %dma_start3A_1147 = arith.constant 0 : i32
    %dma_start3A_1148 = tpu.memref_slice %arg12[%add3A_1146, %dma_start3A_1147] : memref<10240x128xf32, #tpu.memory_space<vmem_shared>> -> memref<16x128xf32, #tpu.memory_space<vmem_shared>>
    %dma_start3A_1149 = arith.constant 0 : i32
    %dma_start3A_1150 = tpu.memref_slice %arg12[%add3A_1146, %dma_start3A_1149] : memref<10240x128xf32, #tpu.memory_space<vmem_shared>> -> memref<16x128xf32, #tpu.memory_space<vmem_shared>>
    tpu.enqueue_dma source(%arg11 : memref<16x128xf32, #tpu.memory_space<vmem>>) target(%dma_start3A_1150 : memref<16x128xf32, #tpu.memory_space<vmem_shared>>) target_semaphore(%arg13 : memref<!tpu.dma_semaphore, #tpu.memory_space<semaphore_mem>>)
    %mul3A_1151 = arith.constant 640 : i32
    %mul3A_1152 = arith.muli %arg1, %mul3A_1151 : i32
    %add3A_1153 = arith.constant 448 : i32
    %add3A_1154 = arith.addi %mul3A_1152, %add3A_1153 : i32
    %dma_start3A_1155 = arith.constant 0 : i32
    %dma_start3A_1156 = tpu.memref_slice %arg12[%add3A_1154, %dma_start3A_1155] : memref<10240x128xf32, #tpu.memory_space<vmem_shared>> -> memref<16x128xf32, #tpu.memory_space<vmem_shared>>
    %dma_start3A_1157 = arith.constant 0 : i32
    %dma_start3A_1158 = tpu.memref_slice %arg12[%add3A_1154, %dma_start3A_1157] : memref<10240x128xf32, #tpu.memory_space<vmem_shared>> -> memref<16x128xf32, #tpu.memory_space<vmem_shared>>
    tpu.enqueue_dma source(%arg11 : memref<16x128xf32, #tpu.memory_space<vmem>>) target(%dma_start3A_1158 : memref<16x128xf32, #tpu.memory_space<vmem_shared>>) target_semaphore(%arg13 : memref<!tpu.dma_semaphore, #tpu.memory_space<semaphore_mem>>)
    %mul3A_1159 = arith.constant 640 : i32
    %mul3A_1160 = arith.muli %arg1, %mul3A_1159 : i32
    %add3A_1161 = arith.constant 464 : i32
    %add3A_1162 = arith.addi %mul3A_1160, %add3A_1161 : i32
    %dma_start3A_1163 = arith.constant 0 : i32
    %dma_start3A_1164 = tpu.memref_slice %arg12[%add3A_1162, %dma_start3A_1163] : memref<10240x128xf32, #tpu.memory_space<vmem_shared>> -> memref<16x128xf32, #tpu.memory_space<vmem_shared>>
    %dma_start3A_1165 = arith.constant 0 : i32
    %dma_start3A_1166 = tpu.memref_slice %arg12[%add3A_1162, %dma_start3A_1165] : memref<10240x128xf32, #tpu.memory_space<vmem_shared>> -> memref<16x128xf32, #tpu.memory_space<vmem_shared>>
    tpu.enqueue_dma source(%arg11 : memref<16x128xf32, #tpu.memory_space<vmem>>) target(%dma_start3A_1166 : memref<16x128xf32, #tpu.memory_space<vmem_shared>>) target_semaphore(%arg13 : memref<!tpu.dma_semaphore, #tpu.memory_space<semaphore_mem>>)
    %mul3A_1167 = arith.constant 640 : i32
    %mul3A_1168 = arith.muli %arg1, %mul3A_1167 : i32
    %add3A_1169 = arith.constant 320 : i32
    %add3A_1170 = arith.addi %mul3A_1168, %add3A_1169 : i32
    %dma_wait3A_1171 = arith.constant 0 : i32
    %dma_wait3A_1172 = tpu.memref_slice %arg12[%add3A_1170, %dma_wait3A_1171] : memref<10240x128xf32, #tpu.memory_space<vmem_shared>> -> memref<16x128xf32, #tpu.memory_space<vmem_shared>>
    %dma_wait3A_1173 = arith.constant 0 : i32
    %dma_wait3A_1174 = tpu.memref_slice %arg12[%add3A_1170, %dma_wait3A_1173] : memref<10240x128xf32, #tpu.memory_space<vmem_shared>> -> memref<16x128xf32, #tpu.memory_space<vmem_shared>>
    tpu.wait_dma2 semaphore(%arg13 : memref<!tpu.dma_semaphore, #tpu.memory_space<semaphore_mem>>) src(%arg11 : memref<16x128xf32, #tpu.memory_space<vmem>>) dst(%dma_wait3A_1174 : memref<16x128xf32, #tpu.memory_space<vmem_shared>>)
    %mul3A_1175 = arith.constant 640 : i32
    %mul3A_1176 = arith.muli %arg1, %mul3A_1175 : i32
    %add3A_1177 = arith.constant 336 : i32
    %add3A_1178 = arith.addi %mul3A_1176, %add3A_1177 : i32
    %dma_wait3A_1179 = arith.constant 0 : i32
    %dma_wait3A_1180 = tpu.memref_slice %arg12[%add3A_1178, %dma_wait3A_1179] : memref<10240x128xf32, #tpu.memory_space<vmem_shared>> -> memref<16x128xf32, #tpu.memory_space<vmem_shared>>
    %dma_wait3A_1181 = arith.constant 0 : i32
    %dma_wait3A_1182 = tpu.memref_slice %arg12[%add3A_1178, %dma_wait3A_1181] : memref<10240x128xf32, #tpu.memory_space<vmem_shared>> -> memref<16x128xf32, #tpu.memory_space<vmem_shared>>
    tpu.wait_dma2 semaphore(%arg13 : memref<!tpu.dma_semaphore, #tpu.memory_space<semaphore_mem>>) src(%arg11 : memref<16x128xf32, #tpu.memory_space<vmem>>) dst(%dma_wait3A_1182 : memref<16x128xf32, #tpu.memory_space<vmem_shared>>)
    %mul3A_1183 = arith.constant 640 : i32
    %mul3A_1184 = arith.muli %arg1, %mul3A_1183 : i32
    %add3A_1185 = arith.constant 352 : i32
    %add3A_1186 = arith.addi %mul3A_1184, %add3A_1185 : i32
    %dma_wait3A_1187 = arith.constant 0 : i32
    %dma_wait3A_1188 = tpu.memref_slice %arg12[%add3A_1186, %dma_wait3A_1187] : memref<10240x128xf32, #tpu.memory_space<vmem_shared>> -> memref<16x128xf32, #tpu.memory_space<vmem_shared>>
    %dma_wait3A_1189 = arith.constant 0 : i32
    %dma_wait3A_1190 = tpu.memref_slice %arg12[%add3A_1186, %dma_wait3A_1189] : memref<10240x128xf32, #tpu.memory_space<vmem_shared>> -> memref<16x128xf32, #tpu.memory_space<vmem_shared>>
    tpu.wait_dma2 semaphore(%arg13 : memref<!tpu.dma_semaphore, #tpu.memory_space<semaphore_mem>>) src(%arg11 : memref<16x128xf32, #tpu.memory_space<vmem>>) dst(%dma_wait3A_1190 : memref<16x128xf32, #tpu.memory_space<vmem_shared>>)
    %mul3A_1191 = arith.constant 640 : i32
    %mul3A_1192 = arith.muli %arg1, %mul3A_1191 : i32
    %add3A_1193 = arith.constant 368 : i32
    %add3A_1194 = arith.addi %mul3A_1192, %add3A_1193 : i32
    %dma_wait3A_1195 = arith.constant 0 : i32
    %dma_wait3A_1196 = tpu.memref_slice %arg12[%add3A_1194, %dma_wait3A_1195] : memref<10240x128xf32, #tpu.memory_space<vmem_shared>> -> memref<16x128xf32, #tpu.memory_space<vmem_shared>>
    %dma_wait3A_1197 = arith.constant 0 : i32
    %dma_wait3A_1198 = tpu.memref_slice %arg12[%add3A_1194, %dma_wait3A_1197] : memref<10240x128xf32, #tpu.memory_space<vmem_shared>> -> memref<16x128xf32, #tpu.memory_space<vmem_shared>>
    tpu.wait_dma2 semaphore(%arg13 : memref<!tpu.dma_semaphore, #tpu.memory_space<semaphore_mem>>) src(%arg11 : memref<16x128xf32, #tpu.memory_space<vmem>>) dst(%dma_wait3A_1198 : memref<16x128xf32, #tpu.memory_space<vmem_shared>>)
    %mul3A_1199 = arith.constant 640 : i32
    %mul3A_1200 = arith.muli %arg1, %mul3A_1199 : i32
    %add3A_1201 = arith.constant 384 : i32
    %add3A_1202 = arith.addi %mul3A_1200, %add3A_1201 : i32
    %dma_wait3A_1203 = arith.constant 0 : i32
    %dma_wait3A_1204 = tpu.memref_slice %arg12[%add3A_1202, %dma_wait3A_1203] : memref<10240x128xf32, #tpu.memory_space<vmem_shared>> -> memref<16x128xf32, #tpu.memory_space<vmem_shared>>
    %dma_wait3A_1205 = arith.constant 0 : i32
    %dma_wait3A_1206 = tpu.memref_slice %arg12[%add3A_1202, %dma_wait3A_1205] : memref<10240x128xf32, #tpu.memory_space<vmem_shared>> -> memref<16x128xf32, #tpu.memory_space<vmem_shared>>
    tpu.wait_dma2 semaphore(%arg13 : memref<!tpu.dma_semaphore, #tpu.memory_space<semaphore_mem>>) src(%arg11 : memref<16x128xf32, #tpu.memory_space<vmem>>) dst(%dma_wait3A_1206 : memref<16x128xf32, #tpu.memory_space<vmem_shared>>)
    %mul3A_1207 = arith.constant 640 : i32
    %mul3A_1208 = arith.muli %arg1, %mul3A_1207 : i32
    %add3A_1209 = arith.constant 400 : i32
    %add3A_1210 = arith.addi %mul3A_1208, %add3A_1209 : i32
    %dma_wait3A_1211 = arith.constant 0 : i32
    %dma_wait3A_1212 = tpu.memref_slice %arg12[%add3A_1210, %dma_wait3A_1211] : memref<10240x128xf32, #tpu.memory_space<vmem_shared>> -> memref<16x128xf32, #tpu.memory_space<vmem_shared>>
    %dma_wait3A_1213 = arith.constant 0 : i32
    %dma_wait3A_1214 = tpu.memref_slice %arg12[%add3A_1210, %dma_wait3A_1213] : memref<10240x128xf32, #tpu.memory_space<vmem_shared>> -> memref<16x128xf32, #tpu.memory_space<vmem_shared>>
    tpu.wait_dma2 semaphore(%arg13 : memref<!tpu.dma_semaphore, #tpu.memory_space<semaphore_mem>>) src(%arg11 : memref<16x128xf32, #tpu.memory_space<vmem>>) dst(%dma_wait3A_1214 : memref<16x128xf32, #tpu.memory_space<vmem_shared>>)
    %mul3A_1215 = arith.constant 640 : i32
    %mul3A_1216 = arith.muli %arg1, %mul3A_1215 : i32
    %add3A_1217 = arith.constant 416 : i32
    %add3A_1218 = arith.addi %mul3A_1216, %add3A_1217 : i32
    %dma_wait3A_1219 = arith.constant 0 : i32
    %dma_wait3A_1220 = tpu.memref_slice %arg12[%add3A_1218, %dma_wait3A_1219] : memref<10240x128xf32, #tpu.memory_space<vmem_shared>> -> memref<16x128xf32, #tpu.memory_space<vmem_shared>>
    %dma_wait3A_1221 = arith.constant 0 : i32
    %dma_wait3A_1222 = tpu.memref_slice %arg12[%add3A_1218, %dma_wait3A_1221] : memref<10240x128xf32, #tpu.memory_space<vmem_shared>> -> memref<16x128xf32, #tpu.memory_space<vmem_shared>>
    tpu.wait_dma2 semaphore(%arg13 : memref<!tpu.dma_semaphore, #tpu.memory_space<semaphore_mem>>) src(%arg11 : memref<16x128xf32, #tpu.memory_space<vmem>>) dst(%dma_wait3A_1222 : memref<16x128xf32, #tpu.memory_space<vmem_shared>>)
    %mul3A_1223 = arith.constant 640 : i32
    %mul3A_1224 = arith.muli %arg1, %mul3A_1223 : i32
    %add3A_1225 = arith.constant 432 : i32
    %add3A_1226 = arith.addi %mul3A_1224, %add3A_1225 : i32
    %dma_wait3A_1227 = arith.constant 0 : i32
    %dma_wait3A_1228 = tpu.memref_slice %arg12[%add3A_1226, %dma_wait3A_1227] : memref<10240x128xf32, #tpu.memory_space<vmem_shared>> -> memref<16x128xf32, #tpu.memory_space<vmem_shared>>
    %dma_wait3A_1229 = arith.constant 0 : i32
    %dma_wait3A_1230 = tpu.memref_slice %arg12[%add3A_1226, %dma_wait3A_1229] : memref<10240x128xf32, #tpu.memory_space<vmem_shared>> -> memref<16x128xf32, #tpu.memory_space<vmem_shared>>
    tpu.wait_dma2 semaphore(%arg13 : memref<!tpu.dma_semaphore, #tpu.memory_space<semaphore_mem>>) src(%arg11 : memref<16x128xf32, #tpu.memory_space<vmem>>) dst(%dma_wait3A_1230 : memref<16x128xf32, #tpu.memory_space<vmem_shared>>)
    %mul3A_1231 = arith.constant 640 : i32
    %mul3A_1232 = arith.muli %arg1, %mul3A_1231 : i32
    %add3A_1233 = arith.constant 448 : i32
    %add3A_1234 = arith.addi %mul3A_1232, %add3A_1233 : i32
    %dma_wait3A_1235 = arith.constant 0 : i32
    %dma_wait3A_1236 = tpu.memref_slice %arg12[%add3A_1234, %dma_wait3A_1235] : memref<10240x128xf32, #tpu.memory_space<vmem_shared>> -> memref<16x128xf32, #tpu.memory_space<vmem_shared>>
    %dma_wait3A_1237 = arith.constant 0 : i32
    %dma_wait3A_1238 = tpu.memref_slice %arg12[%add3A_1234, %dma_wait3A_1237] : memref<10240x128xf32, #tpu.memory_space<vmem_shared>> -> memref<16x128xf32, #tpu.memory_space<vmem_shared>>
    tpu.wait_dma2 semaphore(%arg13 : memref<!tpu.dma_semaphore, #tpu.memory_space<semaphore_mem>>) src(%arg11 : memref<16x128xf32, #tpu.memory_space<vmem>>) dst(%dma_wait3A_1238 : memref<16x128xf32, #tpu.memory_space<vmem_shared>>)
    %mul3A_1239 = arith.constant 640 : i32
    %mul3A_1240 = arith.muli %arg1, %mul3A_1239 : i32
    %add3A_1241 = arith.constant 464 : i32
    %add3A_1242 = arith.addi %mul3A_1240, %add3A_1241 : i32
    %dma_wait3A_1243 = arith.constant 0 : i32
    %dma_wait3A_1244 = tpu.memref_slice %arg12[%add3A_1242, %dma_wait3A_1243] : memref<10240x128xf32, #tpu.memory_space<vmem_shared>> -> memref<16x128xf32, #tpu.memory_space<vmem_shared>>
    %dma_wait3A_1245 = arith.constant 0 : i32
    %dma_wait3A_1246 = tpu.memref_slice %arg12[%add3A_1242, %dma_wait3A_1245] : memref<10240x128xf32, #tpu.memory_space<vmem_shared>> -> memref<16x128xf32, #tpu.memory_space<vmem_shared>>
    tpu.wait_dma2 semaphore(%arg13 : memref<!tpu.dma_semaphore, #tpu.memory_space<semaphore_mem>>) src(%arg11 : memref<16x128xf32, #tpu.memory_space<vmem>>) dst(%dma_wait3A_1246 : memref<16x128xf32, #tpu.memory_space<vmem_shared>>)
    %mul3A_1247 = arith.constant 640 : i32
    %mul3A_1248 = arith.muli %arg1, %mul3A_1247 : i32
    %add3A_1249 = arith.constant 480 : i32
    %add3A_1250 = arith.addi %mul3A_1248, %add3A_1249 : i32
    %dma_start3A_1251 = arith.constant 0 : i32
    %dma_start3A_1252 = tpu.memref_slice %arg12[%add3A_1250, %dma_start3A_1251] : memref<10240x128xf32, #tpu.memory_space<vmem_shared>> -> memref<16x128xf32, #tpu.memory_space<vmem_shared>>
    %dma_start3A_1253 = arith.constant 0 : i32
    %dma_start3A_1254 = tpu.memref_slice %arg12[%add3A_1250, %dma_start3A_1253] : memref<10240x128xf32, #tpu.memory_space<vmem_shared>> -> memref<16x128xf32, #tpu.memory_space<vmem_shared>>
    tpu.enqueue_dma source(%arg11 : memref<16x128xf32, #tpu.memory_space<vmem>>) target(%dma_start3A_1254 : memref<16x128xf32, #tpu.memory_space<vmem_shared>>) target_semaphore(%arg13 : memref<!tpu.dma_semaphore, #tpu.memory_space<semaphore_mem>>)
    %mul3A_1255 = arith.constant 640 : i32
    %mul3A_1256 = arith.muli %arg1, %mul3A_1255 : i32
    %add3A_1257 = arith.constant 496 : i32
    %add3A_1258 = arith.addi %mul3A_1256, %add3A_1257 : i32
    %dma_start3A_1259 = arith.constant 0 : i32
    %dma_start3A_1260 = tpu.memref_slice %arg12[%add3A_1258, %dma_start3A_1259] : memref<10240x128xf32, #tpu.memory_space<vmem_shared>> -> memref<16x128xf32, #tpu.memory_space<vmem_shared>>
    %dma_start3A_1261 = arith.constant 0 : i32
    %dma_start3A_1262 = tpu.memref_slice %arg12[%add3A_1258, %dma_start3A_1261] : memref<10240x128xf32, #tpu.memory_space<vmem_shared>> -> memref<16x128xf32, #tpu.memory_space<vmem_shared>>
    tpu.enqueue_dma source(%arg11 : memref<16x128xf32, #tpu.memory_space<vmem>>) target(%dma_start3A_1262 : memref<16x128xf32, #tpu.memory_space<vmem_shared>>) target_semaphore(%arg13 : memref<!tpu.dma_semaphore, #tpu.memory_space<semaphore_mem>>)
    %mul3A_1263 = arith.constant 640 : i32
    %mul3A_1264 = arith.muli %arg1, %mul3A_1263 : i32
    %add3A_1265 = arith.constant 512 : i32
    %add3A_1266 = arith.addi %mul3A_1264, %add3A_1265 : i32
    %dma_start3A_1267 = arith.constant 0 : i32
    %dma_start3A_1268 = tpu.memref_slice %arg12[%add3A_1266, %dma_start3A_1267] : memref<10240x128xf32, #tpu.memory_space<vmem_shared>> -> memref<16x128xf32, #tpu.memory_space<vmem_shared>>
    %dma_start3A_1269 = arith.constant 0 : i32
    %dma_start3A_1270 = tpu.memref_slice %arg12[%add3A_1266, %dma_start3A_1269] : memref<10240x128xf32, #tpu.memory_space<vmem_shared>> -> memref<16x128xf32, #tpu.memory_space<vmem_shared>>
    tpu.enqueue_dma source(%arg11 : memref<16x128xf32, #tpu.memory_space<vmem>>) target(%dma_start3A_1270 : memref<16x128xf32, #tpu.memory_space<vmem_shared>>) target_semaphore(%arg13 : memref<!tpu.dma_semaphore, #tpu.memory_space<semaphore_mem>>)
    %mul3A_1271 = arith.constant 640 : i32
    %mul3A_1272 = arith.muli %arg1, %mul3A_1271 : i32
    %add3A_1273 = arith.constant 528 : i32
    %add3A_1274 = arith.addi %mul3A_1272, %add3A_1273 : i32
    %dma_start3A_1275 = arith.constant 0 : i32
    %dma_start3A_1276 = tpu.memref_slice %arg12[%add3A_1274, %dma_start3A_1275] : memref<10240x128xf32, #tpu.memory_space<vmem_shared>> -> memref<16x128xf32, #tpu.memory_space<vmem_shared>>
    %dma_start3A_1277 = arith.constant 0 : i32
    %dma_start3A_1278 = tpu.memref_slice %arg12[%add3A_1274, %dma_start3A_1277] : memref<10240x128xf32, #tpu.memory_space<vmem_shared>> -> memref<16x128xf32, #tpu.memory_space<vmem_shared>>
    tpu.enqueue_dma source(%arg11 : memref<16x128xf32, #tpu.memory_space<vmem>>) target(%dma_start3A_1278 : memref<16x128xf32, #tpu.memory_space<vmem_shared>>) target_semaphore(%arg13 : memref<!tpu.dma_semaphore, #tpu.memory_space<semaphore_mem>>)
    %mul3A_1279 = arith.constant 640 : i32
    %mul3A_1280 = arith.muli %arg1, %mul3A_1279 : i32
    %add3A_1281 = arith.constant 544 : i32
    %add3A_1282 = arith.addi %mul3A_1280, %add3A_1281 : i32
    %dma_start3A_1283 = arith.constant 0 : i32
    %dma_start3A_1284 = tpu.memref_slice %arg12[%add3A_1282, %dma_start3A_1283] : memref<10240x128xf32, #tpu.memory_space<vmem_shared>> -> memref<16x128xf32, #tpu.memory_space<vmem_shared>>
    %dma_start3A_1285 = arith.constant 0 : i32
    %dma_start3A_1286 = tpu.memref_slice %arg12[%add3A_1282, %dma_start3A_1285] : memref<10240x128xf32, #tpu.memory_space<vmem_shared>> -> memref<16x128xf32, #tpu.memory_space<vmem_shared>>
    tpu.enqueue_dma source(%arg11 : memref<16x128xf32, #tpu.memory_space<vmem>>) target(%dma_start3A_1286 : memref<16x128xf32, #tpu.memory_space<vmem_shared>>) target_semaphore(%arg13 : memref<!tpu.dma_semaphore, #tpu.memory_space<semaphore_mem>>)
    %mul3A_1287 = arith.constant 640 : i32
    %mul3A_1288 = arith.muli %arg1, %mul3A_1287 : i32
    %add3A_1289 = arith.constant 560 : i32
    %add3A_1290 = arith.addi %mul3A_1288, %add3A_1289 : i32
    %dma_start3A_1291 = arith.constant 0 : i32
    %dma_start3A_1292 = tpu.memref_slice %arg12[%add3A_1290, %dma_start3A_1291] : memref<10240x128xf32, #tpu.memory_space<vmem_shared>> -> memref<16x128xf32, #tpu.memory_space<vmem_shared>>
    %dma_start3A_1293 = arith.constant 0 : i32
    %dma_start3A_1294 = tpu.memref_slice %arg12[%add3A_1290, %dma_start3A_1293] : memref<10240x128xf32, #tpu.memory_space<vmem_shared>> -> memref<16x128xf32, #tpu.memory_space<vmem_shared>>
    tpu.enqueue_dma source(%arg11 : memref<16x128xf32, #tpu.memory_space<vmem>>) target(%dma_start3A_1294 : memref<16x128xf32, #tpu.memory_space<vmem_shared>>) target_semaphore(%arg13 : memref<!tpu.dma_semaphore, #tpu.memory_space<semaphore_mem>>)
    %mul3A_1295 = arith.constant 640 : i32
    %mul3A_1296 = arith.muli %arg1, %mul3A_1295 : i32
    %add3A_1297 = arith.constant 576 : i32
    %add3A_1298 = arith.addi %mul3A_1296, %add3A_1297 : i32
    %dma_start3A_1299 = arith.constant 0 : i32
    %dma_start3A_1300 = tpu.memref_slice %arg12[%add3A_1298, %dma_start3A_1299] : memref<10240x128xf32, #tpu.memory_space<vmem_shared>> -> memref<16x128xf32, #tpu.memory_space<vmem_shared>>
    %dma_start3A_1301 = arith.constant 0 : i32
    %dma_start3A_1302 = tpu.memref_slice %arg12[%add3A_1298, %dma_start3A_1301] : memref<10240x128xf32, #tpu.memory_space<vmem_shared>> -> memref<16x128xf32, #tpu.memory_space<vmem_shared>>
    tpu.enqueue_dma source(%arg11 : memref<16x128xf32, #tpu.memory_space<vmem>>) target(%dma_start3A_1302 : memref<16x128xf32, #tpu.memory_space<vmem_shared>>) target_semaphore(%arg13 : memref<!tpu.dma_semaphore, #tpu.memory_space<semaphore_mem>>)
    %mul3A_1303 = arith.constant 640 : i32
    %mul3A_1304 = arith.muli %arg1, %mul3A_1303 : i32
    %add3A_1305 = arith.constant 592 : i32
    %add3A_1306 = arith.addi %mul3A_1304, %add3A_1305 : i32
    %dma_start3A_1307 = arith.constant 0 : i32
    %dma_start3A_1308 = tpu.memref_slice %arg12[%add3A_1306, %dma_start3A_1307] : memref<10240x128xf32, #tpu.memory_space<vmem_shared>> -> memref<16x128xf32, #tpu.memory_space<vmem_shared>>
    %dma_start3A_1309 = arith.constant 0 : i32
    %dma_start3A_1310 = tpu.memref_slice %arg12[%add3A_1306, %dma_start3A_1309] : memref<10240x128xf32, #tpu.memory_space<vmem_shared>> -> memref<16x128xf32, #tpu.memory_space<vmem_shared>>
    tpu.enqueue_dma source(%arg11 : memref<16x128xf32, #tpu.memory_space<vmem>>) target(%dma_start3A_1310 : memref<16x128xf32, #tpu.memory_space<vmem_shared>>) target_semaphore(%arg13 : memref<!tpu.dma_semaphore, #tpu.memory_space<semaphore_mem>>)
    %mul3A_1311 = arith.constant 640 : i32
    %mul3A_1312 = arith.muli %arg1, %mul3A_1311 : i32
    %add3A_1313 = arith.constant 608 : i32
    %add3A_1314 = arith.addi %mul3A_1312, %add3A_1313 : i32
    %dma_start3A_1315 = arith.constant 0 : i32
    %dma_start3A_1316 = tpu.memref_slice %arg12[%add3A_1314, %dma_start3A_1315] : memref<10240x128xf32, #tpu.memory_space<vmem_shared>> -> memref<16x128xf32, #tpu.memory_space<vmem_shared>>
    %dma_start3A_1317 = arith.constant 0 : i32
    %dma_start3A_1318 = tpu.memref_slice %arg12[%add3A_1314, %dma_start3A_1317] : memref<10240x128xf32, #tpu.memory_space<vmem_shared>> -> memref<16x128xf32, #tpu.memory_space<vmem_shared>>
    tpu.enqueue_dma source(%arg11 : memref<16x128xf32, #tpu.memory_space<vmem>>) target(%dma_start3A_1318 : memref<16x128xf32, #tpu.memory_space<vmem_shared>>) target_semaphore(%arg13 : memref<!tpu.dma_semaphore, #tpu.memory_space<semaphore_mem>>)
    %mul3A_1319 = arith.constant 640 : i32
    %mul3A_1320 = arith.muli %arg1, %mul3A_1319 : i32
    %add3A_1321 = arith.constant 624 : i32
    %add3A_1322 = arith.addi %mul3A_1320, %add3A_1321 : i32
    %dma_start3A_1323 = arith.constant 0 : i32
    %dma_start3A_1324 = tpu.memref_slice %arg12[%add3A_1322, %dma_start3A_1323] : memref<10240x128xf32, #tpu.memory_space<vmem_shared>> -> memref<16x128xf32, #tpu.memory_space<vmem_shared>>
    %dma_start3A_1325 = arith.constant 0 : i32
    %dma_start3A_1326 = tpu.memref_slice %arg12[%add3A_1322, %dma_start3A_1325] : memref<10240x128xf32, #tpu.memory_space<vmem_shared>> -> memref<16x128xf32, #tpu.memory_space<vmem_shared>>
    tpu.enqueue_dma source(%arg11 : memref<16x128xf32, #tpu.memory_space<vmem>>) target(%dma_start3A_1326 : memref<16x128xf32, #tpu.memory_space<vmem_shared>>) target_semaphore(%arg13 : memref<!tpu.dma_semaphore, #tpu.memory_space<semaphore_mem>>)
    %mul3A_1327 = arith.constant 640 : i32
    %mul3A_1328 = arith.muli %arg1, %mul3A_1327 : i32
    %add3A_1329 = arith.constant 480 : i32
    %add3A_1330 = arith.addi %mul3A_1328, %add3A_1329 : i32
    %dma_wait3A_1331 = arith.constant 0 : i32
    %dma_wait3A_1332 = tpu.memref_slice %arg12[%add3A_1330, %dma_wait3A_1331] : memref<10240x128xf32, #tpu.memory_space<vmem_shared>> -> memref<16x128xf32, #tpu.memory_space<vmem_shared>>
    %dma_wait3A_1333 = arith.constant 0 : i32
    %dma_wait3A_1334 = tpu.memref_slice %arg12[%add3A_1330, %dma_wait3A_1333] : memref<10240x128xf32, #tpu.memory_space<vmem_shared>> -> memref<16x128xf32, #tpu.memory_space<vmem_shared>>
    tpu.wait_dma2 semaphore(%arg13 : memref<!tpu.dma_semaphore, #tpu.memory_space<semaphore_mem>>) src(%arg11 : memref<16x128xf32, #tpu.memory_space<vmem>>) dst(%dma_wait3A_1334 : memref<16x128xf32, #tpu.memory_space<vmem_shared>>)
    %mul3A_1335 = arith.constant 640 : i32
    %mul3A_1336 = arith.muli %arg1, %mul3A_1335 : i32
    %add3A_1337 = arith.constant 496 : i32
    %add3A_1338 = arith.addi %mul3A_1336, %add3A_1337 : i32
    %dma_wait3A_1339 = arith.constant 0 : i32
    %dma_wait3A_1340 = tpu.memref_slice %arg12[%add3A_1338, %dma_wait3A_1339] : memref<10240x128xf32, #tpu.memory_space<vmem_shared>> -> memref<16x128xf32, #tpu.memory_space<vmem_shared>>
    %dma_wait3A_1341 = arith.constant 0 : i32
    %dma_wait3A_1342 = tpu.memref_slice %arg12[%add3A_1338, %dma_wait3A_1341] : memref<10240x128xf32, #tpu.memory_space<vmem_shared>> -> memref<16x128xf32, #tpu.memory_space<vmem_shared>>
    tpu.wait_dma2 semaphore(%arg13 : memref<!tpu.dma_semaphore, #tpu.memory_space<semaphore_mem>>) src(%arg11 : memref<16x128xf32, #tpu.memory_space<vmem>>) dst(%dma_wait3A_1342 : memref<16x128xf32, #tpu.memory_space<vmem_shared>>)
    %mul3A_1343 = arith.constant 640 : i32
    %mul3A_1344 = arith.muli %arg1, %mul3A_1343 : i32
    %add3A_1345 = arith.constant 512 : i32
    %add3A_1346 = arith.addi %mul3A_1344, %add3A_1345 : i32
    %dma_wait3A_1347 = arith.constant 0 : i32
    %dma_wait3A_1348 = tpu.memref_slice %arg12[%add3A_1346, %dma_wait3A_1347] : memref<10240x128xf32, #tpu.memory_space<vmem_shared>> -> memref<16x128xf32, #tpu.memory_space<vmem_shared>>
    %dma_wait3A_1349 = arith.constant 0 : i32
    %dma_wait3A_1350 = tpu.memref_slice %arg12[%add3A_1346, %dma_wait3A_1349] : memref<10240x128xf32, #tpu.memory_space<vmem_shared>> -> memref<16x128xf32, #tpu.memory_space<vmem_shared>>
    tpu.wait_dma2 semaphore(%arg13 : memref<!tpu.dma_semaphore, #tpu.memory_space<semaphore_mem>>) src(%arg11 : memref<16x128xf32, #tpu.memory_space<vmem>>) dst(%dma_wait3A_1350 : memref<16x128xf32, #tpu.memory_space<vmem_shared>>)
    %mul3A_1351 = arith.constant 640 : i32
    %mul3A_1352 = arith.muli %arg1, %mul3A_1351 : i32
    %add3A_1353 = arith.constant 528 : i32
    %add3A_1354 = arith.addi %mul3A_1352, %add3A_1353 : i32
    %dma_wait3A_1355 = arith.constant 0 : i32
    %dma_wait3A_1356 = tpu.memref_slice %arg12[%add3A_1354, %dma_wait3A_1355] : memref<10240x128xf32, #tpu.memory_space<vmem_shared>> -> memref<16x128xf32, #tpu.memory_space<vmem_shared>>
    %dma_wait3A_1357 = arith.constant 0 : i32
    %dma_wait3A_1358 = tpu.memref_slice %arg12[%add3A_1354, %dma_wait3A_1357] : memref<10240x128xf32, #tpu.memory_space<vmem_shared>> -> memref<16x128xf32, #tpu.memory_space<vmem_shared>>
    tpu.wait_dma2 semaphore(%arg13 : memref<!tpu.dma_semaphore, #tpu.memory_space<semaphore_mem>>) src(%arg11 : memref<16x128xf32, #tpu.memory_space<vmem>>) dst(%dma_wait3A_1358 : memref<16x128xf32, #tpu.memory_space<vmem_shared>>)
    %mul3A_1359 = arith.constant 640 : i32
    %mul3A_1360 = arith.muli %arg1, %mul3A_1359 : i32
    %add3A_1361 = arith.constant 544 : i32
    %add3A_1362 = arith.addi %mul3A_1360, %add3A_1361 : i32
    %dma_wait3A_1363 = arith.constant 0 : i32
    %dma_wait3A_1364 = tpu.memref_slice %arg12[%add3A_1362, %dma_wait3A_1363] : memref<10240x128xf32, #tpu.memory_space<vmem_shared>> -> memref<16x128xf32, #tpu.memory_space<vmem_shared>>
    %dma_wait3A_1365 = arith.constant 0 : i32
    %dma_wait3A_1366 = tpu.memref_slice %arg12[%add3A_1362, %dma_wait3A_1365] : memref<10240x128xf32, #tpu.memory_space<vmem_shared>> -> memref<16x128xf32, #tpu.memory_space<vmem_shared>>
    tpu.wait_dma2 semaphore(%arg13 : memref<!tpu.dma_semaphore, #tpu.memory_space<semaphore_mem>>) src(%arg11 : memref<16x128xf32, #tpu.memory_space<vmem>>) dst(%dma_wait3A_1366 : memref<16x128xf32, #tpu.memory_space<vmem_shared>>)
    %mul3A_1367 = arith.constant 640 : i32
    %mul3A_1368 = arith.muli %arg1, %mul3A_1367 : i32
    %add3A_1369 = arith.constant 560 : i32
    %add3A_1370 = arith.addi %mul3A_1368, %add3A_1369 : i32
    %dma_wait3A_1371 = arith.constant 0 : i32
    %dma_wait3A_1372 = tpu.memref_slice %arg12[%add3A_1370, %dma_wait3A_1371] : memref<10240x128xf32, #tpu.memory_space<vmem_shared>> -> memref<16x128xf32, #tpu.memory_space<vmem_shared>>
    %dma_wait3A_1373 = arith.constant 0 : i32
    %dma_wait3A_1374 = tpu.memref_slice %arg12[%add3A_1370, %dma_wait3A_1373] : memref<10240x128xf32, #tpu.memory_space<vmem_shared>> -> memref<16x128xf32, #tpu.memory_space<vmem_shared>>
    tpu.wait_dma2 semaphore(%arg13 : memref<!tpu.dma_semaphore, #tpu.memory_space<semaphore_mem>>) src(%arg11 : memref<16x128xf32, #tpu.memory_space<vmem>>) dst(%dma_wait3A_1374 : memref<16x128xf32, #tpu.memory_space<vmem_shared>>)
    %mul3A_1375 = arith.constant 640 : i32
    %mul3A_1376 = arith.muli %arg1, %mul3A_1375 : i32
    %add3A_1377 = arith.constant 576 : i32
    %add3A_1378 = arith.addi %mul3A_1376, %add3A_1377 : i32
    %dma_wait3A_1379 = arith.constant 0 : i32
    %dma_wait3A_1380 = tpu.memref_slice %arg12[%add3A_1378, %dma_wait3A_1379] : memref<10240x128xf32, #tpu.memory_space<vmem_shared>> -> memref<16x128xf32, #tpu.memory_space<vmem_shared>>
    %dma_wait3A_1381 = arith.constant 0 : i32
    %dma_wait3A_1382 = tpu.memref_slice %arg12[%add3A_1378, %dma_wait3A_1381] : memref<10240x128xf32, #tpu.memory_space<vmem_shared>> -> memref<16x128xf32, #tpu.memory_space<vmem_shared>>
    tpu.wait_dma2 semaphore(%arg13 : memref<!tpu.dma_semaphore, #tpu.memory_space<semaphore_mem>>) src(%arg11 : memref<16x128xf32, #tpu.memory_space<vmem>>) dst(%dma_wait3A_1382 : memref<16x128xf32, #tpu.memory_space<vmem_shared>>)
    %mul3A_1383 = arith.constant 640 : i32
    %mul3A_1384 = arith.muli %arg1, %mul3A_1383 : i32
    %add3A_1385 = arith.constant 592 : i32
    %add3A_1386 = arith.addi %mul3A_1384, %add3A_1385 : i32
    %dma_wait3A_1387 = arith.constant 0 : i32
    %dma_wait3A_1388 = tpu.memref_slice %arg12[%add3A_1386, %dma_wait3A_1387] : memref<10240x128xf32, #tpu.memory_space<vmem_shared>> -> memref<16x128xf32, #tpu.memory_space<vmem_shared>>
    %dma_wait3A_1389 = arith.constant 0 : i32
    %dma_wait3A_1390 = tpu.memref_slice %arg12[%add3A_1386, %dma_wait3A_1389] : memref<10240x128xf32, #tpu.memory_space<vmem_shared>> -> memref<16x128xf32, #tpu.memory_space<vmem_shared>>
    tpu.wait_dma2 semaphore(%arg13 : memref<!tpu.dma_semaphore, #tpu.memory_space<semaphore_mem>>) src(%arg11 : memref<16x128xf32, #tpu.memory_space<vmem>>) dst(%dma_wait3A_1390 : memref<16x128xf32, #tpu.memory_space<vmem_shared>>)
    %mul3A_1391 = arith.constant 640 : i32
    %mul3A_1392 = arith.muli %arg1, %mul3A_1391 : i32
    %add3A_1393 = arith.constant 608 : i32
    %add3A_1394 = arith.addi %mul3A_1392, %add3A_1393 : i32
    %dma_wait3A_1395 = arith.constant 0 : i32
    %dma_wait3A_1396 = tpu.memref_slice %arg12[%add3A_1394, %dma_wait3A_1395] : memref<10240x128xf32, #tpu.memory_space<vmem_shared>> -> memref<16x128xf32, #tpu.memory_space<vmem_shared>>
    %dma_wait3A_1397 = arith.constant 0 : i32
    %dma_wait3A_1398 = tpu.memref_slice %arg12[%add3A_1394, %dma_wait3A_1397] : memref<10240x128xf32, #tpu.memory_space<vmem_shared>> -> memref<16x128xf32, #tpu.memory_space<vmem_shared>>
    tpu.wait_dma2 semaphore(%arg13 : memref<!tpu.dma_semaphore, #tpu.memory_space<semaphore_mem>>) src(%arg11 : memref<16x128xf32, #tpu.memory_space<vmem>>) dst(%dma_wait3A_1398 : memref<16x128xf32, #tpu.memory_space<vmem_shared>>)
    %mul3A_1399 = arith.constant 640 : i32
    %mul3A_1400 = arith.muli %arg1, %mul3A_1399 : i32
    %add3A_1401 = arith.constant 624 : i32
    %add3A_1402 = arith.addi %mul3A_1400, %add3A_1401 : i32
    %dma_wait3A_1403 = arith.constant 0 : i32
    %dma_wait3A_1404 = tpu.memref_slice %arg12[%add3A_1402, %dma_wait3A_1403] : memref<10240x128xf32, #tpu.memory_space<vmem_shared>> -> memref<16x128xf32, #tpu.memory_space<vmem_shared>>
    %dma_wait3A_1405 = arith.constant 0 : i32
    %dma_wait3A_1406 = tpu.memref_slice %arg12[%add3A_1402, %dma_wait3A_1405] : memref<10240x128xf32, #tpu.memory_space<vmem_shared>> -> memref<16x128xf32, #tpu.memory_space<vmem_shared>>
    tpu.wait_dma2 semaphore(%arg13 : memref<!tpu.dma_semaphore, #tpu.memory_space<semaphore_mem>>) src(%arg11 : memref<16x128xf32, #tpu.memory_space<vmem>>) dst(%dma_wait3A_1406 : memref<16x128xf32, #tpu.memory_space<vmem_shared>>)
    %barrier3A = arith.constant 0 : index
    tpu.barrier barrier_id(%barrier3A)
    "tpu.region"() ({
      %run_scoped3A_1590 = tpu.sem_alloc : memref<!tpu.dma_semaphore, #tpu.memory_space<semaphore_mem>>
      %dma_start3A_1591 = arith.constant 0 : i32
      %dma_start3A_1592 = arith.constant 0 : i32
      %dma_start3A_1593 = tpu.memref_slice %arg2[%add3A, %dma_start3A_1591, %dma_start3A_1592] : memref<32x80x128xi32, #tpu.memory_space<hbm>> -> memref<1x16x128xi32, #tpu.memory_space<hbm>>
      %dma_start3A_1594 = tpu.memref_squeeze %dma_start3A_1593 : memref<1x16x128xi32, #tpu.memory_space<hbm>> -> memref<16x128xi32, #tpu.memory_space<hbm>>
      %dma_start3A_1595 = arith.constant 0 : i32
      %dma_start3A_1596 = arith.constant 0 : i32
      %dma_start3A_1597 = tpu.memref_slice %arg2[%add3A, %dma_start3A_1595, %dma_start3A_1596] : memref<32x80x128xi32, #tpu.memory_space<hbm>> -> memref<1x16x128xi32, #tpu.memory_space<hbm>>
      %dma_start3A_1598 = tpu.memref_squeeze %dma_start3A_1597 : memref<1x16x128xi32, #tpu.memory_space<hbm>> -> memref<16x128xi32, #tpu.memory_space<hbm>>
      tpu.enqueue_dma source(%dma_start3A_1598 : memref<16x128xi32, #tpu.memory_space<hbm>>) target(%arg7 : memref<16x128xi32, #tpu.memory_space<vmem>>) target_semaphore(%run_scoped3A_1590 : memref<!tpu.dma_semaphore, #tpu.memory_space<semaphore_mem>>)
      %dma_wait3A_1599 = arith.constant 0 : i32
      %dma_wait3A_1600 = arith.constant 0 : i32
      %dma_wait3A_1601 = tpu.memref_slice %arg2[%add3A, %dma_wait3A_1599, %dma_wait3A_1600] : memref<32x80x128xi32, #tpu.memory_space<hbm>> -> memref<1x16x128xi32, #tpu.memory_space<hbm>>
      %dma_wait3A_1602 = tpu.memref_squeeze %dma_wait3A_1601 : memref<1x16x128xi32, #tpu.memory_space<hbm>> -> memref<16x128xi32, #tpu.memory_space<hbm>>
      %dma_wait3A_1603 = arith.constant 0 : i32
      %dma_wait3A_1604 = arith.constant 0 : i32
      %dma_wait3A_1605 = tpu.memref_slice %arg2[%add3A, %dma_wait3A_1603, %dma_wait3A_1604] : memref<32x80x128xi32, #tpu.memory_space<hbm>> -> memref<1x16x128xi32, #tpu.memory_space<hbm>>
      %dma_wait3A_1606 = tpu.memref_squeeze %dma_wait3A_1605 : memref<1x16x128xi32, #tpu.memory_space<hbm>> -> memref<16x128xi32, #tpu.memory_space<hbm>>
      tpu.wait_dma2 semaphore(%run_scoped3A_1590 : memref<!tpu.dma_semaphore, #tpu.memory_space<semaphore_mem>>) src(%dma_wait3A_1606 : memref<16x128xi32, #tpu.memory_space<hbm>>) dst(%arg7 : memref<16x128xi32, #tpu.memory_space<vmem>>)
      tpu.yield
    }) : () -> ()
    "tpu.region"() ({
      %run_scoped3A_1590 = tpu.sem_alloc : memref<!tpu.dma_semaphore, #tpu.memory_space<semaphore_mem>>
      %dma_start3A_1591 = arith.constant 0 : i32
      %dma_start3A_1592 = arith.constant 0 : i32
      %dma_start3A_1593 = tpu.memref_slice %arg3[%add3A, %dma_start3A_1591, %dma_start3A_1592] : memref<32x80x128xi32, #tpu.memory_space<hbm>> -> memref<1x16x128xi32, #tpu.memory_space<hbm>>
      %dma_start3A_1594 = tpu.memref_squeeze %dma_start3A_1593 : memref<1x16x128xi32, #tpu.memory_space<hbm>> -> memref<16x128xi32, #tpu.memory_space<hbm>>
      %dma_start3A_1595 = arith.constant 0 : i32
      %dma_start3A_1596 = arith.constant 0 : i32
      %dma_start3A_1597 = tpu.memref_slice %arg3[%add3A, %dma_start3A_1595, %dma_start3A_1596] : memref<32x80x128xi32, #tpu.memory_space<hbm>> -> memref<1x16x128xi32, #tpu.memory_space<hbm>>
      %dma_start3A_1598 = tpu.memref_squeeze %dma_start3A_1597 : memref<1x16x128xi32, #tpu.memory_space<hbm>> -> memref<16x128xi32, #tpu.memory_space<hbm>>
      tpu.enqueue_dma source(%dma_start3A_1598 : memref<16x128xi32, #tpu.memory_space<hbm>>) target(%arg8 : memref<16x128xi32, #tpu.memory_space<vmem>>) target_semaphore(%run_scoped3A_1590 : memref<!tpu.dma_semaphore, #tpu.memory_space<semaphore_mem>>)
      %dma_wait3A_1599 = arith.constant 0 : i32
      %dma_wait3A_1600 = arith.constant 0 : i32
      %dma_wait3A_1601 = tpu.memref_slice %arg3[%add3A, %dma_wait3A_1599, %dma_wait3A_1600] : memref<32x80x128xi32, #tpu.memory_space<hbm>> -> memref<1x16x128xi32, #tpu.memory_space<hbm>>
      %dma_wait3A_1602 = tpu.memref_squeeze %dma_wait3A_1601 : memref<1x16x128xi32, #tpu.memory_space<hbm>> -> memref<16x128xi32, #tpu.memory_space<hbm>>
      %dma_wait3A_1603 = arith.constant 0 : i32
      %dma_wait3A_1604 = arith.constant 0 : i32
      %dma_wait3A_1605 = tpu.memref_slice %arg3[%add3A, %dma_wait3A_1603, %dma_wait3A_1604] : memref<32x80x128xi32, #tpu.memory_space<hbm>> -> memref<1x16x128xi32, #tpu.memory_space<hbm>>
      %dma_wait3A_1606 = tpu.memref_squeeze %dma_wait3A_1605 : memref<1x16x128xi32, #tpu.memory_space<hbm>> -> memref<16x128xi32, #tpu.memory_space<hbm>>
      tpu.wait_dma2 semaphore(%run_scoped3A_1590 : memref<!tpu.dma_semaphore, #tpu.memory_space<semaphore_mem>>) src(%dma_wait3A_1606 : memref<16x128xi32, #tpu.memory_space<hbm>>) dst(%arg8 : memref<16x128xi32, #tpu.memory_space<vmem>>)
      tpu.yield
    }) : () -> ()
    %dma_start3A_1407 = arith.constant 0 : i32
    %dma_start3A_1408 = arith.constant 0 : i32
    %dma_start3A_1409 = tpu.memref_slice %arg7[%dma_start3A_1407, %dma_start3A_1408] : memref<16x128xi32, #tpu.memory_space<vmem>> -> memref<1x128xi32, #tpu.memory_space<vmem>>
    %dma_start3A_1410 = tpu.memref_squeeze %dma_start3A_1409 : memref<1x128xi32, #tpu.memory_space<vmem>> -> memref<128xi32, #tpu.memory_space<vmem>>
    %dma_start3A_1411 = arith.constant 0 : i32
    %dma_start3A_1412 = arith.constant 0 : i32
    %dma_start3A_1413 = tpu.memref_slice %arg4[%dma_start3A_1411, %dma_start3A_1412] : memref<10240x128xf32, #tpu.memory_space<hbm>> -> memref<10240x128xf32, #tpu.memory_space<hbm>>
    tpu.enqueue_indirect_dma source(%dma_start3A_1413 : memref<10240x128xf32, #tpu.memory_space<hbm>>) target(%arg9 : memref<128x128xf32, #tpu.memory_space<vmem>>) offsets(%dma_start3A_1410 : memref<128xi32, #tpu.memory_space<vmem>>) semaphore(%arg13 : memref<!tpu.dma_semaphore, #tpu.memory_space<semaphore_mem>>)
    %dma_start3A_1414 = arith.constant 1 : i32
    %dma_start3A_1415 = arith.constant 0 : i32
    %dma_start3A_1416 = tpu.memref_slice %arg7[%dma_start3A_1414, %dma_start3A_1415] : memref<16x128xi32, #tpu.memory_space<vmem>> -> memref<1x128xi32, #tpu.memory_space<vmem>>
    %dma_start3A_1417 = tpu.memref_squeeze %dma_start3A_1416 : memref<1x128xi32, #tpu.memory_space<vmem>> -> memref<128xi32, #tpu.memory_space<vmem>>
    %dma_start3A_1418 = arith.constant 0 : i32
    %dma_start3A_1419 = arith.constant 0 : i32
    %dma_start3A_1420 = tpu.memref_slice %arg4[%dma_start3A_1418, %dma_start3A_1419] : memref<10240x128xf32, #tpu.memory_space<hbm>> -> memref<10240x128xf32, #tpu.memory_space<hbm>>
    tpu.enqueue_indirect_dma source(%dma_start3A_1420 : memref<10240x128xf32, #tpu.memory_space<hbm>>) target(%arg10 : memref<128x128xf32, #tpu.memory_space<vmem>>) offsets(%dma_start3A_1417 : memref<128xi32, #tpu.memory_space<vmem>>) semaphore(%arg14 : memref<!tpu.dma_semaphore, #tpu.memory_space<semaphore_mem>>)
    %scan3A = arith.constant 0 : i32
    %scan3A_1421 = arith.constant 7 : i32
    %scan3A_1422 = arith.addi %scan3A, %scan3A_1421 : i32
    %scan3A_1423 = arith.constant 1 : i32
    scf.for %scan3A_1590 = %scan3A to %scan3A_1422 step %scan3A_1423  : i32 {
      %mul3A_1591 = arith.constant 2 : i32
      %mul3A_1592 = arith.muli %mul3A_1591, %scan3A_1590 : i32
      %dma_wait3A_1593 = arith.constant 0 : i32
      %dma_wait3A_1594 = tpu.memref_slice %arg7[%mul3A_1592, %dma_wait3A_1593] : memref<16x128xi32, #tpu.memory_space<vmem>> -> memref<1x128xi32, #tpu.memory_space<vmem>>
      %dma_wait3A_1595 = tpu.memref_squeeze %dma_wait3A_1594 : memref<1x128xi32, #tpu.memory_space<vmem>> -> memref<128xi32, #tpu.memory_space<vmem>>
      %dma_wait3A_1596 = arith.constant 0 : i32
      %dma_wait3A_1597 = arith.constant 0 : i32
      %dma_wait3A_1598 = tpu.memref_slice %arg4[%dma_wait3A_1596, %dma_wait3A_1597] : memref<10240x128xf32, #tpu.memory_space<hbm>> -> memref<10240x128xf32, #tpu.memory_space<hbm>>
      tpu.wait_indirect_dma semaphore(%arg13 : memref<!tpu.dma_semaphore, #tpu.memory_space<semaphore_mem>>) src(%dma_wait3A_1598 : memref<10240x128xf32, #tpu.memory_space<hbm>>) dst(%arg9 : memref<128x128xf32, #tpu.memory_space<vmem>>)
      "tpu.region"() ({
        %run_scoped3A_1625 = tpu.sem_alloc : memref<!tpu.dma_semaphore, #tpu.memory_space<semaphore_mem>>
        %dma_start3A_1626 = arith.constant 0 : i32
        %dma_start3A_1627 = tpu.memref_slice %arg8[%mul3A_1592, %dma_start3A_1626] : memref<16x128xi32, #tpu.memory_space<vmem>> -> memref<1x128xi32, #tpu.memory_space<vmem>>
        %dma_start3A_1628 = tpu.memref_squeeze %dma_start3A_1627 : memref<1x128xi32, #tpu.memory_space<vmem>> -> memref<128xi32, #tpu.memory_space<vmem>>
        %dma_start3A_1629 = arith.constant 0 : i32
        %dma_start3A_1630 = arith.constant 0 : i32
        %dma_start3A_1631 = tpu.memref_slice %arg12[%dma_start3A_1629, %dma_start3A_1630] : memref<10240x128xf32, #tpu.memory_space<vmem_shared>> -> memref<10240x128xf32, #tpu.memory_space<vmem_shared>>
        tpu.enqueue_indirect_dma source(%arg9 : memref<128x128xf32, #tpu.memory_space<vmem>>) target(%dma_start3A_1631 : memref<10240x128xf32, #tpu.memory_space<vmem_shared>>) offsets(%dma_start3A_1628 : memref<128xi32, #tpu.memory_space<vmem>>) semaphore(%run_scoped3A_1625 : memref<!tpu.dma_semaphore, #tpu.memory_space<semaphore_mem>>) {add = true}
        %dma_wait3A_1632 = arith.constant 0 : i32
        %dma_wait3A_1633 = tpu.memref_slice %arg8[%mul3A_1592, %dma_wait3A_1632] : memref<16x128xi32, #tpu.memory_space<vmem>> -> memref<1x128xi32, #tpu.memory_space<vmem>>
        %dma_wait3A_1634 = tpu.memref_squeeze %dma_wait3A_1633 : memref<1x128xi32, #tpu.memory_space<vmem>> -> memref<128xi32, #tpu.memory_space<vmem>>
        %dma_wait3A_1635 = arith.constant 0 : i32
        %dma_wait3A_1636 = arith.constant 0 : i32
        %dma_wait3A_1637 = tpu.memref_slice %arg12[%dma_wait3A_1635, %dma_wait3A_1636] : memref<10240x128xf32, #tpu.memory_space<vmem_shared>> -> memref<10240x128xf32, #tpu.memory_space<vmem_shared>>
        tpu.wait_indirect_dma semaphore(%run_scoped3A_1625 : memref<!tpu.dma_semaphore, #tpu.memory_space<semaphore_mem>>) src(%arg9 : memref<128x128xf32, #tpu.memory_space<vmem>>) dst(%dma_wait3A_1637 : memref<10240x128xf32, #tpu.memory_space<vmem_shared>>)
        tpu.yield
      }) : () -> ()
      %add3A_1599 = arith.constant 2 : i32
      %add3A_1600 = arith.addi %mul3A_1592, %add3A_1599 : i32
      %dma_start3A_1601 = arith.constant 0 : i32
      %dma_start3A_1602 = tpu.memref_slice %arg7[%add3A_1600, %dma_start3A_1601] : memref<16x128xi32, #tpu.memory_space<vmem>> -> memref<1x128xi32, #tpu.memory_space<vmem>>
      %dma_start3A_1603 = tpu.memref_squeeze %dma_start3A_1602 : memref<1x128xi32, #tpu.memory_space<vmem>> -> memref<128xi32, #tpu.memory_space<vmem>>
      %dma_start3A_1604 = arith.constant 0 : i32
      %dma_start3A_1605 = arith.constant 0 : i32
      %dma_start3A_1606 = tpu.memref_slice %arg4[%dma_start3A_1604, %dma_start3A_1605] : memref<10240x128xf32, #tpu.memory_space<hbm>> -> memref<10240x128xf32, #tpu.memory_space<hbm>>
      tpu.enqueue_indirect_dma source(%dma_start3A_1606 : memref<10240x128xf32, #tpu.memory_space<hbm>>) target(%arg9 : memref<128x128xf32, #tpu.memory_space<vmem>>) offsets(%dma_start3A_1603 : memref<128xi32, #tpu.memory_space<vmem>>) semaphore(%arg13 : memref<!tpu.dma_semaphore, #tpu.memory_space<semaphore_mem>>)
      %add3A_1607 = arith.constant 1 : i32
      %add3A_1608 = arith.addi %mul3A_1592, %add3A_1607 : i32
      %dma_wait3A_1609 = arith.constant 0 : i32
      %dma_wait3A_1610 = tpu.memref_slice %arg7[%add3A_1608, %dma_wait3A_1609] : memref<16x128xi32, #tpu.memory_space<vmem>> -> memref<1x128xi32, #tpu.memory_space<vmem>>
      %dma_wait3A_1611 = tpu.memref_squeeze %dma_wait3A_1610 : memref<1x128xi32, #tpu.memory_space<vmem>> -> memref<128xi32, #tpu.memory_space<vmem>>
      %dma_wait3A_1612 = arith.constant 0 : i32
      %dma_wait3A_1613 = arith.constant 0 : i32
      %dma_wait3A_1614 = tpu.memref_slice %arg4[%dma_wait3A_1612, %dma_wait3A_1613] : memref<10240x128xf32, #tpu.memory_space<hbm>> -> memref<10240x128xf32, #tpu.memory_space<hbm>>
      tpu.wait_indirect_dma semaphore(%arg14 : memref<!tpu.dma_semaphore, #tpu.memory_space<semaphore_mem>>) src(%dma_wait3A_1614 : memref<10240x128xf32, #tpu.memory_space<hbm>>) dst(%arg10 : memref<128x128xf32, #tpu.memory_space<vmem>>)
      %add3A_1615 = arith.constant 1 : i32
      %add3A_1616 = arith.addi %mul3A_1592, %add3A_1615 : i32
      "tpu.region"() ({
        %run_scoped3A_1625 = tpu.sem_alloc : memref<!tpu.dma_semaphore, #tpu.memory_space<semaphore_mem>>
        %dma_start3A_1626 = arith.constant 0 : i32
        %dma_start3A_1627 = tpu.memref_slice %arg8[%add3A_1616, %dma_start3A_1626] : memref<16x128xi32, #tpu.memory_space<vmem>> -> memref<1x128xi32, #tpu.memory_space<vmem>>
        %dma_start3A_1628 = tpu.memref_squeeze %dma_start3A_1627 : memref<1x128xi32, #tpu.memory_space<vmem>> -> memref<128xi32, #tpu.memory_space<vmem>>
        %dma_start3A_1629 = arith.constant 0 : i32
        %dma_start3A_1630 = arith.constant 0 : i32
        %dma_start3A_1631 = tpu.memref_slice %arg12[%dma_start3A_1629, %dma_start3A_1630] : memref<10240x128xf32, #tpu.memory_space<vmem_shared>> -> memref<10240x128xf32, #tpu.memory_space<vmem_shared>>
        tpu.enqueue_indirect_dma source(%arg10 : memref<128x128xf32, #tpu.memory_space<vmem>>) target(%dma_start3A_1631 : memref<10240x128xf32, #tpu.memory_space<vmem_shared>>) offsets(%dma_start3A_1628 : memref<128xi32, #tpu.memory_space<vmem>>) semaphore(%run_scoped3A_1625 : memref<!tpu.dma_semaphore, #tpu.memory_space<semaphore_mem>>) {add = true}
        %dma_wait3A_1632 = arith.constant 0 : i32
        %dma_wait3A_1633 = tpu.memref_slice %arg8[%add3A_1616, %dma_wait3A_1632] : memref<16x128xi32, #tpu.memory_space<vmem>> -> memref<1x128xi32, #tpu.memory_space<vmem>>
        %dma_wait3A_1634 = tpu.memref_squeeze %dma_wait3A_1633 : memref<1x128xi32, #tpu.memory_space<vmem>> -> memref<128xi32, #tpu.memory_space<vmem>>
        %dma_wait3A_1635 = arith.constant 0 : i32
        %dma_wait3A_1636 = arith.constant 0 : i32
        %dma_wait3A_1637 = tpu.memref_slice %arg12[%dma_wait3A_1635, %dma_wait3A_1636] : memref<10240x128xf32, #tpu.memory_space<vmem_shared>> -> memref<10240x128xf32, #tpu.memory_space<vmem_shared>>
        tpu.wait_indirect_dma semaphore(%run_scoped3A_1625 : memref<!tpu.dma_semaphore, #tpu.memory_space<semaphore_mem>>) src(%arg10 : memref<128x128xf32, #tpu.memory_space<vmem>>) dst(%dma_wait3A_1637 : memref<10240x128xf32, #tpu.memory_space<vmem_shared>>)
        tpu.yield
      }) : () -> ()
      %add3A_1617 = arith.constant 3 : i32
      %add3A_1618 = arith.addi %mul3A_1592, %add3A_1617 : i32
      %dma_start3A_1619 = arith.constant 0 : i32
      %dma_start3A_1620 = tpu.memref_slice %arg7[%add3A_1618, %dma_start3A_1619] : memref<16x128xi32, #tpu.memory_space<vmem>> -> memref<1x128xi32, #tpu.memory_space<vmem>>
      %dma_start3A_1621 = tpu.memref_squeeze %dma_start3A_1620 : memref<1x128xi32, #tpu.memory_space<vmem>> -> memref<128xi32, #tpu.memory_space<vmem>>
      %dma_start3A_1622 = arith.constant 0 : i32
      %dma_start3A_1623 = arith.constant 0 : i32
      %dma_start3A_1624 = tpu.memref_slice %arg4[%dma_start3A_1622, %dma_start3A_1623] : memref<10240x128xf32, #tpu.memory_space<hbm>> -> memref<10240x128xf32, #tpu.memory_space<hbm>>
      tpu.enqueue_indirect_dma source(%dma_start3A_1624 : memref<10240x128xf32, #tpu.memory_space<hbm>>) target(%arg10 : memref<128x128xf32, #tpu.memory_space<vmem>>) offsets(%dma_start3A_1621 : memref<128xi32, #tpu.memory_space<vmem>>) semaphore(%arg14 : memref<!tpu.dma_semaphore, #tpu.memory_space<semaphore_mem>>)
    }
    %scan3A_1424 = arith.constant 7 : i32
    %dma_wait3A_1425 = arith.constant 14 : i32
    %dma_wait3A_1426 = arith.constant 0 : i32
    %dma_wait3A_1427 = tpu.memref_slice %arg7[%dma_wait3A_1425, %dma_wait3A_1426] : memref<16x128xi32, #tpu.memory_space<vmem>> -> memref<1x128xi32, #tpu.memory_space<vmem>>
    %dma_wait3A_1428 = tpu.memref_squeeze %dma_wait3A_1427 : memref<1x128xi32, #tpu.memory_space<vmem>> -> memref<128xi32, #tpu.memory_space<vmem>>
    %dma_wait3A_1429 = arith.constant 0 : i32
    %dma_wait3A_1430 = arith.constant 0 : i32
    %dma_wait3A_1431 = tpu.memref_slice %arg4[%dma_wait3A_1429, %dma_wait3A_1430] : memref<10240x128xf32, #tpu.memory_space<hbm>> -> memref<10240x128xf32, #tpu.memory_space<hbm>>
    tpu.wait_indirect_dma semaphore(%arg13 : memref<!tpu.dma_semaphore, #tpu.memory_space<semaphore_mem>>) src(%dma_wait3A_1431 : memref<10240x128xf32, #tpu.memory_space<hbm>>) dst(%arg9 : memref<128x128xf32, #tpu.memory_space<vmem>>)
    %run_scoped3A = arith.constant 14 : i32
    "tpu.region"() ({
      %run_scoped3A_1590 = tpu.sem_alloc : memref<!tpu.dma_semaphore, #tpu.memory_space<semaphore_mem>>
      %dma_start3A_1591 = arith.constant 0 : i32
      %dma_start3A_1592 = tpu.memref_slice %arg8[%run_scoped3A, %dma_start3A_1591] : memref<16x128xi32, #tpu.memory_space<vmem>> -> memref<1x128xi32, #tpu.memory_space<vmem>>
      %dma_start3A_1593 = tpu.memref_squeeze %dma_start3A_1592 : memref<1x128xi32, #tpu.memory_space<vmem>> -> memref<128xi32, #tpu.memory_space<vmem>>
      %dma_start3A_1594 = arith.constant 0 : i32
      %dma_start3A_1595 = arith.constant 0 : i32
      %dma_start3A_1596 = tpu.memref_slice %arg12[%dma_start3A_1594, %dma_start3A_1595] : memref<10240x128xf32, #tpu.memory_space<vmem_shared>> -> memref<10240x128xf32, #tpu.memory_space<vmem_shared>>
      tpu.enqueue_indirect_dma source(%arg9 : memref<128x128xf32, #tpu.memory_space<vmem>>) target(%dma_start3A_1596 : memref<10240x128xf32, #tpu.memory_space<vmem_shared>>) offsets(%dma_start3A_1593 : memref<128xi32, #tpu.memory_space<vmem>>) semaphore(%run_scoped3A_1590 : memref<!tpu.dma_semaphore, #tpu.memory_space<semaphore_mem>>) {add = true}
      %dma_wait3A_1597 = arith.constant 0 : i32
      %dma_wait3A_1598 = tpu.memref_slice %arg8[%run_scoped3A, %dma_wait3A_1597] : memref<16x128xi32, #tpu.memory_space<vmem>> -> memref<1x128xi32, #tpu.memory_space<vmem>>
      %dma_wait3A_1599 = tpu.memref_squeeze %dma_wait3A_1598 : memref<1x128xi32, #tpu.memory_space<vmem>> -> memref<128xi32, #tpu.memory_space<vmem>>
      %dma_wait3A_1600 = arith.constant 0 : i32
      %dma_wait3A_1601 = arith.constant 0 : i32
      %dma_wait3A_1602 = tpu.memref_slice %arg12[%dma_wait3A_1600, %dma_wait3A_1601] : memref<10240x128xf32, #tpu.memory_space<vmem_shared>> -> memref<10240x128xf32, #tpu.memory_space<vmem_shared>>
      tpu.wait_indirect_dma semaphore(%run_scoped3A_1590 : memref<!tpu.dma_semaphore, #tpu.memory_space<semaphore_mem>>) src(%arg9 : memref<128x128xf32, #tpu.memory_space<vmem>>) dst(%dma_wait3A_1602 : memref<10240x128xf32, #tpu.memory_space<vmem_shared>>)
      tpu.yield
    }) : () -> ()
    %dma_wait3A_1432 = arith.constant 15 : i32
    %dma_wait3A_1433 = arith.constant 0 : i32
    %dma_wait3A_1434 = tpu.memref_slice %arg7[%dma_wait3A_1432, %dma_wait3A_1433] : memref<16x128xi32, #tpu.memory_space<vmem>> -> memref<1x128xi32, #tpu.memory_space<vmem>>
    %dma_wait3A_1435 = tpu.memref_squeeze %dma_wait3A_1434 : memref<1x128xi32, #tpu.memory_space<vmem>> -> memref<128xi32, #tpu.memory_space<vmem>>
    %dma_wait3A_1436 = arith.constant 0 : i32
    %dma_wait3A_1437 = arith.constant 0 : i32
    %dma_wait3A_1438 = tpu.memref_slice %arg4[%dma_wait3A_1436, %dma_wait3A_1437] : memref<10240x128xf32, #tpu.memory_space<hbm>> -> memref<10240x128xf32, #tpu.memory_space<hbm>>
    tpu.wait_indirect_dma semaphore(%arg14 : memref<!tpu.dma_semaphore, #tpu.memory_space<semaphore_mem>>) src(%dma_wait3A_1438 : memref<10240x128xf32, #tpu.memory_space<hbm>>) dst(%arg10 : memref<128x128xf32, #tpu.memory_space<vmem>>)
    %run_scoped3A_1439 = arith.constant 15 : i32
    "tpu.region"() ({
      %run_scoped3A_1590 = tpu.sem_alloc : memref<!tpu.dma_semaphore, #tpu.memory_space<semaphore_mem>>
      %dma_start3A_1591 = arith.constant 0 : i32
      %dma_start3A_1592 = tpu.memref_slice %arg8[%run_scoped3A_1439, %dma_start3A_1591] : memref<16x128xi32, #tpu.memory_space<vmem>> -> memref<1x128xi32, #tpu.memory_space<vmem>>
      %dma_start3A_1593 = tpu.memref_squeeze %dma_start3A_1592 : memref<1x128xi32, #tpu.memory_space<vmem>> -> memref<128xi32, #tpu.memory_space<vmem>>
      %dma_start3A_1594 = arith.constant 0 : i32
      %dma_start3A_1595 = arith.constant 0 : i32
      %dma_start3A_1596 = tpu.memref_slice %arg12[%dma_start3A_1594, %dma_start3A_1595] : memref<10240x128xf32, #tpu.memory_space<vmem_shared>> -> memref<10240x128xf32, #tpu.memory_space<vmem_shared>>
      tpu.enqueue_indirect_dma source(%arg10 : memref<128x128xf32, #tpu.memory_space<vmem>>) target(%dma_start3A_1596 : memref<10240x128xf32, #tpu.memory_space<vmem_shared>>) offsets(%dma_start3A_1593 : memref<128xi32, #tpu.memory_space<vmem>>) semaphore(%run_scoped3A_1590 : memref<!tpu.dma_semaphore, #tpu.memory_space<semaphore_mem>>) {add = true}
      %dma_wait3A_1597 = arith.constant 0 : i32
      %dma_wait3A_1598 = tpu.memref_slice %arg8[%run_scoped3A_1439, %dma_wait3A_1597] : memref<16x128xi32, #tpu.memory_space<vmem>> -> memref<1x128xi32, #tpu.memory_space<vmem>>
      %dma_wait3A_1599 = tpu.memref_squeeze %dma_wait3A_1598 : memref<1x128xi32, #tpu.memory_space<vmem>> -> memref<128xi32, #tpu.memory_space<vmem>>
      %dma_wait3A_1600 = arith.constant 0 : i32
      %dma_wait3A_1601 = arith.constant 0 : i32
      %dma_wait3A_1602 = tpu.memref_slice %arg12[%dma_wait3A_1600, %dma_wait3A_1601] : memref<10240x128xf32, #tpu.memory_space<vmem_shared>> -> memref<10240x128xf32, #tpu.memory_space<vmem_shared>>
      tpu.wait_indirect_dma semaphore(%run_scoped3A_1590 : memref<!tpu.dma_semaphore, #tpu.memory_space<semaphore_mem>>) src(%arg10 : memref<128x128xf32, #tpu.memory_space<vmem>>) dst(%dma_wait3A_1602 : memref<10240x128xf32, #tpu.memory_space<vmem_shared>>)
      tpu.yield
    }) : () -> ()
    "tpu.region"() ({
      %run_scoped3A_1590 = tpu.sem_alloc : memref<!tpu.dma_semaphore, #tpu.memory_space<semaphore_mem>>
      %dma_start3A_1591 = arith.constant 16 : i32
      %dma_start3A_1592 = arith.constant 0 : i32
      %dma_start3A_1593 = tpu.memref_slice %arg2[%add3A, %dma_start3A_1591, %dma_start3A_1592] : memref<32x80x128xi32, #tpu.memory_space<hbm>> -> memref<1x16x128xi32, #tpu.memory_space<hbm>>
      %dma_start3A_1594 = tpu.memref_squeeze %dma_start3A_1593 : memref<1x16x128xi32, #tpu.memory_space<hbm>> -> memref<16x128xi32, #tpu.memory_space<hbm>>
      %dma_start3A_1595 = arith.constant 16 : i32
      %dma_start3A_1596 = arith.constant 0 : i32
      %dma_start3A_1597 = tpu.memref_slice %arg2[%add3A, %dma_start3A_1595, %dma_start3A_1596] : memref<32x80x128xi32, #tpu.memory_space<hbm>> -> memref<1x16x128xi32, #tpu.memory_space<hbm>>
      %dma_start3A_1598 = tpu.memref_squeeze %dma_start3A_1597 : memref<1x16x128xi32, #tpu.memory_space<hbm>> -> memref<16x128xi32, #tpu.memory_space<hbm>>
      tpu.enqueue_dma source(%dma_start3A_1598 : memref<16x128xi32, #tpu.memory_space<hbm>>) target(%arg7 : memref<16x128xi32, #tpu.memory_space<vmem>>) target_semaphore(%run_scoped3A_1590 : memref<!tpu.dma_semaphore, #tpu.memory_space<semaphore_mem>>)
      %dma_wait3A_1599 = arith.constant 16 : i32
      %dma_wait3A_1600 = arith.constant 0 : i32
      %dma_wait3A_1601 = tpu.memref_slice %arg2[%add3A, %dma_wait3A_1599, %dma_wait3A_1600] : memref<32x80x128xi32, #tpu.memory_space<hbm>> -> memref<1x16x128xi32, #tpu.memory_space<hbm>>
      %dma_wait3A_1602 = tpu.memref_squeeze %dma_wait3A_1601 : memref<1x16x128xi32, #tpu.memory_space<hbm>> -> memref<16x128xi32, #tpu.memory_space<hbm>>
      %dma_wait3A_1603 = arith.constant 16 : i32
      %dma_wait3A_1604 = arith.constant 0 : i32
      %dma_wait3A_1605 = tpu.memref_slice %arg2[%add3A, %dma_wait3A_1603, %dma_wait3A_1604] : memref<32x80x128xi32, #tpu.memory_space<hbm>> -> memref<1x16x128xi32, #tpu.memory_space<hbm>>
      %dma_wait3A_1606 = tpu.memref_squeeze %dma_wait3A_1605 : memref<1x16x128xi32, #tpu.memory_space<hbm>> -> memref<16x128xi32, #tpu.memory_space<hbm>>
      tpu.wait_dma2 semaphore(%run_scoped3A_1590 : memref<!tpu.dma_semaphore, #tpu.memory_space<semaphore_mem>>) src(%dma_wait3A_1606 : memref<16x128xi32, #tpu.memory_space<hbm>>) dst(%arg7 : memref<16x128xi32, #tpu.memory_space<vmem>>)
      tpu.yield
    }) : () -> ()
    "tpu.region"() ({
      %run_scoped3A_1590 = tpu.sem_alloc : memref<!tpu.dma_semaphore, #tpu.memory_space<semaphore_mem>>
      %dma_start3A_1591 = arith.constant 16 : i32
      %dma_start3A_1592 = arith.constant 0 : i32
      %dma_start3A_1593 = tpu.memref_slice %arg3[%add3A, %dma_start3A_1591, %dma_start3A_1592] : memref<32x80x128xi32, #tpu.memory_space<hbm>> -> memref<1x16x128xi32, #tpu.memory_space<hbm>>
      %dma_start3A_1594 = tpu.memref_squeeze %dma_start3A_1593 : memref<1x16x128xi32, #tpu.memory_space<hbm>> -> memref<16x128xi32, #tpu.memory_space<hbm>>
      %dma_start3A_1595 = arith.constant 16 : i32
      %dma_start3A_1596 = arith.constant 0 : i32
      %dma_start3A_1597 = tpu.memref_slice %arg3[%add3A, %dma_start3A_1595, %dma_start3A_1596] : memref<32x80x128xi32, #tpu.memory_space<hbm>> -> memref<1x16x128xi32, #tpu.memory_space<hbm>>
      %dma_start3A_1598 = tpu.memref_squeeze %dma_start3A_1597 : memref<1x16x128xi32, #tpu.memory_space<hbm>> -> memref<16x128xi32, #tpu.memory_space<hbm>>
      tpu.enqueue_dma source(%dma_start3A_1598 : memref<16x128xi32, #tpu.memory_space<hbm>>) target(%arg8 : memref<16x128xi32, #tpu.memory_space<vmem>>) target_semaphore(%run_scoped3A_1590 : memref<!tpu.dma_semaphore, #tpu.memory_space<semaphore_mem>>)
      %dma_wait3A_1599 = arith.constant 16 : i32
      %dma_wait3A_1600 = arith.constant 0 : i32
      %dma_wait3A_1601 = tpu.memref_slice %arg3[%add3A, %dma_wait3A_1599, %dma_wait3A_1600] : memref<32x80x128xi32, #tpu.memory_space<hbm>> -> memref<1x16x128xi32, #tpu.memory_space<hbm>>
      %dma_wait3A_1602 = tpu.memref_squeeze %dma_wait3A_1601 : memref<1x16x128xi32, #tpu.memory_space<hbm>> -> memref<16x128xi32, #tpu.memory_space<hbm>>
      %dma_wait3A_1603 = arith.constant 16 : i32
      %dma_wait3A_1604 = arith.constant 0 : i32
      %dma_wait3A_1605 = tpu.memref_slice %arg3[%add3A, %dma_wait3A_1603, %dma_wait3A_1604] : memref<32x80x128xi32, #tpu.memory_space<hbm>> -> memref<1x16x128xi32, #tpu.memory_space<hbm>>
      %dma_wait3A_1606 = tpu.memref_squeeze %dma_wait3A_1605 : memref<1x16x128xi32, #tpu.memory_space<hbm>> -> memref<16x128xi32, #tpu.memory_space<hbm>>
      tpu.wait_dma2 semaphore(%run_scoped3A_1590 : memref<!tpu.dma_semaphore, #tpu.memory_space<semaphore_mem>>) src(%dma_wait3A_1606 : memref<16x128xi32, #tpu.memory_space<hbm>>) dst(%arg8 : memref<16x128xi32, #tpu.memory_space<vmem>>)
      tpu.yield
    }) : () -> ()
    %dma_start3A_1440 = arith.constant 0 : i32
    %dma_start3A_1441 = arith.constant 0 : i32
    %dma_start3A_1442 = tpu.memref_slice %arg7[%dma_start3A_1440, %dma_start3A_1441] : memref<16x128xi32, #tpu.memory_space<vmem>> -> memref<1x128xi32, #tpu.memory_space<vmem>>
    %dma_start3A_1443 = tpu.memref_squeeze %dma_start3A_1442 : memref<1x128xi32, #tpu.memory_space<vmem>> -> memref<128xi32, #tpu.memory_space<vmem>>
    %dma_start3A_1444 = arith.constant 0 : i32
    %dma_start3A_1445 = arith.constant 0 : i32
    %dma_start3A_1446 = tpu.memref_slice %arg4[%dma_start3A_1444, %dma_start3A_1445] : memref<10240x128xf32, #tpu.memory_space<hbm>> -> memref<10240x128xf32, #tpu.memory_space<hbm>>
    tpu.enqueue_indirect_dma source(%dma_start3A_1446 : memref<10240x128xf32, #tpu.memory_space<hbm>>) target(%arg9 : memref<128x128xf32, #tpu.memory_space<vmem>>) offsets(%dma_start3A_1443 : memref<128xi32, #tpu.memory_space<vmem>>) semaphore(%arg13 : memref<!tpu.dma_semaphore, #tpu.memory_space<semaphore_mem>>)
    %dma_start3A_1447 = arith.constant 1 : i32
    %dma_start3A_1448 = arith.constant 0 : i32
    %dma_start3A_1449 = tpu.memref_slice %arg7[%dma_start3A_1447, %dma_start3A_1448] : memref<16x128xi32, #tpu.memory_space<vmem>> -> memref<1x128xi32, #tpu.memory_space<vmem>>
    %dma_start3A_1450 = tpu.memref_squeeze %dma_start3A_1449 : memref<1x128xi32, #tpu.memory_space<vmem>> -> memref<128xi32, #tpu.memory_space<vmem>>
    %dma_start3A_1451 = arith.constant 0 : i32
    %dma_start3A_1452 = arith.constant 0 : i32
    %dma_start3A_1453 = tpu.memref_slice %arg4[%dma_start3A_1451, %dma_start3A_1452] : memref<10240x128xf32, #tpu.memory_space<hbm>> -> memref<10240x128xf32, #tpu.memory_space<hbm>>
    tpu.enqueue_indirect_dma source(%dma_start3A_1453 : memref<10240x128xf32, #tpu.memory_space<hbm>>) target(%arg10 : memref<128x128xf32, #tpu.memory_space<vmem>>) offsets(%dma_start3A_1450 : memref<128xi32, #tpu.memory_space<vmem>>) semaphore(%arg14 : memref<!tpu.dma_semaphore, #tpu.memory_space<semaphore_mem>>)
    %scan3A_1454 = arith.constant 0 : i32
    %scan3A_1455 = arith.constant 7 : i32
    %scan3A_1456 = arith.addi %scan3A_1454, %scan3A_1455 : i32
    %scan3A_1457 = arith.constant 1 : i32
    scf.for %scan3A_1590 = %scan3A_1454 to %scan3A_1456 step %scan3A_1457  : i32 {
      %mul3A_1591 = arith.constant 2 : i32
      %mul3A_1592 = arith.muli %mul3A_1591, %scan3A_1590 : i32
      %dma_wait3A_1593 = arith.constant 0 : i32
      %dma_wait3A_1594 = tpu.memref_slice %arg7[%mul3A_1592, %dma_wait3A_1593] : memref<16x128xi32, #tpu.memory_space<vmem>> -> memref<1x128xi32, #tpu.memory_space<vmem>>
      %dma_wait3A_1595 = tpu.memref_squeeze %dma_wait3A_1594 : memref<1x128xi32, #tpu.memory_space<vmem>> -> memref<128xi32, #tpu.memory_space<vmem>>
      %dma_wait3A_1596 = arith.constant 0 : i32
      %dma_wait3A_1597 = arith.constant 0 : i32
      %dma_wait3A_1598 = tpu.memref_slice %arg4[%dma_wait3A_1596, %dma_wait3A_1597] : memref<10240x128xf32, #tpu.memory_space<hbm>> -> memref<10240x128xf32, #tpu.memory_space<hbm>>
      tpu.wait_indirect_dma semaphore(%arg13 : memref<!tpu.dma_semaphore, #tpu.memory_space<semaphore_mem>>) src(%dma_wait3A_1598 : memref<10240x128xf32, #tpu.memory_space<hbm>>) dst(%arg9 : memref<128x128xf32, #tpu.memory_space<vmem>>)
      "tpu.region"() ({
        %run_scoped3A_1625 = tpu.sem_alloc : memref<!tpu.dma_semaphore, #tpu.memory_space<semaphore_mem>>
        %dma_start3A_1626 = arith.constant 0 : i32
        %dma_start3A_1627 = tpu.memref_slice %arg8[%mul3A_1592, %dma_start3A_1626] : memref<16x128xi32, #tpu.memory_space<vmem>> -> memref<1x128xi32, #tpu.memory_space<vmem>>
        %dma_start3A_1628 = tpu.memref_squeeze %dma_start3A_1627 : memref<1x128xi32, #tpu.memory_space<vmem>> -> memref<128xi32, #tpu.memory_space<vmem>>
        %dma_start3A_1629 = arith.constant 0 : i32
        %dma_start3A_1630 = arith.constant 0 : i32
        %dma_start3A_1631 = tpu.memref_slice %arg12[%dma_start3A_1629, %dma_start3A_1630] : memref<10240x128xf32, #tpu.memory_space<vmem_shared>> -> memref<10240x128xf32, #tpu.memory_space<vmem_shared>>
        tpu.enqueue_indirect_dma source(%arg9 : memref<128x128xf32, #tpu.memory_space<vmem>>) target(%dma_start3A_1631 : memref<10240x128xf32, #tpu.memory_space<vmem_shared>>) offsets(%dma_start3A_1628 : memref<128xi32, #tpu.memory_space<vmem>>) semaphore(%run_scoped3A_1625 : memref<!tpu.dma_semaphore, #tpu.memory_space<semaphore_mem>>) {add = true}
        %dma_wait3A_1632 = arith.constant 0 : i32
        %dma_wait3A_1633 = tpu.memref_slice %arg8[%mul3A_1592, %dma_wait3A_1632] : memref<16x128xi32, #tpu.memory_space<vmem>> -> memref<1x128xi32, #tpu.memory_space<vmem>>
        %dma_wait3A_1634 = tpu.memref_squeeze %dma_wait3A_1633 : memref<1x128xi32, #tpu.memory_space<vmem>> -> memref<128xi32, #tpu.memory_space<vmem>>
        %dma_wait3A_1635 = arith.constant 0 : i32
        %dma_wait3A_1636 = arith.constant 0 : i32
        %dma_wait3A_1637 = tpu.memref_slice %arg12[%dma_wait3A_1635, %dma_wait3A_1636] : memref<10240x128xf32, #tpu.memory_space<vmem_shared>> -> memref<10240x128xf32, #tpu.memory_space<vmem_shared>>
        tpu.wait_indirect_dma semaphore(%run_scoped3A_1625 : memref<!tpu.dma_semaphore, #tpu.memory_space<semaphore_mem>>) src(%arg9 : memref<128x128xf32, #tpu.memory_space<vmem>>) dst(%dma_wait3A_1637 : memref<10240x128xf32, #tpu.memory_space<vmem_shared>>)
        tpu.yield
      }) : () -> ()
      %add3A_1599 = arith.constant 2 : i32
      %add3A_1600 = arith.addi %mul3A_1592, %add3A_1599 : i32
      %dma_start3A_1601 = arith.constant 0 : i32
      %dma_start3A_1602 = tpu.memref_slice %arg7[%add3A_1600, %dma_start3A_1601] : memref<16x128xi32, #tpu.memory_space<vmem>> -> memref<1x128xi32, #tpu.memory_space<vmem>>
      %dma_start3A_1603 = tpu.memref_squeeze %dma_start3A_1602 : memref<1x128xi32, #tpu.memory_space<vmem>> -> memref<128xi32, #tpu.memory_space<vmem>>
      %dma_start3A_1604 = arith.constant 0 : i32
      %dma_start3A_1605 = arith.constant 0 : i32
      %dma_start3A_1606 = tpu.memref_slice %arg4[%dma_start3A_1604, %dma_start3A_1605] : memref<10240x128xf32, #tpu.memory_space<hbm>> -> memref<10240x128xf32, #tpu.memory_space<hbm>>
      tpu.enqueue_indirect_dma source(%dma_start3A_1606 : memref<10240x128xf32, #tpu.memory_space<hbm>>) target(%arg9 : memref<128x128xf32, #tpu.memory_space<vmem>>) offsets(%dma_start3A_1603 : memref<128xi32, #tpu.memory_space<vmem>>) semaphore(%arg13 : memref<!tpu.dma_semaphore, #tpu.memory_space<semaphore_mem>>)
      %add3A_1607 = arith.constant 1 : i32
      %add3A_1608 = arith.addi %mul3A_1592, %add3A_1607 : i32
      %dma_wait3A_1609 = arith.constant 0 : i32
      %dma_wait3A_1610 = tpu.memref_slice %arg7[%add3A_1608, %dma_wait3A_1609] : memref<16x128xi32, #tpu.memory_space<vmem>> -> memref<1x128xi32, #tpu.memory_space<vmem>>
      %dma_wait3A_1611 = tpu.memref_squeeze %dma_wait3A_1610 : memref<1x128xi32, #tpu.memory_space<vmem>> -> memref<128xi32, #tpu.memory_space<vmem>>
      %dma_wait3A_1612 = arith.constant 0 : i32
      %dma_wait3A_1613 = arith.constant 0 : i32
      %dma_wait3A_1614 = tpu.memref_slice %arg4[%dma_wait3A_1612, %dma_wait3A_1613] : memref<10240x128xf32, #tpu.memory_space<hbm>> -> memref<10240x128xf32, #tpu.memory_space<hbm>>
      tpu.wait_indirect_dma semaphore(%arg14 : memref<!tpu.dma_semaphore, #tpu.memory_space<semaphore_mem>>) src(%dma_wait3A_1614 : memref<10240x128xf32, #tpu.memory_space<hbm>>) dst(%arg10 : memref<128x128xf32, #tpu.memory_space<vmem>>)
      %add3A_1615 = arith.constant 1 : i32
      %add3A_1616 = arith.addi %mul3A_1592, %add3A_1615 : i32
      "tpu.region"() ({
        %run_scoped3A_1625 = tpu.sem_alloc : memref<!tpu.dma_semaphore, #tpu.memory_space<semaphore_mem>>
        %dma_start3A_1626 = arith.constant 0 : i32
        %dma_start3A_1627 = tpu.memref_slice %arg8[%add3A_1616, %dma_start3A_1626] : memref<16x128xi32, #tpu.memory_space<vmem>> -> memref<1x128xi32, #tpu.memory_space<vmem>>
        %dma_start3A_1628 = tpu.memref_squeeze %dma_start3A_1627 : memref<1x128xi32, #tpu.memory_space<vmem>> -> memref<128xi32, #tpu.memory_space<vmem>>
        %dma_start3A_1629 = arith.constant 0 : i32
        %dma_start3A_1630 = arith.constant 0 : i32
        %dma_start3A_1631 = tpu.memref_slice %arg12[%dma_start3A_1629, %dma_start3A_1630] : memref<10240x128xf32, #tpu.memory_space<vmem_shared>> -> memref<10240x128xf32, #tpu.memory_space<vmem_shared>>
        tpu.enqueue_indirect_dma source(%arg10 : memref<128x128xf32, #tpu.memory_space<vmem>>) target(%dma_start3A_1631 : memref<10240x128xf32, #tpu.memory_space<vmem_shared>>) offsets(%dma_start3A_1628 : memref<128xi32, #tpu.memory_space<vmem>>) semaphore(%run_scoped3A_1625 : memref<!tpu.dma_semaphore, #tpu.memory_space<semaphore_mem>>) {add = true}
        %dma_wait3A_1632 = arith.constant 0 : i32
        %dma_wait3A_1633 = tpu.memref_slice %arg8[%add3A_1616, %dma_wait3A_1632] : memref<16x128xi32, #tpu.memory_space<vmem>> -> memref<1x128xi32, #tpu.memory_space<vmem>>
        %dma_wait3A_1634 = tpu.memref_squeeze %dma_wait3A_1633 : memref<1x128xi32, #tpu.memory_space<vmem>> -> memref<128xi32, #tpu.memory_space<vmem>>
        %dma_wait3A_1635 = arith.constant 0 : i32
        %dma_wait3A_1636 = arith.constant 0 : i32
        %dma_wait3A_1637 = tpu.memref_slice %arg12[%dma_wait3A_1635, %dma_wait3A_1636] : memref<10240x128xf32, #tpu.memory_space<vmem_shared>> -> memref<10240x128xf32, #tpu.memory_space<vmem_shared>>
        tpu.wait_indirect_dma semaphore(%run_scoped3A_1625 : memref<!tpu.dma_semaphore, #tpu.memory_space<semaphore_mem>>) src(%arg10 : memref<128x128xf32, #tpu.memory_space<vmem>>) dst(%dma_wait3A_1637 : memref<10240x128xf32, #tpu.memory_space<vmem_shared>>)
        tpu.yield
      }) : () -> ()
      %add3A_1617 = arith.constant 3 : i32
      %add3A_1618 = arith.addi %mul3A_1592, %add3A_1617 : i32
      %dma_start3A_1619 = arith.constant 0 : i32
      %dma_start3A_1620 = tpu.memref_slice %arg7[%add3A_1618, %dma_start3A_1619] : memref<16x128xi32, #tpu.memory_space<vmem>> -> memref<1x128xi32, #tpu.memory_space<vmem>>
      %dma_start3A_1621 = tpu.memref_squeeze %dma_start3A_1620 : memref<1x128xi32, #tpu.memory_space<vmem>> -> memref<128xi32, #tpu.memory_space<vmem>>
      %dma_start3A_1622 = arith.constant 0 : i32
      %dma_start3A_1623 = arith.constant 0 : i32
      %dma_start3A_1624 = tpu.memref_slice %arg4[%dma_start3A_1622, %dma_start3A_1623] : memref<10240x128xf32, #tpu.memory_space<hbm>> -> memref<10240x128xf32, #tpu.memory_space<hbm>>
      tpu.enqueue_indirect_dma source(%dma_start3A_1624 : memref<10240x128xf32, #tpu.memory_space<hbm>>) target(%arg10 : memref<128x128xf32, #tpu.memory_space<vmem>>) offsets(%dma_start3A_1621 : memref<128xi32, #tpu.memory_space<vmem>>) semaphore(%arg14 : memref<!tpu.dma_semaphore, #tpu.memory_space<semaphore_mem>>)
    }
    %scan3A_1458 = arith.constant 7 : i32
    %dma_wait3A_1459 = arith.constant 14 : i32
    %dma_wait3A_1460 = arith.constant 0 : i32
    %dma_wait3A_1461 = tpu.memref_slice %arg7[%dma_wait3A_1459, %dma_wait3A_1460] : memref<16x128xi32, #tpu.memory_space<vmem>> -> memref<1x128xi32, #tpu.memory_space<vmem>>
    %dma_wait3A_1462 = tpu.memref_squeeze %dma_wait3A_1461 : memref<1x128xi32, #tpu.memory_space<vmem>> -> memref<128xi32, #tpu.memory_space<vmem>>
    %dma_wait3A_1463 = arith.constant 0 : i32
    %dma_wait3A_1464 = arith.constant 0 : i32
    %dma_wait3A_1465 = tpu.memref_slice %arg4[%dma_wait3A_1463, %dma_wait3A_1464] : memref<10240x128xf32, #tpu.memory_space<hbm>> -> memref<10240x128xf32, #tpu.memory_space<hbm>>
    tpu.wait_indirect_dma semaphore(%arg13 : memref<!tpu.dma_semaphore, #tpu.memory_space<semaphore_mem>>) src(%dma_wait3A_1465 : memref<10240x128xf32, #tpu.memory_space<hbm>>) dst(%arg9 : memref<128x128xf32, #tpu.memory_space<vmem>>)
    %run_scoped3A_1466 = arith.constant 14 : i32
    "tpu.region"() ({
      %run_scoped3A_1590 = tpu.sem_alloc : memref<!tpu.dma_semaphore, #tpu.memory_space<semaphore_mem>>
      %dma_start3A_1591 = arith.constant 0 : i32
      %dma_start3A_1592 = tpu.memref_slice %arg8[%run_scoped3A_1466, %dma_start3A_1591] : memref<16x128xi32, #tpu.memory_space<vmem>> -> memref<1x128xi32, #tpu.memory_space<vmem>>
      %dma_start3A_1593 = tpu.memref_squeeze %dma_start3A_1592 : memref<1x128xi32, #tpu.memory_space<vmem>> -> memref<128xi32, #tpu.memory_space<vmem>>
      %dma_start3A_1594 = arith.constant 0 : i32
      %dma_start3A_1595 = arith.constant 0 : i32
      %dma_start3A_1596 = tpu.memref_slice %arg12[%dma_start3A_1594, %dma_start3A_1595] : memref<10240x128xf32, #tpu.memory_space<vmem_shared>> -> memref<10240x128xf32, #tpu.memory_space<vmem_shared>>
      tpu.enqueue_indirect_dma source(%arg9 : memref<128x128xf32, #tpu.memory_space<vmem>>) target(%dma_start3A_1596 : memref<10240x128xf32, #tpu.memory_space<vmem_shared>>) offsets(%dma_start3A_1593 : memref<128xi32, #tpu.memory_space<vmem>>) semaphore(%run_scoped3A_1590 : memref<!tpu.dma_semaphore, #tpu.memory_space<semaphore_mem>>) {add = true}
      %dma_wait3A_1597 = arith.constant 0 : i32
      %dma_wait3A_1598 = tpu.memref_slice %arg8[%run_scoped3A_1466, %dma_wait3A_1597] : memref<16x128xi32, #tpu.memory_space<vmem>> -> memref<1x128xi32, #tpu.memory_space<vmem>>
      %dma_wait3A_1599 = tpu.memref_squeeze %dma_wait3A_1598 : memref<1x128xi32, #tpu.memory_space<vmem>> -> memref<128xi32, #tpu.memory_space<vmem>>
      %dma_wait3A_1600 = arith.constant 0 : i32
      %dma_wait3A_1601 = arith.constant 0 : i32
      %dma_wait3A_1602 = tpu.memref_slice %arg12[%dma_wait3A_1600, %dma_wait3A_1601] : memref<10240x128xf32, #tpu.memory_space<vmem_shared>> -> memref<10240x128xf32, #tpu.memory_space<vmem_shared>>
      tpu.wait_indirect_dma semaphore(%run_scoped3A_1590 : memref<!tpu.dma_semaphore, #tpu.memory_space<semaphore_mem>>) src(%arg9 : memref<128x128xf32, #tpu.memory_space<vmem>>) dst(%dma_wait3A_1602 : memref<10240x128xf32, #tpu.memory_space<vmem_shared>>)
      tpu.yield
    }) : () -> ()
    %dma_wait3A_1467 = arith.constant 15 : i32
    %dma_wait3A_1468 = arith.constant 0 : i32
    %dma_wait3A_1469 = tpu.memref_slice %arg7[%dma_wait3A_1467, %dma_wait3A_1468] : memref<16x128xi32, #tpu.memory_space<vmem>> -> memref<1x128xi32, #tpu.memory_space<vmem>>
    %dma_wait3A_1470 = tpu.memref_squeeze %dma_wait3A_1469 : memref<1x128xi32, #tpu.memory_space<vmem>> -> memref<128xi32, #tpu.memory_space<vmem>>
    %dma_wait3A_1471 = arith.constant 0 : i32
    %dma_wait3A_1472 = arith.constant 0 : i32
    %dma_wait3A_1473 = tpu.memref_slice %arg4[%dma_wait3A_1471, %dma_wait3A_1472] : memref<10240x128xf32, #tpu.memory_space<hbm>> -> memref<10240x128xf32, #tpu.memory_space<hbm>>
    tpu.wait_indirect_dma semaphore(%arg14 : memref<!tpu.dma_semaphore, #tpu.memory_space<semaphore_mem>>) src(%dma_wait3A_1473 : memref<10240x128xf32, #tpu.memory_space<hbm>>) dst(%arg10 : memref<128x128xf32, #tpu.memory_space<vmem>>)
    %run_scoped3A_1474 = arith.constant 15 : i32
    "tpu.region"() ({
      %run_scoped3A_1590 = tpu.sem_alloc : memref<!tpu.dma_semaphore, #tpu.memory_space<semaphore_mem>>
      %dma_start3A_1591 = arith.constant 0 : i32
      %dma_start3A_1592 = tpu.memref_slice %arg8[%run_scoped3A_1474, %dma_start3A_1591] : memref<16x128xi32, #tpu.memory_space<vmem>> -> memref<1x128xi32, #tpu.memory_space<vmem>>
      %dma_start3A_1593 = tpu.memref_squeeze %dma_start3A_1592 : memref<1x128xi32, #tpu.memory_space<vmem>> -> memref<128xi32, #tpu.memory_space<vmem>>
      %dma_start3A_1594 = arith.constant 0 : i32
      %dma_start3A_1595 = arith.constant 0 : i32
      %dma_start3A_1596 = tpu.memref_slice %arg12[%dma_start3A_1594, %dma_start3A_1595] : memref<10240x128xf32, #tpu.memory_space<vmem_shared>> -> memref<10240x128xf32, #tpu.memory_space<vmem_shared>>
      tpu.enqueue_indirect_dma source(%arg10 : memref<128x128xf32, #tpu.memory_space<vmem>>) target(%dma_start3A_1596 : memref<10240x128xf32, #tpu.memory_space<vmem_shared>>) offsets(%dma_start3A_1593 : memref<128xi32, #tpu.memory_space<vmem>>) semaphore(%run_scoped3A_1590 : memref<!tpu.dma_semaphore, #tpu.memory_space<semaphore_mem>>) {add = true}
      %dma_wait3A_1597 = arith.constant 0 : i32
      %dma_wait3A_1598 = tpu.memref_slice %arg8[%run_scoped3A_1474, %dma_wait3A_1597] : memref<16x128xi32, #tpu.memory_space<vmem>> -> memref<1x128xi32, #tpu.memory_space<vmem>>
      %dma_wait3A_1599 = tpu.memref_squeeze %dma_wait3A_1598 : memref<1x128xi32, #tpu.memory_space<vmem>> -> memref<128xi32, #tpu.memory_space<vmem>>
      %dma_wait3A_1600 = arith.constant 0 : i32
      %dma_wait3A_1601 = arith.constant 0 : i32
      %dma_wait3A_1602 = tpu.memref_slice %arg12[%dma_wait3A_1600, %dma_wait3A_1601] : memref<10240x128xf32, #tpu.memory_space<vmem_shared>> -> memref<10240x128xf32, #tpu.memory_space<vmem_shared>>
      tpu.wait_indirect_dma semaphore(%run_scoped3A_1590 : memref<!tpu.dma_semaphore, #tpu.memory_space<semaphore_mem>>) src(%arg10 : memref<128x128xf32, #tpu.memory_space<vmem>>) dst(%dma_wait3A_1602 : memref<10240x128xf32, #tpu.memory_space<vmem_shared>>)
      tpu.yield
    }) : () -> ()
    "tpu.region"() ({
      %run_scoped3A_1590 = tpu.sem_alloc : memref<!tpu.dma_semaphore, #tpu.memory_space<semaphore_mem>>
      %dma_start3A_1591 = arith.constant 32 : i32
      %dma_start3A_1592 = arith.constant 0 : i32
      %dma_start3A_1593 = tpu.memref_slice %arg2[%add3A, %dma_start3A_1591, %dma_start3A_1592] : memref<32x80x128xi32, #tpu.memory_space<hbm>> -> memref<1x16x128xi32, #tpu.memory_space<hbm>>
      %dma_start3A_1594 = tpu.memref_squeeze %dma_start3A_1593 : memref<1x16x128xi32, #tpu.memory_space<hbm>> -> memref<16x128xi32, #tpu.memory_space<hbm>>
      %dma_start3A_1595 = arith.constant 32 : i32
      %dma_start3A_1596 = arith.constant 0 : i32
      %dma_start3A_1597 = tpu.memref_slice %arg2[%add3A, %dma_start3A_1595, %dma_start3A_1596] : memref<32x80x128xi32, #tpu.memory_space<hbm>> -> memref<1x16x128xi32, #tpu.memory_space<hbm>>
      %dma_start3A_1598 = tpu.memref_squeeze %dma_start3A_1597 : memref<1x16x128xi32, #tpu.memory_space<hbm>> -> memref<16x128xi32, #tpu.memory_space<hbm>>
      tpu.enqueue_dma source(%dma_start3A_1598 : memref<16x128xi32, #tpu.memory_space<hbm>>) target(%arg7 : memref<16x128xi32, #tpu.memory_space<vmem>>) target_semaphore(%run_scoped3A_1590 : memref<!tpu.dma_semaphore, #tpu.memory_space<semaphore_mem>>)
      %dma_wait3A_1599 = arith.constant 32 : i32
      %dma_wait3A_1600 = arith.constant 0 : i32
      %dma_wait3A_1601 = tpu.memref_slice %arg2[%add3A, %dma_wait3A_1599, %dma_wait3A_1600] : memref<32x80x128xi32, #tpu.memory_space<hbm>> -> memref<1x16x128xi32, #tpu.memory_space<hbm>>
      %dma_wait3A_1602 = tpu.memref_squeeze %dma_wait3A_1601 : memref<1x16x128xi32, #tpu.memory_space<hbm>> -> memref<16x128xi32, #tpu.memory_space<hbm>>
      %dma_wait3A_1603 = arith.constant 32 : i32
      %dma_wait3A_1604 = arith.constant 0 : i32
      %dma_wait3A_1605 = tpu.memref_slice %arg2[%add3A, %dma_wait3A_1603, %dma_wait3A_1604] : memref<32x80x128xi32, #tpu.memory_space<hbm>> -> memref<1x16x128xi32, #tpu.memory_space<hbm>>
      %dma_wait3A_1606 = tpu.memref_squeeze %dma_wait3A_1605 : memref<1x16x128xi32, #tpu.memory_space<hbm>> -> memref<16x128xi32, #tpu.memory_space<hbm>>
      tpu.wait_dma2 semaphore(%run_scoped3A_1590 : memref<!tpu.dma_semaphore, #tpu.memory_space<semaphore_mem>>) src(%dma_wait3A_1606 : memref<16x128xi32, #tpu.memory_space<hbm>>) dst(%arg7 : memref<16x128xi32, #tpu.memory_space<vmem>>)
      tpu.yield
    }) : () -> ()
    "tpu.region"() ({
      %run_scoped3A_1590 = tpu.sem_alloc : memref<!tpu.dma_semaphore, #tpu.memory_space<semaphore_mem>>
      %dma_start3A_1591 = arith.constant 32 : i32
      %dma_start3A_1592 = arith.constant 0 : i32
      %dma_start3A_1593 = tpu.memref_slice %arg3[%add3A, %dma_start3A_1591, %dma_start3A_1592] : memref<32x80x128xi32, #tpu.memory_space<hbm>> -> memref<1x16x128xi32, #tpu.memory_space<hbm>>
      %dma_start3A_1594 = tpu.memref_squeeze %dma_start3A_1593 : memref<1x16x128xi32, #tpu.memory_space<hbm>> -> memref<16x128xi32, #tpu.memory_space<hbm>>
      %dma_start3A_1595 = arith.constant 32 : i32
      %dma_start3A_1596 = arith.constant 0 : i32
      %dma_start3A_1597 = tpu.memref_slice %arg3[%add3A, %dma_start3A_1595, %dma_start3A_1596] : memref<32x80x128xi32, #tpu.memory_space<hbm>> -> memref<1x16x128xi32, #tpu.memory_space<hbm>>
      %dma_start3A_1598 = tpu.memref_squeeze %dma_start3A_1597 : memref<1x16x128xi32, #tpu.memory_space<hbm>> -> memref<16x128xi32, #tpu.memory_space<hbm>>
      tpu.enqueue_dma source(%dma_start3A_1598 : memref<16x128xi32, #tpu.memory_space<hbm>>) target(%arg8 : memref<16x128xi32, #tpu.memory_space<vmem>>) target_semaphore(%run_scoped3A_1590 : memref<!tpu.dma_semaphore, #tpu.memory_space<semaphore_mem>>)
      %dma_wait3A_1599 = arith.constant 32 : i32
      %dma_wait3A_1600 = arith.constant 0 : i32
      %dma_wait3A_1601 = tpu.memref_slice %arg3[%add3A, %dma_wait3A_1599, %dma_wait3A_1600] : memref<32x80x128xi32, #tpu.memory_space<hbm>> -> memref<1x16x128xi32, #tpu.memory_space<hbm>>
      %dma_wait3A_1602 = tpu.memref_squeeze %dma_wait3A_1601 : memref<1x16x128xi32, #tpu.memory_space<hbm>> -> memref<16x128xi32, #tpu.memory_space<hbm>>
      %dma_wait3A_1603 = arith.constant 32 : i32
      %dma_wait3A_1604 = arith.constant 0 : i32
      %dma_wait3A_1605 = tpu.memref_slice %arg3[%add3A, %dma_wait3A_1603, %dma_wait3A_1604] : memref<32x80x128xi32, #tpu.memory_space<hbm>> -> memref<1x16x128xi32, #tpu.memory_space<hbm>>
      %dma_wait3A_1606 = tpu.memref_squeeze %dma_wait3A_1605 : memref<1x16x128xi32, #tpu.memory_space<hbm>> -> memref<16x128xi32, #tpu.memory_space<hbm>>
      tpu.wait_dma2 semaphore(%run_scoped3A_1590 : memref<!tpu.dma_semaphore, #tpu.memory_space<semaphore_mem>>) src(%dma_wait3A_1606 : memref<16x128xi32, #tpu.memory_space<hbm>>) dst(%arg8 : memref<16x128xi32, #tpu.memory_space<vmem>>)
      tpu.yield
    }) : () -> ()
    %dma_start3A_1475 = arith.constant 0 : i32
    %dma_start3A_1476 = arith.constant 0 : i32
    %dma_start3A_1477 = tpu.memref_slice %arg7[%dma_start3A_1475, %dma_start3A_1476] : memref<16x128xi32, #tpu.memory_space<vmem>> -> memref<1x128xi32, #tpu.memory_space<vmem>>
    %dma_start3A_1478 = tpu.memref_squeeze %dma_start3A_1477 : memref<1x128xi32, #tpu.memory_space<vmem>> -> memref<128xi32, #tpu.memory_space<vmem>>
    %dma_start3A_1479 = arith.constant 0 : i32
    %dma_start3A_1480 = arith.constant 0 : i32
    %dma_start3A_1481 = tpu.memref_slice %arg4[%dma_start3A_1479, %dma_start3A_1480] : memref<10240x128xf32, #tpu.memory_space<hbm>> -> memref<10240x128xf32, #tpu.memory_space<hbm>>
    tpu.enqueue_indirect_dma source(%dma_start3A_1481 : memref<10240x128xf32, #tpu.memory_space<hbm>>) target(%arg9 : memref<128x128xf32, #tpu.memory_space<vmem>>) offsets(%dma_start3A_1478 : memref<128xi32, #tpu.memory_space<vmem>>) semaphore(%arg13 : memref<!tpu.dma_semaphore, #tpu.memory_space<semaphore_mem>>)
    %dma_start3A_1482 = arith.constant 1 : i32
    %dma_start3A_1483 = arith.constant 0 : i32
    %dma_start3A_1484 = tpu.memref_slice %arg7[%dma_start3A_1482, %dma_start3A_1483] : memref<16x128xi32, #tpu.memory_space<vmem>> -> memref<1x128xi32, #tpu.memory_space<vmem>>
    %dma_start3A_1485 = tpu.memref_squeeze %dma_start3A_1484 : memref<1x128xi32, #tpu.memory_space<vmem>> -> memref<128xi32, #tpu.memory_space<vmem>>
    %dma_start3A_1486 = arith.constant 0 : i32
    %dma_start3A_1487 = arith.constant 0 : i32
    %dma_start3A_1488 = tpu.memref_slice %arg4[%dma_start3A_1486, %dma_start3A_1487] : memref<10240x128xf32, #tpu.memory_space<hbm>> -> memref<10240x128xf32, #tpu.memory_space<hbm>>
    tpu.enqueue_indirect_dma source(%dma_start3A_1488 : memref<10240x128xf32, #tpu.memory_space<hbm>>) target(%arg10 : memref<128x128xf32, #tpu.memory_space<vmem>>) offsets(%dma_start3A_1485 : memref<128xi32, #tpu.memory_space<vmem>>) semaphore(%arg14 : memref<!tpu.dma_semaphore, #tpu.memory_space<semaphore_mem>>)
    %scan3A_1489 = arith.constant 0 : i32
    %scan3A_1490 = arith.constant 7 : i32
    %scan3A_1491 = arith.addi %scan3A_1489, %scan3A_1490 : i32
    %scan3A_1492 = arith.constant 1 : i32
    scf.for %scan3A_1590 = %scan3A_1489 to %scan3A_1491 step %scan3A_1492  : i32 {
      %mul3A_1591 = arith.constant 2 : i32
      %mul3A_1592 = arith.muli %mul3A_1591, %scan3A_1590 : i32
      %dma_wait3A_1593 = arith.constant 0 : i32
      %dma_wait3A_1594 = tpu.memref_slice %arg7[%mul3A_1592, %dma_wait3A_1593] : memref<16x128xi32, #tpu.memory_space<vmem>> -> memref<1x128xi32, #tpu.memory_space<vmem>>
      %dma_wait3A_1595 = tpu.memref_squeeze %dma_wait3A_1594 : memref<1x128xi32, #tpu.memory_space<vmem>> -> memref<128xi32, #tpu.memory_space<vmem>>
      %dma_wait3A_1596 = arith.constant 0 : i32
      %dma_wait3A_1597 = arith.constant 0 : i32
      %dma_wait3A_1598 = tpu.memref_slice %arg4[%dma_wait3A_1596, %dma_wait3A_1597] : memref<10240x128xf32, #tpu.memory_space<hbm>> -> memref<10240x128xf32, #tpu.memory_space<hbm>>
      tpu.wait_indirect_dma semaphore(%arg13 : memref<!tpu.dma_semaphore, #tpu.memory_space<semaphore_mem>>) src(%dma_wait3A_1598 : memref<10240x128xf32, #tpu.memory_space<hbm>>) dst(%arg9 : memref<128x128xf32, #tpu.memory_space<vmem>>)
      "tpu.region"() ({
        %run_scoped3A_1625 = tpu.sem_alloc : memref<!tpu.dma_semaphore, #tpu.memory_space<semaphore_mem>>
        %dma_start3A_1626 = arith.constant 0 : i32
        %dma_start3A_1627 = tpu.memref_slice %arg8[%mul3A_1592, %dma_start3A_1626] : memref<16x128xi32, #tpu.memory_space<vmem>> -> memref<1x128xi32, #tpu.memory_space<vmem>>
        %dma_start3A_1628 = tpu.memref_squeeze %dma_start3A_1627 : memref<1x128xi32, #tpu.memory_space<vmem>> -> memref<128xi32, #tpu.memory_space<vmem>>
        %dma_start3A_1629 = arith.constant 0 : i32
        %dma_start3A_1630 = arith.constant 0 : i32
        %dma_start3A_1631 = tpu.memref_slice %arg12[%dma_start3A_1629, %dma_start3A_1630] : memref<10240x128xf32, #tpu.memory_space<vmem_shared>> -> memref<10240x128xf32, #tpu.memory_space<vmem_shared>>
        tpu.enqueue_indirect_dma source(%arg9 : memref<128x128xf32, #tpu.memory_space<vmem>>) target(%dma_start3A_1631 : memref<10240x128xf32, #tpu.memory_space<vmem_shared>>) offsets(%dma_start3A_1628 : memref<128xi32, #tpu.memory_space<vmem>>) semaphore(%run_scoped3A_1625 : memref<!tpu.dma_semaphore, #tpu.memory_space<semaphore_mem>>) {add = true}
        %dma_wait3A_1632 = arith.constant 0 : i32
        %dma_wait3A_1633 = tpu.memref_slice %arg8[%mul3A_1592, %dma_wait3A_1632] : memref<16x128xi32, #tpu.memory_space<vmem>> -> memref<1x128xi32, #tpu.memory_space<vmem>>
        %dma_wait3A_1634 = tpu.memref_squeeze %dma_wait3A_1633 : memref<1x128xi32, #tpu.memory_space<vmem>> -> memref<128xi32, #tpu.memory_space<vmem>>
        %dma_wait3A_1635 = arith.constant 0 : i32
        %dma_wait3A_1636 = arith.constant 0 : i32
        %dma_wait3A_1637 = tpu.memref_slice %arg12[%dma_wait3A_1635, %dma_wait3A_1636] : memref<10240x128xf32, #tpu.memory_space<vmem_shared>> -> memref<10240x128xf32, #tpu.memory_space<vmem_shared>>
        tpu.wait_indirect_dma semaphore(%run_scoped3A_1625 : memref<!tpu.dma_semaphore, #tpu.memory_space<semaphore_mem>>) src(%arg9 : memref<128x128xf32, #tpu.memory_space<vmem>>) dst(%dma_wait3A_1637 : memref<10240x128xf32, #tpu.memory_space<vmem_shared>>)
        tpu.yield
      }) : () -> ()
      %add3A_1599 = arith.constant 2 : i32
      %add3A_1600 = arith.addi %mul3A_1592, %add3A_1599 : i32
      %dma_start3A_1601 = arith.constant 0 : i32
      %dma_start3A_1602 = tpu.memref_slice %arg7[%add3A_1600, %dma_start3A_1601] : memref<16x128xi32, #tpu.memory_space<vmem>> -> memref<1x128xi32, #tpu.memory_space<vmem>>
      %dma_start3A_1603 = tpu.memref_squeeze %dma_start3A_1602 : memref<1x128xi32, #tpu.memory_space<vmem>> -> memref<128xi32, #tpu.memory_space<vmem>>
      %dma_start3A_1604 = arith.constant 0 : i32
      %dma_start3A_1605 = arith.constant 0 : i32
      %dma_start3A_1606 = tpu.memref_slice %arg4[%dma_start3A_1604, %dma_start3A_1605] : memref<10240x128xf32, #tpu.memory_space<hbm>> -> memref<10240x128xf32, #tpu.memory_space<hbm>>
      tpu.enqueue_indirect_dma source(%dma_start3A_1606 : memref<10240x128xf32, #tpu.memory_space<hbm>>) target(%arg9 : memref<128x128xf32, #tpu.memory_space<vmem>>) offsets(%dma_start3A_1603 : memref<128xi32, #tpu.memory_space<vmem>>) semaphore(%arg13 : memref<!tpu.dma_semaphore, #tpu.memory_space<semaphore_mem>>)
      %add3A_1607 = arith.constant 1 : i32
      %add3A_1608 = arith.addi %mul3A_1592, %add3A_1607 : i32
      %dma_wait3A_1609 = arith.constant 0 : i32
      %dma_wait3A_1610 = tpu.memref_slice %arg7[%add3A_1608, %dma_wait3A_1609] : memref<16x128xi32, #tpu.memory_space<vmem>> -> memref<1x128xi32, #tpu.memory_space<vmem>>
      %dma_wait3A_1611 = tpu.memref_squeeze %dma_wait3A_1610 : memref<1x128xi32, #tpu.memory_space<vmem>> -> memref<128xi32, #tpu.memory_space<vmem>>
      %dma_wait3A_1612 = arith.constant 0 : i32
      %dma_wait3A_1613 = arith.constant 0 : i32
      %dma_wait3A_1614 = tpu.memref_slice %arg4[%dma_wait3A_1612, %dma_wait3A_1613] : memref<10240x128xf32, #tpu.memory_space<hbm>> -> memref<10240x128xf32, #tpu.memory_space<hbm>>
      tpu.wait_indirect_dma semaphore(%arg14 : memref<!tpu.dma_semaphore, #tpu.memory_space<semaphore_mem>>) src(%dma_wait3A_1614 : memref<10240x128xf32, #tpu.memory_space<hbm>>) dst(%arg10 : memref<128x128xf32, #tpu.memory_space<vmem>>)
      %add3A_1615 = arith.constant 1 : i32
      %add3A_1616 = arith.addi %mul3A_1592, %add3A_1615 : i32
      "tpu.region"() ({
        %run_scoped3A_1625 = tpu.sem_alloc : memref<!tpu.dma_semaphore, #tpu.memory_space<semaphore_mem>>
        %dma_start3A_1626 = arith.constant 0 : i32
        %dma_start3A_1627 = tpu.memref_slice %arg8[%add3A_1616, %dma_start3A_1626] : memref<16x128xi32, #tpu.memory_space<vmem>> -> memref<1x128xi32, #tpu.memory_space<vmem>>
        %dma_start3A_1628 = tpu.memref_squeeze %dma_start3A_1627 : memref<1x128xi32, #tpu.memory_space<vmem>> -> memref<128xi32, #tpu.memory_space<vmem>>
        %dma_start3A_1629 = arith.constant 0 : i32
        %dma_start3A_1630 = arith.constant 0 : i32
        %dma_start3A_1631 = tpu.memref_slice %arg12[%dma_start3A_1629, %dma_start3A_1630] : memref<10240x128xf32, #tpu.memory_space<vmem_shared>> -> memref<10240x128xf32, #tpu.memory_space<vmem_shared>>
        tpu.enqueue_indirect_dma source(%arg10 : memref<128x128xf32, #tpu.memory_space<vmem>>) target(%dma_start3A_1631 : memref<10240x128xf32, #tpu.memory_space<vmem_shared>>) offsets(%dma_start3A_1628 : memref<128xi32, #tpu.memory_space<vmem>>) semaphore(%run_scoped3A_1625 : memref<!tpu.dma_semaphore, #tpu.memory_space<semaphore_mem>>) {add = true}
        %dma_wait3A_1632 = arith.constant 0 : i32
        %dma_wait3A_1633 = tpu.memref_slice %arg8[%add3A_1616, %dma_wait3A_1632] : memref<16x128xi32, #tpu.memory_space<vmem>> -> memref<1x128xi32, #tpu.memory_space<vmem>>
        %dma_wait3A_1634 = tpu.memref_squeeze %dma_wait3A_1633 : memref<1x128xi32, #tpu.memory_space<vmem>> -> memref<128xi32, #tpu.memory_space<vmem>>
        %dma_wait3A_1635 = arith.constant 0 : i32
        %dma_wait3A_1636 = arith.constant 0 : i32
        %dma_wait3A_1637 = tpu.memref_slice %arg12[%dma_wait3A_1635, %dma_wait3A_1636] : memref<10240x128xf32, #tpu.memory_space<vmem_shared>> -> memref<10240x128xf32, #tpu.memory_space<vmem_shared>>
        tpu.wait_indirect_dma semaphore(%run_scoped3A_1625 : memref<!tpu.dma_semaphore, #tpu.memory_space<semaphore_mem>>) src(%arg10 : memref<128x128xf32, #tpu.memory_space<vmem>>) dst(%dma_wait3A_1637 : memref<10240x128xf32, #tpu.memory_space<vmem_shared>>)
        tpu.yield
      }) : () -> ()
      %add3A_1617 = arith.constant 3 : i32
      %add3A_1618 = arith.addi %mul3A_1592, %add3A_1617 : i32
      %dma_start3A_1619 = arith.constant 0 : i32
      %dma_start3A_1620 = tpu.memref_slice %arg7[%add3A_1618, %dma_start3A_1619] : memref<16x128xi32, #tpu.memory_space<vmem>> -> memref<1x128xi32, #tpu.memory_space<vmem>>
      %dma_start3A_1621 = tpu.memref_squeeze %dma_start3A_1620 : memref<1x128xi32, #tpu.memory_space<vmem>> -> memref<128xi32, #tpu.memory_space<vmem>>
      %dma_start3A_1622 = arith.constant 0 : i32
      %dma_start3A_1623 = arith.constant 0 : i32
      %dma_start3A_1624 = tpu.memref_slice %arg4[%dma_start3A_1622, %dma_start3A_1623] : memref<10240x128xf32, #tpu.memory_space<hbm>> -> memref<10240x128xf32, #tpu.memory_space<hbm>>
      tpu.enqueue_indirect_dma source(%dma_start3A_1624 : memref<10240x128xf32, #tpu.memory_space<hbm>>) target(%arg10 : memref<128x128xf32, #tpu.memory_space<vmem>>) offsets(%dma_start3A_1621 : memref<128xi32, #tpu.memory_space<vmem>>) semaphore(%arg14 : memref<!tpu.dma_semaphore, #tpu.memory_space<semaphore_mem>>)
    }
    %scan3A_1493 = arith.constant 7 : i32
    %dma_wait3A_1494 = arith.constant 14 : i32
    %dma_wait3A_1495 = arith.constant 0 : i32
    %dma_wait3A_1496 = tpu.memref_slice %arg7[%dma_wait3A_1494, %dma_wait3A_1495] : memref<16x128xi32, #tpu.memory_space<vmem>> -> memref<1x128xi32, #tpu.memory_space<vmem>>
    %dma_wait3A_1497 = tpu.memref_squeeze %dma_wait3A_1496 : memref<1x128xi32, #tpu.memory_space<vmem>> -> memref<128xi32, #tpu.memory_space<vmem>>
    %dma_wait3A_1498 = arith.constant 0 : i32
    %dma_wait3A_1499 = arith.constant 0 : i32
    %dma_wait3A_1500 = tpu.memref_slice %arg4[%dma_wait3A_1498, %dma_wait3A_1499] : memref<10240x128xf32, #tpu.memory_space<hbm>> -> memref<10240x128xf32, #tpu.memory_space<hbm>>
    tpu.wait_indirect_dma semaphore(%arg13 : memref<!tpu.dma_semaphore, #tpu.memory_space<semaphore_mem>>) src(%dma_wait3A_1500 : memref<10240x128xf32, #tpu.memory_space<hbm>>) dst(%arg9 : memref<128x128xf32, #tpu.memory_space<vmem>>)
    %run_scoped3A_1501 = arith.constant 14 : i32
    "tpu.region"() ({
      %run_scoped3A_1590 = tpu.sem_alloc : memref<!tpu.dma_semaphore, #tpu.memory_space<semaphore_mem>>
      %dma_start3A_1591 = arith.constant 0 : i32
      %dma_start3A_1592 = tpu.memref_slice %arg8[%run_scoped3A_1501, %dma_start3A_1591] : memref<16x128xi32, #tpu.memory_space<vmem>> -> memref<1x128xi32, #tpu.memory_space<vmem>>
      %dma_start3A_1593 = tpu.memref_squeeze %dma_start3A_1592 : memref<1x128xi32, #tpu.memory_space<vmem>> -> memref<128xi32, #tpu.memory_space<vmem>>
      %dma_start3A_1594 = arith.constant 0 : i32
      %dma_start3A_1595 = arith.constant 0 : i32
      %dma_start3A_1596 = tpu.memref_slice %arg12[%dma_start3A_1594, %dma_start3A_1595] : memref<10240x128xf32, #tpu.memory_space<vmem_shared>> -> memref<10240x128xf32, #tpu.memory_space<vmem_shared>>
      tpu.enqueue_indirect_dma source(%arg9 : memref<128x128xf32, #tpu.memory_space<vmem>>) target(%dma_start3A_1596 : memref<10240x128xf32, #tpu.memory_space<vmem_shared>>) offsets(%dma_start3A_1593 : memref<128xi32, #tpu.memory_space<vmem>>) semaphore(%run_scoped3A_1590 : memref<!tpu.dma_semaphore, #tpu.memory_space<semaphore_mem>>) {add = true}
      %dma_wait3A_1597 = arith.constant 0 : i32
      %dma_wait3A_1598 = tpu.memref_slice %arg8[%run_scoped3A_1501, %dma_wait3A_1597] : memref<16x128xi32, #tpu.memory_space<vmem>> -> memref<1x128xi32, #tpu.memory_space<vmem>>
      %dma_wait3A_1599 = tpu.memref_squeeze %dma_wait3A_1598 : memref<1x128xi32, #tpu.memory_space<vmem>> -> memref<128xi32, #tpu.memory_space<vmem>>
      %dma_wait3A_1600 = arith.constant 0 : i32
      %dma_wait3A_1601 = arith.constant 0 : i32
      %dma_wait3A_1602 = tpu.memref_slice %arg12[%dma_wait3A_1600, %dma_wait3A_1601] : memref<10240x128xf32, #tpu.memory_space<vmem_shared>> -> memref<10240x128xf32, #tpu.memory_space<vmem_shared>>
      tpu.wait_indirect_dma semaphore(%run_scoped3A_1590 : memref<!tpu.dma_semaphore, #tpu.memory_space<semaphore_mem>>) src(%arg9 : memref<128x128xf32, #tpu.memory_space<vmem>>) dst(%dma_wait3A_1602 : memref<10240x128xf32, #tpu.memory_space<vmem_shared>>)
      tpu.yield
    }) : () -> ()
    %dma_wait3A_1502 = arith.constant 15 : i32
    %dma_wait3A_1503 = arith.constant 0 : i32
    %dma_wait3A_1504 = tpu.memref_slice %arg7[%dma_wait3A_1502, %dma_wait3A_1503] : memref<16x128xi32, #tpu.memory_space<vmem>> -> memref<1x128xi32, #tpu.memory_space<vmem>>
    %dma_wait3A_1505 = tpu.memref_squeeze %dma_wait3A_1504 : memref<1x128xi32, #tpu.memory_space<vmem>> -> memref<128xi32, #tpu.memory_space<vmem>>
    %dma_wait3A_1506 = arith.constant 0 : i32
    %dma_wait3A_1507 = arith.constant 0 : i32
    %dma_wait3A_1508 = tpu.memref_slice %arg4[%dma_wait3A_1506, %dma_wait3A_1507] : memref<10240x128xf32, #tpu.memory_space<hbm>> -> memref<10240x128xf32, #tpu.memory_space<hbm>>
    tpu.wait_indirect_dma semaphore(%arg14 : memref<!tpu.dma_semaphore, #tpu.memory_space<semaphore_mem>>) src(%dma_wait3A_1508 : memref<10240x128xf32, #tpu.memory_space<hbm>>) dst(%arg10 : memref<128x128xf32, #tpu.memory_space<vmem>>)
    %run_scoped3A_1509 = arith.constant 15 : i32
    "tpu.region"() ({
      %run_scoped3A_1590 = tpu.sem_alloc : memref<!tpu.dma_semaphore, #tpu.memory_space<semaphore_mem>>
      %dma_start3A_1591 = arith.constant 0 : i32
      %dma_start3A_1592 = tpu.memref_slice %arg8[%run_scoped3A_1509, %dma_start3A_1591] : memref<16x128xi32, #tpu.memory_space<vmem>> -> memref<1x128xi32, #tpu.memory_space<vmem>>
      %dma_start3A_1593 = tpu.memref_squeeze %dma_start3A_1592 : memref<1x128xi32, #tpu.memory_space<vmem>> -> memref<128xi32, #tpu.memory_space<vmem>>
      %dma_start3A_1594 = arith.constant 0 : i32
      %dma_start3A_1595 = arith.constant 0 : i32
      %dma_start3A_1596 = tpu.memref_slice %arg12[%dma_start3A_1594, %dma_start3A_1595] : memref<10240x128xf32, #tpu.memory_space<vmem_shared>> -> memref<10240x128xf32, #tpu.memory_space<vmem_shared>>
      tpu.enqueue_indirect_dma source(%arg10 : memref<128x128xf32, #tpu.memory_space<vmem>>) target(%dma_start3A_1596 : memref<10240x128xf32, #tpu.memory_space<vmem_shared>>) offsets(%dma_start3A_1593 : memref<128xi32, #tpu.memory_space<vmem>>) semaphore(%run_scoped3A_1590 : memref<!tpu.dma_semaphore, #tpu.memory_space<semaphore_mem>>) {add = true}
      %dma_wait3A_1597 = arith.constant 0 : i32
      %dma_wait3A_1598 = tpu.memref_slice %arg8[%run_scoped3A_1509, %dma_wait3A_1597] : memref<16x128xi32, #tpu.memory_space<vmem>> -> memref<1x128xi32, #tpu.memory_space<vmem>>
      %dma_wait3A_1599 = tpu.memref_squeeze %dma_wait3A_1598 : memref<1x128xi32, #tpu.memory_space<vmem>> -> memref<128xi32, #tpu.memory_space<vmem>>
      %dma_wait3A_1600 = arith.constant 0 : i32
      %dma_wait3A_1601 = arith.constant 0 : i32
      %dma_wait3A_1602 = tpu.memref_slice %arg12[%dma_wait3A_1600, %dma_wait3A_1601] : memref<10240x128xf32, #tpu.memory_space<vmem_shared>> -> memref<10240x128xf32, #tpu.memory_space<vmem_shared>>
      tpu.wait_indirect_dma semaphore(%run_scoped3A_1590 : memref<!tpu.dma_semaphore, #tpu.memory_space<semaphore_mem>>) src(%arg10 : memref<128x128xf32, #tpu.memory_space<vmem>>) dst(%dma_wait3A_1602 : memref<10240x128xf32, #tpu.memory_space<vmem_shared>>)
      tpu.yield
    }) : () -> ()
    "tpu.region"() ({
      %run_scoped3A_1590 = tpu.sem_alloc : memref<!tpu.dma_semaphore, #tpu.memory_space<semaphore_mem>>
      %dma_start3A_1591 = arith.constant 48 : i32
      %dma_start3A_1592 = arith.constant 0 : i32
      %dma_start3A_1593 = tpu.memref_slice %arg2[%add3A, %dma_start3A_1591, %dma_start3A_1592] : memref<32x80x128xi32, #tpu.memory_space<hbm>> -> memref<1x16x128xi32, #tpu.memory_space<hbm>>
      %dma_start3A_1594 = tpu.memref_squeeze %dma_start3A_1593 : memref<1x16x128xi32, #tpu.memory_space<hbm>> -> memref<16x128xi32, #tpu.memory_space<hbm>>
      %dma_start3A_1595 = arith.constant 48 : i32
      %dma_start3A_1596 = arith.constant 0 : i32
      %dma_start3A_1597 = tpu.memref_slice %arg2[%add3A, %dma_start3A_1595, %dma_start3A_1596] : memref<32x80x128xi32, #tpu.memory_space<hbm>> -> memref<1x16x128xi32, #tpu.memory_space<hbm>>
      %dma_start3A_1598 = tpu.memref_squeeze %dma_start3A_1597 : memref<1x16x128xi32, #tpu.memory_space<hbm>> -> memref<16x128xi32, #tpu.memory_space<hbm>>
      tpu.enqueue_dma source(%dma_start3A_1598 : memref<16x128xi32, #tpu.memory_space<hbm>>) target(%arg7 : memref<16x128xi32, #tpu.memory_space<vmem>>) target_semaphore(%run_scoped3A_1590 : memref<!tpu.dma_semaphore, #tpu.memory_space<semaphore_mem>>)
      %dma_wait3A_1599 = arith.constant 48 : i32
      %dma_wait3A_1600 = arith.constant 0 : i32
      %dma_wait3A_1601 = tpu.memref_slice %arg2[%add3A, %dma_wait3A_1599, %dma_wait3A_1600] : memref<32x80x128xi32, #tpu.memory_space<hbm>> -> memref<1x16x128xi32, #tpu.memory_space<hbm>>
      %dma_wait3A_1602 = tpu.memref_squeeze %dma_wait3A_1601 : memref<1x16x128xi32, #tpu.memory_space<hbm>> -> memref<16x128xi32, #tpu.memory_space<hbm>>
      %dma_wait3A_1603 = arith.constant 48 : i32
      %dma_wait3A_1604 = arith.constant 0 : i32
      %dma_wait3A_1605 = tpu.memref_slice %arg2[%add3A, %dma_wait3A_1603, %dma_wait3A_1604] : memref<32x80x128xi32, #tpu.memory_space<hbm>> -> memref<1x16x128xi32, #tpu.memory_space<hbm>>
      %dma_wait3A_1606 = tpu.memref_squeeze %dma_wait3A_1605 : memref<1x16x128xi32, #tpu.memory_space<hbm>> -> memref<16x128xi32, #tpu.memory_space<hbm>>
      tpu.wait_dma2 semaphore(%run_scoped3A_1590 : memref<!tpu.dma_semaphore, #tpu.memory_space<semaphore_mem>>) src(%dma_wait3A_1606 : memref<16x128xi32, #tpu.memory_space<hbm>>) dst(%arg7 : memref<16x128xi32, #tpu.memory_space<vmem>>)
      tpu.yield
    }) : () -> ()
    "tpu.region"() ({
      %run_scoped3A_1590 = tpu.sem_alloc : memref<!tpu.dma_semaphore, #tpu.memory_space<semaphore_mem>>
      %dma_start3A_1591 = arith.constant 48 : i32
      %dma_start3A_1592 = arith.constant 0 : i32
      %dma_start3A_1593 = tpu.memref_slice %arg3[%add3A, %dma_start3A_1591, %dma_start3A_1592] : memref<32x80x128xi32, #tpu.memory_space<hbm>> -> memref<1x16x128xi32, #tpu.memory_space<hbm>>
      %dma_start3A_1594 = tpu.memref_squeeze %dma_start3A_1593 : memref<1x16x128xi32, #tpu.memory_space<hbm>> -> memref<16x128xi32, #tpu.memory_space<hbm>>
      %dma_start3A_1595 = arith.constant 48 : i32
      %dma_start3A_1596 = arith.constant 0 : i32
      %dma_start3A_1597 = tpu.memref_slice %arg3[%add3A, %dma_start3A_1595, %dma_start3A_1596] : memref<32x80x128xi32, #tpu.memory_space<hbm>> -> memref<1x16x128xi32, #tpu.memory_space<hbm>>
      %dma_start3A_1598 = tpu.memref_squeeze %dma_start3A_1597 : memref<1x16x128xi32, #tpu.memory_space<hbm>> -> memref<16x128xi32, #tpu.memory_space<hbm>>
      tpu.enqueue_dma source(%dma_start3A_1598 : memref<16x128xi32, #tpu.memory_space<hbm>>) target(%arg8 : memref<16x128xi32, #tpu.memory_space<vmem>>) target_semaphore(%run_scoped3A_1590 : memref<!tpu.dma_semaphore, #tpu.memory_space<semaphore_mem>>)
      %dma_wait3A_1599 = arith.constant 48 : i32
      %dma_wait3A_1600 = arith.constant 0 : i32
      %dma_wait3A_1601 = tpu.memref_slice %arg3[%add3A, %dma_wait3A_1599, %dma_wait3A_1600] : memref<32x80x128xi32, #tpu.memory_space<hbm>> -> memref<1x16x128xi32, #tpu.memory_space<hbm>>
      %dma_wait3A_1602 = tpu.memref_squeeze %dma_wait3A_1601 : memref<1x16x128xi32, #tpu.memory_space<hbm>> -> memref<16x128xi32, #tpu.memory_space<hbm>>
      %dma_wait3A_1603 = arith.constant 48 : i32
      %dma_wait3A_1604 = arith.constant 0 : i32
      %dma_wait3A_1605 = tpu.memref_slice %arg3[%add3A, %dma_wait3A_1603, %dma_wait3A_1604] : memref<32x80x128xi32, #tpu.memory_space<hbm>> -> memref<1x16x128xi32, #tpu.memory_space<hbm>>
      %dma_wait3A_1606 = tpu.memref_squeeze %dma_wait3A_1605 : memref<1x16x128xi32, #tpu.memory_space<hbm>> -> memref<16x128xi32, #tpu.memory_space<hbm>>
      tpu.wait_dma2 semaphore(%run_scoped3A_1590 : memref<!tpu.dma_semaphore, #tpu.memory_space<semaphore_mem>>) src(%dma_wait3A_1606 : memref<16x128xi32, #tpu.memory_space<hbm>>) dst(%arg8 : memref<16x128xi32, #tpu.memory_space<vmem>>)
      tpu.yield
    }) : () -> ()
    %dma_start3A_1510 = arith.constant 0 : i32
    %dma_start3A_1511 = arith.constant 0 : i32
    %dma_start3A_1512 = tpu.memref_slice %arg7[%dma_start3A_1510, %dma_start3A_1511] : memref<16x128xi32, #tpu.memory_space<vmem>> -> memref<1x128xi32, #tpu.memory_space<vmem>>
    %dma_start3A_1513 = tpu.memref_squeeze %dma_start3A_1512 : memref<1x128xi32, #tpu.memory_space<vmem>> -> memref<128xi32, #tpu.memory_space<vmem>>
    %dma_start3A_1514 = arith.constant 0 : i32
    %dma_start3A_1515 = arith.constant 0 : i32
    %dma_start3A_1516 = tpu.memref_slice %arg4[%dma_start3A_1514, %dma_start3A_1515] : memref<10240x128xf32, #tpu.memory_space<hbm>> -> memref<10240x128xf32, #tpu.memory_space<hbm>>
    tpu.enqueue_indirect_dma source(%dma_start3A_1516 : memref<10240x128xf32, #tpu.memory_space<hbm>>) target(%arg9 : memref<128x128xf32, #tpu.memory_space<vmem>>) offsets(%dma_start3A_1513 : memref<128xi32, #tpu.memory_space<vmem>>) semaphore(%arg13 : memref<!tpu.dma_semaphore, #tpu.memory_space<semaphore_mem>>)
    %dma_start3A_1517 = arith.constant 1 : i32
    %dma_start3A_1518 = arith.constant 0 : i32
    %dma_start3A_1519 = tpu.memref_slice %arg7[%dma_start3A_1517, %dma_start3A_1518] : memref<16x128xi32, #tpu.memory_space<vmem>> -> memref<1x128xi32, #tpu.memory_space<vmem>>
    %dma_start3A_1520 = tpu.memref_squeeze %dma_start3A_1519 : memref<1x128xi32, #tpu.memory_space<vmem>> -> memref<128xi32, #tpu.memory_space<vmem>>
    %dma_start3A_1521 = arith.constant 0 : i32
    %dma_start3A_1522 = arith.constant 0 : i32
    %dma_start3A_1523 = tpu.memref_slice %arg4[%dma_start3A_1521, %dma_start3A_1522] : memref<10240x128xf32, #tpu.memory_space<hbm>> -> memref<10240x128xf32, #tpu.memory_space<hbm>>
    tpu.enqueue_indirect_dma source(%dma_start3A_1523 : memref<10240x128xf32, #tpu.memory_space<hbm>>) target(%arg10 : memref<128x128xf32, #tpu.memory_space<vmem>>) offsets(%dma_start3A_1520 : memref<128xi32, #tpu.memory_space<vmem>>) semaphore(%arg14 : memref<!tpu.dma_semaphore, #tpu.memory_space<semaphore_mem>>)
    %scan3A_1524 = arith.constant 0 : i32
    %scan3A_1525 = arith.constant 7 : i32
    %scan3A_1526 = arith.addi %scan3A_1524, %scan3A_1525 : i32
    %scan3A_1527 = arith.constant 1 : i32
    scf.for %scan3A_1590 = %scan3A_1524 to %scan3A_1526 step %scan3A_1527  : i32 {
      %mul3A_1591 = arith.constant 2 : i32
      %mul3A_1592 = arith.muli %mul3A_1591, %scan3A_1590 : i32
      %dma_wait3A_1593 = arith.constant 0 : i32
      %dma_wait3A_1594 = tpu.memref_slice %arg7[%mul3A_1592, %dma_wait3A_1593] : memref<16x128xi32, #tpu.memory_space<vmem>> -> memref<1x128xi32, #tpu.memory_space<vmem>>
      %dma_wait3A_1595 = tpu.memref_squeeze %dma_wait3A_1594 : memref<1x128xi32, #tpu.memory_space<vmem>> -> memref<128xi32, #tpu.memory_space<vmem>>
      %dma_wait3A_1596 = arith.constant 0 : i32
      %dma_wait3A_1597 = arith.constant 0 : i32
      %dma_wait3A_1598 = tpu.memref_slice %arg4[%dma_wait3A_1596, %dma_wait3A_1597] : memref<10240x128xf32, #tpu.memory_space<hbm>> -> memref<10240x128xf32, #tpu.memory_space<hbm>>
      tpu.wait_indirect_dma semaphore(%arg13 : memref<!tpu.dma_semaphore, #tpu.memory_space<semaphore_mem>>) src(%dma_wait3A_1598 : memref<10240x128xf32, #tpu.memory_space<hbm>>) dst(%arg9 : memref<128x128xf32, #tpu.memory_space<vmem>>)
      "tpu.region"() ({
        %run_scoped3A_1625 = tpu.sem_alloc : memref<!tpu.dma_semaphore, #tpu.memory_space<semaphore_mem>>
        %dma_start3A_1626 = arith.constant 0 : i32
        %dma_start3A_1627 = tpu.memref_slice %arg8[%mul3A_1592, %dma_start3A_1626] : memref<16x128xi32, #tpu.memory_space<vmem>> -> memref<1x128xi32, #tpu.memory_space<vmem>>
        %dma_start3A_1628 = tpu.memref_squeeze %dma_start3A_1627 : memref<1x128xi32, #tpu.memory_space<vmem>> -> memref<128xi32, #tpu.memory_space<vmem>>
        %dma_start3A_1629 = arith.constant 0 : i32
        %dma_start3A_1630 = arith.constant 0 : i32
        %dma_start3A_1631 = tpu.memref_slice %arg12[%dma_start3A_1629, %dma_start3A_1630] : memref<10240x128xf32, #tpu.memory_space<vmem_shared>> -> memref<10240x128xf32, #tpu.memory_space<vmem_shared>>
        tpu.enqueue_indirect_dma source(%arg9 : memref<128x128xf32, #tpu.memory_space<vmem>>) target(%dma_start3A_1631 : memref<10240x128xf32, #tpu.memory_space<vmem_shared>>) offsets(%dma_start3A_1628 : memref<128xi32, #tpu.memory_space<vmem>>) semaphore(%run_scoped3A_1625 : memref<!tpu.dma_semaphore, #tpu.memory_space<semaphore_mem>>) {add = true}
        %dma_wait3A_1632 = arith.constant 0 : i32
        %dma_wait3A_1633 = tpu.memref_slice %arg8[%mul3A_1592, %dma_wait3A_1632] : memref<16x128xi32, #tpu.memory_space<vmem>> -> memref<1x128xi32, #tpu.memory_space<vmem>>
        %dma_wait3A_1634 = tpu.memref_squeeze %dma_wait3A_1633 : memref<1x128xi32, #tpu.memory_space<vmem>> -> memref<128xi32, #tpu.memory_space<vmem>>
        %dma_wait3A_1635 = arith.constant 0 : i32
        %dma_wait3A_1636 = arith.constant 0 : i32
        %dma_wait3A_1637 = tpu.memref_slice %arg12[%dma_wait3A_1635, %dma_wait3A_1636] : memref<10240x128xf32, #tpu.memory_space<vmem_shared>> -> memref<10240x128xf32, #tpu.memory_space<vmem_shared>>
        tpu.wait_indirect_dma semaphore(%run_scoped3A_1625 : memref<!tpu.dma_semaphore, #tpu.memory_space<semaphore_mem>>) src(%arg9 : memref<128x128xf32, #tpu.memory_space<vmem>>) dst(%dma_wait3A_1637 : memref<10240x128xf32, #tpu.memory_space<vmem_shared>>)
        tpu.yield
      }) : () -> ()
      %add3A_1599 = arith.constant 2 : i32
      %add3A_1600 = arith.addi %mul3A_1592, %add3A_1599 : i32
      %dma_start3A_1601 = arith.constant 0 : i32
      %dma_start3A_1602 = tpu.memref_slice %arg7[%add3A_1600, %dma_start3A_1601] : memref<16x128xi32, #tpu.memory_space<vmem>> -> memref<1x128xi32, #tpu.memory_space<vmem>>
      %dma_start3A_1603 = tpu.memref_squeeze %dma_start3A_1602 : memref<1x128xi32, #tpu.memory_space<vmem>> -> memref<128xi32, #tpu.memory_space<vmem>>
      %dma_start3A_1604 = arith.constant 0 : i32
      %dma_start3A_1605 = arith.constant 0 : i32
      %dma_start3A_1606 = tpu.memref_slice %arg4[%dma_start3A_1604, %dma_start3A_1605] : memref<10240x128xf32, #tpu.memory_space<hbm>> -> memref<10240x128xf32, #tpu.memory_space<hbm>>
      tpu.enqueue_indirect_dma source(%dma_start3A_1606 : memref<10240x128xf32, #tpu.memory_space<hbm>>) target(%arg9 : memref<128x128xf32, #tpu.memory_space<vmem>>) offsets(%dma_start3A_1603 : memref<128xi32, #tpu.memory_space<vmem>>) semaphore(%arg13 : memref<!tpu.dma_semaphore, #tpu.memory_space<semaphore_mem>>)
      %add3A_1607 = arith.constant 1 : i32
      %add3A_1608 = arith.addi %mul3A_1592, %add3A_1607 : i32
      %dma_wait3A_1609 = arith.constant 0 : i32
      %dma_wait3A_1610 = tpu.memref_slice %arg7[%add3A_1608, %dma_wait3A_1609] : memref<16x128xi32, #tpu.memory_space<vmem>> -> memref<1x128xi32, #tpu.memory_space<vmem>>
      %dma_wait3A_1611 = tpu.memref_squeeze %dma_wait3A_1610 : memref<1x128xi32, #tpu.memory_space<vmem>> -> memref<128xi32, #tpu.memory_space<vmem>>
      %dma_wait3A_1612 = arith.constant 0 : i32
      %dma_wait3A_1613 = arith.constant 0 : i32
      %dma_wait3A_1614 = tpu.memref_slice %arg4[%dma_wait3A_1612, %dma_wait3A_1613] : memref<10240x128xf32, #tpu.memory_space<hbm>> -> memref<10240x128xf32, #tpu.memory_space<hbm>>
      tpu.wait_indirect_dma semaphore(%arg14 : memref<!tpu.dma_semaphore, #tpu.memory_space<semaphore_mem>>) src(%dma_wait3A_1614 : memref<10240x128xf32, #tpu.memory_space<hbm>>) dst(%arg10 : memref<128x128xf32, #tpu.memory_space<vmem>>)
      %add3A_1615 = arith.constant 1 : i32
      %add3A_1616 = arith.addi %mul3A_1592, %add3A_1615 : i32
      "tpu.region"() ({
        %run_scoped3A_1625 = tpu.sem_alloc : memref<!tpu.dma_semaphore, #tpu.memory_space<semaphore_mem>>
        %dma_start3A_1626 = arith.constant 0 : i32
        %dma_start3A_1627 = tpu.memref_slice %arg8[%add3A_1616, %dma_start3A_1626] : memref<16x128xi32, #tpu.memory_space<vmem>> -> memref<1x128xi32, #tpu.memory_space<vmem>>
        %dma_start3A_1628 = tpu.memref_squeeze %dma_start3A_1627 : memref<1x128xi32, #tpu.memory_space<vmem>> -> memref<128xi32, #tpu.memory_space<vmem>>
        %dma_start3A_1629 = arith.constant 0 : i32
        %dma_start3A_1630 = arith.constant 0 : i32
        %dma_start3A_1631 = tpu.memref_slice %arg12[%dma_start3A_1629, %dma_start3A_1630] : memref<10240x128xf32, #tpu.memory_space<vmem_shared>> -> memref<10240x128xf32, #tpu.memory_space<vmem_shared>>
        tpu.enqueue_indirect_dma source(%arg10 : memref<128x128xf32, #tpu.memory_space<vmem>>) target(%dma_start3A_1631 : memref<10240x128xf32, #tpu.memory_space<vmem_shared>>) offsets(%dma_start3A_1628 : memref<128xi32, #tpu.memory_space<vmem>>) semaphore(%run_scoped3A_1625 : memref<!tpu.dma_semaphore, #tpu.memory_space<semaphore_mem>>) {add = true}
        %dma_wait3A_1632 = arith.constant 0 : i32
        %dma_wait3A_1633 = tpu.memref_slice %arg8[%add3A_1616, %dma_wait3A_1632] : memref<16x128xi32, #tpu.memory_space<vmem>> -> memref<1x128xi32, #tpu.memory_space<vmem>>
        %dma_wait3A_1634 = tpu.memref_squeeze %dma_wait3A_1633 : memref<1x128xi32, #tpu.memory_space<vmem>> -> memref<128xi32, #tpu.memory_space<vmem>>
        %dma_wait3A_1635 = arith.constant 0 : i32
        %dma_wait3A_1636 = arith.constant 0 : i32
        %dma_wait3A_1637 = tpu.memref_slice %arg12[%dma_wait3A_1635, %dma_wait3A_1636] : memref<10240x128xf32, #tpu.memory_space<vmem_shared>> -> memref<10240x128xf32, #tpu.memory_space<vmem_shared>>
        tpu.wait_indirect_dma semaphore(%run_scoped3A_1625 : memref<!tpu.dma_semaphore, #tpu.memory_space<semaphore_mem>>) src(%arg10 : memref<128x128xf32, #tpu.memory_space<vmem>>) dst(%dma_wait3A_1637 : memref<10240x128xf32, #tpu.memory_space<vmem_shared>>)
        tpu.yield
      }) : () -> ()
      %add3A_1617 = arith.constant 3 : i32
      %add3A_1618 = arith.addi %mul3A_1592, %add3A_1617 : i32
      %dma_start3A_1619 = arith.constant 0 : i32
      %dma_start3A_1620 = tpu.memref_slice %arg7[%add3A_1618, %dma_start3A_1619] : memref<16x128xi32, #tpu.memory_space<vmem>> -> memref<1x128xi32, #tpu.memory_space<vmem>>
      %dma_start3A_1621 = tpu.memref_squeeze %dma_start3A_1620 : memref<1x128xi32, #tpu.memory_space<vmem>> -> memref<128xi32, #tpu.memory_space<vmem>>
      %dma_start3A_1622 = arith.constant 0 : i32
      %dma_start3A_1623 = arith.constant 0 : i32
      %dma_start3A_1624 = tpu.memref_slice %arg4[%dma_start3A_1622, %dma_start3A_1623] : memref<10240x128xf32, #tpu.memory_space<hbm>> -> memref<10240x128xf32, #tpu.memory_space<hbm>>
      tpu.enqueue_indirect_dma source(%dma_start3A_1624 : memref<10240x128xf32, #tpu.memory_space<hbm>>) target(%arg10 : memref<128x128xf32, #tpu.memory_space<vmem>>) offsets(%dma_start3A_1621 : memref<128xi32, #tpu.memory_space<vmem>>) semaphore(%arg14 : memref<!tpu.dma_semaphore, #tpu.memory_space<semaphore_mem>>)
    }
    %scan3A_1528 = arith.constant 7 : i32
    %dma_wait3A_1529 = arith.constant 14 : i32
    %dma_wait3A_1530 = arith.constant 0 : i32
    %dma_wait3A_1531 = tpu.memref_slice %arg7[%dma_wait3A_1529, %dma_wait3A_1530] : memref<16x128xi32, #tpu.memory_space<vmem>> -> memref<1x128xi32, #tpu.memory_space<vmem>>
    %dma_wait3A_1532 = tpu.memref_squeeze %dma_wait3A_1531 : memref<1x128xi32, #tpu.memory_space<vmem>> -> memref<128xi32, #tpu.memory_space<vmem>>
    %dma_wait3A_1533 = arith.constant 0 : i32
    %dma_wait3A_1534 = arith.constant 0 : i32
    %dma_wait3A_1535 = tpu.memref_slice %arg4[%dma_wait3A_1533, %dma_wait3A_1534] : memref<10240x128xf32, #tpu.memory_space<hbm>> -> memref<10240x128xf32, #tpu.memory_space<hbm>>
    tpu.wait_indirect_dma semaphore(%arg13 : memref<!tpu.dma_semaphore, #tpu.memory_space<semaphore_mem>>) src(%dma_wait3A_1535 : memref<10240x128xf32, #tpu.memory_space<hbm>>) dst(%arg9 : memref<128x128xf32, #tpu.memory_space<vmem>>)
    %run_scoped3A_1536 = arith.constant 14 : i32
    "tpu.region"() ({
      %run_scoped3A_1590 = tpu.sem_alloc : memref<!tpu.dma_semaphore, #tpu.memory_space<semaphore_mem>>
      %dma_start3A_1591 = arith.constant 0 : i32
      %dma_start3A_1592 = tpu.memref_slice %arg8[%run_scoped3A_1536, %dma_start3A_1591] : memref<16x128xi32, #tpu.memory_space<vmem>> -> memref<1x128xi32, #tpu.memory_space<vmem>>
      %dma_start3A_1593 = tpu.memref_squeeze %dma_start3A_1592 : memref<1x128xi32, #tpu.memory_space<vmem>> -> memref<128xi32, #tpu.memory_space<vmem>>
      %dma_start3A_1594 = arith.constant 0 : i32
      %dma_start3A_1595 = arith.constant 0 : i32
      %dma_start3A_1596 = tpu.memref_slice %arg12[%dma_start3A_1594, %dma_start3A_1595] : memref<10240x128xf32, #tpu.memory_space<vmem_shared>> -> memref<10240x128xf32, #tpu.memory_space<vmem_shared>>
      tpu.enqueue_indirect_dma source(%arg9 : memref<128x128xf32, #tpu.memory_space<vmem>>) target(%dma_start3A_1596 : memref<10240x128xf32, #tpu.memory_space<vmem_shared>>) offsets(%dma_start3A_1593 : memref<128xi32, #tpu.memory_space<vmem>>) semaphore(%run_scoped3A_1590 : memref<!tpu.dma_semaphore, #tpu.memory_space<semaphore_mem>>) {add = true}
      %dma_wait3A_1597 = arith.constant 0 : i32
      %dma_wait3A_1598 = tpu.memref_slice %arg8[%run_scoped3A_1536, %dma_wait3A_1597] : memref<16x128xi32, #tpu.memory_space<vmem>> -> memref<1x128xi32, #tpu.memory_space<vmem>>
      %dma_wait3A_1599 = tpu.memref_squeeze %dma_wait3A_1598 : memref<1x128xi32, #tpu.memory_space<vmem>> -> memref<128xi32, #tpu.memory_space<vmem>>
      %dma_wait3A_1600 = arith.constant 0 : i32
      %dma_wait3A_1601 = arith.constant 0 : i32
      %dma_wait3A_1602 = tpu.memref_slice %arg12[%dma_wait3A_1600, %dma_wait3A_1601] : memref<10240x128xf32, #tpu.memory_space<vmem_shared>> -> memref<10240x128xf32, #tpu.memory_space<vmem_shared>>
      tpu.wait_indirect_dma semaphore(%run_scoped3A_1590 : memref<!tpu.dma_semaphore, #tpu.memory_space<semaphore_mem>>) src(%arg9 : memref<128x128xf32, #tpu.memory_space<vmem>>) dst(%dma_wait3A_1602 : memref<10240x128xf32, #tpu.memory_space<vmem_shared>>)
      tpu.yield
    }) : () -> ()
    %dma_wait3A_1537 = arith.constant 15 : i32
    %dma_wait3A_1538 = arith.constant 0 : i32
    %dma_wait3A_1539 = tpu.memref_slice %arg7[%dma_wait3A_1537, %dma_wait3A_1538] : memref<16x128xi32, #tpu.memory_space<vmem>> -> memref<1x128xi32, #tpu.memory_space<vmem>>
    %dma_wait3A_1540 = tpu.memref_squeeze %dma_wait3A_1539 : memref<1x128xi32, #tpu.memory_space<vmem>> -> memref<128xi32, #tpu.memory_space<vmem>>
    %dma_wait3A_1541 = arith.constant 0 : i32
    %dma_wait3A_1542 = arith.constant 0 : i32
    %dma_wait3A_1543 = tpu.memref_slice %arg4[%dma_wait3A_1541, %dma_wait3A_1542] : memref<10240x128xf32, #tpu.memory_space<hbm>> -> memref<10240x128xf32, #tpu.memory_space<hbm>>
    tpu.wait_indirect_dma semaphore(%arg14 : memref<!tpu.dma_semaphore, #tpu.memory_space<semaphore_mem>>) src(%dma_wait3A_1543 : memref<10240x128xf32, #tpu.memory_space<hbm>>) dst(%arg10 : memref<128x128xf32, #tpu.memory_space<vmem>>)
    %run_scoped3A_1544 = arith.constant 15 : i32
    "tpu.region"() ({
      %run_scoped3A_1590 = tpu.sem_alloc : memref<!tpu.dma_semaphore, #tpu.memory_space<semaphore_mem>>
      %dma_start3A_1591 = arith.constant 0 : i32
      %dma_start3A_1592 = tpu.memref_slice %arg8[%run_scoped3A_1544, %dma_start3A_1591] : memref<16x128xi32, #tpu.memory_space<vmem>> -> memref<1x128xi32, #tpu.memory_space<vmem>>
      %dma_start3A_1593 = tpu.memref_squeeze %dma_start3A_1592 : memref<1x128xi32, #tpu.memory_space<vmem>> -> memref<128xi32, #tpu.memory_space<vmem>>
      %dma_start3A_1594 = arith.constant 0 : i32
      %dma_start3A_1595 = arith.constant 0 : i32
      %dma_start3A_1596 = tpu.memref_slice %arg12[%dma_start3A_1594, %dma_start3A_1595] : memref<10240x128xf32, #tpu.memory_space<vmem_shared>> -> memref<10240x128xf32, #tpu.memory_space<vmem_shared>>
      tpu.enqueue_indirect_dma source(%arg10 : memref<128x128xf32, #tpu.memory_space<vmem>>) target(%dma_start3A_1596 : memref<10240x128xf32, #tpu.memory_space<vmem_shared>>) offsets(%dma_start3A_1593 : memref<128xi32, #tpu.memory_space<vmem>>) semaphore(%run_scoped3A_1590 : memref<!tpu.dma_semaphore, #tpu.memory_space<semaphore_mem>>) {add = true}
      %dma_wait3A_1597 = arith.constant 0 : i32
      %dma_wait3A_1598 = tpu.memref_slice %arg8[%run_scoped3A_1544, %dma_wait3A_1597] : memref<16x128xi32, #tpu.memory_space<vmem>> -> memref<1x128xi32, #tpu.memory_space<vmem>>
      %dma_wait3A_1599 = tpu.memref_squeeze %dma_wait3A_1598 : memref<1x128xi32, #tpu.memory_space<vmem>> -> memref<128xi32, #tpu.memory_space<vmem>>
      %dma_wait3A_1600 = arith.constant 0 : i32
      %dma_wait3A_1601 = arith.constant 0 : i32
      %dma_wait3A_1602 = tpu.memref_slice %arg12[%dma_wait3A_1600, %dma_wait3A_1601] : memref<10240x128xf32, #tpu.memory_space<vmem_shared>> -> memref<10240x128xf32, #tpu.memory_space<vmem_shared>>
      tpu.wait_indirect_dma semaphore(%run_scoped3A_1590 : memref<!tpu.dma_semaphore, #tpu.memory_space<semaphore_mem>>) src(%arg10 : memref<128x128xf32, #tpu.memory_space<vmem>>) dst(%dma_wait3A_1602 : memref<10240x128xf32, #tpu.memory_space<vmem_shared>>)
      tpu.yield
    }) : () -> ()
    "tpu.region"() ({
      %run_scoped3A_1590 = tpu.sem_alloc : memref<!tpu.dma_semaphore, #tpu.memory_space<semaphore_mem>>
      %dma_start3A_1591 = arith.constant 64 : i32
      %dma_start3A_1592 = arith.constant 0 : i32
      %dma_start3A_1593 = tpu.memref_slice %arg2[%add3A, %dma_start3A_1591, %dma_start3A_1592] : memref<32x80x128xi32, #tpu.memory_space<hbm>> -> memref<1x16x128xi32, #tpu.memory_space<hbm>>
      %dma_start3A_1594 = tpu.memref_squeeze %dma_start3A_1593 : memref<1x16x128xi32, #tpu.memory_space<hbm>> -> memref<16x128xi32, #tpu.memory_space<hbm>>
      %dma_start3A_1595 = arith.constant 64 : i32
      %dma_start3A_1596 = arith.constant 0 : i32
      %dma_start3A_1597 = tpu.memref_slice %arg2[%add3A, %dma_start3A_1595, %dma_start3A_1596] : memref<32x80x128xi32, #tpu.memory_space<hbm>> -> memref<1x16x128xi32, #tpu.memory_space<hbm>>
      %dma_start3A_1598 = tpu.memref_squeeze %dma_start3A_1597 : memref<1x16x128xi32, #tpu.memory_space<hbm>> -> memref<16x128xi32, #tpu.memory_space<hbm>>
      tpu.enqueue_dma source(%dma_start3A_1598 : memref<16x128xi32, #tpu.memory_space<hbm>>) target(%arg7 : memref<16x128xi32, #tpu.memory_space<vmem>>) target_semaphore(%run_scoped3A_1590 : memref<!tpu.dma_semaphore, #tpu.memory_space<semaphore_mem>>)
      %dma_wait3A_1599 = arith.constant 64 : i32
      %dma_wait3A_1600 = arith.constant 0 : i32
      %dma_wait3A_1601 = tpu.memref_slice %arg2[%add3A, %dma_wait3A_1599, %dma_wait3A_1600] : memref<32x80x128xi32, #tpu.memory_space<hbm>> -> memref<1x16x128xi32, #tpu.memory_space<hbm>>
      %dma_wait3A_1602 = tpu.memref_squeeze %dma_wait3A_1601 : memref<1x16x128xi32, #tpu.memory_space<hbm>> -> memref<16x128xi32, #tpu.memory_space<hbm>>
      %dma_wait3A_1603 = arith.constant 64 : i32
      %dma_wait3A_1604 = arith.constant 0 : i32
      %dma_wait3A_1605 = tpu.memref_slice %arg2[%add3A, %dma_wait3A_1603, %dma_wait3A_1604] : memref<32x80x128xi32, #tpu.memory_space<hbm>> -> memref<1x16x128xi32, #tpu.memory_space<hbm>>
      %dma_wait3A_1606 = tpu.memref_squeeze %dma_wait3A_1605 : memref<1x16x128xi32, #tpu.memory_space<hbm>> -> memref<16x128xi32, #tpu.memory_space<hbm>>
      tpu.wait_dma2 semaphore(%run_scoped3A_1590 : memref<!tpu.dma_semaphore, #tpu.memory_space<semaphore_mem>>) src(%dma_wait3A_1606 : memref<16x128xi32, #tpu.memory_space<hbm>>) dst(%arg7 : memref<16x128xi32, #tpu.memory_space<vmem>>)
      tpu.yield
    }) : () -> ()
    "tpu.region"() ({
      %run_scoped3A_1590 = tpu.sem_alloc : memref<!tpu.dma_semaphore, #tpu.memory_space<semaphore_mem>>
      %dma_start3A_1591 = arith.constant 64 : i32
      %dma_start3A_1592 = arith.constant 0 : i32
      %dma_start3A_1593 = tpu.memref_slice %arg3[%add3A, %dma_start3A_1591, %dma_start3A_1592] : memref<32x80x128xi32, #tpu.memory_space<hbm>> -> memref<1x16x128xi32, #tpu.memory_space<hbm>>
      %dma_start3A_1594 = tpu.memref_squeeze %dma_start3A_1593 : memref<1x16x128xi32, #tpu.memory_space<hbm>> -> memref<16x128xi32, #tpu.memory_space<hbm>>
      %dma_start3A_1595 = arith.constant 64 : i32
      %dma_start3A_1596 = arith.constant 0 : i32
      %dma_start3A_1597 = tpu.memref_slice %arg3[%add3A, %dma_start3A_1595, %dma_start3A_1596] : memref<32x80x128xi32, #tpu.memory_space<hbm>> -> memref<1x16x128xi32, #tpu.memory_space<hbm>>
      %dma_start3A_1598 = tpu.memref_squeeze %dma_start3A_1597 : memref<1x16x128xi32, #tpu.memory_space<hbm>> -> memref<16x128xi32, #tpu.memory_space<hbm>>
      tpu.enqueue_dma source(%dma_start3A_1598 : memref<16x128xi32, #tpu.memory_space<hbm>>) target(%arg8 : memref<16x128xi32, #tpu.memory_space<vmem>>) target_semaphore(%run_scoped3A_1590 : memref<!tpu.dma_semaphore, #tpu.memory_space<semaphore_mem>>)
      %dma_wait3A_1599 = arith.constant 64 : i32
      %dma_wait3A_1600 = arith.constant 0 : i32
      %dma_wait3A_1601 = tpu.memref_slice %arg3[%add3A, %dma_wait3A_1599, %dma_wait3A_1600] : memref<32x80x128xi32, #tpu.memory_space<hbm>> -> memref<1x16x128xi32, #tpu.memory_space<hbm>>
      %dma_wait3A_1602 = tpu.memref_squeeze %dma_wait3A_1601 : memref<1x16x128xi32, #tpu.memory_space<hbm>> -> memref<16x128xi32, #tpu.memory_space<hbm>>
      %dma_wait3A_1603 = arith.constant 64 : i32
      %dma_wait3A_1604 = arith.constant 0 : i32
      %dma_wait3A_1605 = tpu.memref_slice %arg3[%add3A, %dma_wait3A_1603, %dma_wait3A_1604] : memref<32x80x128xi32, #tpu.memory_space<hbm>> -> memref<1x16x128xi32, #tpu.memory_space<hbm>>
      %dma_wait3A_1606 = tpu.memref_squeeze %dma_wait3A_1605 : memref<1x16x128xi32, #tpu.memory_space<hbm>> -> memref<16x128xi32, #tpu.memory_space<hbm>>
      tpu.wait_dma2 semaphore(%run_scoped3A_1590 : memref<!tpu.dma_semaphore, #tpu.memory_space<semaphore_mem>>) src(%dma_wait3A_1606 : memref<16x128xi32, #tpu.memory_space<hbm>>) dst(%arg8 : memref<16x128xi32, #tpu.memory_space<vmem>>)
      tpu.yield
    }) : () -> ()
    %dma_start3A_1545 = arith.constant 0 : i32
    %dma_start3A_1546 = arith.constant 0 : i32
    %dma_start3A_1547 = tpu.memref_slice %arg7[%dma_start3A_1545, %dma_start3A_1546] : memref<16x128xi32, #tpu.memory_space<vmem>> -> memref<1x128xi32, #tpu.memory_space<vmem>>
    %dma_start3A_1548 = tpu.memref_squeeze %dma_start3A_1547 : memref<1x128xi32, #tpu.memory_space<vmem>> -> memref<128xi32, #tpu.memory_space<vmem>>
    %dma_start3A_1549 = arith.constant 0 : i32
    %dma_start3A_1550 = arith.constant 0 : i32
    %dma_start3A_1551 = tpu.memref_slice %arg4[%dma_start3A_1549, %dma_start3A_1550] : memref<10240x128xf32, #tpu.memory_space<hbm>> -> memref<10240x128xf32, #tpu.memory_space<hbm>>
    tpu.enqueue_indirect_dma source(%dma_start3A_1551 : memref<10240x128xf32, #tpu.memory_space<hbm>>) target(%arg9 : memref<128x128xf32, #tpu.memory_space<vmem>>) offsets(%dma_start3A_1548 : memref<128xi32, #tpu.memory_space<vmem>>) semaphore(%arg13 : memref<!tpu.dma_semaphore, #tpu.memory_space<semaphore_mem>>)
    %dma_start3A_1552 = arith.constant 1 : i32
    %dma_start3A_1553 = arith.constant 0 : i32
    %dma_start3A_1554 = tpu.memref_slice %arg7[%dma_start3A_1552, %dma_start3A_1553] : memref<16x128xi32, #tpu.memory_space<vmem>> -> memref<1x128xi32, #tpu.memory_space<vmem>>
    %dma_start3A_1555 = tpu.memref_squeeze %dma_start3A_1554 : memref<1x128xi32, #tpu.memory_space<vmem>> -> memref<128xi32, #tpu.memory_space<vmem>>
    %dma_start3A_1556 = arith.constant 0 : i32
    %dma_start3A_1557 = arith.constant 0 : i32
    %dma_start3A_1558 = tpu.memref_slice %arg4[%dma_start3A_1556, %dma_start3A_1557] : memref<10240x128xf32, #tpu.memory_space<hbm>> -> memref<10240x128xf32, #tpu.memory_space<hbm>>
    tpu.enqueue_indirect_dma source(%dma_start3A_1558 : memref<10240x128xf32, #tpu.memory_space<hbm>>) target(%arg10 : memref<128x128xf32, #tpu.memory_space<vmem>>) offsets(%dma_start3A_1555 : memref<128xi32, #tpu.memory_space<vmem>>) semaphore(%arg14 : memref<!tpu.dma_semaphore, #tpu.memory_space<semaphore_mem>>)
    %scan3A_1559 = arith.constant 0 : i32
    %scan3A_1560 = arith.constant 7 : i32
    %scan3A_1561 = arith.addi %scan3A_1559, %scan3A_1560 : i32
    %scan3A_1562 = arith.constant 1 : i32
    scf.for %scan3A_1590 = %scan3A_1559 to %scan3A_1561 step %scan3A_1562  : i32 {
      %mul3A_1591 = arith.constant 2 : i32
      %mul3A_1592 = arith.muli %mul3A_1591, %scan3A_1590 : i32
      %dma_wait3A_1593 = arith.constant 0 : i32
      %dma_wait3A_1594 = tpu.memref_slice %arg7[%mul3A_1592, %dma_wait3A_1593] : memref<16x128xi32, #tpu.memory_space<vmem>> -> memref<1x128xi32, #tpu.memory_space<vmem>>
      %dma_wait3A_1595 = tpu.memref_squeeze %dma_wait3A_1594 : memref<1x128xi32, #tpu.memory_space<vmem>> -> memref<128xi32, #tpu.memory_space<vmem>>
      %dma_wait3A_1596 = arith.constant 0 : i32
      %dma_wait3A_1597 = arith.constant 0 : i32
      %dma_wait3A_1598 = tpu.memref_slice %arg4[%dma_wait3A_1596, %dma_wait3A_1597] : memref<10240x128xf32, #tpu.memory_space<hbm>> -> memref<10240x128xf32, #tpu.memory_space<hbm>>
      tpu.wait_indirect_dma semaphore(%arg13 : memref<!tpu.dma_semaphore, #tpu.memory_space<semaphore_mem>>) src(%dma_wait3A_1598 : memref<10240x128xf32, #tpu.memory_space<hbm>>) dst(%arg9 : memref<128x128xf32, #tpu.memory_space<vmem>>)
      "tpu.region"() ({
        %run_scoped3A_1625 = tpu.sem_alloc : memref<!tpu.dma_semaphore, #tpu.memory_space<semaphore_mem>>
        %dma_start3A_1626 = arith.constant 0 : i32
        %dma_start3A_1627 = tpu.memref_slice %arg8[%mul3A_1592, %dma_start3A_1626] : memref<16x128xi32, #tpu.memory_space<vmem>> -> memref<1x128xi32, #tpu.memory_space<vmem>>
        %dma_start3A_1628 = tpu.memref_squeeze %dma_start3A_1627 : memref<1x128xi32, #tpu.memory_space<vmem>> -> memref<128xi32, #tpu.memory_space<vmem>>
        %dma_start3A_1629 = arith.constant 0 : i32
        %dma_start3A_1630 = arith.constant 0 : i32
        %dma_start3A_1631 = tpu.memref_slice %arg12[%dma_start3A_1629, %dma_start3A_1630] : memref<10240x128xf32, #tpu.memory_space<vmem_shared>> -> memref<10240x128xf32, #tpu.memory_space<vmem_shared>>
        tpu.enqueue_indirect_dma source(%arg9 : memref<128x128xf32, #tpu.memory_space<vmem>>) target(%dma_start3A_1631 : memref<10240x128xf32, #tpu.memory_space<vmem_shared>>) offsets(%dma_start3A_1628 : memref<128xi32, #tpu.memory_space<vmem>>) semaphore(%run_scoped3A_1625 : memref<!tpu.dma_semaphore, #tpu.memory_space<semaphore_mem>>) {add = true}
        %dma_wait3A_1632 = arith.constant 0 : i32
        %dma_wait3A_1633 = tpu.memref_slice %arg8[%mul3A_1592, %dma_wait3A_1632] : memref<16x128xi32, #tpu.memory_space<vmem>> -> memref<1x128xi32, #tpu.memory_space<vmem>>
        %dma_wait3A_1634 = tpu.memref_squeeze %dma_wait3A_1633 : memref<1x128xi32, #tpu.memory_space<vmem>> -> memref<128xi32, #tpu.memory_space<vmem>>
        %dma_wait3A_1635 = arith.constant 0 : i32
        %dma_wait3A_1636 = arith.constant 0 : i32
        %dma_wait3A_1637 = tpu.memref_slice %arg12[%dma_wait3A_1635, %dma_wait3A_1636] : memref<10240x128xf32, #tpu.memory_space<vmem_shared>> -> memref<10240x128xf32, #tpu.memory_space<vmem_shared>>
        tpu.wait_indirect_dma semaphore(%run_scoped3A_1625 : memref<!tpu.dma_semaphore, #tpu.memory_space<semaphore_mem>>) src(%arg9 : memref<128x128xf32, #tpu.memory_space<vmem>>) dst(%dma_wait3A_1637 : memref<10240x128xf32, #tpu.memory_space<vmem_shared>>)
        tpu.yield
      }) : () -> ()
      %add3A_1599 = arith.constant 2 : i32
      %add3A_1600 = arith.addi %mul3A_1592, %add3A_1599 : i32
      %dma_start3A_1601 = arith.constant 0 : i32
      %dma_start3A_1602 = tpu.memref_slice %arg7[%add3A_1600, %dma_start3A_1601] : memref<16x128xi32, #tpu.memory_space<vmem>> -> memref<1x128xi32, #tpu.memory_space<vmem>>
      %dma_start3A_1603 = tpu.memref_squeeze %dma_start3A_1602 : memref<1x128xi32, #tpu.memory_space<vmem>> -> memref<128xi32, #tpu.memory_space<vmem>>
      %dma_start3A_1604 = arith.constant 0 : i32
      %dma_start3A_1605 = arith.constant 0 : i32
      %dma_start3A_1606 = tpu.memref_slice %arg4[%dma_start3A_1604, %dma_start3A_1605] : memref<10240x128xf32, #tpu.memory_space<hbm>> -> memref<10240x128xf32, #tpu.memory_space<hbm>>
      tpu.enqueue_indirect_dma source(%dma_start3A_1606 : memref<10240x128xf32, #tpu.memory_space<hbm>>) target(%arg9 : memref<128x128xf32, #tpu.memory_space<vmem>>) offsets(%dma_start3A_1603 : memref<128xi32, #tpu.memory_space<vmem>>) semaphore(%arg13 : memref<!tpu.dma_semaphore, #tpu.memory_space<semaphore_mem>>)
      %add3A_1607 = arith.constant 1 : i32
      %add3A_1608 = arith.addi %mul3A_1592, %add3A_1607 : i32
      %dma_wait3A_1609 = arith.constant 0 : i32
      %dma_wait3A_1610 = tpu.memref_slice %arg7[%add3A_1608, %dma_wait3A_1609] : memref<16x128xi32, #tpu.memory_space<vmem>> -> memref<1x128xi32, #tpu.memory_space<vmem>>
      %dma_wait3A_1611 = tpu.memref_squeeze %dma_wait3A_1610 : memref<1x128xi32, #tpu.memory_space<vmem>> -> memref<128xi32, #tpu.memory_space<vmem>>
      %dma_wait3A_1612 = arith.constant 0 : i32
      %dma_wait3A_1613 = arith.constant 0 : i32
      %dma_wait3A_1614 = tpu.memref_slice %arg4[%dma_wait3A_1612, %dma_wait3A_1613] : memref<10240x128xf32, #tpu.memory_space<hbm>> -> memref<10240x128xf32, #tpu.memory_space<hbm>>
      tpu.wait_indirect_dma semaphore(%arg14 : memref<!tpu.dma_semaphore, #tpu.memory_space<semaphore_mem>>) src(%dma_wait3A_1614 : memref<10240x128xf32, #tpu.memory_space<hbm>>) dst(%arg10 : memref<128x128xf32, #tpu.memory_space<vmem>>)
      %add3A_1615 = arith.constant 1 : i32
      %add3A_1616 = arith.addi %mul3A_1592, %add3A_1615 : i32
      "tpu.region"() ({
        %run_scoped3A_1625 = tpu.sem_alloc : memref<!tpu.dma_semaphore, #tpu.memory_space<semaphore_mem>>
        %dma_start3A_1626 = arith.constant 0 : i32
        %dma_start3A_1627 = tpu.memref_slice %arg8[%add3A_1616, %dma_start3A_1626] : memref<16x128xi32, #tpu.memory_space<vmem>> -> memref<1x128xi32, #tpu.memory_space<vmem>>
        %dma_start3A_1628 = tpu.memref_squeeze %dma_start3A_1627 : memref<1x128xi32, #tpu.memory_space<vmem>> -> memref<128xi32, #tpu.memory_space<vmem>>
        %dma_start3A_1629 = arith.constant 0 : i32
        %dma_start3A_1630 = arith.constant 0 : i32
        %dma_start3A_1631 = tpu.memref_slice %arg12[%dma_start3A_1629, %dma_start3A_1630] : memref<10240x128xf32, #tpu.memory_space<vmem_shared>> -> memref<10240x128xf32, #tpu.memory_space<vmem_shared>>
        tpu.enqueue_indirect_dma source(%arg10 : memref<128x128xf32, #tpu.memory_space<vmem>>) target(%dma_start3A_1631 : memref<10240x128xf32, #tpu.memory_space<vmem_shared>>) offsets(%dma_start3A_1628 : memref<128xi32, #tpu.memory_space<vmem>>) semaphore(%run_scoped3A_1625 : memref<!tpu.dma_semaphore, #tpu.memory_space<semaphore_mem>>) {add = true}
        %dma_wait3A_1632 = arith.constant 0 : i32
        %dma_wait3A_1633 = tpu.memref_slice %arg8[%add3A_1616, %dma_wait3A_1632] : memref<16x128xi32, #tpu.memory_space<vmem>> -> memref<1x128xi32, #tpu.memory_space<vmem>>
        %dma_wait3A_1634 = tpu.memref_squeeze %dma_wait3A_1633 : memref<1x128xi32, #tpu.memory_space<vmem>> -> memref<128xi32, #tpu.memory_space<vmem>>
        %dma_wait3A_1635 = arith.constant 0 : i32
        %dma_wait3A_1636 = arith.constant 0 : i32
        %dma_wait3A_1637 = tpu.memref_slice %arg12[%dma_wait3A_1635, %dma_wait3A_1636] : memref<10240x128xf32, #tpu.memory_space<vmem_shared>> -> memref<10240x128xf32, #tpu.memory_space<vmem_shared>>
        tpu.wait_indirect_dma semaphore(%run_scoped3A_1625 : memref<!tpu.dma_semaphore, #tpu.memory_space<semaphore_mem>>) src(%arg10 : memref<128x128xf32, #tpu.memory_space<vmem>>) dst(%dma_wait3A_1637 : memref<10240x128xf32, #tpu.memory_space<vmem_shared>>)
        tpu.yield
      }) : () -> ()
      %add3A_1617 = arith.constant 3 : i32
      %add3A_1618 = arith.addi %mul3A_1592, %add3A_1617 : i32
      %dma_start3A_1619 = arith.constant 0 : i32
      %dma_start3A_1620 = tpu.memref_slice %arg7[%add3A_1618, %dma_start3A_1619] : memref<16x128xi32, #tpu.memory_space<vmem>> -> memref<1x128xi32, #tpu.memory_space<vmem>>
      %dma_start3A_1621 = tpu.memref_squeeze %dma_start3A_1620 : memref<1x128xi32, #tpu.memory_space<vmem>> -> memref<128xi32, #tpu.memory_space<vmem>>
      %dma_start3A_1622 = arith.constant 0 : i32
      %dma_start3A_1623 = arith.constant 0 : i32
      %dma_start3A_1624 = tpu.memref_slice %arg4[%dma_start3A_1622, %dma_start3A_1623] : memref<10240x128xf32, #tpu.memory_space<hbm>> -> memref<10240x128xf32, #tpu.memory_space<hbm>>
      tpu.enqueue_indirect_dma source(%dma_start3A_1624 : memref<10240x128xf32, #tpu.memory_space<hbm>>) target(%arg10 : memref<128x128xf32, #tpu.memory_space<vmem>>) offsets(%dma_start3A_1621 : memref<128xi32, #tpu.memory_space<vmem>>) semaphore(%arg14 : memref<!tpu.dma_semaphore, #tpu.memory_space<semaphore_mem>>)
    }
    %scan3A_1563 = arith.constant 7 : i32
    %dma_wait3A_1564 = arith.constant 14 : i32
    %dma_wait3A_1565 = arith.constant 0 : i32
    %dma_wait3A_1566 = tpu.memref_slice %arg7[%dma_wait3A_1564, %dma_wait3A_1565] : memref<16x128xi32, #tpu.memory_space<vmem>> -> memref<1x128xi32, #tpu.memory_space<vmem>>
    %dma_wait3A_1567 = tpu.memref_squeeze %dma_wait3A_1566 : memref<1x128xi32, #tpu.memory_space<vmem>> -> memref<128xi32, #tpu.memory_space<vmem>>
    %dma_wait3A_1568 = arith.constant 0 : i32
    %dma_wait3A_1569 = arith.constant 0 : i32
    %dma_wait3A_1570 = tpu.memref_slice %arg4[%dma_wait3A_1568, %dma_wait3A_1569] : memref<10240x128xf32, #tpu.memory_space<hbm>> -> memref<10240x128xf32, #tpu.memory_space<hbm>>
    tpu.wait_indirect_dma semaphore(%arg13 : memref<!tpu.dma_semaphore, #tpu.memory_space<semaphore_mem>>) src(%dma_wait3A_1570 : memref<10240x128xf32, #tpu.memory_space<hbm>>) dst(%arg9 : memref<128x128xf32, #tpu.memory_space<vmem>>)
    %run_scoped3A_1571 = arith.constant 14 : i32
    "tpu.region"() ({
      %run_scoped3A_1590 = tpu.sem_alloc : memref<!tpu.dma_semaphore, #tpu.memory_space<semaphore_mem>>
      %dma_start3A_1591 = arith.constant 0 : i32
      %dma_start3A_1592 = tpu.memref_slice %arg8[%run_scoped3A_1571, %dma_start3A_1591] : memref<16x128xi32, #tpu.memory_space<vmem>> -> memref<1x128xi32, #tpu.memory_space<vmem>>
      %dma_start3A_1593 = tpu.memref_squeeze %dma_start3A_1592 : memref<1x128xi32, #tpu.memory_space<vmem>> -> memref<128xi32, #tpu.memory_space<vmem>>
      %dma_start3A_1594 = arith.constant 0 : i32
      %dma_start3A_1595 = arith.constant 0 : i32
      %dma_start3A_1596 = tpu.memref_slice %arg12[%dma_start3A_1594, %dma_start3A_1595] : memref<10240x128xf32, #tpu.memory_space<vmem_shared>> -> memref<10240x128xf32, #tpu.memory_space<vmem_shared>>
      tpu.enqueue_indirect_dma source(%arg9 : memref<128x128xf32, #tpu.memory_space<vmem>>) target(%dma_start3A_1596 : memref<10240x128xf32, #tpu.memory_space<vmem_shared>>) offsets(%dma_start3A_1593 : memref<128xi32, #tpu.memory_space<vmem>>) semaphore(%run_scoped3A_1590 : memref<!tpu.dma_semaphore, #tpu.memory_space<semaphore_mem>>) {add = true}
      %dma_wait3A_1597 = arith.constant 0 : i32
      %dma_wait3A_1598 = tpu.memref_slice %arg8[%run_scoped3A_1571, %dma_wait3A_1597] : memref<16x128xi32, #tpu.memory_space<vmem>> -> memref<1x128xi32, #tpu.memory_space<vmem>>
      %dma_wait3A_1599 = tpu.memref_squeeze %dma_wait3A_1598 : memref<1x128xi32, #tpu.memory_space<vmem>> -> memref<128xi32, #tpu.memory_space<vmem>>
      %dma_wait3A_1600 = arith.constant 0 : i32
      %dma_wait3A_1601 = arith.constant 0 : i32
      %dma_wait3A_1602 = tpu.memref_slice %arg12[%dma_wait3A_1600, %dma_wait3A_1601] : memref<10240x128xf32, #tpu.memory_space<vmem_shared>> -> memref<10240x128xf32, #tpu.memory_space<vmem_shared>>
      tpu.wait_indirect_dma semaphore(%run_scoped3A_1590 : memref<!tpu.dma_semaphore, #tpu.memory_space<semaphore_mem>>) src(%arg9 : memref<128x128xf32, #tpu.memory_space<vmem>>) dst(%dma_wait3A_1602 : memref<10240x128xf32, #tpu.memory_space<vmem_shared>>)
      tpu.yield
    }) : () -> ()
    %dma_wait3A_1572 = arith.constant 15 : i32
    %dma_wait3A_1573 = arith.constant 0 : i32
    %dma_wait3A_1574 = tpu.memref_slice %arg7[%dma_wait3A_1572, %dma_wait3A_1573] : memref<16x128xi32, #tpu.memory_space<vmem>> -> memref<1x128xi32, #tpu.memory_space<vmem>>
    %dma_wait3A_1575 = tpu.memref_squeeze %dma_wait3A_1574 : memref<1x128xi32, #tpu.memory_space<vmem>> -> memref<128xi32, #tpu.memory_space<vmem>>
    %dma_wait3A_1576 = arith.constant 0 : i32
    %dma_wait3A_1577 = arith.constant 0 : i32
    %dma_wait3A_1578 = tpu.memref_slice %arg4[%dma_wait3A_1576, %dma_wait3A_1577] : memref<10240x128xf32, #tpu.memory_space<hbm>> -> memref<10240x128xf32, #tpu.memory_space<hbm>>
    tpu.wait_indirect_dma semaphore(%arg14 : memref<!tpu.dma_semaphore, #tpu.memory_space<semaphore_mem>>) src(%dma_wait3A_1578 : memref<10240x128xf32, #tpu.memory_space<hbm>>) dst(%arg10 : memref<128x128xf32, #tpu.memory_space<vmem>>)
    %run_scoped3A_1579 = arith.constant 15 : i32
    "tpu.region"() ({
      %run_scoped3A_1590 = tpu.sem_alloc : memref<!tpu.dma_semaphore, #tpu.memory_space<semaphore_mem>>
      %dma_start3A_1591 = arith.constant 0 : i32
      %dma_start3A_1592 = tpu.memref_slice %arg8[%run_scoped3A_1579, %dma_start3A_1591] : memref<16x128xi32, #tpu.memory_space<vmem>> -> memref<1x128xi32, #tpu.memory_space<vmem>>
      %dma_start3A_1593 = tpu.memref_squeeze %dma_start3A_1592 : memref<1x128xi32, #tpu.memory_space<vmem>> -> memref<128xi32, #tpu.memory_space<vmem>>
      %dma_start3A_1594 = arith.constant 0 : i32
      %dma_start3A_1595 = arith.constant 0 : i32
      %dma_start3A_1596 = tpu.memref_slice %arg12[%dma_start3A_1594, %dma_start3A_1595] : memref<10240x128xf32, #tpu.memory_space<vmem_shared>> -> memref<10240x128xf32, #tpu.memory_space<vmem_shared>>
      tpu.enqueue_indirect_dma source(%arg10 : memref<128x128xf32, #tpu.memory_space<vmem>>) target(%dma_start3A_1596 : memref<10240x128xf32, #tpu.memory_space<vmem_shared>>) offsets(%dma_start3A_1593 : memref<128xi32, #tpu.memory_space<vmem>>) semaphore(%run_scoped3A_1590 : memref<!tpu.dma_semaphore, #tpu.memory_space<semaphore_mem>>) {add = true}
      %dma_wait3A_1597 = arith.constant 0 : i32
      %dma_wait3A_1598 = tpu.memref_slice %arg8[%run_scoped3A_1579, %dma_wait3A_1597] : memref<16x128xi32, #tpu.memory_space<vmem>> -> memref<1x128xi32, #tpu.memory_space<vmem>>
      %dma_wait3A_1599 = tpu.memref_squeeze %dma_wait3A_1598 : memref<1x128xi32, #tpu.memory_space<vmem>> -> memref<128xi32, #tpu.memory_space<vmem>>
      %dma_wait3A_1600 = arith.constant 0 : i32
      %dma_wait3A_1601 = arith.constant 0 : i32
      %dma_wait3A_1602 = tpu.memref_slice %arg12[%dma_wait3A_1600, %dma_wait3A_1601] : memref<10240x128xf32, #tpu.memory_space<vmem_shared>> -> memref<10240x128xf32, #tpu.memory_space<vmem_shared>>
      tpu.wait_indirect_dma semaphore(%run_scoped3A_1590 : memref<!tpu.dma_semaphore, #tpu.memory_space<semaphore_mem>>) src(%arg10 : memref<128x128xf32, #tpu.memory_space<vmem>>) dst(%dma_wait3A_1602 : memref<10240x128xf32, #tpu.memory_space<vmem_shared>>)
      tpu.yield
    }) : () -> ()
    %barrier3A_1580 = arith.constant 0 : index
    tpu.barrier barrier_id(%barrier3A_1580)
    %mul3A_1581 = arith.constant 640 : i32
    %mul3A_1582 = arith.muli %arg1, %mul3A_1581 : i32
    %eq3A = arith.constant 0 : i32
    %eq3A_1583 = arith.cmpi eq, %arg0, %eq3A : i32
    %convert_element_type3A = arith.extui %eq3A_1583 : i1 to i32
    %cond3A = arith.constant 0 : i32
    %cond3A_1584 = arith.cmpi ne, %convert_element_type3A, %cond3A : i32
    scf.if %cond3A_1584 {
      "tpu.region"() ({
        %run_scoped3A_1590 = tpu.sem_alloc : memref<!tpu.dma_semaphore, #tpu.memory_space<semaphore_mem>>
        %dma_start3A_1591 = arith.constant 0 : i32
        %dma_start3A_1592 = tpu.memref_slice %arg5[%mul3A_1582, %dma_start3A_1591] : memref<10240x128xf32, #tpu.memory_space<hbm>> -> memref<640x128xf32, #tpu.memory_space<hbm>>
        %dma_start3A_1593 = arith.constant 0 : i32
        %dma_start3A_1594 = tpu.memref_slice %arg12[%mul3A_1582, %dma_start3A_1593] : memref<10240x128xf32, #tpu.memory_space<vmem_shared>> -> memref<640x128xf32, #tpu.memory_space<vmem_shared>>
        tpu.enqueue_dma source(%dma_start3A_1594 : memref<640x128xf32, #tpu.memory_space<vmem_shared>>) target(%dma_start3A_1592 : memref<640x128xf32, #tpu.memory_space<hbm>>) target_semaphore(%run_scoped3A_1590 : memref<!tpu.dma_semaphore, #tpu.memory_space<semaphore_mem>>)
        %dma_wait3A_1595 = arith.constant 0 : i32
        %dma_wait3A_1596 = tpu.memref_slice %arg5[%mul3A_1582, %dma_wait3A_1595] : memref<10240x128xf32, #tpu.memory_space<hbm>> -> memref<640x128xf32, #tpu.memory_space<hbm>>
        %dma_wait3A_1597 = arith.constant 0 : i32
        %dma_wait3A_1598 = tpu.memref_slice %arg12[%mul3A_1582, %dma_wait3A_1597] : memref<10240x128xf32, #tpu.memory_space<vmem_shared>> -> memref<640x128xf32, #tpu.memory_space<vmem_shared>>
        tpu.wait_dma2 semaphore(%run_scoped3A_1590 : memref<!tpu.dma_semaphore, #tpu.memory_space<semaphore_mem>>) src(%dma_wait3A_1598 : memref<640x128xf32, #tpu.memory_space<vmem_shared>>) dst(%dma_wait3A_1596 : memref<640x128xf32, #tpu.memory_space<hbm>>)
        tpu.yield
      }) : () -> ()
    } else {
    }
    %eq3A_1585 = arith.constant 1 : i32
    %eq3A_1586 = arith.cmpi eq, %arg0, %eq3A_1585 : i32
    %convert_element_type3A_1587 = arith.extui %eq3A_1586 : i1 to i32
    %cond3A_1588 = arith.constant 0 : i32
    %cond3A_1589 = arith.cmpi ne, %convert_element_type3A_1587, %cond3A_1588 : i32
    scf.if %cond3A_1589 {
      "tpu.region"() ({
        %run_scoped3A_1590 = tpu.sem_alloc : memref<!tpu.dma_semaphore, #tpu.memory_space<semaphore_mem>>
        %dma_start3A_1591 = arith.constant 0 : i32
        %dma_start3A_1592 = tpu.memref_slice %arg6[%mul3A_1582, %dma_start3A_1591] : memref<10240x128xf32, #tpu.memory_space<hbm>> -> memref<640x128xf32, #tpu.memory_space<hbm>>
        %dma_start3A_1593 = arith.constant 0 : i32
        %dma_start3A_1594 = tpu.memref_slice %arg12[%mul3A_1582, %dma_start3A_1593] : memref<10240x128xf32, #tpu.memory_space<vmem_shared>> -> memref<640x128xf32, #tpu.memory_space<vmem_shared>>
        tpu.enqueue_dma source(%dma_start3A_1594 : memref<640x128xf32, #tpu.memory_space<vmem_shared>>) target(%dma_start3A_1592 : memref<640x128xf32, #tpu.memory_space<hbm>>) target_semaphore(%run_scoped3A_1590 : memref<!tpu.dma_semaphore, #tpu.memory_space<semaphore_mem>>)
        %dma_wait3A_1595 = arith.constant 0 : i32
        %dma_wait3A_1596 = tpu.memref_slice %arg6[%mul3A_1582, %dma_wait3A_1595] : memref<10240x128xf32, #tpu.memory_space<hbm>> -> memref<640x128xf32, #tpu.memory_space<hbm>>
        %dma_wait3A_1597 = arith.constant 0 : i32
        %dma_wait3A_1598 = tpu.memref_slice %arg12[%mul3A_1582, %dma_wait3A_1597] : memref<10240x128xf32, #tpu.memory_space<vmem_shared>> -> memref<640x128xf32, #tpu.memory_space<vmem_shared>>
        tpu.wait_dma2 semaphore(%run_scoped3A_1590 : memref<!tpu.dma_semaphore, #tpu.memory_space<semaphore_mem>>) src(%dma_wait3A_1598 : memref<640x128xf32, #tpu.memory_space<vmem_shared>>) dst(%dma_wait3A_1596 : memref<640x128xf32, #tpu.memory_space<hbm>>)
        tpu.yield
      }) : () -> ()
    } else {
    }
    return
  }
}

#map = affine_map<(d0, d1) -> (0, 0, 0)>
#map1 = affine_map<(d0, d1) -> (0, 0)>
module attributes {stable_mosaic.version = 14 : i64} {
  func.func @_k1_body(%arg0: i32, %arg1: i32, %arg2: memref<32x80x128xi32, #tpu.memory_space<hbm>>, %arg3: memref<32x10240xf32, #tpu.memory_space<hbm>>, %arg4: memref<80x128xi32, #tpu.memory_space<vmem>>, %arg5: memref<10240xf32, #tpu.memory_space<vmem>>) attributes {dimension_semantics = [#tpu.dimension_semantics<core_parallel>, #tpu.dimension_semantics<subcore_parallel>], iteration_bounds = array<i64: 2, 16>, scalar_prefetch = 0 : i64, scratch_operands = 2 : i64, tpu.core_type = #tpu.core_type<sc_vector_subcore>, window_params = [{transform_indices = #map}, {transform_indices = #map1}]} {
    %mul3A = arith.constant 2 : i32
    %mul3A_0 = arith.muli %arg1, %mul3A : i32
    %add3A = arith.addi %mul3A_0, %arg0 : i32
    "tpu.region"() ({
      %run_scoped3A = tpu.sem_alloc : memref<!tpu.dma_semaphore, #tpu.memory_space<semaphore_mem>>
      %dma_start3A = arith.constant 0 : i32
      %dma_start3A_13 = arith.constant 0 : i32
      %dma_start3A_14 = tpu.memref_slice %arg2[%add3A, %dma_start3A, %dma_start3A_13] : memref<32x80x128xi32, #tpu.memory_space<hbm>> -> memref<1x80x128xi32, #tpu.memory_space<hbm>>
      %dma_start3A_15 = tpu.memref_squeeze %dma_start3A_14 : memref<1x80x128xi32, #tpu.memory_space<hbm>> -> memref<80x128xi32, #tpu.memory_space<hbm>>
      %dma_start3A_16 = arith.constant 0 : i32
      %dma_start3A_17 = arith.constant 0 : i32
      %dma_start3A_18 = tpu.memref_slice %arg2[%add3A, %dma_start3A_16, %dma_start3A_17] : memref<32x80x128xi32, #tpu.memory_space<hbm>> -> memref<1x80x128xi32, #tpu.memory_space<hbm>>
      %dma_start3A_19 = tpu.memref_squeeze %dma_start3A_18 : memref<1x80x128xi32, #tpu.memory_space<hbm>> -> memref<80x128xi32, #tpu.memory_space<hbm>>
      tpu.enqueue_dma source(%dma_start3A_19 : memref<80x128xi32, #tpu.memory_space<hbm>>) target(%arg4 : memref<80x128xi32, #tpu.memory_space<vmem>>) target_semaphore(%run_scoped3A : memref<!tpu.dma_semaphore, #tpu.memory_space<semaphore_mem>>)
      %dma_wait3A = arith.constant 0 : i32
      %dma_wait3A_20 = arith.constant 0 : i32
      %dma_wait3A_21 = tpu.memref_slice %arg2[%add3A, %dma_wait3A, %dma_wait3A_20] : memref<32x80x128xi32, #tpu.memory_space<hbm>> -> memref<1x80x128xi32, #tpu.memory_space<hbm>>
      %dma_wait3A_22 = tpu.memref_squeeze %dma_wait3A_21 : memref<1x80x128xi32, #tpu.memory_space<hbm>> -> memref<80x128xi32, #tpu.memory_space<hbm>>
      %dma_wait3A_23 = arith.constant 0 : i32
      %dma_wait3A_24 = arith.constant 0 : i32
      %dma_wait3A_25 = tpu.memref_slice %arg2[%add3A, %dma_wait3A_23, %dma_wait3A_24] : memref<32x80x128xi32, #tpu.memory_space<hbm>> -> memref<1x80x128xi32, #tpu.memory_space<hbm>>
      %dma_wait3A_26 = tpu.memref_squeeze %dma_wait3A_25 : memref<1x80x128xi32, #tpu.memory_space<hbm>> -> memref<80x128xi32, #tpu.memory_space<hbm>>
      tpu.wait_dma2 semaphore(%run_scoped3A : memref<!tpu.dma_semaphore, #tpu.memory_space<semaphore_mem>>) src(%dma_wait3A_26 : memref<80x128xi32, #tpu.memory_space<hbm>>) dst(%arg4 : memref<80x128xi32, #tpu.memory_space<vmem>>)
      tpu.yield
    }) : () -> ()
    %broadcast_in_dim3A = arith.constant 0.000000e+00 : f32
    %broadcast_in_dim3A_1 = vector.broadcast %broadcast_in_dim3A : f32 to vector<16xf32>
    %scan3A = arith.constant 0 : i32
    %scan3A_2 = arith.constant 640 : i32
    %scan3A_3 = arith.addi %scan3A, %scan3A_2 : i32
    %scan3A_4 = arith.constant 1 : i32
    scf.for %scan3A_13 = %scan3A to %scan3A_3 step %scan3A_4  : i32 {
      %mul3A_14 = arith.constant 16 : i32
      %mul3A_15 = arith.muli %scan3A_13, %mul3A_14 : i32
      %swap3A = arith.index_cast %mul3A_15 : i32 to index
      %swap3A_16 = tpu.vector_load %arg5[%swap3A] {strides = array<i32>} : memref<10240xf32, #tpu.memory_space<vmem>>, vector<16xf32>,
      tpu.vector_store %arg5[%swap3A], %broadcast_in_dim3A_1 {strides = array<i32>} : memref<10240xf32, #tpu.memory_space<vmem>>, vector<16xf32>,
    }
    %scan3A_5 = arith.constant 640 : i32
    %broadcast_in_dim3A_6 = arith.constant 1.000000e+00 : f32
    %broadcast_in_dim3A_7 = vector.broadcast %broadcast_in_dim3A_6 : f32 to vector<16xf32>
    %scan3A_8 = arith.constant 0 : i32
    %scan3A_9 = arith.constant 80 : i32
    %scan3A_10 = arith.addi %scan3A_8, %scan3A_9 : i32
    %scan3A_11 = arith.constant 1 : i32
    scf.for %scan3A_13 = %scan3A_8 to %scan3A_10 step %scan3A_11  : i32 {
      %get3A = arith.index_cast %scan3A_13 : i32 to index
      %get3A_14 = arith.constant 0 : index
      %get3A_15 = tpu.vector_load %arg4[%get3A, %get3A_14] {strides = array<i32>} : memref<80x128xi32, #tpu.memory_space<vmem>>, vector<16xi32>,
      tpu.vector_store_idx %arg5[%get3A_15], %broadcast_in_dim3A_7 {add = true} : memref<10240xf32, #tpu.memory_space<vmem>>[vector<16xi32>], vector<16xf32>,
      %get3A_16 = arith.index_cast %scan3A_13 : i32 to index
      %get3A_17 = arith.constant 16 : index
      %get3A_18 = tpu.vector_load %arg4[%get3A_16, %get3A_17] {strides = array<i32>} : memref<80x128xi32, #tpu.memory_space<vmem>>, vector<16xi32>,
      tpu.vector_store_idx %arg5[%get3A_18], %broadcast_in_dim3A_7 {add = true} : memref<10240xf32, #tpu.memory_space<vmem>>[vector<16xi32>], vector<16xf32>,
      %get3A_19 = arith.index_cast %scan3A_13 : i32 to index
      %get3A_20 = arith.constant 32 : index
      %get3A_21 = tpu.vector_load %arg4[%get3A_19, %get3A_20] {strides = array<i32>} : memref<80x128xi32, #tpu.memory_space<vmem>>, vector<16xi32>,
      tpu.vector_store_idx %arg5[%get3A_21], %broadcast_in_dim3A_7 {add = true} : memref<10240xf32, #tpu.memory_space<vmem>>[vector<16xi32>], vector<16xf32>,
      %get3A_22 = arith.index_cast %scan3A_13 : i32 to index
      %get3A_23 = arith.constant 48 : index
      %get3A_24 = tpu.vector_load %arg4[%get3A_22, %get3A_23] {strides = array<i32>} : memref<80x128xi32, #tpu.memory_space<vmem>>, vector<16xi32>,
      tpu.vector_store_idx %arg5[%get3A_24], %broadcast_in_dim3A_7 {add = true} : memref<10240xf32, #tpu.memory_space<vmem>>[vector<16xi32>], vector<16xf32>,
      %get3A_25 = arith.index_cast %scan3A_13 : i32 to index
      %get3A_26 = arith.constant 64 : index
      %get3A_27 = tpu.vector_load %arg4[%get3A_25, %get3A_26] {strides = array<i32>} : memref<80x128xi32, #tpu.memory_space<vmem>>, vector<16xi32>,
      tpu.vector_store_idx %arg5[%get3A_27], %broadcast_in_dim3A_7 {add = true} : memref<10240xf32, #tpu.memory_space<vmem>>[vector<16xi32>], vector<16xf32>,
      %get3A_28 = arith.index_cast %scan3A_13 : i32 to index
      %get3A_29 = arith.constant 80 : index
      %get3A_30 = tpu.vector_load %arg4[%get3A_28, %get3A_29] {strides = array<i32>} : memref<80x128xi32, #tpu.memory_space<vmem>>, vector<16xi32>,
      tpu.vector_store_idx %arg5[%get3A_30], %broadcast_in_dim3A_7 {add = true} : memref<10240xf32, #tpu.memory_space<vmem>>[vector<16xi32>], vector<16xf32>,
      %get3A_31 = arith.index_cast %scan3A_13 : i32 to index
      %get3A_32 = arith.constant 96 : index
      %get3A_33 = tpu.vector_load %arg4[%get3A_31, %get3A_32] {strides = array<i32>} : memref<80x128xi32, #tpu.memory_space<vmem>>, vector<16xi32>,
      tpu.vector_store_idx %arg5[%get3A_33], %broadcast_in_dim3A_7 {add = true} : memref<10240xf32, #tpu.memory_space<vmem>>[vector<16xi32>], vector<16xf32>,
      %get3A_34 = arith.index_cast %scan3A_13 : i32 to index
      %get3A_35 = arith.constant 112 : index
      %get3A_36 = tpu.vector_load %arg4[%get3A_34, %get3A_35] {strides = array<i32>} : memref<80x128xi32, #tpu.memory_space<vmem>>, vector<16xi32>,
      tpu.vector_store_idx %arg5[%get3A_36], %broadcast_in_dim3A_7 {add = true} : memref<10240xf32, #tpu.memory_space<vmem>>[vector<16xi32>], vector<16xf32>,
    }
    %scan3A_12 = arith.constant 80 : i32
    "tpu.region"() ({
      %run_scoped3A = tpu.sem_alloc : memref<!tpu.dma_semaphore, #tpu.memory_space<semaphore_mem>>
      %dma_start3A = arith.constant 0 : i32
      %dma_start3A_13 = tpu.memref_slice %arg3[%add3A, %dma_start3A] : memref<32x10240xf32, #tpu.memory_space<hbm>> -> memref<1x10240xf32, #tpu.memory_space<hbm>>
      %dma_start3A_14 = tpu.memref_squeeze %dma_start3A_13 : memref<1x10240xf32, #tpu.memory_space<hbm>> -> memref<10240xf32, #tpu.memory_space<hbm>>
      %dma_start3A_15 = arith.constant 0 : i32
      %dma_start3A_16 = tpu.memref_slice %arg3[%add3A, %dma_start3A_15] : memref<32x10240xf32, #tpu.memory_space<hbm>> -> memref<1x10240xf32, #tpu.memory_space<hbm>>
      %dma_start3A_17 = tpu.memref_squeeze %dma_start3A_16 : memref<1x10240xf32, #tpu.memory_space<hbm>> -> memref<10240xf32, #tpu.memory_space<hbm>>
      tpu.enqueue_dma source(%arg5 : memref<10240xf32, #tpu.memory_space<vmem>>) target(%dma_start3A_17 : memref<10240xf32, #tpu.memory_space<hbm>>) target_semaphore(%run_scoped3A : memref<!tpu.dma_semaphore, #tpu.memory_space<semaphore_mem>>)
      %dma_wait3A = arith.constant 0 : i32
      %dma_wait3A_18 = tpu.memref_slice %arg3[%add3A, %dma_wait3A] : memref<32x10240xf32, #tpu.memory_space<hbm>> -> memref<1x10240xf32, #tpu.memory_space<hbm>>
      %dma_wait3A_19 = tpu.memref_squeeze %dma_wait3A_18 : memref<1x10240xf32, #tpu.memory_space<hbm>> -> memref<10240xf32, #tpu.memory_space<hbm>>
      %dma_wait3A_20 = arith.constant 0 : i32
      %dma_wait3A_21 = tpu.memref_slice %arg3[%add3A, %dma_wait3A_20] : memref<32x10240xf32, #tpu.memory_space<hbm>> -> memref<1x10240xf32, #tpu.memory_space<hbm>>
      %dma_wait3A_22 = tpu.memref_squeeze %dma_wait3A_21 : memref<1x10240xf32, #tpu.memory_space<hbm>> -> memref<10240xf32, #tpu.memory_space<hbm>>
      tpu.wait_dma2 semaphore(%run_scoped3A : memref<!tpu.dma_semaphore, #tpu.memory_space<semaphore_mem>>) src(%arg5 : memref<10240xf32, #tpu.memory_space<vmem>>) dst(%dma_wait3A_22 : memref<10240xf32, #tpu.memory_space<hbm>>)
      tpu.yield
    }) : () -> ()
    return
  }
}

module attributes {stable_mosaic.version = 14 : i64} {
  func.func @_k2_body(%arg0: i32, %arg1: memref<32x16x128xf32, #tpu.memory_space<vmem>>, %arg2: memref<2048x128xf32, #tpu.memory_space<vmem>>, %arg3: memref<2048x128xf32, #tpu.memory_space<vmem>>, %arg4: memref<16x128xf32, #tpu.memory_space<vmem>>) attributes {dimension_semantics = [#tpu.dimension_semantics<arbitrary>], iteration_bounds = array<i64: 5>, scalar_prefetch = 0 : i64, scratch_operands = 0 : i64, tpu.core_type = #tpu.core_type<tc>, window_params = [{transform_indices = @transform_0, window_bounds = array<i64: 32, 16, 128>}, {transform_indices = @transform_1, window_bounds = array<i64: 2048, 128>}, {transform_indices = @transform_2, window_bounds = array<i64: 2048, 128>}, {transform_indices = @transform_3, window_bounds = array<i64: 16, 128>}]} {
    %get3A = arith.constant 0 : index
    %get3A_0 = arith.constant 0 : index
    %get3A_1 = arith.constant 0 : index
    %get3A_2 = vector.load %arg1[%get3A, %get3A_0, %get3A_1] : memref<32x16x128xf32, #tpu.memory_space<vmem>>, vector<32x16x128xf32>
    %reduce_sum3A = arith.constant dense<0.000000e+00> : vector<16x128xf32>
    %reduce_sum3A_3 = vector.multi_reduction <add>, %get3A_2, %reduce_sum3A [0] : vector<32x16x128xf32> to vector<16x128xf32>
    %max3A = arith.constant 1.000000e+00 : f32
    %max3A_4 = vector.broadcast %max3A : f32 to vector<16x128xf32>
    %max3A_5 = arith.maximumf %reduce_sum3A_3, %max3A_4 : vector<16x128xf32>
    %rsqrt3A = math.rsqrt %max3A_5 : vector<16x128xf32>
    %swap3A = arith.constant 0 : index
    %swap3A_6 = arith.constant 0 : index
    %swap3A_7 = vector.load %arg4[%swap3A, %swap3A_6] : memref<16x128xf32, #tpu.memory_space<vmem>>, vector<16x128xf32>
    tpu.vector_store %arg4[%swap3A, %swap3A_6], %rsqrt3A {strides = array<i32>} : memref<16x128xf32, #tpu.memory_space<vmem>>, vector<16x128xf32>,
    %get3A_8 = arith.constant 0 : index
    %get3A_9 = arith.constant 0 : index
    %get3A_10 = vector.load %arg2[%get3A_8, %get3A_9] : memref<2048x128xf32, #tpu.memory_space<vmem>>, vector<2048x128xf32>
    %iota3A = tpu.iota {dimensions = array<i32: 1>} : vector<2048x16xi32>
    %iota3A_11 = tpu.iota {dimensions = array<i32: 0>} : vector<2048x16xi32>
    %jit3A = arith.constant 128 : i32
    %div3A = vector.broadcast %jit3A : i32 to vector<2048x16xi32>
    %div3A_12 = arith.divsi %iota3A_11, %div3A : vector<2048x16xi32>
    %sign3A = arith.constant 0 : i32
    %sign3A_13 = vector.broadcast %sign3A : i32 to vector<2048x16xi32>
    %sign3A_14 = arith.cmpi sgt, %iota3A_11, %sign3A_13 : vector<2048x16xi32>
    %sign3A_15 = arith.extui %sign3A_14 : vector<2048x16xi1> to vector<2048x16xi32>
    %sign3A_16 = arith.constant 0 : i32
    %sign3A_17 = vector.broadcast %sign3A_16 : i32 to vector<2048x16xi32>
    %sign3A_18 = arith.cmpi slt, %iota3A_11, %sign3A_17 : vector<2048x16xi32>
    %sign3A_19 = arith.extui %sign3A_18 : vector<2048x16xi1> to vector<2048x16xi32>
    %sign3A_20 = arith.subi %sign3A_15, %sign3A_19 : vector<2048x16xi32>
    %sign3A_21 = arith.constant 0 : i32
    %sign3A_22 = arith.cmpi sgt, %jit3A, %sign3A_21 : i32
    %sign3A_23 = arith.extui %sign3A_22 : i1 to i32
    %sign3A_24 = arith.constant 0 : i32
    %sign3A_25 = arith.cmpi slt, %jit3A, %sign3A_24 : i32
    %sign3A_26 = arith.extui %sign3A_25 : i1 to i32
    %sign3A_27 = arith.subi %sign3A_23, %sign3A_26 : i32
    %ne3A = vector.broadcast %sign3A_27 : i32 to vector<2048x16xi32>
    %ne3A_28 = arith.cmpi ne, %sign3A_20, %ne3A : vector<2048x16xi32>
    %rem3A = vector.broadcast %jit3A : i32 to vector<2048x16xi32>
    %rem3A_29 = arith.remsi %iota3A_11, %rem3A : vector<2048x16xi32>
    %ne3A_30 = arith.constant 0 : i32
    %ne3A_31 = vector.broadcast %ne3A_30 : i32 to vector<2048x16xi32>
    %ne3A_32 = arith.cmpi ne, %rem3A_29, %ne3A_31 : vector<2048x16xi32>
    %and3A = arith.andi %ne3A_28, %ne3A_32 : vector<2048x16xi1>
    %sub3A = arith.constant 1 : i32
    %sub3A_33 = vector.broadcast %sub3A : i32 to vector<2048x16xi32>
    %sub3A_34 = arith.subi %div3A_12, %sub3A_33 : vector<2048x16xi32>
    %select_n3A = arith.select %and3A, %sub3A_34, %div3A_12 : vector<2048x16xi1>, vector<2048x16xi32>
    %eq3A = arith.cmpi eq, %iota3A, %select_n3A : vector<2048x16xi32>
    %convert_element_type3A = arith.extui %eq3A : vector<2048x16xi1> to vector<2048x16xi32>
    %convert_element_type3A_35 = arith.sitofp %convert_element_type3A : vector<2048x16xi32> to vector<2048x16xf32>
    %dot_general3A = arith.constant dense<0.000000e+00> : vector<2048x128xf32>
    %dot_general3A_36 = tpu.matmul %convert_element_type3A_35, %rsqrt3A, %dot_general3A {dimension_numbers = #tpu.dot_dimension_numbers<[1], [0], [0], [1], [0, 0, 1, 1], [], []>, transpose_lhs_hint = false} : vector<2048x16xf32>, vector<16x128xf32>, vector<2048x128xf32> -> vector<2048x128xf32>
    %iota3A_37 = tpu.iota {dimensions = array<i32: 1>} : vector<2048x128xi32>
    %iota3A_38 = tpu.iota {dimensions = array<i32: 0>} : vector<2048x128xi32>
    %jit3A_39 = arith.constant 128 : i32
    %eq3A_40 = arith.constant 0 : i32
    %eq3A_41 = arith.cmpi eq, %jit3A_39, %eq3A_40 : i32
    %jit3A_42 = arith.constant 1 : i32
    %select_n3A_43 = arith.select %eq3A_41, %jit3A_42, %jit3A_39 : i32
    %rem3A_44 = vector.broadcast %select_n3A_43 : i32 to vector<2048x128xi32>
    %rem3A_45 = arith.remsi %iota3A_38, %rem3A_44 : vector<2048x128xi32>
    %ne3A_46 = arith.constant 0 : i32
    %ne3A_47 = vector.broadcast %ne3A_46 : i32 to vector<2048x128xi32>
    %ne3A_48 = arith.cmpi ne, %rem3A_45, %ne3A_47 : vector<2048x128xi32>
    %lt3A = arith.constant 0 : i32
    %lt3A_49 = vector.broadcast %lt3A : i32 to vector<2048x128xi32>
    %lt3A_50 = arith.cmpi slt, %rem3A_45, %lt3A_49 : vector<2048x128xi32>
    %lt3A_51 = arith.constant 0 : i32
    %lt3A_52 = arith.cmpi slt, %select_n3A_43, %lt3A_51 : i32
    %ne3A_53 = vector.broadcast %lt3A_52 : i1 to vector<2048x128xi1>
    %ne3A_54 = vector.broadcast %ne3A_53 : vector<2048x128xi1> to vector<2048x128xi1>
    %ne3A_55 = arith.xori %lt3A_50, %ne3A_54 : vector<2048x128xi1>
    %and3A_56 = arith.andi %ne3A_55, %ne3A_48 : vector<2048x128xi1>
    %add3A = vector.broadcast %select_n3A_43 : i32 to vector<2048x128xi32>
    %add3A_57 = arith.addi %rem3A_45, %add3A : vector<2048x128xi32>
    %select_n3A_58 = arith.select %and3A_56, %add3A_57, %rem3A_45 : vector<2048x128xi1>, vector<2048x128xi32>
    %eq3A_59 = arith.cmpi eq, %iota3A_37, %select_n3A_58 : vector<2048x128xi32>
    %convert_element_type3A_60 = arith.extui %eq3A_59 : vector<2048x128xi1> to vector<2048x128xi32>
    %convert_element_type3A_61 = arith.sitofp %convert_element_type3A_60 : vector<2048x128xi32> to vector<2048x128xf32>
    %mul3A = arith.mulf %dot_general3A_36, %convert_element_type3A_61 : vector<2048x128xf32>
    %reduce_sum3A_62 = arith.constant dense<0.000000e+00> : vector<2048xf32>
    %reduce_sum3A_63 = vector.multi_reduction <add>, %mul3A, %reduce_sum3A_62 [1] : vector<2048x128xf32> to vector<2048xf32>
    %broadcast_in_dim3A = vector.shape_cast %reduce_sum3A_63 : vector<2048xf32> to vector<2048x1xf32>
    %mul3A_64 = vector.broadcast %broadcast_in_dim3A : vector<2048x1xf32> to vector<2048x128xf32>
    %mul3A_65 = arith.mulf %get3A_10, %mul3A_64 : vector<2048x128xf32>
    %swap3A_66 = arith.constant 0 : index
    %swap3A_67 = arith.constant 0 : index
    %swap3A_68 = vector.load %arg3[%swap3A_66, %swap3A_67] : memref<2048x128xf32, #tpu.memory_space<vmem>>, vector<2048x128xf32>
    tpu.vector_store %arg3[%swap3A_66, %swap3A_67], %mul3A_65 {strides = array<i32>} : memref<2048x128xf32, #tpu.memory_space<vmem>>, vector<2048x128xf32>,
    return
  }
  func.func @transform_0(%arg0: i32) -> (i32, i32, i32) {
    %c0_i32 = arith.constant 0 : i32
    %c0_i32_0 = arith.constant 0 : i32
    %c0_i32_1 = arith.constant 0 : i32
    return %c0_i32, %arg0, %c0_i32_0 : i32, i32, i32
  }
  func.func @transform_1(%arg0: i32) -> (i32, i32) {
    %c0_i32 = arith.constant 0 : i32
    %c0_i32_0 = arith.constant 0 : i32
    return %arg0, %c0_i32 : i32, i32
  }
  func.func @transform_2(%arg0: i32) -> (i32, i32) {
    %c0_i32 = arith.constant 0 : i32
    %c0_i32_0 = arith.constant 0 : i32
    return %arg0, %c0_i32 : i32, i32
  }
  func.func @transform_3(%arg0: i32) -> (i32, i32) {
    %c0_i32 = arith.constant 0 : i32
    %c0_i32_0 = arith.constant 0 : i32
    return %arg0, %c0_i32 : i32, i32
  }
}

module attributes {stable_mosaic.version = 14 : i64} {
  func.func @_k4_body(%arg0: i32, %arg1: memref<2048x128xf32, #tpu.memory_space<vmem>>, %arg2: memref<2048x128xf32, #tpu.memory_space<vmem>>, %arg3: memref<16x128xf32, #tpu.memory_space<vmem>>, %arg4: memref<2048x128xf32, #tpu.memory_space<vmem>>, %arg5: memref<2048x128xf32, #tpu.memory_space<vmem>>, %arg6: memref<1x256xf32, #tpu.memory_space<vmem>>, %arg7: memref<2048x128xf32, #tpu.memory_space<vmem>>) attributes {dimension_semantics = [#tpu.dimension_semantics<arbitrary>], iteration_bounds = array<i64: 5>, scalar_prefetch = 0 : i64, scratch_operands = 0 : i64, tpu.core_type = #tpu.core_type<tc>, window_params = [{transform_indices = @transform_0, window_bounds = array<i64: 2048, 128>}, {transform_indices = @transform_1, window_bounds = array<i64: 2048, 128>}, {transform_indices = @transform_2, window_bounds = array<i64: 16, 128>}, {transform_indices = @transform_3, window_bounds = array<i64: 2048, 128>}, {transform_indices = @transform_4, window_bounds = array<i64: 2048, 128>}, {pipeline_mode = #tpu.pipeline_mode<synchronous>, transform_indices = @transform_5, window_bounds = array<i64: 1, 256>}, {transform_indices = @transform_6, window_bounds = array<i64: 2048, 128>}]} {
    %get3A = arith.constant 0 : index
    %get3A_0 = arith.constant 0 : index
    %get3A_1 = vector.load %arg1[%get3A, %get3A_0] : memref<2048x128xf32, #tpu.memory_space<vmem>>, vector<2048x128xf32>
    %get3A_2 = arith.constant 0 : index
    %get3A_3 = arith.constant 0 : index
    %get3A_4 = vector.load %arg2[%get3A_2, %get3A_3] : memref<2048x128xf32, #tpu.memory_space<vmem>>, vector<2048x128xf32>
    %add3A = arith.addf %get3A_1, %get3A_4 : vector<2048x128xf32>
    %get3A_5 = arith.constant 0 : index
    %get3A_6 = arith.constant 0 : index
    %get3A_7 = vector.load %arg3[%get3A_5, %get3A_6] : memref<16x128xf32, #tpu.memory_space<vmem>>, vector<16x128xf32>
    %iota3A = tpu.iota {dimensions = array<i32: 1>} : vector<2048x16xi32>
    %iota3A_8 = tpu.iota {dimensions = array<i32: 0>} : vector<2048x16xi32>
    %jit3A = arith.constant 128 : i32
    %div3A = vector.broadcast %jit3A : i32 to vector<2048x16xi32>
    %div3A_9 = arith.divsi %iota3A_8, %div3A : vector<2048x16xi32>
    %sign3A = arith.constant 0 : i32
    %sign3A_10 = vector.broadcast %sign3A : i32 to vector<2048x16xi32>
    %sign3A_11 = arith.cmpi sgt, %iota3A_8, %sign3A_10 : vector<2048x16xi32>
    %sign3A_12 = arith.extui %sign3A_11 : vector<2048x16xi1> to vector<2048x16xi32>
    %sign3A_13 = arith.constant 0 : i32
    %sign3A_14 = vector.broadcast %sign3A_13 : i32 to vector<2048x16xi32>
    %sign3A_15 = arith.cmpi slt, %iota3A_8, %sign3A_14 : vector<2048x16xi32>
    %sign3A_16 = arith.extui %sign3A_15 : vector<2048x16xi1> to vector<2048x16xi32>
    %sign3A_17 = arith.subi %sign3A_12, %sign3A_16 : vector<2048x16xi32>
    %sign3A_18 = arith.constant 0 : i32
    %sign3A_19 = arith.cmpi sgt, %jit3A, %sign3A_18 : i32
    %sign3A_20 = arith.extui %sign3A_19 : i1 to i32
    %sign3A_21 = arith.constant 0 : i32
    %sign3A_22 = arith.cmpi slt, %jit3A, %sign3A_21 : i32
    %sign3A_23 = arith.extui %sign3A_22 : i1 to i32
    %sign3A_24 = arith.subi %sign3A_20, %sign3A_23 : i32
    %ne3A = vector.broadcast %sign3A_24 : i32 to vector<2048x16xi32>
    %ne3A_25 = arith.cmpi ne, %sign3A_17, %ne3A : vector<2048x16xi32>
    %rem3A = vector.broadcast %jit3A : i32 to vector<2048x16xi32>
    %rem3A_26 = arith.remsi %iota3A_8, %rem3A : vector<2048x16xi32>
    %ne3A_27 = arith.constant 0 : i32
    %ne3A_28 = vector.broadcast %ne3A_27 : i32 to vector<2048x16xi32>
    %ne3A_29 = arith.cmpi ne, %rem3A_26, %ne3A_28 : vector<2048x16xi32>
    %and3A = arith.andi %ne3A_25, %ne3A_29 : vector<2048x16xi1>
    %sub3A = arith.constant 1 : i32
    %sub3A_30 = vector.broadcast %sub3A : i32 to vector<2048x16xi32>
    %sub3A_31 = arith.subi %div3A_9, %sub3A_30 : vector<2048x16xi32>
    %select_n3A = arith.select %and3A, %sub3A_31, %div3A_9 : vector<2048x16xi1>, vector<2048x16xi32>
    %eq3A = arith.cmpi eq, %iota3A, %select_n3A : vector<2048x16xi32>
    %convert_element_type3A = arith.extui %eq3A : vector<2048x16xi1> to vector<2048x16xi32>
    %convert_element_type3A_32 = arith.sitofp %convert_element_type3A : vector<2048x16xi32> to vector<2048x16xf32>
    %dot_general3A = arith.constant dense<0.000000e+00> : vector<2048x128xf32>
    %dot_general3A_33 = tpu.matmul %convert_element_type3A_32, %get3A_7, %dot_general3A {dimension_numbers = #tpu.dot_dimension_numbers<[1], [0], [0], [1], [0, 0, 1, 1], [], []>, transpose_lhs_hint = false} : vector<2048x16xf32>, vector<16x128xf32>, vector<2048x128xf32> -> vector<2048x128xf32>
    %iota3A_34 = tpu.iota {dimensions = array<i32: 1>} : vector<2048x128xi32>
    %iota3A_35 = tpu.iota {dimensions = array<i32: 0>} : vector<2048x128xi32>
    %jit3A_36 = arith.constant 128 : i32
    %eq3A_37 = arith.constant 0 : i32
    %eq3A_38 = arith.cmpi eq, %jit3A_36, %eq3A_37 : i32
    %jit3A_39 = arith.constant 1 : i32
    %select_n3A_40 = arith.select %eq3A_38, %jit3A_39, %jit3A_36 : i32
    %rem3A_41 = vector.broadcast %select_n3A_40 : i32 to vector<2048x128xi32>
    %rem3A_42 = arith.remsi %iota3A_35, %rem3A_41 : vector<2048x128xi32>
    %ne3A_43 = arith.constant 0 : i32
    %ne3A_44 = vector.broadcast %ne3A_43 : i32 to vector<2048x128xi32>
    %ne3A_45 = arith.cmpi ne, %rem3A_42, %ne3A_44 : vector<2048x128xi32>
    %lt3A = arith.constant 0 : i32
    %lt3A_46 = vector.broadcast %lt3A : i32 to vector<2048x128xi32>
    %lt3A_47 = arith.cmpi slt, %rem3A_42, %lt3A_46 : vector<2048x128xi32>
    %lt3A_48 = arith.constant 0 : i32
    %lt3A_49 = arith.cmpi slt, %select_n3A_40, %lt3A_48 : i32
    %ne3A_50 = vector.broadcast %lt3A_49 : i1 to vector<2048x128xi1>
    %ne3A_51 = vector.broadcast %ne3A_50 : vector<2048x128xi1> to vector<2048x128xi1>
    %ne3A_52 = arith.xori %lt3A_47, %ne3A_51 : vector<2048x128xi1>
    %and3A_53 = arith.andi %ne3A_52, %ne3A_45 : vector<2048x128xi1>
    %add3A_54 = vector.broadcast %select_n3A_40 : i32 to vector<2048x128xi32>
    %add3A_55 = arith.addi %rem3A_42, %add3A_54 : vector<2048x128xi32>
    %select_n3A_56 = arith.select %and3A_53, %add3A_55, %rem3A_42 : vector<2048x128xi1>, vector<2048x128xi32>
    %eq3A_57 = arith.cmpi eq, %iota3A_34, %select_n3A_56 : vector<2048x128xi32>
    %convert_element_type3A_58 = arith.extui %eq3A_57 : vector<2048x128xi1> to vector<2048x128xi32>
    %convert_element_type3A_59 = arith.sitofp %convert_element_type3A_58 : vector<2048x128xi32> to vector<2048x128xf32>
    %mul3A = arith.mulf %dot_general3A_33, %convert_element_type3A_59 : vector<2048x128xf32>
    %reduce_sum3A = arith.constant dense<0.000000e+00> : vector<2048xf32>
    %reduce_sum3A_60 = vector.multi_reduction <add>, %mul3A, %reduce_sum3A [1] : vector<2048x128xf32> to vector<2048xf32>
    %broadcast_in_dim3A = vector.shape_cast %reduce_sum3A_60 : vector<2048xf32> to vector<2048x1xf32>
    %mul3A_61 = vector.broadcast %broadcast_in_dim3A : vector<2048x1xf32> to vector<2048x128xf32>
    %mul3A_62 = arith.mulf %add3A, %mul3A_61 : vector<2048x128xf32>
    %get3A_63 = arith.constant 0 : index
    %get3A_64 = arith.constant 0 : index
    %get3A_65 = vector.load %arg4[%get3A_63, %get3A_64] : memref<2048x128xf32, #tpu.memory_space<vmem>>, vector<2048x128xf32>
    %get3A_66 = arith.constant 0 : index
    %get3A_67 = arith.constant 0 : index
    %get3A_68 = vector.load %arg6[%get3A_66, %get3A_67] : memref<1x256xf32, #tpu.memory_space<vmem>>, vector<1x128xf32>
    %get3A_69 = arith.constant 0 : index
    %get3A_70 = arith.constant 128 : index
    %get3A_71 = vector.load %arg6[%get3A_69, %get3A_70] : memref<1x256xf32, #tpu.memory_space<vmem>>, vector<1x128xf32>
    %mul3A_72 = vector.broadcast %get3A_68 : vector<1x128xf32> to vector<2048x128xf32>
    %mul3A_73 = arith.mulf %get3A_65, %mul3A_72 : vector<2048x128xf32>
    %reduce_sum3A_74 = arith.constant dense<0.000000e+00> : vector<2048xf32>
    %reduce_sum3A_75 = vector.multi_reduction <add>, %mul3A_73, %reduce_sum3A_74 [1] : vector<2048x128xf32> to vector<2048xf32>
    %broadcast_in_dim3A_76 = vector.shape_cast %reduce_sum3A_75 : vector<2048xf32> to vector<2048x1xf32>
    %mul3A_77 = vector.broadcast %get3A_71 : vector<1x128xf32> to vector<2048x128xf32>
    %mul3A_78 = arith.mulf %mul3A_62, %mul3A_77 : vector<2048x128xf32>
    %reduce_sum3A_79 = arith.constant dense<0.000000e+00> : vector<2048xf32>
    %reduce_sum3A_80 = vector.multi_reduction <add>, %mul3A_78, %reduce_sum3A_79 [1] : vector<2048x128xf32> to vector<2048xf32>
    %broadcast_in_dim3A_81 = vector.shape_cast %reduce_sum3A_80 : vector<2048xf32> to vector<2048x1xf32>
    %add3A_82 = arith.addf %broadcast_in_dim3A_76, %broadcast_in_dim3A_81 : vector<2048x1xf32>
    %logistic3A = arith.negf %add3A_82 : vector<2048x1xf32>
    %logistic3A_83 = math.exp %logistic3A : vector<2048x1xf32>
    %logistic3A_84 = arith.constant 1.000000e+00 : f32
    %logistic3A_85 = vector.broadcast %logistic3A_84 : f32 to vector<2048x1xf32>
    %logistic3A_86 = arith.addf %logistic3A_85, %logistic3A_83 : vector<2048x1xf32>
    %logistic3A_87 = arith.divf %logistic3A_85, %logistic3A_86 : vector<2048x1xf32>
    %mul3A_88 = vector.broadcast %logistic3A_87 : vector<2048x1xf32> to vector<2048x128xf32>
    %mul3A_89 = arith.mulf %mul3A_88, %mul3A_62 : vector<2048x128xf32>
    %get3A_90 = arith.constant 0 : index
    %get3A_91 = arith.constant 0 : index
    %get3A_92 = vector.load %arg5[%get3A_90, %get3A_91] : memref<2048x128xf32, #tpu.memory_space<vmem>>, vector<2048x128xf32>
    %add3A_93 = arith.addf %mul3A_89, %get3A_92 : vector<2048x128xf32>
    %swap3A = arith.constant 0 : index
    %swap3A_94 = arith.constant 0 : index
    %swap3A_95 = vector.load %arg7[%swap3A, %swap3A_94] : memref<2048x128xf32, #tpu.memory_space<vmem>>, vector<2048x128xf32>
    tpu.vector_store %arg7[%swap3A, %swap3A_94], %add3A_93 {strides = array<i32>} : memref<2048x128xf32, #tpu.memory_space<vmem>>, vector<2048x128xf32>,
    return
  }
  func.func @transform_0(%arg0: i32) -> (i32, i32) {
    %c0_i32 = arith.constant 0 : i32
    %c0_i32_0 = arith.constant 0 : i32
    return %arg0, %c0_i32 : i32, i32
  }
  func.func @transform_1(%arg0: i32) -> (i32, i32) {
    %c0_i32 = arith.constant 0 : i32
    %c0_i32_0 = arith.constant 0 : i32
    return %arg0, %c0_i32 : i32, i32
  }
  func.func @transform_2(%arg0: i32) -> (i32, i32) {
    %c0_i32 = arith.constant 0 : i32
    %c0_i32_0 = arith.constant 0 : i32
    return %arg0, %c0_i32 : i32, i32
  }
  func.func @transform_3(%arg0: i32) -> (i32, i32) {
    %c0_i32 = arith.constant 0 : i32
    %c0_i32_0 = arith.constant 0 : i32
    return %arg0, %c0_i32 : i32, i32
  }
  func.func @transform_4(%arg0: i32) -> (i32, i32) {
    %c0_i32 = arith.constant 0 : i32
    %c0_i32_0 = arith.constant 0 : i32
    return %arg0, %c0_i32 : i32, i32
  }
  func.func @transform_5(%arg0: i32) -> (i32, i32) {
    %c0_i32 = arith.constant 0 : i32
    %c0_i32_0 = arith.constant 0 : i32
    %c0_i32_1 = arith.constant 0 : i32
    return %c0_i32, %c0_i32_0 : i32, i32
  }
  func.func @transform_6(%arg0: i32) -> (i32, i32) {
    %c0_i32 = arith.constant 0 : i32
    %c0_i32_0 = arith.constant 0 : i32
    return %arg0, %c0_i32 : i32, i32
  }
}

</mosaic_0001>

<sc_bundles>
// kernel: kernel.6.cloned.1.call-start
scs
__scs_entry_jumppad:
0x0: {  	(pc) =	sbr.rel $0x88, $3  }
0x1: {  	(tag) =	ssettag $0x0;
	lr =	simm.s32 $0x1  }
0x2: {  	[smem:$0x3F9D] =	sst lr;
	_ =	strace $0xD0000000  }
0x3: {  	_ = 	snop  }
0x4: {  	_ = 	snop  }
0x5: {  	_ = 	snop  }
0x6: {  	_ = 	snop  }
0x7: {  	_ = 	snop  }
__scs_overlays_trampoline_lowered:
0x8: {  	[smem:$0x3FAC] =	sst s0  }
0x9: {  	[smem:$0x3FAD] =	sst s1  }
0xa: {  	[smem:$0x3FAE] =	sst s2  }
0xb: {  	[smem:$0x3FAF] =	sst s3  }
0xc: {  	[smem:$0x3FB0] =	sst s4  }
0xd: {  	[smem:$0x3FB1] =	sst s5  }
0xe: {  	[smem:$0x3FB2] =	sst s6  }
0xf: {  	[smem:$0x3FB3] =	sst s7  }
0x10: {  	[smem:$0x3FB4] =	sst s8  }
0x11: {  	[smem:$0x3FB5] =	sst s9;
	s0 =	simm.s32 @!p0 $0x0  }
0x12: {  	s1 =	sld [smem:$0x3F9B];
	s0 =	simm.s32 @p0 $0x1  }
0x13: {  	[smem:$0x3FB6] =	sst s0;
	s0 =	simm.s32 @!p1 $0x0  }
0x14: {  	s2 =	sld [smem:$0x3F9A];
	s0 =	simm.s32 @p1 $0x1  }
0x15: {  	[smem:$0x3FB7] =	sst s0;
	s0 =	simm.s32 @!p2 $0x0  }
0x16: {  	s3 =	sld [smem:$0x3FDB];
	s0 =	simm.s32 @p2 $0x1  }
0x17: {  	s4 =	simm.s32 $0x1BF5;
	[smem:$0x3FB9] =	sst s0  }
0x18: {  	s0 =	sld [smem:$0x3F9C];
	_ =	swait.ge [sflag:s4], $0x0  }
0x19: {  	s7 =	sld [smem:$0x3F9D]  }
0x1a: {  	s8 =	sadd.s32 $0xFFFFE003, lr  }
0x1b: {  	s9 =	sadd.s32 $0xFFFFFEF7, lr;
	s5 =	simm.s32 $0xFFFFFFFF;
	p2 =	slt.u32 s8, $0xFFFFF086  }
0x1c: {  	p1 =	slt.u32 s9, $0xF7A;
	s5 =	simm.s32 @!p2 $0x0  }
0x1d: {  	s5 =	simm.s32 @p1 $0x1;
	p0 =	seq.s32 s7, s2  }
0x1e: {  	s7 =	smul.u32 @!p0 $0xF7A, s2;
	p2 =	seq.s32 @!p0 s5, $0x0  }
0x1f: {  	s9 =	smul.u32 $0xF7A, s1;
	s8 =	simm.s32 @!p0 $0x1BF5;
	p2 =	por !p2, p0  }
0x20: {  	[sflag:s8] =	ssyncset.s32 @!p0 $0xFFFFF086;
	s6 =	sadd.s32 @!p0 s3, s7;
	s7 =	simm.s32 @!p0 $0x108  }
0x21: {  	s3 =	sadd.s32 s3, s9;
	s6 =	sadd.s32 @!p0 $0x88, s6;
	s7 =	simm.s32 @p2 $0x1082  }
0x22: {  	[simem:s7], [sflag:s8] =	dma.local @!p0 [hbm:s6], $0xF7A  }
0x23: {  	s9 =	sor.u32 $0xD0000000, s2;
	s6 =	simm.s32 $0x108;
	_ =	swait.ge @!p0 [sflag:s8], $0x0  }
0x24: {  	s3 =	sadd.s32 $0x88, s3;
	s6 =	simm.s32 @!p1 $0x1082;
	[sflag:s4] =	ssyncset.s32 $0xFFFFF086  }
0x25: {  	[simem:s6], [sflag:s4] =	dma.local [hbm:s3], $0xF7A  }
0x26: {  	[smem:$0x3F9D] =	sst s1;
	(tag) =	ssettag s2;
	_ =	strace s9  }
0x27: {  	s1 =	sld [smem:$0x3FAD]  }
0x28: {  	s2 =	sld [smem:$0x3FAE]  }
0x29: {  	s4 =	sld [smem:$0x3FB0]  }
0x2a: {  	p0 =	seq.s32 s5, $0x0;
	s5 =	sld [smem:$0x3FB1]  }
0x2b: {  	s6 =	sld [smem:$0x3FB2]  }
0x2c: {  	s7 =	sld [smem:$0x3FB3]  }
0x2d: {  	s3 =	simm.s32 $0x108;
	s8 =	sld [smem:$0x3FB4]  }
0x2e: {  	s3 =	simm.s32 @!p0 $0x1082;
	s9 =	sld [smem:$0x3FB5]  }
0x2f: {  	lr =	sadd.s32 s0, s3;
	s0 =	sld [smem:$0x3FAC]  }
0x30: {  	s3 =	sld [smem:$0x3FAF]  }
0x31: {  	[smem:$0x3FB8] =	sst s10  }
0x32: {  	s10 =	sld [smem:$0x3FB6];
	_ =	sdelay $0x3  }
0x33: {  	p0 =	seq.s32 s10, $0x1;
	s10 =	sld [smem:$0x3FB8];
	_ =	sdelay $0x3  }
0x34: {  	[smem:$0x3FB8] =	sst s10  }
0x35: {  	s10 =	sld [smem:$0x3FB7];
	_ =	sdelay $0x3  }
0x36: {  	p1 =	seq.s32 s10, $0x1;
	s10 =	sld [smem:$0x3FB8];
	_ =	sdelay $0x3  }
0x37: {  	[smem:$0x3FB8] =	sst s10  }
0x38: {  	s10 =	sld [smem:$0x3FB9]  }
0x39: {  	_ = 	snop;
	(pc) =	sbr.ind lr, $3  }
0x3a: {  	_ = 	snop  }
0x3b: {  	_ = 	snop  }
0x3c: {  	p2 =	seq.s32 s10, $0x1;
	s10 =	sld [smem:$0x3FB8]  }
0x3d: {  	_ =	shalt  }
0x3e: {  	_ =	shalt  }
0x3f: {  	_ =	shalt  }
0x40: {  	_ =	shalt  }
0x41: {  	_ =	shalt  }
0x42: {  	_ =	shalt  }
0x43: {  	_ =	shalt  }
0x44: {  	_ =	shalt  }
0x45: {  	_ =	shalt  }
0x46: {  	_ =	shalt  }
0x47: {  	_ =	shalt  }
0x48: {  	_ =	shalt  }
0x49: {  	_ =	shalt  }
0x4a: {  	_ =	shalt  }
0x4b: {  	_ =	shalt  }
0x4c: {  	_ =	shalt  }
0x4d: {  	_ =	shalt  }
0x4e: {  	_ =	shalt  }
0x4f: {  	_ =	shalt  }
0x50: {  	_ =	shalt  }
0x51: {  	_ =	shalt  }
0x52: {  	_ =	shalt  }
0x53: {  	_ =	shalt  }
0x54: {  	_ =	shalt  }
0x55: {  	_ =	shalt  }
0x56: {  	_ =	shalt  }
0x57: {  	_ =	shalt  }
0x58: {  	_ =	shalt  }
0x59: {  	_ =	shalt  }
0x5a: {  	_ =	shalt  }
0x5b: {  	_ =	shalt  }
0x5c: {  	_ =	shalt  }
0x5d: {  	_ =	shalt  }
0x5e: {  	_ =	shalt  }
0x5f: {  	_ =	shalt  }
0x60: {  	_ =	shalt  }
0x61: {  	_ =	shalt  }
0x62: {  	_ =	shalt  }
0x63: {  	_ =	shalt  }
0x64: {  	_ =	shalt  }
0x65: {  	_ =	shalt  }
0x66: {  	_ =	shalt  }
0x67: {  	_ =	shalt  }
0x68: {  	_ =	shalt  }
0x69: {  	_ =	shalt  }
0x6a: {  	_ =	shalt  }
0x6b: {  	_ =	shalt  }
0x6c: {  	_ =	shalt  }
0x6d: {  	_ =	shalt  }
0x6e: {  	_ =	shalt  }
0x6f: {  	_ =	shalt  }
0x70: {  	_ =	shalt  }
0x71: {  	_ =	shalt  }
0x72: {  	_ =	shalt  }
0x73: {  	_ =	shalt  }
0x74: {  	_ =	shalt  }
0x75: {  	_ =	shalt  }
0x76: {  	_ =	shalt  }
0x77: {  	_ =	shalt  }
0x78: {  	_ =	shalt  }
0x79: {  	_ =	shalt  }
0x7a: {  	_ =	shalt  }
0x7b: {  	_ =	shalt  }
0x7c: {  	_ =	shalt  }
0x7d: {  	_ =	shalt  }
0x7e: {  	_ =	shalt  }
0x7f: {  	_ =	shalt  }
0x80: {  	_ =	shalt  }
0x81: {  	_ =	shalt  }
0x82: {  	_ =	shalt  }
0x83: {  	_ =	shalt  }
0x84: {  	_ =	shalt  }
0x85: {  	_ =	shalt  }
0x86: {  	_ =	shalt  }
0x87: {  	_ =	shalt  }
.Lfunc_end0:
.L_simem_size_0:
called_computation_lowered:
.L_overlay_start_0:
0x88: {  	s2 =	sld [smem:$0x3FD9]  }
0x89: {  	s3 =	sld [smem:$0x3FFE];
	_ =	sdelay $0x1  }
0x8a: {  	s1 =	srdreg.scid  }
0x8b: {  	s0 =	sand.u32 $0x1, s1  }
0x8c: {  	s16 =	sshll.u32 s0, $0xA;
	s2 =	sadd.s32 s3, s2  }
0x8d: {  	s2 =	sadd.s32 s2, s16  }
0x8e: {  	[smem:$0x3FC4] =	sst s2  }
0x8f: {  	_ = 	snop  }
0x90: {  	(tm) =	ssettm $0x1  }
0x91: {  	s17 =	sld [smem:$0x3FFB];
	_ =	sdelay $0x3  }
0x92: {  	_ =	strace s17  }
0x93: {  	s2 =	sld [smem:$0x3FFC];
	_ =	sdelay $0x3  }
0x94: {  	_ =	strace s2  }
0x95: {  	s2 =	sld [smem:$0x3FFD];
	_ =	sdelay $0x3  }
0x96: {  	_ =	strace s2  }
0x97: {  	_ =	strace $0x8FFFFFFF  }
0x98: {  	s18 =	sld [smem:$0x3FDB];
	_ =	sdelay $0x1  }
0x99: {  	s19 =	simm.s32 $_scs_section_size  }
0x9a: {  	s4 =	simm.s32 $_size__tile_overlayer_lowered;
	s5 =	simm.s32 $_tile_overlayer_lowered  }
0x9b: {  	s22 =	simm.s32 $0x1BFF;
	s21 =	sshll.u32 s5, $0x1;
	s2 =	sadd.s32 s19, s18  }
0x9c: {  	s6 =	simm.s32 $0x0;
	s20 =	sshll.u32 s4, $0x1;
	s4 =	sadd.s32 s21, s2  }
0x9d: {  	[timem:s6], [sflag:s22] =	dma.local [hbm:s4], s20  }
0x9e: {  	_ =	swait.ge [sflag:s22], s20  }
0x9f: {  	s3 =	ssub.s32 $0x0, s20;
	[sflag:s22] =	ssyncset.done $0x0  }
0xa0: {  	[sflag:s22] =	ssyncadd.s32 s3;
	_ =	sdelay $0x1  }
0xa1: {  	s23 =	simm.s32 $0x1B8B  }
0xa2: {  	_ =	swait.ge [sflag:s23], $0x1  }
0xa3: {  	[sflag:s23] =	ssyncset.done $0x0  }
0xa4: {  	s25 =	simm.s32 $0x1B8E;
	s24 =	sld [smem:$0x3FFE];
	[sflag:s23] =	ssyncadd.s32 $0xFFFFFFFF  }
0xa5: {  	s26 =	simm.s32 $execute0_lowered;
	[smem:$0x3FD2] =	sst s25  }
0xa6: {  	s4 =	sshll.u32 s26, $0x1;
	_ =	strace $0x80000046;
	[dreg:$0x1] =	wrdreg $0xFFFFFFFF  }
0xa7: {  	s28 =	simm.s32 $_size_execute0_lowered;
	s2 =	sadd.s32 s2, s4;
	[dreg:$0x0] =	wrdreg $0x0  }
0xa8: {  	s4 =	sshll.u32 s28, $0x1;
	[dreg:$0x2] =	wrdreg s2  }
0xa9: {  	[dreg:$0x3] =	wrdreg s4  }
0xaa: {  	[dreg:$0x4] =	wrdreg $0xC0  }
0xab: {  	_ =	task [dreg:s6], $0x5FFFF  }
0xac: {  	[dreg:$0x1] =	wrdreg $0xFFFFFFFF  }
0xad: {  	[dreg:$0x0] =	wrdreg $0x60  }
0xae: {  	[dreg:$0x2] =	wrdreg s24  }
0xaf: {  	[dreg:$0x3] =	wrdreg $0x9  }
0xb0: {  	_ =	task.clear_ibuf [dreg:s6], $0x4FFFF;
	_ =	strace $0x90000046  }
0xb1: {  	s29 =	simm.s32 $0x9;
	_ =	strace $0x80000048  }
0xb2: {  	_ =	swait.ge [sflag:s29], $0x1  }
0xb3: {  	[sflag:s29] =	ssyncadd.s32 $0xFFFFFFFF  }
0xb4: {  	_ =	strace $0x90000048  }
0xb5: {  	_ =	sfence  }
0xb6: {  	s30 =	sld [smem:$0x0];
	_ =	sdelay $0x2  }
0xb7: {  	s31 =	sshll.u32 s1, $0xD;
	s1 =	sshrl.u32 s1, $0x2  }
0xb8: {  	s3 =	sand.u32 $0x4000, s31;
	s1 =	sadd.s32 s1, s30  }
0xb9: {  	s0 =	sor.u32 s3, s0;
	s1 =	sshll.u32 s1, $0x11  }
0xba: {  	s0 =	sor.u32 s1, s0  }
0xbb: {  	s0 =	sadd.s32 $0x8F2B, s0  }
0xbc: {  	[sflag:s0] =	ssyncadd.remote.s32 $0x1  }
0xbd: {  	_ =	sfence.sel $0xFFFF  }
0xbe: {  	[dreg:$0x0] =	wrdreg $0xFFFFFFFF;
	(pc) =	sbr.abs _section_cstart, $3  }
0xbf: {  	[dreg:$0x1] =	wrdreg $0xFFFFFFFF  }
0xc0: {  	_ =	task.clear_ibuf [dreg:s6], $0x2FFFF;
	_ =	strace $0x9FFFFFFF  }
0xc1: {  	(tm) =	ssettm $0x7FFFFFFF  }
tec
execute0_lowered:
.L_overlay_start_1:
0x0: {  	(tag) =	ssettag $0x1  }
0x1: {  	s1 =	srdreg.scid  }
0x2: {  	s0 =	stileid.u32;
	s5 =	rddreg [dreg:$0x0]  }
0x3: {  	s2 =	simm.s32 $0x0;
	s8 =	simm.s32 $0x80;
	s9 =	simm.s32 $0x400  }
0x4: {  	s10 =	simm.s32 $0x0;
	s3 =	sand.u32 $0x1, s1;
	s29 =	sshll.u32 s0, $0x1  }
0x5: {  	s30 =	sshrl.u32 s0, $0x2;
	s1 =	rddreg [dreg:$0x1];
	s4 =	sor.u32 s3, s29  }
0x6: {  	[smem:$0x7FF] =	sst s2;
	s6 =	smul.u32 $0x14000, s30;
	s7 =	sshll.u32 s4, $0x7  }
0x7: {  	s3 =	ssub.s32 $0x2, s3;
	s4 =	smul.u32 $0x500, s4;
	s7 =	sand.u32 $0x380, s7  }
0x8: {  	_ =	strace $0x80000047;
	s31 =	sshrl.u32 s3, $0x1;
	s6 =	sor.u32 s6, s7  }
0x9: {  	s4 =	sadd.s32 s4, s5;
	s7 =	simm.s32 $0x2800;
	s6 =	sshrl.u32 s6, $0x3  }
0xa: {  	s5 =	sadd.s32 s6, s5;
	s6 =	ssub.s32 s3, s31;
	s3 =	sadd.s32 $0x2000, s4  }
0xb: {  	v0 =	vimm.f32 $0.0e+00;
	v1 =	vimm.f32 $1.000000000e+00;
	s4 =	sadd.s32 $0xC000, s5;
	s5 =	smax.u32 s6, $0x1;
	s6 =	simm.s32 $0x1  }
.LBB2_1:
0xc: {  	[tilespmem:s2], [sflag:$0x1] =	stream.linear.gather [hbm4b:s3+s2], $0x2800, $0x38;
	[tilespmem:$0x5000] =	vst v63  }
0xd: {  	_ =	swait.ge [sflag:s6], $0x2800  }
0xe: {  	[sflag:s6] =	ssyncset.done $0x0  }
0xf: {  	s11 =	simm.s32 $0x0;
	[sflag:s6] =	ssyncadd.s32 $0xFFFFD800  }
.LBB2_2:
0x10: {  	p0 =	sne.s32 s11, $0x9FC0  }
.Ltmp0:
0x11: {  	_ = 	snop;
	(pc) =	sbr.rel @p0 .LBB2_2-.Ltmp0, $3  }
0x12: {  	_ =	sdelay $0x1  }
0x13: {  	s12 =	sshra.s32 s11, $0x2  }
0x14: {  	s11 =	sadd.s32 $0x40, s11;
	[tilespmem:s12+$0x2800] =	vst v0  }
0x15: {  	s11 =	simm.s32 $0x0  }
.LBB2_4:
0x16: {  	s12 =	sshra.s32 s11, $0x2  }
0x17: {  	v2 =	vld [tilespmem:s12+$0x0];
	_ =	sdelay $0x7  }
0x18: {  	[tilespmem:v2+s7+$0x0] =	vst.idx.add.f32.msk $0xffff, v1  }
0x19: {  	v2 =	vld [tilespmem:s12+$0x10];
	_ =	sdelay $0x7  }
0x1a: {  	[tilespmem:v2+s7+$0x0] =	vst.idx.add.f32.msk $0xffff, v1  }
0x1b: {  	v2 =	vld [tilespmem:s12+$0x20];
	_ =	sdelay $0x7  }
0x1c: {  	[tilespmem:v2+s7+$0x0] =	vst.idx.add.f32.msk $0xffff, v1  }
0x1d: {  	v2 =	vld [tilespmem:s12+$0x30];
	_ =	sdelay $0x7  }
0x1e: {  	[tilespmem:v2+s7+$0x0] =	vst.idx.add.f32.msk $0xffff, v1  }
0x1f: {  	v2 =	vld [tilespmem:s12+$0x40];
	_ =	sdelay $0x7  }
0x20: {  	[tilespmem:v2+s7+$0x0] =	vst.idx.add.f32.msk $0xffff, v1  }
0x21: {  	v2 =	vld [tilespmem:s12+$0x50];
	_ =	sdelay $0x7  }
0x22: {  	[tilespmem:v2+s7+$0x0] =	vst.idx.add.f32.msk $0xffff, v1  }
0x23: {  	v2 =	vld [tilespmem:s12+$0x60];
	_ =	sdelay $0x7  }
0x24: {  	[tilespmem:v2+s7+$0x0] =	vst.idx.add.f32.msk $0xffff, v1  }
0x25: {  	v2 =	vld [tilespmem:s12+$0x70];
	_ =	sdelay $0x2  }
0x26: {  	p0 =	sne.s32 s11, $0x9E00  }
.Ltmp1:
0x27: {  	_ = 	snop;
	(pc) =	sbr.rel @p0 .LBB2_4-.Ltmp1, $2  }
0x28: {  	_ =	sdelay $0x2  }
0x29: {  	s11 =	sadd.s32 $0x200, s11;
	[tilespmem:v2+s7+$0x0] =	vst.idx.add.f32.msk $0xffff, v1  }
0x2a: {  	s10 =	sadd.s32 $0x1, s10  }
0x2b: {  	p0 =	sne.s32 s10, s5  }
.Ltmp2:
0x2c: {  	_ = 	snop;
	(pc) =	sbr.rel @p0 .LBB2_1-.Ltmp2, $4  }
0x2d: {  	[hbm4b:s4+s8] =	stream.strided.scatter [tilespmem:s7], [sflag:$0x1], $0x2800, s9, s8, $0x38;
	[tilespmem:$0x5000] =	vst v63  }
0x2e: {  	_ =	swait.ge [sflag:s6], $0x2800  }
0x2f: {  	[sflag:s6] =	ssyncset.done $0x0  }
0x30: {  	[sflag:s6] =	ssyncadd.s32 $0xFFFFD800  }
0x31: {  	_ =	sfence.sel $0x180000  }
0x32: {  	[bflag:$0x0] =	sbarrier.arrive $0xFFFF  }
0x33: {  	p0 =	sne.s32 s0, $0x0;
	_ =	strace $0x90000047  }
0x34: {  	s0 =	sadd.s32 @!p0 $0x100000, s1;
	[bflag:$0x2] =	sbarrier.arrive $0xFFFF  }
0x35: {  	[sflag:s0] =	ssyncadd.tile.s32 @!p0 $0x1;
	_ =	shalt  }
.Lfunc_end2:
_tile_overlayer_lowered:
.L_overlay_start_2:
0x36: {  	(tag) =	ssettag $0x2  }
0x37: {  	s0 =	rddreg [dreg:$0x0];
	s2 =	stileid.u32  }
0x38: {  	s1 =	rddreg [dreg:$0x1];
	p0 =	sne.s32 s2, $0x0  }
0x39: {  	s3 =	rddreg [dreg:$0x2];
	[bflag:$0x3] =	sbarrier.arrive $0xFFFF;
	s2 =	simm.s32 @!p0 $0x1C01  }
0x3a: {  	[timem:s3], [sflag:s2] =	dma.local @!p0 [hbm:s0], s1  }
0x3b: {  	s0 =	simm.s32 @!p0 $0x1  }
0x3c: {  	_ =	swait.ge @!p0 [sflag:s0], s1  }
0x3d: {  	s1 =	ssub.s32 @!p0 $0x0, s1;
	[sflag:s0] =	ssyncset.done @!p0 $0x0  }
0x3e: {  	[sflag:s0] =	ssyncadd.s32 @!p0 s1  }
0x3f: {  	[bflag:$0x3] =	sbarrier.arrive $0xFFFF  }
0x40: {  	_ =	shalt  }

// kernel: kernel.9.cloned.1.call-start
scs
__scs_entry_jumppad:
0x0: {  	(pc) =	sbr.rel $0x88, $3  }
0x1: {  	(tag) =	ssettag $0x0;
	lr =	simm.s32 $0x1  }
0x2: {  	[smem:$0x3F9D] =	sst lr;
	_ =	strace $0xD0000000  }
0x3: {  	_ = 	snop  }
0x4: {  	_ = 	snop  }
0x5: {  	_ = 	snop  }
0x6: {  	_ = 	snop  }
0x7: {  	_ = 	snop  }
__scs_overlays_trampoline_lowered:
0x8: {  	[smem:$0x3FAC] =	sst s0  }
0x9: {  	[smem:$0x3FAD] =	sst s1  }
0xa: {  	[smem:$0x3FAE] =	sst s2  }
0xb: {  	[smem:$0x3FAF] =	sst s3  }
0xc: {  	[smem:$0x3FB0] =	sst s4  }
0xd: {  	[smem:$0x3FB1] =	sst s5  }
0xe: {  	[smem:$0x3FB2] =	sst s6  }
0xf: {  	[smem:$0x3FB3] =	sst s7  }
0x10: {  	[smem:$0x3FB4] =	sst s8  }
0x11: {  	[smem:$0x3FB5] =	sst s9;
	s0 =	simm.s32 @!p0 $0x0  }
0x12: {  	s1 =	sld [smem:$0x3F9B];
	s0 =	simm.s32 @p0 $0x1  }
0x13: {  	[smem:$0x3FB6] =	sst s0;
	s0 =	simm.s32 @!p1 $0x0  }
0x14: {  	s2 =	sld [smem:$0x3F9A];
	s0 =	simm.s32 @p1 $0x1  }
0x15: {  	[smem:$0x3FB7] =	sst s0;
	s0 =	simm.s32 @!p2 $0x0  }
0x16: {  	s3 =	sld [smem:$0x3FDB];
	s0 =	simm.s32 @p2 $0x1  }
0x17: {  	s4 =	simm.s32 $0x1BF5;
	[smem:$0x3FB9] =	sst s0  }
0x18: {  	s0 =	sld [smem:$0x3F9C];
	_ =	swait.ge [sflag:s4], $0x0  }
0x19: {  	s7 =	sld [smem:$0x3F9D]  }
0x1a: {  	s8 =	sadd.s32 $0xFFFFE003, lr  }
0x1b: {  	s9 =	sadd.s32 $0xFFFFFEF7, lr;
	s5 =	simm.s32 $0xFFFFFFFF;
	p2 =	slt.u32 s8, $0xFFFFF086  }
0x1c: {  	p1 =	slt.u32 s9, $0xF7A;
	s5 =	simm.s32 @!p2 $0x0  }
0x1d: {  	s5 =	simm.s32 @p1 $0x1;
	p0 =	seq.s32 s7, s2  }
0x1e: {  	s7 =	smul.u32 @!p0 $0xF7A, s2;
	p2 =	seq.s32 @!p0 s5, $0x0  }
0x1f: {  	s9 =	smul.u32 $0xF7A, s1;
	s8 =	simm.s32 @!p0 $0x1BF5;
	p2 =	por !p2, p0  }
0x20: {  	[sflag:s8] =	ssyncset.s32 @!p0 $0xFFFFF086;
	s6 =	sadd.s32 @!p0 s3, s7;
	s7 =	simm.s32 @!p0 $0x108  }
0x21: {  	s3 =	sadd.s32 s3, s9;
	s6 =	sadd.s32 @!p0 $0x88, s6;
	s7 =	simm.s32 @p2 $0x1082  }
0x22: {  	[simem:s7], [sflag:s8] =	dma.local @!p0 [hbm:s6], $0xF7A  }
0x23: {  	s9 =	sor.u32 $0xD0000000, s2;
	s6 =	simm.s32 $0x108;
	_ =	swait.ge @!p0 [sflag:s8], $0x0  }
0x24: {  	s3 =	sadd.s32 $0x88, s3;
	s6 =	simm.s32 @!p1 $0x1082;
	[sflag:s4] =	ssyncset.s32 $0xFFFFF086  }
0x25: {  	[simem:s6], [sflag:s4] =	dma.local [hbm:s3], $0xF7A  }
0x26: {  	[smem:$0x3F9D] =	sst s1;
	(tag) =	ssettag s2;
	_ =	strace s9  }
0x27: {  	s1 =	sld [smem:$0x3FAD]  }
0x28: {  	s2 =	sld [smem:$0x3FAE]  }
0x29: {  	s4 =	sld [smem:$0x3FB0]  }
0x2a: {  	p0 =	seq.s32 s5, $0x0;
	s5 =	sld [smem:$0x3FB1]  }
0x2b: {  	s6 =	sld [smem:$0x3FB2]  }
0x2c: {  	s7 =	sld [smem:$0x3FB3]  }
0x2d: {  	s3 =	simm.s32 $0x108;
	s8 =	sld [smem:$0x3FB4]  }
0x2e: {  	s3 =	simm.s32 @!p0 $0x1082;
	s9 =	sld [smem:$0x3FB5]  }
0x2f: {  	lr =	sadd.s32 s0, s3;
	s0 =	sld [smem:$0x3FAC]  }
0x30: {  	s3 =	sld [smem:$0x3FAF]  }
0x31: {  	[smem:$0x3FB8] =	sst s10  }
0x32: {  	s10 =	sld [smem:$0x3FB6];
	_ =	sdelay $0x3  }
0x33: {  	p0 =	seq.s32 s10, $0x1;
	s10 =	sld [smem:$0x3FB8];
	_ =	sdelay $0x3  }
0x34: {  	[smem:$0x3FB8] =	sst s10  }
0x35: {  	s10 =	sld [smem:$0x3FB7];
	_ =	sdelay $0x3  }
0x36: {  	p1 =	seq.s32 s10, $0x1;
	s10 =	sld [smem:$0x3FB8];
	_ =	sdelay $0x3  }
0x37: {  	[smem:$0x3FB8] =	sst s10  }
0x38: {  	s10 =	sld [smem:$0x3FB9]  }
0x39: {  	_ = 	snop;
	(pc) =	sbr.ind lr, $3  }
0x3a: {  	_ = 	snop  }
0x3b: {  	_ = 	snop  }
0x3c: {  	p2 =	seq.s32 s10, $0x1;
	s10 =	sld [smem:$0x3FB8]  }
0x3d: {  	_ =	shalt  }
0x3e: {  	_ =	shalt  }
0x3f: {  	_ =	shalt  }
0x40: {  	_ =	shalt  }
0x41: {  	_ =	shalt  }
0x42: {  	_ =	shalt  }
0x43: {  	_ =	shalt  }
0x44: {  	_ =	shalt  }
0x45: {  	_ =	shalt  }
0x46: {  	_ =	shalt  }
0x47: {  	_ =	shalt  }
0x48: {  	_ =	shalt  }
0x49: {  	_ =	shalt  }
0x4a: {  	_ =	shalt  }
0x4b: {  	_ =	shalt  }
0x4c: {  	_ =	shalt  }
0x4d: {  	_ =	shalt  }
0x4e: {  	_ =	shalt  }
0x4f: {  	_ =	shalt  }
0x50: {  	_ =	shalt  }
0x51: {  	_ =	shalt  }
0x52: {  	_ =	shalt  }
0x53: {  	_ =	shalt  }
0x54: {  	_ =	shalt  }
0x55: {  	_ =	shalt  }
0x56: {  	_ =	shalt  }
0x57: {  	_ =	shalt  }
0x58: {  	_ =	shalt  }
0x59: {  	_ =	shalt  }
0x5a: {  	_ =	shalt  }
0x5b: {  	_ =	shalt  }
0x5c: {  	_ =	shalt  }
0x5d: {  	_ =	shalt  }
0x5e: {  	_ =	shalt  }
0x5f: {  	_ =	shalt  }
0x60: {  	_ =	shalt  }
0x61: {  	_ =	shalt  }
0x62: {  	_ =	shalt  }
0x63: {  	_ =	shalt  }
0x64: {  	_ =	shalt  }
0x65: {  	_ =	shalt  }
0x66: {  	_ =	shalt  }
0x67: {  	_ =	shalt  }
0x68: {  	_ =	shalt  }
0x69: {  	_ =	shalt  }
0x6a: {  	_ =	shalt  }
0x6b: {  	_ =	shalt  }
0x6c: {  	_ =	shalt  }
0x6d: {  	_ =	shalt  }
0x6e: {  	_ =	shalt  }
0x6f: {  	_ =	shalt  }
0x70: {  	_ =	shalt  }
0x71: {  	_ =	shalt  }
0x72: {  	_ =	shalt  }
0x73: {  	_ =	shalt  }
0x74: {  	_ =	shalt  }
0x75: {  	_ =	shalt  }
0x76: {  	_ =	shalt  }
0x77: {  	_ =	shalt  }
0x78: {  	_ =	shalt  }
0x79: {  	_ =	shalt  }
0x7a: {  	_ =	shalt  }
0x7b: {  	_ =	shalt  }
0x7c: {  	_ =	shalt  }
0x7d: {  	_ =	shalt  }
0x7e: {  	_ =	shalt  }
0x7f: {  	_ =	shalt  }
0x80: {  	_ =	shalt  }
0x81: {  	_ =	shalt  }
0x82: {  	_ =	shalt  }
0x83: {  	_ =	shalt  }
0x84: {  	_ =	shalt  }
0x85: {  	_ =	shalt  }
0x86: {  	_ =	shalt  }
0x87: {  	_ =	shalt  }
.Lfunc_end0:
.L_simem_size_0:
called_computation.1_lowered:
.L_overlay_start_0:
0x88: {  	s2 =	sld [smem:$0x3FD9]  }
0x89: {  	s3 =	sld [smem:$0x3FFE];
	_ =	sdelay $0x1  }
0x8a: {  	s1 =	srdreg.scid  }
0x8b: {  	s0 =	sand.u32 $0x1, s1  }
0x8c: {  	s17 =	sshll.u32 s0, $0xA;
	s2 =	sadd.s32 s3, s2  }
0x8d: {  	s2 =	sadd.s32 s2, s17  }
0x8e: {  	[smem:$0x3FC4] =	sst s2  }
0x8f: {  	_ = 	snop  }
0x90: {  	s2 =	sld [smem:$0x3FD0];
	(tm) =	ssettm $0x1  }
0x91: {  	s18 =	sld [smem:$0x3FFB];
	_ =	sdelay $0x3  }
0x92: {  	_ =	strace s18  }
0x93: {  	s3 =	sld [smem:$0x3FFC];
	_ =	sdelay $0x3  }
0x94: {  	_ =	strace s3  }
0x95: {  	s3 =	sld [smem:$0x3FFD];
	_ =	sdelay $0x3  }
0x96: {  	_ =	strace s3  }
0x97: {  	_ =	strace $0x8FFFFFFF  }
0x98: {  	s19 =	sld [smem:$0x3FDB];
	_ =	sdelay $0x1  }
0x99: {  	s4 =	simm.s32 $_scs_section_size  }
0x9a: {  	s5 =	simm.s32 $_size__tile_overlayer_lowered;
	s6 =	simm.s32 $_tile_overlayer_lowered  }
0x9b: {  	s22 =	simm.s32 $0x1BFF;
	s21 =	sshll.u32 s6, $0x1;
	s3 =	sadd.s32 s4, s19  }
0x9c: {  	s7 =	simm.s32 $0x0;
	s20 =	sshll.u32 s5, $0x1;
	s5 =	sadd.s32 s21, s3  }
0x9d: {  	[timem:s7], [sflag:s22] =	dma.local [hbm:s5], s20  }
0x9e: {  	_ =	swait.ge [sflag:s22], s20  }
0x9f: {  	s4 =	ssub.s32 $0x0, s20;
	[sflag:s22] =	ssyncset.done $0x0  }
0xa0: {  	[sflag:s22] =	ssyncadd.s32 s4;
	_ =	sdelay $0x1  }
0xa1: {  	s23 =	simm.s32 $0x1B8B  }
0xa2: {  	_ =	swait.ge [sflag:s23], $0x1  }
0xa3: {  	[sflag:s23] =	ssyncset.done $0x0  }
0xa4: {  	s25 =	simm.s32 $0x1B8E;
	s24 =	sld [smem:$0x3FFE];
	[sflag:s23] =	ssyncadd.s32 $0xFFFFFFFF  }
0xa5: {  	s26 =	simm.s32 $execute0_lowered;
	[smem:$0x3FD2] =	sst s25  }
0xa6: {  	s5 =	sshll.u32 s26, $0x1;
	_ =	strace $0x80000049;
	[dreg:$0x1] =	wrdreg $0xFFFFFFFF  }
0xa7: {  	s28 =	simm.s32 $_size_execute0_lowered;
	s3 =	sadd.s32 s3, s5;
	[dreg:$0x0] =	wrdreg $0x0  }
0xa8: {  	s5 =	sshll.u32 s28, $0x1;
	[dreg:$0x2] =	wrdreg s3  }
0xa9: {  	[dreg:$0x3] =	wrdreg s5  }
0xaa: {  	[dreg:$0x4] =	wrdreg $0xC0  }
0xab: {  	_ =	task [dreg:s7], $0x5FFFF  }
0xac: {  	[dreg:$0x1] =	wrdreg $0xFFFFFFFF  }
0xad: {  	[dreg:$0x0] =	wrdreg $0x60  }
0xae: {  	[dreg:$0x2] =	wrdreg s2  }
0xaf: {  	[dreg:$0x3] =	wrdreg s24  }
0xb0: {  	[dreg:$0x4] =	wrdreg $0x98000  }
0xb1: {  	[dreg:$0x5] =	wrdreg $0x9  }
0xb2: {  	_ =	task.clear_ibuf [dreg:s7], $0x6FFFF;
	_ =	strace $0x90000049  }
0xb3: {  	s29 =	simm.s32 $0x9;
	_ =	strace $0x8000004B  }
0xb4: {  	_ =	swait.ge [sflag:s29], $0x1  }
0xb5: {  	[sflag:s29] =	ssyncadd.s32 $0xFFFFFFFF  }
0xb6: {  	_ =	strace $0x9000004B  }
0xb7: {  	_ =	sfence  }
0xb8: {  	s30 =	sld [smem:$0x0];
	_ =	sdelay $0x2  }
0xb9: {  	s31 =	sshll.u32 s1, $0xD;
	s1 =	sshrl.u32 s1, $0x2  }
0xba: {  	s3 =	sand.u32 $0x4000, s31;
	s1 =	sadd.s32 s1, s30  }
0xbb: {  	s0 =	sor.u32 s3, s0;
	s1 =	sshll.u32 s1, $0x11  }
0xbc: {  	s0 =	sor.u32 s1, s0  }
0xbd: {  	s0 =	sadd.s32 $0x8F2B, s0  }
0xbe: {  	[sflag:s0] =	ssyncadd.remote.s32 $0x1  }
0xbf: {  	_ =	sfence.sel $0xFFFF  }
0xc0: {  	[dreg:$0x0] =	wrdreg $0xFFFFFFFF;
	(pc) =	sbr.abs _section_cstart, $3  }
0xc1: {  	[dreg:$0x1] =	wrdreg $0xFFFFFFFF  }
0xc2: {  	_ =	task.clear_ibuf [dreg:s7], $0x2FFFF;
	_ =	strace $0x9FFFFFFF  }
0xc3: {  	(tm) =	ssettm $0x7FFFFFFF  }
tec
execute0_lowered:
.L_overlay_start_1:
0x0: {  	(tag) =	ssettag $0x1  }
0x1: {  	s12 =	stileid.u32  }
0x2: {  	s1 =	rddreg [dreg:$0x0];
	s4 =	smul.u32 $0x50000, s12  }
0x3: {  	s0 =	rddreg [dreg:$0x1]  }
0x4: {  	s2 =	rddreg [dreg:$0x2];
	s20 =	simm.s32 $0x0;
	s4 =	sshrl.u32 s4, $0x2  }
0x5: {  	[smem:$0x7FF] =	sst s20;
	s4 =	sadd.s32 s4, s2  }
0x6: {  	_ =	strace $0x8000004A;
	s5 =	sadd.s32 $0x800, s4;
	[smem:$0x7F1] =	sst s4  }
0x7: {  	s30 =	sadd.s32 $0x1000, s4;
	[dreg:$0x4] =	wrdreg s5  }
0x8: {  	s31 =	sadd.s32 $0x1800, s4;
	[dreg:$0x5] =	wrdreg s30  }
0x9: {  	s3 =	sadd.s32 $0x2000, s4;
	[dreg:$0x6] =	wrdreg s31  }
0xa: {  	s6 =	sadd.s32 $0x2800, s4;
	[dreg:$0x7] =	wrdreg s3  }
0xb: {  	s7 =	sadd.s32 $0x3000, s4;
	[dreg:$0x8] =	wrdreg s6  }
0xc: {  	s8 =	sadd.s32 $0x3800, s4;
	[dreg:$0x9] =	wrdreg s7  }
0xd: {  	s9 =	sadd.s32 $0x4000, s4;
	[dreg:$0xa] =	wrdreg s8  }
0xe: {  	s10 =	sadd.s32 $0x4800, s4;
	[dreg:$0xb] =	wrdreg s9  }
0xf: {  	s11 =	sadd.s32 $0x5000, s4;
	[dreg:$0xc] =	wrdreg s10  }
0x10: {  	s13 =	sadd.s32 $0x5800, s4;
	[dreg:$0xd] =	wrdreg s11  }
0x11: {  	s14 =	sadd.s32 $0x6000, s4;
	[dreg:$0xe] =	wrdreg s13  }
0x12: {  	s15 =	sadd.s32 $0x6800, s4;
	[dreg:$0xf] =	wrdreg s14  }
0x13: {  	s16 =	sadd.s32 $0x7000, s4;
	[dreg:$0x10] =	wrdreg s15  }
0x14: {  	s17 =	sadd.s32 $0x7800, s4;
	[dreg:$0x11] =	wrdreg s16  }
0x15: {  	s18 =	sadd.s32 $0x8000, s4;
	[dreg:$0x12] =	wrdreg s17  }
0x16: {  	s19 =	sadd.s32 $0x8800, s4;
	[dreg:$0x13] =	wrdreg s18  }
0x17: {  	s21 =	sadd.s32 $0x9000, s4;
	[dreg:$0x14] =	wrdreg s19  }
0x18: {  	s22 =	sadd.s32 $0x9800, s4;
	[dreg:$0x15] =	wrdreg s21  }
0x19: {  	s23 =	sadd.s32 $0xA000, s4;
	[dreg:$0x16] =	wrdreg s22  }
0x1a: {  	s24 =	sadd.s32 $0xA800, s4;
	[dreg:$0x17] =	wrdreg s23  }
0x1b: {  	s25 =	sadd.s32 $0xB000, s4;
	[dreg:$0x18] =	wrdreg s24  }
0x1c: {  	s26 =	sadd.s32 $0xB800, s4;
	[dreg:$0x19] =	wrdreg s25  }
0x1d: {  	s28 =	sadd.s32 $0xC000, s4;
	[dreg:$0x1a] =	wrdreg s26  }
0x1e: {  	s29 =	sadd.s32 $0xC800, s4;
	[dreg:$0x1b] =	wrdreg s28  }
0x1f: {  	[dreg:$0x1c] =	wrdreg s29;
	s30 =	sadd.s32 $0xD000, s4  }
0x20: {  	s31 =	sadd.s32 $0xD800, s4;
	[dreg:$0x1d] =	wrdreg s30  }
0x21: {  	s3 =	sadd.s32 $0xE000, s4;
	[dreg:$0x1e] =	wrdreg s31  }
0x22: {  	s6 =	sadd.s32 $0xE800, s4;
	[dreg:$0x1f] =	wrdreg s3  }
0x23: {  	s7 =	sadd.s32 $0xF000, s4;
	[smem:$0x7E7] =	sst s6  }
0x24: {  	s8 =	sadd.s32 $0xF800, s4;
	[smem:$0x7E8] =	sst s7  }
0x25: {  	s9 =	sadd.s32 $0x10000, s4;
	[smem:$0x7E9] =	sst s8  }
0x26: {  	s10 =	sadd.s32 $0x10800, s4;
	[smem:$0x7EA] =	sst s9  }
0x27: {  	s11 =	sadd.s32 $0x11000, s4;
	s13 =	sadd.s32 $0x11800, s4;
	[smem:$0x7EB] =	sst s10  }
0x28: {  	s14 =	sadd.s32 $0x12000, s4;
	s15 =	sadd.s32 $0x12800, s4;
	[smem:$0x7EC] =	sst s11  }
0x29: {  	s16 =	sadd.s32 $0x13000, s4;
	s17 =	sadd.s32 $0x13800, s4;
	[smem:$0x7ED] =	sst s13  }
0x2a: {  	s5 =	sadd.s32 $0xC000, s0;
	s6 =	srdreg.scid;
	[smem:$0x7EE] =	sst s14  }
0x2b: {  	s7 =	sshll.u32 s12, $0x1;
	[smem:$0x7EF] =	sst s15;
	s6 =	sand.u32 $0x1, s6  }
0x2c: {  	s29 =	smul.u32 $0x2800, s12;
	[smem:$0x7F0] =	sst s16;
	s7 =	sor.u32 s6, s7  }
0x2d: {  	s3 =	ssub.s32 $0x2, s6;
	p0 =	seq.s32 s6, $0x1;
	s6 =	simm.s32 $0x5C000  }
0x2e: {  	s8 =	sadd.s32 $0x2000, s0;
	s7 =	smul.u32 $0x2800, s7;
	s6 =	simm.s32 @!p0 $0x34000  }
0x2f: {  	[smem:$0x7F2] =	sst s17;
	s12 =	simm.s32 $0x1000;
	s0 =	sadd.s32 s6, s0  }
0x30: {  	s13 =	simm.s32 $0x5000;
	s7 =	sshrl.u32 s7, $0x3;
	s0 =	sadd.s32 s0, s29  }
0x31: {  	s15 =	simm.s32 $0x2;
	s18 =	sadd.s32 s1, s7;
	[smem:$0x7FD] =	sst s0  }
0x32: {  	s19 =	sadd.s32 s8, s7;
	s9 =	sadd.s32 $0x100, s7;
	[smem:$0x7F3] =	sst s18  }
0x33: {  	s11 =	sshrl.u32 s3, $0x1;
	[smem:$0x7F4] =	sst s19;
	s21 =	sadd.s32 s1, s9  }
0x34: {  	s23 =	sadd.s32 $0x200, s7;
	s22 =	sadd.s32 s8, s9;
	[smem:$0x7F5] =	sst s21  }
0x35: {  	s31 =	ssub.s32 s3, s11;
	s24 =	sadd.s32 s1, s23;
	[smem:$0x7F6] =	sst s22  }
0x36: {  	s26 =	sadd.s32 $0x300, s7;
	s25 =	sadd.s32 s8, s23;
	[smem:$0x7F7] =	sst s24  }
0x37: {  	s11 =	simm.s32 $0x80;
	s28 =	sadd.s32 s1, s26;
	[smem:$0x7F8] =	sst s25  }
0x38: {  	s7 =	sadd.s32 $0x400, s7;
	s9 =	sadd.s32 s8, s26;
	[smem:$0x7F9] =	sst s28  }
0x39: {  	s6 =	smax.u32 s31, $0x1;
	s1 =	sadd.s32 s1, s7;
	[smem:$0x7FA] =	sst s9  }
0x3a: {  	s30 =	sadd.s32 s8, s7;
	s7 =	simm.s32 $0x9000;
	[smem:$0x7FB] =	sst s1  }
0x3b: {  	v0 =	vimm.f32 $0.0e+00;
	s8 =	simm.s32 $0x1;
	[smem:$0x7FC] =	sst s30;
	s9 =	simm.s32 $0x3  }
.LBB2_1:
0x3c: {  	[tilespmem:$0x9000] =	vst v0  }
0x3d: {  	[tilespmem:$0x9010] =	vst v0  }
0x3e: {  	[tilespmem:$0x9020] =	vst v0  }
0x3f: {  	[tilespmem:$0x9030] =	vst v0  }
0x40: {  	[tilespmem:$0x9040] =	vst v0  }
0x41: {  	[tilespmem:$0x9050] =	vst v0  }
0x42: {  	[tilespmem:$0x9060] =	vst v0  }
0x43: {  	[tilespmem:$0x9070] =	vst v0  }
0x44: {  	[tilespmem:$0x9080] =	vst v0  }
0x45: {  	[tilespmem:$0x9090] =	vst v0  }
0x46: {  	[tilespmem:$0x90A0] =	vst v0  }
0x47: {  	[tilespmem:$0x90B0] =	vst v0  }
0x48: {  	[tilespmem:$0x90C0] =	vst v0  }
0x49: {  	[tilespmem:$0x90D0] =	vst v0  }
0x4a: {  	[tilespmem:$0x90E0] =	vst v0  }
0x4b: {  	[tilespmem:$0x90F0] =	vst v0  }
0x4c: {  	[tilespmem:$0x9100] =	vst v0  }
0x4d: {  	[tilespmem:$0x9110] =	vst v0  }
0x4e: {  	[tilespmem:$0x9120] =	vst v0  }
0x4f: {  	[tilespmem:$0x9130] =	vst v0  }
0x50: {  	[tilespmem:$0x9140] =	vst v0  }
0x51: {  	[tilespmem:$0x9150] =	vst v0  }
0x52: {  	[tilespmem:$0x9160] =	vst v0  }
0x53: {  	[tilespmem:$0x9170] =	vst v0  }
0x54: {  	[tilespmem:$0x9180] =	vst v0  }
0x55: {  	[tilespmem:$0x9190] =	vst v0  }
0x56: {  	[tilespmem:$0x91A0] =	vst v0  }
0x57: {  	[tilespmem:$0x91B0] =	vst v0  }
0x58: {  	[tilespmem:$0x91C0] =	vst v0  }
0x59: {  	[tilespmem:$0x91D0] =	vst v0  }
0x5a: {  	[tilespmem:$0x91E0] =	vst v0  }
0x5b: {  	[tilespmem:$0x91F0] =	vst v0  }
0x5c: {  	[tilespmem:$0x9200] =	vst v0  }
0x5d: {  	[tilespmem:$0x9210] =	vst v0  }
0x5e: {  	[tilespmem:$0x9220] =	vst v0  }
0x5f: {  	[tilespmem:$0x9230] =	vst v0  }
0x60: {  	[tilespmem:$0x9240] =	vst v0  }
0x61: {  	[tilespmem:$0x9250] =	vst v0  }
0x62: {  	[tilespmem:$0x9260] =	vst v0  }
0x63: {  	[tilespmem:$0x9270] =	vst v0  }
0x64: {  	[tilespmem:$0x9280] =	vst v0  }
0x65: {  	[tilespmem:$0x9290] =	vst v0  }
0x66: {  	[tilespmem:$0x92A0] =	vst v0  }
0x67: {  	[tilespmem:$0x92B0] =	vst v0  }
0x68: {  	[tilespmem:$0x92C0] =	vst v0  }
0x69: {  	[tilespmem:$0x92D0] =	vst v0  }
0x6a: {  	[tilespmem:$0x92E0] =	vst v0  }
0x6b: {  	[tilespmem:$0x92F0] =	vst v0  }
0x6c: {  	[tilespmem:$0x9300] =	vst v0  }
0x6d: {  	[tilespmem:$0x9310] =	vst v0  }
0x6e: {  	[tilespmem:$0x9320] =	vst v0  }
0x6f: {  	[tilespmem:$0x9330] =	vst v0  }
0x70: {  	[tilespmem:$0x9340] =	vst v0  }
0x71: {  	[tilespmem:$0x9350] =	vst v0  }
0x72: {  	[tilespmem:$0x9360] =	vst v0  }
0x73: {  	[tilespmem:$0x9370] =	vst v0  }
0x74: {  	[tilespmem:$0x9380] =	vst v0  }
0x75: {  	[tilespmem:$0x9390] =	vst v0  }
0x76: {  	[tilespmem:$0x93A0] =	vst v0  }
0x77: {  	[tilespmem:$0x93B0] =	vst v0  }
0x78: {  	[tilespmem:$0x93C0] =	vst v0  }
0x79: {  	[tilespmem:$0x93D0] =	vst v0  }
0x7a: {  	[tilespmem:$0x93E0] =	vst v0  }
0x7b: {  	[tilespmem:$0x93F0] =	vst v0  }
0x7c: {  	[tilespmem:$0x9400] =	vst v0  }
0x7d: {  	[tilespmem:$0x9410] =	vst v0  }
0x7e: {  	[tilespmem:$0x9420] =	vst v0  }
0x7f: {  	[tilespmem:$0x9430] =	vst v0  }
0x80: {  	[tilespmem:$0x9440] =	vst v0  }
0x81: {  	[tilespmem:$0x9450] =	vst v0  }
0x82: {  	[tilespmem:$0x9460] =	vst v0  }
0x83: {  	[tilespmem:$0x9470] =	vst v0  }
0x84: {  	[tilespmem:$0x9480] =	vst v0  }
0x85: {  	[tilespmem:$0x9490] =	vst v0  }
0x86: {  	[tilespmem:$0x94A0] =	vst v0  }
0x87: {  	[tilespmem:$0x94B0] =	vst v0  }
0x88: {  	[tilespmem:$0x94C0] =	vst v0  }
0x89: {  	[tilespmem:$0x94D0] =	vst v0  }
0x8a: {  	[tilespmem:$0x94E0] =	vst v0  }
0x8b: {  	[tilespmem:$0x94F0] =	vst v0  }
0x8c: {  	[tilespmem:$0x9500] =	vst v0  }
0x8d: {  	[tilespmem:$0x9510] =	vst v0  }
0x8e: {  	[tilespmem:$0x9520] =	vst v0  }
0x8f: {  	[tilespmem:$0x9530] =	vst v0  }
0x90: {  	[tilespmem:$0x9540] =	vst v0  }
0x91: {  	[tilespmem:$0x9550] =	vst v0  }
0x92: {  	[tilespmem:$0x9560] =	vst v0  }
0x93: {  	[tilespmem:$0x9570] =	vst v0  }
0x94: {  	[tilespmem:$0x9580] =	vst v0  }
0x95: {  	[tilespmem:$0x9590] =	vst v0  }
0x96: {  	[tilespmem:$0x95A0] =	vst v0  }
0x97: {  	[tilespmem:$0x95B0] =	vst v0  }
0x98: {  	[tilespmem:$0x95C0] =	vst v0  }
0x99: {  	[tilespmem:$0x95D0] =	vst v0  }
0x9a: {  	[tilespmem:$0x95E0] =	vst v0  }
0x9b: {  	[tilespmem:$0x95F0] =	vst v0  }
0x9c: {  	[tilespmem:$0x9600] =	vst v0  }
0x9d: {  	[tilespmem:$0x9610] =	vst v0  }
0x9e: {  	[tilespmem:$0x9620] =	vst v0  }
0x9f: {  	[tilespmem:$0x9630] =	vst v0  }
0xa0: {  	[tilespmem:$0x9640] =	vst v0  }
0xa1: {  	[tilespmem:$0x9650] =	vst v0  }
0xa2: {  	[tilespmem:$0x9660] =	vst v0  }
0xa3: {  	[tilespmem:$0x9670] =	vst v0  }
0xa4: {  	[tilespmem:$0x9680] =	vst v0  }
0xa5: {  	[tilespmem:$0x9690] =	vst v0  }
0xa6: {  	[tilespmem:$0x96A0] =	vst v0  }
0xa7: {  	[tilespmem:$0x96B0] =	vst v0  }
0xa8: {  	[tilespmem:$0x96C0] =	vst v0  }
0xa9: {  	[tilespmem:$0x96D0] =	vst v0  }
0xaa: {  	[tilespmem:$0x96E0] =	vst v0  }
0xab: {  	[tilespmem:$0x96F0] =	vst v0  }
0xac: {  	[tilespmem:$0x9700] =	vst v0  }
0xad: {  	[tilespmem:$0x9710] =	vst v0  }
0xae: {  	[tilespmem:$0x9720] =	vst v0  }
0xaf: {  	[tilespmem:$0x9730] =	vst v0  }
0xb0: {  	[tilespmem:$0x9740] =	vst v0  }
0xb1: {  	[tilespmem:$0x9750] =	vst v0  }
0xb2: {  	[tilespmem:$0x9760] =	vst v0  }
0xb3: {  	[tilespmem:$0x9770] =	vst v0  }
0xb4: {  	[tilespmem:$0x9780] =	vst v0  }
0xb5: {  	[tilespmem:$0x9790] =	vst v0  }
0xb6: {  	[tilespmem:$0x97A0] =	vst v0  }
0xb7: {  	[tilespmem:$0x97B0] =	vst v0  }
0xb8: {  	[tilespmem:$0x97C0] =	vst v0  }
0xb9: {  	[tilespmem:$0x97D0] =	vst v0;
	s0 =	sld [smem:$0x7F1]  }
0xba: {  	[tilespmem:$0x97E0] =	vst v0  }
0xbb: {  	[tilespmem:$0x97F0] =	vst v0  }
0xbc: {  	[spmem:s0] =	stream.linear.scatter [tilespmem:s7], [sflag:$0x1], $0x800, $0x38;
	[tilespmem:$0x1D800] =	vst v63  }
0xbd: {  	s26 =	rddreg [dreg:$0x4]  }
0xbe: {  	[spmem:s26] =	stream.linear.scatter [tilespmem:s7], [sflag:$0x1], $0x800, $0x38;
	[tilespmem:$0x1D800] =	vst v63  }
0xbf: {  	s28 =	rddreg [dreg:$0x5]  }
0xc0: {  	[spmem:s28] =	stream.linear.scatter [tilespmem:s7], [sflag:$0x1], $0x800, $0x38;
	[tilespmem:$0x1D800] =	vst v63  }
0xc1: {  	s1 =	rddreg [dreg:$0x6]  }
0xc2: {  	[spmem:s1] =	stream.linear.scatter [tilespmem:s7], [sflag:$0x1], $0x800, $0x38;
	[tilespmem:$0x1D800] =	vst v63  }
0xc3: {  	s3 =	rddreg [dreg:$0x7]  }
0xc4: {  	[spmem:s3] =	stream.linear.scatter [tilespmem:s7], [sflag:$0x1], $0x800, $0x38;
	[tilespmem:$0x1D800] =	vst v63  }
0xc5: {  	s4 =	rddreg [dreg:$0x8]  }
0xc6: {  	[spmem:s4] =	stream.linear.scatter [tilespmem:s7], [sflag:$0x1], $0x800, $0x38;
	[tilespmem:$0x1D800] =	vst v63  }
0xc7: {  	s10 =	rddreg [dreg:$0x9]  }
0xc8: {  	[spmem:s10] =	stream.linear.scatter [tilespmem:s7], [sflag:$0x1], $0x800, $0x38;
	[tilespmem:$0x1D800] =	vst v63  }
0xc9: {  	s14 =	rddreg [dreg:$0xa]  }
0xca: {  	[spmem:s14] =	stream.linear.scatter [tilespmem:s7], [sflag:$0x1], $0x800, $0x38;
	[tilespmem:$0x1D800] =	vst v63  }
0xcb: {  	s16 =	rddreg [dreg:$0xb]  }
0xcc: {  	[spmem:s16] =	stream.linear.scatter [tilespmem:s7], [sflag:$0x1], $0x800, $0x38;
	[tilespmem:$0x1D800] =	vst v63  }
0xcd: {  	s17 =	rddreg [dreg:$0xc]  }
0xce: {  	[spmem:s17] =	stream.linear.scatter [tilespmem:s7], [sflag:$0x1], $0x800, $0x38;
	[tilespmem:$0x1D800] =	vst v63  }
0xcf: {  	_ =	swait.ge [sflag:s8], $0x800  }
0xd0: {  	[sflag:s8] =	ssyncset.done $0x0  }
0xd1: {  	[sflag:s8] =	ssyncadd.s32 $0xFFFFF800  }
0xd2: {  	_ =	swait.ge [sflag:s8], $0x800  }
0xd3: {  	[sflag:s8] =	ssyncset.done $0x0  }
0xd4: {  	[sflag:s8] =	ssyncadd.s32 $0xFFFFF800  }
0xd5: {  	_ =	swait.ge [sflag:s8], $0x800  }
0xd6: {  	[sflag:s8] =	ssyncset.done $0x0  }
0xd7: {  	[sflag:s8] =	ssyncadd.s32 $0xFFFFF800  }
0xd8: {  	_ =	swait.ge [sflag:s8], $0x800  }
0xd9: {  	[sflag:s8] =	ssyncset.done $0x0  }
0xda: {  	[sflag:s8] =	ssyncadd.s32 $0xFFFFF800  }
0xdb: {  	_ =	swait.ge [sflag:s8], $0x800  }
0xdc: {  	[sflag:s8] =	ssyncset.done $0x0  }
0xdd: {  	[sflag:s8] =	ssyncadd.s32 $0xFFFFF800  }
0xde: {  	_ =	swait.ge [sflag:s8], $0x800  }
0xdf: {  	[sflag:s8] =	ssyncset.done $0x0  }
0xe0: {  	[sflag:s8] =	ssyncadd.s32 $0xFFFFF800  }
0xe1: {  	_ =	swait.ge [sflag:s8], $0x800  }
0xe2: {  	[sflag:s8] =	ssyncset.done $0x0  }
0xe3: {  	[sflag:s8] =	ssyncadd.s32 $0xFFFFF800  }
0xe4: {  	_ =	swait.ge [sflag:s8], $0x800  }
0xe5: {  	[sflag:s8] =	ssyncset.done $0x0  }
0xe6: {  	[sflag:s8] =	ssyncadd.s32 $0xFFFFF800  }
0xe7: {  	_ =	swait.ge [sflag:s8], $0x800  }
0xe8: {  	[sflag:s8] =	ssyncset.done $0x0  }
0xe9: {  	[sflag:s8] =	ssyncadd.s32 $0xFFFFF800  }
0xea: {  	_ =	swait.ge [sflag:s8], $0x800  }
0xeb: {  	[sflag:s8] =	ssyncset.done $0x0  }
0xec: {  	s18 =	rddreg [dreg:$0xd];
	[sflag:s8] =	ssyncadd.s32 $0xFFFFF800  }
0xed: {  	[spmem:s18] =	stream.linear.scatter [tilespmem:s7], [sflag:$0x1], $0x800, $0x38;
	[tilespmem:$0x1D800] =	vst v63  }
0xee: {  	s19 =	rddreg [dreg:$0xe]  }
0xef: {  	[spmem:s19] =	stream.linear.scatter [tilespmem:s7], [sflag:$0x1], $0x800, $0x38;
	[tilespmem:$0x1D800] =	vst v63  }
0xf0: {  	s21 =	rddreg [dreg:$0xf]  }
0xf1: {  	[spmem:s21] =	stream.linear.scatter [tilespmem:s7], [sflag:$0x1], $0x800, $0x38;
	[tilespmem:$0x1D800] =	vst v63  }
0xf2: {  	s22 =	rddreg [dreg:$0x10]  }
0xf3: {  	[spmem:s22] =	stream.linear.scatter [tilespmem:s7], [sflag:$0x1], $0x800, $0x38;
	[tilespmem:$0x1D800] =	vst v63  }
0xf4: {  	s23 =	rddreg [dreg:$0x11]  }
0xf5: {  	[spmem:s23] =	stream.linear.scatter [tilespmem:s7], [sflag:$0x1], $0x800, $0x38;
	[tilespmem:$0x1D800] =	vst v63  }
0xf6: {  	s24 =	rddreg [dreg:$0x12]  }
0xf7: {  	[spmem:s24] =	stream.linear.scatter [tilespmem:s7], [sflag:$0x1], $0x800, $0x38;
	[tilespmem:$0x1D800] =	vst v63  }
0xf8: {  	s25 =	rddreg [dreg:$0x13]  }
0xf9: {  	[spmem:s25] =	stream.linear.scatter [tilespmem:s7], [sflag:$0x1], $0x800, $0x38;
	[tilespmem:$0x1D800] =	vst v63  }
0xfa: {  	s29 =	rddreg [dreg:$0x14]  }
0xfb: {  	[spmem:s29] =	stream.linear.scatter [tilespmem:s7], [sflag:$0x1], $0x800, $0x38;
	[tilespmem:$0x1D800] =	vst v63  }
0xfc: {  	s30 =	rddreg [dreg:$0x15]  }
0xfd: {  	[spmem:s30] =	stream.linear.scatter [tilespmem:s7], [sflag:$0x1], $0x800, $0x38;
	[tilespmem:$0x1D800] =	vst v63  }
0xfe: {  	s31 =	rddreg [dreg:$0x16]  }
0xff: {  	[spmem:s31] =	stream.linear.scatter [tilespmem:s7], [sflag:$0x1], $0x800, $0x38;
	[tilespmem:$0x1D800] =	vst v63  }
0x100: {  	_ =	swait.ge [sflag:s8], $0x800  }
0x101: {  	[sflag:s8] =	ssyncset.done $0x0  }
0x102: {  	[sflag:s8] =	ssyncadd.s32 $0xFFFFF800  }
0x103: {  	_ =	swait.ge [sflag:s8], $0x800  }
0x104: {  	[sflag:s8] =	ssyncset.done $0x0  }
0x105: {  	[sflag:s8] =	ssyncadd.s32 $0xFFFFF800  }
0x106: {  	_ =	swait.ge [sflag:s8], $0x800  }
0x107: {  	[sflag:s8] =	ssyncset.done $0x0  }
0x108: {  	[sflag:s8] =	ssyncadd.s32 $0xFFFFF800  }
0x109: {  	_ =	swait.ge [sflag:s8], $0x800  }
0x10a: {  	[sflag:s8] =	ssyncset.done $0x0  }
0x10b: {  	[sflag:s8] =	ssyncadd.s32 $0xFFFFF800  }
0x10c: {  	_ =	swait.ge [sflag:s8], $0x800  }
0x10d: {  	[sflag:s8] =	ssyncset.done $0x0  }
0x10e: {  	[sflag:s8] =	ssyncadd.s32 $0xFFFFF800  }
0x10f: {  	_ =	swait.ge [sflag:s8], $0x800  }
0x110: {  	[sflag:s8] =	ssyncset.done $0x0  }
0x111: {  	[sflag:s8] =	ssyncadd.s32 $0xFFFFF800  }
0x112: {  	_ =	swait.ge [sflag:s8], $0x800  }
0x113: {  	[sflag:s8] =	ssyncset.done $0x0  }
0x114: {  	[sflag:s8] =	ssyncadd.s32 $0xFFFFF800  }
0x115: {  	_ =	swait.ge [sflag:s8], $0x800  }
0x116: {  	[sflag:s8] =	ssyncset.done $0x0  }
0x117: {  	[sflag:s8] =	ssyncadd.s32 $0xFFFFF800  }
0x118: {  	_ =	swait.ge [sflag:s8], $0x800  }
0x119: {  	[sflag:s8] =	ssyncset.done $0x0  }
0x11a: {  	[sflag:s8] =	ssyncadd.s32 $0xFFFFF800  }
0x11b: {  	_ =	swait.ge [sflag:s8], $0x800  }
0x11c: {  	s0 =	rddreg [dreg:$0x17];
	[sflag:s8] =	ssyncset.done $0x0  }
0x11d: {  	s1 =	rddreg [dreg:$0x18];
	[sflag:s8] =	ssyncadd.s32 $0xFFFFF800  }
0x11e: {  	[spmem:s0] =	stream.linear.scatter [tilespmem:s7], [sflag:$0x1], $0x800, $0x38;
	[tilespmem:$0x1D800] =	vst v63  }
0x11f: {  	s3 =	rddreg [dreg:$0x19]  }
0x120: {  	[spmem:s1] =	stream.linear.scatter [tilespmem:s7], [sflag:$0x1], $0x800, $0x38;
	[tilespmem:$0x1D800] =	vst v63  }
0x121: {  	s4 =	rddreg [dreg:$0x1a]  }
0x122: {  	[spmem:s3] =	stream.linear.scatter [tilespmem:s7], [sflag:$0x1], $0x800, $0x38;
	[tilespmem:$0x1D800] =	vst v63  }
0x123: {  	s10 =	rddreg [dreg:$0x1b]  }
0x124: {  	[spmem:s4] =	stream.linear.scatter [tilespmem:s7], [sflag:$0x1], $0x800, $0x38;
	[tilespmem:$0x1D800] =	vst v63  }
0x125: {  	s14 =	rddreg [dreg:$0x1c]  }
0x126: {  	[spmem:s10] =	stream.linear.scatter [tilespmem:s7], [sflag:$0x1], $0x800, $0x38;
	[tilespmem:$0x1D800] =	vst v63  }
0x127: {  	s16 =	rddreg [dreg:$0x1d]  }
0x128: {  	[spmem:s14] =	stream.linear.scatter [tilespmem:s7], [sflag:$0x1], $0x800, $0x38;
	[tilespmem:$0x1D800] =	vst v63  }
0x129: {  	s17 =	rddreg [dreg:$0x1e]  }
0x12a: {  	[spmem:s16] =	stream.linear.scatter [tilespmem:s7], [sflag:$0x1], $0x800, $0x38;
	[tilespmem:$0x1D800] =	vst v63  }
0x12b: {  	s18 =	rddreg [dreg:$0x1f]  }
0x12c: {  	[spmem:s17] =	stream.linear.scatter [tilespmem:s7], [sflag:$0x1], $0x800, $0x38;
	[tilespmem:$0x1D800] =	vst v63  }
0x12d: {  	s19 =	sld [smem:$0x7E7]  }
0x12e: {  	[spmem:s18] =	stream.linear.scatter [tilespmem:s7], [sflag:$0x1], $0x800, $0x38;
	[tilespmem:$0x1D800] =	vst v63  }
0x12f: {  	_ = 	snop  }
0x130: {  	[spmem:s19] =	stream.linear.scatter [tilespmem:s7], [sflag:$0x1], $0x800, $0x38;
	[tilespmem:$0x1D800] =	vst v63  }
0x131: {  	_ =	swait.ge [sflag:s8], $0x800  }
0x132: {  	[sflag:s8] =	ssyncset.done $0x0  }
0x133: {  	[sflag:s8] =	ssyncadd.s32 $0xFFFFF800  }
0x134: {  	_ =	swait.ge [sflag:s8], $0x800  }
0x135: {  	[sflag:s8] =	ssyncset.done $0x0  }
0x136: {  	[sflag:s8] =	ssyncadd.s32 $0xFFFFF800  }
0x137: {  	_ =	swait.ge [sflag:s8], $0x800  }
0x138: {  	[sflag:s8] =	ssyncset.done $0x0  }
0x139: {  	[sflag:s8] =	ssyncadd.s32 $0xFFFFF800  }
0x13a: {  	_ =	swait.ge [sflag:s8], $0x800  }
0x13b: {  	[sflag:s8] =	ssyncset.done $0x0  }
0x13c: {  	[sflag:s8] =	ssyncadd.s32 $0xFFFFF800  }
0x13d: {  	_ =	swait.ge [sflag:s8], $0x800  }
0x13e: {  	[sflag:s8] =	ssyncset.done $0x0  }
0x13f: {  	[sflag:s8] =	ssyncadd.s32 $0xFFFFF800  }
0x140: {  	_ =	swait.ge [sflag:s8], $0x800  }
0x141: {  	[sflag:s8] =	ssyncset.done $0x0  }
0x142: {  	[sflag:s8] =	ssyncadd.s32 $0xFFFFF800  }
0x143: {  	_ =	swait.ge [sflag:s8], $0x800  }
0x144: {  	[sflag:s8] =	ssyncset.done $0x0  }
0x145: {  	[sflag:s8] =	ssyncadd.s32 $0xFFFFF800  }
0x146: {  	_ =	swait.ge [sflag:s8], $0x800  }
0x147: {  	[sflag:s8] =	ssyncset.done $0x0  }
0x148: {  	[sflag:s8] =	ssyncadd.s32 $0xFFFFF800  }
0x149: {  	_ =	swait.ge [sflag:s8], $0x800  }
0x14a: {  	[sflag:s8] =	ssyncset.done $0x0  }
0x14b: {  	[sflag:s8] =	ssyncadd.s32 $0xFFFFF800  }
0x14c: {  	_ =	swait.ge [sflag:s8], $0x800  }
0x14d: {  	s21 =	sld [smem:$0x7E8]  }
0x14e: {  	[sflag:s8] =	ssyncset.done $0x0  }
0x14f: {  	s22 =	sld [smem:$0x7E9];
	[sflag:s8] =	ssyncadd.s32 $0xFFFFF800  }
0x150: {  	[spmem:s21] =	stream.linear.scatter [tilespmem:s7], [sflag:$0x1], $0x800, $0x38;
	[tilespmem:$0x1D800] =	vst v63  }
0x151: {  	s23 =	sld [smem:$0x7EA]  }
0x152: {  	[spmem:s22] =	stream.linear.scatter [tilespmem:s7], [sflag:$0x1], $0x800, $0x38;
	[tilespmem:$0x1D800] =	vst v63  }
0x153: {  	s24 =	sld [smem:$0x7EB]  }
0x154: {  	[spmem:s23] =	stream.linear.scatter [tilespmem:s7], [sflag:$0x1], $0x800, $0x38;
	[tilespmem:$0x1D800] =	vst v63  }
0x155: {  	s25 =	sld [smem:$0x7EC]  }
0x156: {  	[spmem:s24] =	stream.linear.scatter [tilespmem:s7], [sflag:$0x1], $0x800, $0x38;
	[tilespmem:$0x1D800] =	vst v63  }
0x157: {  	s29 =	sld [smem:$0x7ED]  }
0x158: {  	[spmem:s25] =	stream.linear.scatter [tilespmem:s7], [sflag:$0x1], $0x800, $0x38;
	[tilespmem:$0x1D800] =	vst v63  }
0x159: {  	s30 =	sld [smem:$0x7EE]  }
0x15a: {  	[spmem:s29] =	stream.linear.scatter [tilespmem:s7], [sflag:$0x1], $0x800, $0x38;
	[tilespmem:$0x1D800] =	vst v63  }
0x15b: {  	s31 =	sld [smem:$0x7EF]  }
0x15c: {  	[spmem:s30] =	stream.linear.scatter [tilespmem:s7], [sflag:$0x1], $0x800, $0x38;
	[tilespmem:$0x1D800] =	vst v63  }
0x15d: {  	s0 =	sld [smem:$0x7F0]  }
0x15e: {  	[spmem:s31] =	stream.linear.scatter [tilespmem:s7], [sflag:$0x1], $0x800, $0x38;
	[tilespmem:$0x1D800] =	vst v63  }
0x15f: {  	s1 =	sld [smem:$0x7F2]  }
0x160: {  	[spmem:s0] =	stream.linear.scatter [tilespmem:s7], [sflag:$0x1], $0x800, $0x38;
	[tilespmem:$0x1D800] =	vst v63  }
0x161: {  	_ = 	snop  }
0x162: {  	[spmem:s1] =	stream.linear.scatter [tilespmem:s7], [sflag:$0x1], $0x800, $0x38;
	[tilespmem:$0x1D800] =	vst v63  }
0x163: {  	_ =	swait.ge [sflag:s8], $0x800  }
0x164: {  	[sflag:s8] =	ssyncset.done $0x0  }
0x165: {  	[sflag:s8] =	ssyncadd.s32 $0xFFFFF800  }
0x166: {  	_ =	swait.ge [sflag:s8], $0x800  }
0x167: {  	[sflag:s8] =	ssyncset.done $0x0  }
0x168: {  	[sflag:s8] =	ssyncadd.s32 $0xFFFFF800  }
0x169: {  	_ =	swait.ge [sflag:s8], $0x800  }
0x16a: {  	[sflag:s8] =	ssyncset.done $0x0  }
0x16b: {  	[sflag:s8] =	ssyncadd.s32 $0xFFFFF800  }
0x16c: {  	_ =	swait.ge [sflag:s8], $0x800  }
0x16d: {  	[sflag:s8] =	ssyncset.done $0x0  }
0x16e: {  	[sflag:s8] =	ssyncadd.s32 $0xFFFFF800  }
0x16f: {  	_ =	swait.ge [sflag:s8], $0x800  }
0x170: {  	[sflag:s8] =	ssyncset.done $0x0  }
0x171: {  	[sflag:s8] =	ssyncadd.s32 $0xFFFFF800  }
0x172: {  	_ =	swait.ge [sflag:s8], $0x800  }
0x173: {  	[sflag:s8] =	ssyncset.done $0x0  }
0x174: {  	[sflag:s8] =	ssyncadd.s32 $0xFFFFF800  }
0x175: {  	_ =	swait.ge [sflag:s8], $0x800  }
0x176: {  	[sflag:s8] =	ssyncset.done $0x0  }
0x177: {  	[sflag:s8] =	ssyncadd.s32 $0xFFFFF800  }
0x178: {  	_ =	swait.ge [sflag:s8], $0x800  }
0x179: {  	[sflag:s8] =	ssyncset.done $0x0  }
0x17a: {  	[sflag:s8] =	ssyncadd.s32 $0xFFFFF800  }
0x17b: {  	_ =	swait.ge [sflag:s8], $0x800  }
0x17c: {  	[sflag:s8] =	ssyncset.done $0x0  }
0x17d: {  	[sflag:s8] =	ssyncadd.s32 $0xFFFFF800  }
0x17e: {  	_ =	swait.ge [sflag:s8], $0x800  }
0x17f: {  	[sflag:s8] =	ssyncset.done $0x0  }
0x180: {  	[sflag:s8] =	ssyncadd.s32 $0xFFFFF800  }
0x181: {  	[bflag:$0x0] =	sbarrier.arrive $0xFFFF  }
0x182: {  	s3 =	sld [smem:$0x7F3];
	_ =	sdelay $0x2  }
0x183: {  	[tilespmem:s20], [sflag:$0x3] =	stream.linear.gather [hbm4b:s3+s20], $0x800, $0x38;
	[tilespmem:$0x1D800] =	vst v63  }
0x184: {  	_ =	swait.ge [sflag:s9], $0x800  }
0x185: {  	s4 =	sld [smem:$0x7F4]  }
0x186: {  	[sflag:s9] =	ssyncset.done $0x0  }
0x187: {  	s0 =	simm.s32 $0x800;
	[sflag:s9] =	ssyncadd.s32 $0xFFFFF800  }
0x188: {  	[tilespmem:s0], [sflag:$0x3] =	stream.linear.gather [hbm4b:s4+s20], $0x800, $0x38;
	[tilespmem:$0x1D800] =	vst v63  }
0x189: {  	_ =	swait.ge [sflag:s9], $0x800  }
0x18a: {  	[sflag:s9] =	ssyncset.done $0x0  }
0x18b: {  	[sflag:s9] =	ssyncadd.s32 $0xFFFFF800  }
0x18c: {  	[tilespmem:s12], [sflag:$0x1] =	stream.indirect.gather [hbm4b:s5+s11], $0x80, s20, s11, $0xb8;
	[tilespmem:$0x1D800] =	vst v63  }
0x18d: {  	_ = 	snop  }
0x18e: {  	[tilespmem:s13], [sflag:$0x2] =	stream.indirect.gather [hbm4b:s5+s11], $0x80, s11, s11, $0xb8;
	[tilespmem:$0x1D800] =	vst v63  }
0x18f: {  	_ =	swait.ge [sflag:s8], $0x4000  }
0x190: {  	[sflag:s8] =	ssyncset.done $0x0  }
0x191: {  	[sflag:s8] =	ssyncadd.s32 $0xFFFFC000  }
0x192: {  	[spmem:s2] =	stream.indirect.scatter.add.f32 [tilespmem:s12], [sflag:$0x3], $0x80, s0, s11, $0xb8;
	[tilespmem:$0x1D800] =	vst v63  }
0x193: {  	_ =	swait.ge [sflag:s9], $0x4000  }
0x194: {  	[sflag:s9] =	ssyncset.done $0x0  }
0x195: {  	s1 =	simm.s32 $0x100;
	[sflag:s9] =	ssyncadd.s32 $0xFFFFC000  }
0x196: {  	[tilespmem:s12], [sflag:$0x1] =	stream.indirect.gather [hbm4b:s5+s11], $0x80, s1, s11, $0xb8;
	[tilespmem:$0x1D800] =	vst v63  }
0x197: {  	_ =	swait.ge [sflag:s15], $0x4000  }
0x198: {  	[sflag:s15] =	ssyncset.done $0x0  }
0x199: {  	s10 =	simm.s32 $0x880;
	[sflag:s15] =	ssyncadd.s32 $0xFFFFC000  }
0x19a: {  	[spmem:s2] =	stream.indirect.scatter.add.f32 [tilespmem:s13], [sflag:$0x3], $0x80, s10, s11, $0xb8;
	[tilespmem:$0x1D800] =	vst v63  }
0x19b: {  	_ =	swait.ge [sflag:s9], $0x4000  }
0x19c: {  	[sflag:s9] =	ssyncset.done $0x0  }
0x19d: {  	s14 =	simm.s32 $0x180;
	[sflag:s9] =	ssyncadd.s32 $0xFFFFC000  }
0x19e: {  	[tilespmem:s13], [sflag:$0x2] =	stream.indirect.gather [hbm4b:s5+s11], $0x80, s14, s11, $0xb8;
	[tilespmem:$0x1D800] =	vst v63  }
0x19f: {  	_ =	swait.ge [sflag:s8], $0x4000  }
0x1a0: {  	[sflag:s8] =	ssyncset.done $0x0  }
0x1a1: {  	s17 =	simm.s32 $0x900;
	[sflag:s8] =	ssyncadd.s32 $0xFFFFC000  }
0x1a2: {  	[spmem:s2] =	stream.indirect.scatter.add.f32 [tilespmem:s12], [sflag:$0x3], $0x80, s17, s11, $0xb8;
	[tilespmem:$0x1D800] =	vst v63  }
0x1a3: {  	_ =	swait.ge [sflag:s9], $0x4000  }
0x1a4: {  	[sflag:s9] =	ssyncset.done $0x0  }
0x1a5: {  	s18 =	simm.s32 $0x200;
	[sflag:s9] =	ssyncadd.s32 $0xFFFFC000  }
0x1a6: {  	[tilespmem:s12], [sflag:$0x1] =	stream.indirect.gather [hbm4b:s5+s11], $0x80, s18, s11, $0xb8;
	[tilespmem:$0x1D800] =	vst v63  }
0x1a7: {  	_ =	swait.ge [sflag:s15], $0x4000  }
0x1a8: {  	[sflag:s15] =	ssyncset.done $0x0  }
0x1a9: {  	s4 =	simm.s32 $0x980;
	[sflag:s15] =	ssyncadd.s32 $0xFFFFC000  }
0x1aa: {  	[spmem:s2] =	stream.indirect.scatter.add.f32 [tilespmem:s13], [sflag:$0x3], $0x80, s4, s11, $0xb8;
	[tilespmem:$0x1D800] =	vst v63  }
0x1ab: {  	_ =	swait.ge [sflag:s9], $0x4000  }
0x1ac: {  	[sflag:s9] =	ssyncset.done $0x0  }
0x1ad: {  	s19 =	simm.s32 $0x280;
	[sflag:s9] =	ssyncadd.s32 $0xFFFFC000  }
0x1ae: {  	[tilespmem:s13], [sflag:$0x2] =	stream.indirect.gather [hbm4b:s5+s11], $0x80, s19, s11, $0xb8;
	[tilespmem:$0x1D800] =	vst v63  }
0x1af: {  	_ =	swait.ge [sflag:s8], $0x4000  }
0x1b0: {  	[sflag:s8] =	ssyncset.done $0x0  }
0x1b1: {  	s21 =	simm.s32 $0xA00;
	[sflag:s8] =	ssyncadd.s32 $0xFFFFC000  }
0x1b2: {  	[spmem:s2] =	stream.indirect.scatter.add.f32 [tilespmem:s12], [sflag:$0x3], $0x80, s21, s11, $0xb8;
	[tilespmem:$0x1D800] =	vst v63  }
0x1b3: {  	_ =	swait.ge [sflag:s9], $0x4000  }
0x1b4: {  	[sflag:s9] =	ssyncset.done $0x0  }
0x1b5: {  	s22 =	simm.s32 $0x300;
	[sflag:s9] =	ssyncadd.s32 $0xFFFFC000  }
0x1b6: {  	[tilespmem:s12], [sflag:$0x1] =	stream.indirect.gather [hbm4b:s5+s11], $0x80, s22, s11, $0xb8;
	[tilespmem:$0x1D800] =	vst v63  }
0x1b7: {  	_ =	swait.ge [sflag:s15], $0x4000  }
0x1b8: {  	[sflag:s15] =	ssyncset.done $0x0  }
0x1b9: {  	s24 =	simm.s32 $0xA80;
	[sflag:s15] =	ssyncadd.s32 $0xFFFFC000  }
0x1ba: {  	[spmem:s2] =	stream.indirect.scatter.add.f32 [tilespmem:s13], [sflag:$0x3], $0x80, s24, s11, $0xb8;
	[tilespmem:$0x1D800] =	vst v63  }
0x1bb: {  	_ =	swait.ge [sflag:s9], $0x4000  }
0x1bc: {  	[sflag:s9] =	ssyncset.done $0x0  }
0x1bd: {  	s25 =	simm.s32 $0x380;
	[sflag:s9] =	ssyncadd.s32 $0xFFFFC000  }
0x1be: {  	[tilespmem:s13], [sflag:$0x2] =	stream.indirect.gather [hbm4b:s5+s11], $0x80, s25, s11, $0xb8;
	[tilespmem:$0x1D800] =	vst v63  }
0x1bf: {  	_ =	swait.ge [sflag:s8], $0x4000  }
0x1c0: {  	[sflag:s8] =	ssyncset.done $0x0  }
0x1c1: {  	s26 =	simm.s32 $0xB00;
	[sflag:s8] =	ssyncadd.s32 $0xFFFFC000  }
0x1c2: {  	[spmem:s2] =	stream.indirect.scatter.add.f32 [tilespmem:s12], [sflag:$0x3], $0x80, s26, s11, $0xb8;
	[tilespmem:$0x1D800] =	vst v63  }
0x1c3: {  	_ =	swait.ge [sflag:s9], $0x4000  }
0x1c4: {  	[sflag:s9] =	ssyncset.done $0x0  }
0x1c5: {  	s28 =	simm.s32 $0x400;
	[sflag:s9] =	ssyncadd.s32 $0xFFFFC000  }
0x1c6: {  	[tilespmem:s12], [sflag:$0x1] =	stream.indirect.gather [hbm4b:s5+s11], $0x80, s28, s11, $0xb8;
	[tilespmem:$0x1D800] =	vst v63  }
0x1c7: {  	_ =	swait.ge [sflag:s15], $0x4000  }
0x1c8: {  	[sflag:s15] =	ssyncset.done $0x0  }
0x1c9: {  	s29 =	simm.s32 $0xB80;
	[sflag:s15] =	ssyncadd.s32 $0xFFFFC000  }
0x1ca: {  	[spmem:s2] =	stream.indirect.scatter.add.f32 [tilespmem:s13], [sflag:$0x3], $0x80, s29, s11, $0xb8;
	[tilespmem:$0x1D800] =	vst v63  }
0x1cb: {  	_ =	swait.ge [sflag:s9], $0x4000  }
0x1cc: {  	[sflag:s9] =	ssyncset.done $0x0  }
0x1cd: {  	s30 =	simm.s32 $0x480;
	[sflag:s9] =	ssyncadd.s32 $0xFFFFC000  }
0x1ce: {  	[tilespmem:s13], [sflag:$0x2] =	stream.indirect.gather [hbm4b:s5+s11], $0x80, s30, s11, $0xb8;
	[tilespmem:$0x1D800] =	vst v63  }
0x1cf: {  	_ =	swait.ge [sflag:s8], $0x4000  }
0x1d0: {  	[sflag:s8] =	ssyncset.done $0x0  }
0x1d1: {  	s31 =	simm.s32 $0xC00;
	[sflag:s8] =	ssyncadd.s32 $0xFFFFC000  }
0x1d2: {  	[spmem:s2] =	stream.indirect.scatter.add.f32 [tilespmem:s12], [sflag:$0x3], $0x80, s31, s11, $0xb8;
	[tilespmem:$0x1D800] =	vst v63  }
0x1d3: {  	_ =	swait.ge [sflag:s9], $0x4000  }
0x1d4: {  	[sflag:s9] =	ssyncset.done $0x0  }
0x1d5: {  	s4 =	simm.s32 $0x500;
	[sflag:s9] =	ssyncadd.s32 $0xFFFFC000  }
0x1d6: {  	[tilespmem:s12], [sflag:$0x1] =	stream.indirect.gather [hbm4b:s5+s11], $0x80, s4, s11, $0xb8;
	[tilespmem:$0x1D800] =	vst v63  }
0x1d7: {  	_ =	swait.ge [sflag:s15], $0x4000  }
0x1d8: {  	[sflag:s15] =	ssyncset.done $0x0  }
0x1d9: {  	s17 =	simm.s32 $0xC80;
	[sflag:s15] =	ssyncadd.s32 $0xFFFFC000  }
0x1da: {  	[spmem:s2] =	stream.indirect.scatter.add.f32 [tilespmem:s13], [sflag:$0x3], $0x80, s17, s11, $0xb8;
	[tilespmem:$0x1D800] =	vst v63  }
0x1db: {  	_ =	swait.ge [sflag:s9], $0x4000  }
0x1dc: {  	[sflag:s9] =	ssyncset.done $0x0  }
0x1dd: {  	s18 =	simm.s32 $0x580;
	[sflag:s9] =	ssyncadd.s32 $0xFFFFC000  }
0x1de: {  	[tilespmem:s13], [sflag:$0x2] =	stream.indirect.gather [hbm4b:s5+s11], $0x80, s18, s11, $0xb8;
	[tilespmem:$0x1D800] =	vst v63  }
0x1df: {  	_ =	swait.ge [sflag:s8], $0x4000  }
0x1e0: {  	[sflag:s8] =	ssyncset.done $0x0  }
0x1e1: {  	s19 =	simm.s32 $0xD00;
	[sflag:s8] =	ssyncadd.s32 $0xFFFFC000  }
0x1e2: {  	[spmem:s2] =	stream.indirect.scatter.add.f32 [tilespmem:s12], [sflag:$0x3], $0x80, s19, s11, $0xb8;
	[tilespmem:$0x1D800] =	vst v63  }
0x1e3: {  	_ =	swait.ge [sflag:s9], $0x4000  }
0x1e4: {  	[sflag:s9] =	ssyncset.done $0x0  }
0x1e5: {  	s21 =	simm.s32 $0x600;
	[sflag:s9] =	ssyncadd.s32 $0xFFFFC000  }
0x1e6: {  	[tilespmem:s12], [sflag:$0x1] =	stream.indirect.gather [hbm4b:s5+s11], $0x80, s21, s11, $0xb8;
	[tilespmem:$0x1D800] =	vst v63  }
0x1e7: {  	_ =	swait.ge [sflag:s15], $0x4000  }
0x1e8: {  	[sflag:s15] =	ssyncset.done $0x0  }
0x1e9: {  	s22 =	simm.s32 $0xD80;
	[sflag:s15] =	ssyncadd.s32 $0xFFFFC000  }
0x1ea: {  	[spmem:s2] =	stream.indirect.scatter.add.f32 [tilespmem:s13], [sflag:$0x3], $0x80, s22, s11, $0xb8;
	[tilespmem:$0x1D800] =	vst v63  }
0x1eb: {  	_ =	swait.ge [sflag:s9], $0x4000  }
0x1ec: {  	[sflag:s9] =	ssyncset.done $0x0  }
0x1ed: {  	s25 =	simm.s32 $0x680;
	[sflag:s9] =	ssyncadd.s32 $0xFFFFC000  }
0x1ee: {  	[tilespmem:s13], [sflag:$0x2] =	stream.indirect.gather [hbm4b:s5+s11], $0x80, s25, s11, $0xb8;
	[tilespmem:$0x1D800] =	vst v63  }
0x1ef: {  	_ =	swait.ge [sflag:s8], $0x4000  }
0x1f0: {  	[sflag:s8] =	ssyncset.done $0x0  }
0x1f1: {  	s30 =	simm.s32 $0xE00;
	[sflag:s8] =	ssyncadd.s32 $0xFFFFC000  }
0x1f2: {  	[spmem:s2] =	stream.indirect.scatter.add.f32 [tilespmem:s12], [sflag:$0x3], $0x80, s30, s11, $0xb8;
	[tilespmem:$0x1D800] =	vst v63  }
0x1f3: {  	_ =	swait.ge [sflag:s9], $0x4000  }
0x1f4: {  	[sflag:s9] =	ssyncset.done $0x0  }
0x1f5: {  	s31 =	simm.s32 $0x700;
	[sflag:s9] =	ssyncadd.s32 $0xFFFFC000  }
0x1f6: {  	[tilespmem:s12], [sflag:$0x1] =	stream.indirect.gather [hbm4b:s5+s11], $0x80, s31, s11, $0xb8;
	[tilespmem:$0x1D800] =	vst v63  }
0x1f7: {  	_ =	swait.ge [sflag:s15], $0x4000  }
0x1f8: {  	[sflag:s15] =	ssyncset.done $0x0  }
0x1f9: {  	s1 =	simm.s32 $0xE80;
	[sflag:s15] =	ssyncadd.s32 $0xFFFFC000  }
0x1fa: {  	[spmem:s2] =	stream.indirect.scatter.add.f32 [tilespmem:s13], [sflag:$0x3], $0x80, s1, s11, $0xb8;
	[tilespmem:$0x1D800] =	vst v63  }
0x1fb: {  	_ =	swait.ge [sflag:s9], $0x4000  }
0x1fc: {  	[sflag:s9] =	ssyncset.done $0x0  }
0x1fd: {  	s4 =	simm.s32 $0x780;
	[sflag:s9] =	ssyncadd.s32 $0xFFFFC000  }
0x1fe: {  	[tilespmem:s13], [sflag:$0x2] =	stream.indirect.gather [hbm4b:s5+s11], $0x80, s4, s11, $0xb8;
	[tilespmem:$0x1D800] =	vst v63  }
0x1ff: {  	_ =	swait.ge [sflag:s8], $0x4000  }
0x200: {  	[sflag:s8] =	ssyncset.done $0x0  }
0x201: {  	s17 =	simm.s32 $0xF00;
	[sflag:s8] =	ssyncadd.s32 $0xFFFFC000  }
0x202: {  	[spmem:s2] =	stream.indirect.scatter.add.f32 [tilespmem:s12], [sflag:$0x3], $0x80, s17, s11, $0xb8;
	[tilespmem:$0x1D800] =	vst v63  }
0x203: {  	_ =	swait.ge [sflag:s9], $0x4000  }
0x204: {  	[sflag:s9] =	ssyncset.done $0x0  }
0x205: {  	[sflag:s9] =	ssyncadd.s32 $0xFFFFC000  }
0x206: {  	_ =	swait.ge [sflag:s15], $0x4000  }
0x207: {  	[sflag:s15] =	ssyncset.done $0x0  }
0x208: {  	s18 =	simm.s32 $0xF80;
	[sflag:s15] =	ssyncadd.s32 $0xFFFFC000  }
0x209: {  	[spmem:s2] =	stream.indirect.scatter.add.f32 [tilespmem:s13], [sflag:$0x3], $0x80, s18, s11, $0xb8;
	[tilespmem:$0x1D800] =	vst v63  }
0x20a: {  	_ =	swait.ge [sflag:s9], $0x4000  }
0x20b: {  	s19 =	sld [smem:$0x7F5]  }
0x20c: {  	[sflag:s9] =	ssyncset.done $0x0  }
0x20d: {  	[sflag:s9] =	ssyncadd.s32 $0xFFFFC000  }
0x20e: {  	[tilespmem:s20], [sflag:$0x3] =	stream.linear.gather [hbm4b:s19+s20], $0x800, $0x38;
	[tilespmem:$0x1D800] =	vst v63  }
0x20f: {  	_ =	swait.ge [sflag:s9], $0x800  }
0x210: {  	s25 =	sld [smem:$0x7F6]  }
0x211: {  	[sflag:s9] =	ssyncset.done $0x0  }
0x212: {  	[sflag:s9] =	ssyncadd.s32 $0xFFFFF800  }
0x213: {  	[tilespmem:s0], [sflag:$0x3] =	stream.linear.gather [hbm4b:s25+s20], $0x800, $0x38;
	[tilespmem:$0x1D800] =	vst v63  }
0x214: {  	_ =	swait.ge [sflag:s9], $0x800  }
0x215: {  	[sflag:s9] =	ssyncset.done $0x0  }
0x216: {  	[sflag:s9] =	ssyncadd.s32 $0xFFFFF800  }
0x217: {  	[tilespmem:s12], [sflag:$0x1] =	stream.indirect.gather [hbm4b:s5+s11], $0x80, s20, s11, $0xb8;
	[tilespmem:$0x1D800] =	vst v63  }
0x218: {  	_ = 	snop  }
0x219: {  	[tilespmem:s13], [sflag:$0x2] =	stream.indirect.gather [hbm4b:s5+s11], $0x80, s11, s11, $0xb8;
	[tilespmem:$0x1D800] =	vst v63  }
0x21a: {  	_ =	swait.ge [sflag:s8], $0x4000  }
0x21b: {  	[sflag:s8] =	ssyncset.done $0x0  }
0x21c: {  	[sflag:s8] =	ssyncadd.s32 $0xFFFFC000  }
0x21d: {  	[spmem:s2] =	stream.indirect.scatter.add.f32 [tilespmem:s12], [sflag:$0x3], $0x80, s0, s11, $0xb8;
	[tilespmem:$0x1D800] =	vst v63  }
0x21e: {  	_ =	swait.ge [sflag:s9], $0x4000  }
0x21f: {  	[sflag:s9] =	ssyncset.done $0x0  }
0x220: {  	s3 =	simm.s32 $0x100;
	[sflag:s9] =	ssyncadd.s32 $0xFFFFC000  }
0x221: {  	[tilespmem:s12], [sflag:$0x1] =	stream.indirect.gather [hbm4b:s5+s11], $0x80, s3, s11, $0xb8;
	[tilespmem:$0x1D800] =	vst v63  }
0x222: {  	_ =	swait.ge [sflag:s15], $0x4000  }
0x223: {  	[sflag:s15] =	ssyncset.done $0x0  }
0x224: {  	s16 =	simm.s32 $0x880;
	[sflag:s15] =	ssyncadd.s32 $0xFFFFC000  }
0x225: {  	[spmem:s2] =	stream.indirect.scatter.add.f32 [tilespmem:s13], [sflag:$0x3], $0x80, s16, s11, $0xb8;
	[tilespmem:$0x1D800] =	vst v63  }
0x226: {  	_ =	swait.ge [sflag:s9], $0x4000  }
0x227: {  	[sflag:s9] =	ssyncset.done $0x0  }
0x228: {  	s10 =	simm.s32 $0x180;
	[sflag:s9] =	ssyncadd.s32 $0xFFFFC000  }
0x229: {  	[tilespmem:s13], [sflag:$0x2] =	stream.indirect.gather [hbm4b:s5+s11], $0x80, s10, s11, $0xb8;
	[tilespmem:$0x1D800] =	vst v63  }
0x22a: {  	_ =	swait.ge [sflag:s8], $0x4000  }
0x22b: {  	[sflag:s8] =	ssyncset.done $0x0  }
0x22c: {  	s14 =	simm.s32 $0x900;
	[sflag:s8] =	ssyncadd.s32 $0xFFFFC000  }
0x22d: {  	[spmem:s2] =	stream.indirect.scatter.add.f32 [tilespmem:s12], [sflag:$0x3], $0x80, s14, s11, $0xb8;
	[tilespmem:$0x1D800] =	vst v63  }
0x22e: {  	_ =	swait.ge [sflag:s9], $0x4000  }
0x22f: {  	[sflag:s9] =	ssyncset.done $0x0  }
0x230: {  	s1 =	simm.s32 $0x200;
	[sflag:s9] =	ssyncadd.s32 $0xFFFFC000  }
0x231: {  	[tilespmem:s12], [sflag:$0x1] =	stream.indirect.gather [hbm4b:s5+s11], $0x80, s1, s11, $0xb8;
	[tilespmem:$0x1D800] =	vst v63  }
0x232: {  	_ =	swait.ge [sflag:s15], $0x4000  }
0x233: {  	[sflag:s15] =	ssyncset.done $0x0  }
0x234: {  	s23 =	simm.s32 $0x980;
	[sflag:s15] =	ssyncadd.s32 $0xFFFFC000  }
0x235: {  	[spmem:s2] =	stream.indirect.scatter.add.f32 [tilespmem:s13], [sflag:$0x3], $0x80, s23, s11, $0xb8;
	[tilespmem:$0x1D800] =	vst v63  }
0x236: {  	_ =	swait.ge [sflag:s9], $0x4000  }
0x237: {  	[sflag:s9] =	ssyncset.done $0x0  }
0x238: {  	s3 =	simm.s32 $0x280;
	[sflag:s9] =	ssyncadd.s32 $0xFFFFC000  }
0x239: {  	[tilespmem:s13], [sflag:$0x2] =	stream.indirect.gather [hbm4b:s5+s11], $0x80, s3, s11, $0xb8;
	[tilespmem:$0x1D800] =	vst v63  }
0x23a: {  	_ =	swait.ge [sflag:s8], $0x4000  }
0x23b: {  	[sflag:s8] =	ssyncset.done $0x0  }
0x23c: {  	s4 =	simm.s32 $0xA00;
	[sflag:s8] =	ssyncadd.s32 $0xFFFFC000  }
0x23d: {  	[spmem:s2] =	stream.indirect.scatter.add.f32 [tilespmem:s12], [sflag:$0x3], $0x80, s4, s11, $0xb8;
	[tilespmem:$0x1D800] =	vst v63  }
0x23e: {  	_ =	swait.ge [sflag:s9], $0x4000  }
0x23f: {  	[sflag:s9] =	ssyncset.done $0x0  }
0x240: {  	s25 =	simm.s32 $0x300;
	[sflag:s9] =	ssyncadd.s32 $0xFFFFC000  }
0x241: {  	[tilespmem:s12], [sflag:$0x1] =	stream.indirect.gather [hbm4b:s5+s11], $0x80, s25, s11, $0xb8;
	[tilespmem:$0x1D800] =	vst v63  }
0x242: {  	_ =	swait.ge [sflag:s15], $0x4000  }
0x243: {  	[sflag:s15] =	ssyncset.done $0x0  }
0x244: {  	s30 =	simm.s32 $0xA80;
	[sflag:s15] =	ssyncadd.s32 $0xFFFFC000  }
0x245: {  	[spmem:s2] =	stream.indirect.scatter.add.f32 [tilespmem:s13], [sflag:$0x3], $0x80, s30, s11, $0xb8;
	[tilespmem:$0x1D800] =	vst v63  }
0x246: {  	_ =	swait.ge [sflag:s9], $0x4000  }
0x247: {  	[sflag:s9] =	ssyncset.done $0x0  }
0x248: {  	s31 =	simm.s32 $0x380;
	[sflag:s9] =	ssyncadd.s32 $0xFFFFC000  }
0x249: {  	[tilespmem:s13], [sflag:$0x2] =	stream.indirect.gather [hbm4b:s5+s11], $0x80, s31, s11, $0xb8;
	[tilespmem:$0x1D800] =	vst v63  }
0x24a: {  	_ =	swait.ge [sflag:s8], $0x4000  }
0x24b: {  	[sflag:s8] =	ssyncset.done $0x0  }
0x24c: {  	s10 =	simm.s32 $0xB00;
	[sflag:s8] =	ssyncadd.s32 $0xFFFFC000  }
0x24d: {  	[spmem:s2] =	stream.indirect.scatter.add.f32 [tilespmem:s12], [sflag:$0x3], $0x80, s10, s11, $0xb8;
	[tilespmem:$0x1D800] =	vst v63  }
0x24e: {  	_ =	swait.ge [sflag:s9], $0x4000  }
0x24f: {  	[sflag:s9] =	ssyncset.done $0x0  }
0x250: {  	s14 =	simm.s32 $0x400;
	[sflag:s9] =	ssyncadd.s32 $0xFFFFC000  }
0x251: {  	[tilespmem:s12], [sflag:$0x1] =	stream.indirect.gather [hbm4b:s5+s11], $0x80, s14, s11, $0xb8;
	[tilespmem:$0x1D800] =	vst v63  }
0x252: {  	_ =	swait.ge [sflag:s15], $0x4000  }
0x253: {  	[sflag:s15] =	ssyncset.done $0x0  }
0x254: {  	s16 =	simm.s32 $0xB80;
	[sflag:s15] =	ssyncadd.s32 $0xFFFFC000  }
0x255: {  	[spmem:s2] =	stream.indirect.scatter.add.f32 [tilespmem:s13], [sflag:$0x3], $0x80, s16, s11, $0xb8;
	[tilespmem:$0x1D800] =	vst v63  }
0x256: {  	_ =	swait.ge [sflag:s9], $0x4000  }
0x257: {  	[sflag:s9] =	ssyncset.done $0x0  }
0x258: {  	s17 =	simm.s32 $0x480;
	[sflag:s9] =	ssyncadd.s32 $0xFFFFC000  }
0x259: {  	[tilespmem:s13], [sflag:$0x2] =	stream.indirect.gather [hbm4b:s5+s11], $0x80, s17, s11, $0xb8;
	[tilespmem:$0x1D800] =	vst v63  }
0x25a: {  	_ =	swait.ge [sflag:s8], $0x4000  }
0x25b: {  	[sflag:s8] =	ssyncset.done $0x0  }
0x25c: {  	s18 =	simm.s32 $0xC00;
	[sflag:s8] =	ssyncadd.s32 $0xFFFFC000  }
0x25d: {  	[spmem:s2] =	stream.indirect.scatter.add.f32 [tilespmem:s12], [sflag:$0x3], $0x80, s18, s11, $0xb8;
	[tilespmem:$0x1D800] =	vst v63  }
0x25e: {  	_ =	swait.ge [sflag:s9], $0x4000  }
0x25f: {  	[sflag:s9] =	ssyncset.done $0x0  }
0x260: {  	s19 =	simm.s32 $0x500;
	[sflag:s9] =	ssyncadd.s32 $0xFFFFC000  }
0x261: {  	[tilespmem:s12], [sflag:$0x1] =	stream.indirect.gather [hbm4b:s5+s11], $0x80, s19, s11, $0xb8;
	[tilespmem:$0x1D800] =	vst v63  }
0x262: {  	_ =	swait.ge [sflag:s15], $0x4000  }
0x263: {  	[sflag:s15] =	ssyncset.done $0x0  }
0x264: {  	s23 =	simm.s32 $0xC80;
	[sflag:s15] =	ssyncadd.s32 $0xFFFFC000  }
0x265: {  	[spmem:s2] =	stream.indirect.scatter.add.f32 [tilespmem:s13], [sflag:$0x3], $0x80, s23, s11, $0xb8;
	[tilespmem:$0x1D800] =	vst v63  }
0x266: {  	_ =	swait.ge [sflag:s9], $0x4000  }
0x267: {  	[sflag:s9] =	ssyncset.done $0x0  }
0x268: {  	s24 =	simm.s32 $0x580;
	[sflag:s9] =	ssyncadd.s32 $0xFFFFC000  }
0x269: {  	[tilespmem:s13], [sflag:$0x2] =	stream.indirect.gather [hbm4b:s5+s11], $0x80, s24, s11, $0xb8;
	[tilespmem:$0x1D800] =	vst v63  }
0x26a: {  	_ =	swait.ge [sflag:s8], $0x4000  }
0x26b: {  	[sflag:s8] =	ssyncset.done $0x0  }
0x26c: {  	s28 =	simm.s32 $0xD00;
	[sflag:s8] =	ssyncadd.s32 $0xFFFFC000  }
0x26d: {  	[spmem:s2] =	stream.indirect.scatter.add.f32 [tilespmem:s12], [sflag:$0x3], $0x80, s28, s11, $0xb8;
	[tilespmem:$0x1D800] =	vst v63  }
0x26e: {  	_ =	swait.ge [sflag:s9], $0x4000  }
0x26f: {  	[sflag:s9] =	ssyncset.done $0x0  }
0x270: {  	s29 =	simm.s32 $0x600;
	[sflag:s9] =	ssyncadd.s32 $0xFFFFC000  }
0x271: {  	[tilespmem:s12], [sflag:$0x1] =	stream.indirect.gather [hbm4b:s5+s11], $0x80, s29, s11, $0xb8;
	[tilespmem:$0x1D800] =	vst v63  }
0x272: {  	_ =	swait.ge [sflag:s15], $0x4000  }
0x273: {  	[sflag:s15] =	ssyncset.done $0x0  }
0x274: {  	s29 =	simm.s32 $0xD80;
	[sflag:s15] =	ssyncadd.s32 $0xFFFFC000  }
0x275: {  	[spmem:s2] =	stream.indirect.scatter.add.f32 [tilespmem:s13], [sflag:$0x3], $0x80, s29, s11, $0xb8;
	[tilespmem:$0x1D800] =	vst v63  }
0x276: {  	_ =	swait.ge [sflag:s9], $0x4000  }
0x277: {  	[sflag:s9] =	ssyncset.done $0x0  }
0x278: {  	s26 =	simm.s32 $0x680;
	[sflag:s9] =	ssyncadd.s32 $0xFFFFC000  }
0x279: {  	[tilespmem:s13], [sflag:$0x2] =	stream.indirect.gather [hbm4b:s5+s11], $0x80, s26, s11, $0xb8;
	[tilespmem:$0x1D800] =	vst v63  }
0x27a: {  	_ =	swait.ge [sflag:s8], $0x4000  }
0x27b: {  	[sflag:s8] =	ssyncset.done $0x0  }
0x27c: {  	s26 =	simm.s32 $0xE00;
	[sflag:s8] =	ssyncadd.s32 $0xFFFFC000  }
0x27d: {  	[spmem:s2] =	stream.indirect.scatter.add.f32 [tilespmem:s12], [sflag:$0x3], $0x80, s26, s11, $0xb8;
	[tilespmem:$0x1D800] =	vst v63  }
0x27e: {  	_ =	swait.ge [sflag:s9], $0x4000  }
0x27f: {  	[sflag:s9] =	ssyncset.done $0x0  }
0x280: {  	s26 =	simm.s32 $0x700;
	[sflag:s9] =	ssyncadd.s32 $0xFFFFC000  }
0x281: {  	[tilespmem:s12], [sflag:$0x1] =	stream.indirect.gather [hbm4b:s5+s11], $0x80, s26, s11, $0xb8;
	[tilespmem:$0x1D800] =	vst v63  }
0x282: {  	_ =	swait.ge [sflag:s15], $0x4000  }
0x283: {  	[sflag:s15] =	ssyncset.done $0x0  }
0x284: {  	s26 =	simm.s32 $0xE80;
	[sflag:s15] =	ssyncadd.s32 $0xFFFFC000  }
0x285: {  	[spmem:s2] =	stream.indirect.scatter.add.f32 [tilespmem:s13], [sflag:$0x3], $0x80, s26, s11, $0xb8;
	[tilespmem:$0x1D800] =	vst v63  }
0x286: {  	_ =	swait.ge [sflag:s9], $0x4000  }
0x287: {  	[sflag:s9] =	ssyncset.done $0x0  }
0x288: {  	s26 =	simm.s32 $0x780;
	[sflag:s9] =	ssyncadd.s32 $0xFFFFC000  }
0x289: {  	[tilespmem:s13], [sflag:$0x2] =	stream.indirect.gather [hbm4b:s5+s11], $0x80, s26, s11, $0xb8;
	[tilespmem:$0x1D800] =	vst v63  }
0x28a: {  	_ =	swait.ge [sflag:s8], $0x4000  }
0x28b: {  	[sflag:s8] =	ssyncset.done $0x0  }
0x28c: {  	s21 =	simm.s32 $0xF00;
	[sflag:s8] =	ssyncadd.s32 $0xFFFFC000  }
0x28d: {  	[spmem:s2] =	stream.indirect.scatter.add.f32 [tilespmem:s12], [sflag:$0x3], $0x80, s21, s11, $0xb8;
	[tilespmem:$0x1D800] =	vst v63  }
0x28e: {  	_ =	swait.ge [sflag:s9], $0x4000  }
0x28f: {  	[sflag:s9] =	ssyncset.done $0x0  }
0x290: {  	[sflag:s9] =	ssyncadd.s32 $0xFFFFC000  }
0x291: {  	_ =	swait.ge [sflag:s15], $0x4000  }
0x292: {  	[sflag:s15] =	ssyncset.done $0x0  }
0x293: {  	s22 =	simm.s32 $0xF80;
	[sflag:s15] =	ssyncadd.s32 $0xFFFFC000  }
0x294: {  	[spmem:s2] =	stream.indirect.scatter.add.f32 [tilespmem:s13], [sflag:$0x3], $0x80, s22, s11, $0xb8;
	[tilespmem:$0x1D800] =	vst v63  }
0x295: {  	_ =	swait.ge [sflag:s9], $0x4000  }
0x296: {  	s26 =	sld [smem:$0x7F7]  }
0x297: {  	[sflag:s9] =	ssyncset.done $0x0  }
0x298: {  	[sflag:s9] =	ssyncadd.s32 $0xFFFFC000  }
0x299: {  	[tilespmem:s20], [sflag:$0x3] =	stream.linear.gather [hbm4b:s26+s20], $0x800, $0x38;
	[tilespmem:$0x1D800] =	vst v63  }
0x29a: {  	_ =	swait.ge [sflag:s9], $0x800  }
0x29b: {  	s26 =	sld [smem:$0x7F8]  }
0x29c: {  	[sflag:s9] =	ssyncset.done $0x0  }
0x29d: {  	[sflag:s9] =	ssyncadd.s32 $0xFFFFF800  }
0x29e: {  	[tilespmem:s0], [sflag:$0x3] =	stream.linear.gather [hbm4b:s26+s20], $0x800, $0x38;
	[tilespmem:$0x1D800] =	vst v63  }
0x29f: {  	_ =	swait.ge [sflag:s9], $0x800  }
0x2a0: {  	[sflag:s9] =	ssyncset.done $0x0  }
0x2a1: {  	[sflag:s9] =	ssyncadd.s32 $0xFFFFF800  }
0x2a2: {  	[tilespmem:s12], [sflag:$0x1] =	stream.indirect.gather [hbm4b:s5+s11], $0x80, s20, s11, $0xb8;
	[tilespmem:$0x1D800] =	vst v63  }
0x2a3: {  	_ = 	snop  }
0x2a4: {  	[tilespmem:s13], [sflag:$0x2] =	stream.indirect.gather [hbm4b:s5+s11], $0x80, s11, s11, $0xb8;
	[tilespmem:$0x1D800] =	vst v63  }
0x2a5: {  	_ =	swait.ge [sflag:s8], $0x4000  }
0x2a6: {  	[sflag:s8] =	ssyncset.done $0x0  }
0x2a7: {  	[sflag:s8] =	ssyncadd.s32 $0xFFFFC000  }
0x2a8: {  	[spmem:s2] =	stream.indirect.scatter.add.f32 [tilespmem:s12], [sflag:$0x3], $0x80, s0, s11, $0xb8;
	[tilespmem:$0x1D800] =	vst v63  }
0x2a9: {  	_ =	swait.ge [sflag:s9], $0x4000  }
0x2aa: {  	[sflag:s9] =	ssyncset.done $0x0  }
0x2ab: {  	s26 =	simm.s32 $0x100;
	[sflag:s9] =	ssyncadd.s32 $0xFFFFC000  }
0x2ac: {  	[tilespmem:s12], [sflag:$0x1] =	stream.indirect.gather [hbm4b:s5+s11], $0x80, s26, s11, $0xb8;
	[tilespmem:$0x1D800] =	vst v63  }
0x2ad: {  	_ =	swait.ge [sflag:s15], $0x4000  }
0x2ae: {  	[sflag:s15] =	ssyncset.done $0x0  }
0x2af: {  	s26 =	simm.s32 $0x880;
	[sflag:s15] =	ssyncadd.s32 $0xFFFFC000  }
0x2b0: {  	[spmem:s2] =	stream.indirect.scatter.add.f32 [tilespmem:s13], [sflag:$0x3], $0x80, s26, s11, $0xb8;
	[tilespmem:$0x1D800] =	vst v63  }
0x2b1: {  	_ =	swait.ge [sflag:s9], $0x4000  }
0x2b2: {  	[sflag:s9] =	ssyncset.done $0x0  }
0x2b3: {  	s26 =	simm.s32 $0x180;
	[sflag:s9] =	ssyncadd.s32 $0xFFFFC000  }
0x2b4: {  	[tilespmem:s13], [sflag:$0x2] =	stream.indirect.gather [hbm4b:s5+s11], $0x80, s26, s11, $0xb8;
	[tilespmem:$0x1D800] =	vst v63  }
0x2b5: {  	_ =	swait.ge [sflag:s8], $0x4000  }
0x2b6: {  	[sflag:s8] =	ssyncset.done $0x0  }
0x2b7: {  	s26 =	simm.s32 $0x900;
	[sflag:s8] =	ssyncadd.s32 $0xFFFFC000  }
0x2b8: {  	[spmem:s2] =	stream.indirect.scatter.add.f32 [tilespmem:s12], [sflag:$0x3], $0x80, s26, s11, $0xb8;
	[tilespmem:$0x1D800] =	vst v63  }
0x2b9: {  	_ =	swait.ge [sflag:s9], $0x4000  }
0x2ba: {  	[sflag:s9] =	ssyncset.done $0x0  }
0x2bb: {  	[sflag:s9] =	ssyncadd.s32 $0xFFFFC000  }
0x2bc: {  	[tilespmem:s12], [sflag:$0x1] =	stream.indirect.gather [hbm4b:s5+s11], $0x80, s1, s11, $0xb8;
	[tilespmem:$0x1D800] =	vst v63  }
0x2bd: {  	_ =	swait.ge [sflag:s15], $0x4000  }
0x2be: {  	[sflag:s15] =	ssyncset.done $0x0  }
0x2bf: {  	s26 =	simm.s32 $0x980;
	[sflag:s15] =	ssyncadd.s32 $0xFFFFC000  }
0x2c0: {  	[spmem:s2] =	stream.indirect.scatter.add.f32 [tilespmem:s13], [sflag:$0x3], $0x80, s26, s11, $0xb8;
	[tilespmem:$0x1D800] =	vst v63  }
0x2c1: {  	_ =	swait.ge [sflag:s9], $0x4000  }
0x2c2: {  	[sflag:s9] =	ssyncset.done $0x0  }
0x2c3: {  	[sflag:s9] =	ssyncadd.s32 $0xFFFFC000  }
0x2c4: {  	[tilespmem:s13], [sflag:$0x2] =	stream.indirect.gather [hbm4b:s5+s11], $0x80, s3, s11, $0xb8;
	[tilespmem:$0x1D800] =	vst v63  }
0x2c5: {  	_ =	swait.ge [sflag:s8], $0x4000  }
0x2c6: {  	[sflag:s8] =	ssyncset.done $0x0  }
0x2c7: {  	[sflag:s8] =	ssyncadd.s32 $0xFFFFC000  }
0x2c8: {  	[spmem:s2] =	stream.indirect.scatter.add.f32 [tilespmem:s12], [sflag:$0x3], $0x80, s4, s11, $0xb8;
	[tilespmem:$0x1D800] =	vst v63  }
0x2c9: {  	_ =	swait.ge [sflag:s9], $0x4000  }
0x2ca: {  	[sflag:s9] =	ssyncset.done $0x0  }
0x2cb: {  	[sflag:s9] =	ssyncadd.s32 $0xFFFFC000  }
0x2cc: {  	[tilespmem:s12], [sflag:$0x1] =	stream.indirect.gather [hbm4b:s5+s11], $0x80, s25, s11, $0xb8;
	[tilespmem:$0x1D800] =	vst v63  }
0x2cd: {  	_ =	swait.ge [sflag:s15], $0x4000  }
0x2ce: {  	[sflag:s15] =	ssyncset.done $0x0  }
0x2cf: {  	[sflag:s15] =	ssyncadd.s32 $0xFFFFC000  }
0x2d0: {  	[spmem:s2] =	stream.indirect.scatter.add.f32 [tilespmem:s13], [sflag:$0x3], $0x80, s30, s11, $0xb8;
	[tilespmem:$0x1D800] =	vst v63  }
0x2d1: {  	_ =	swait.ge [sflag:s9], $0x4000  }
0x2d2: {  	[sflag:s9] =	ssyncset.done $0x0  }
0x2d3: {  	[sflag:s9] =	ssyncadd.s32 $0xFFFFC000  }
0x2d4: {  	[tilespmem:s13], [sflag:$0x2] =	stream.indirect.gather [hbm4b:s5+s11], $0x80, s31, s11, $0xb8;
	[tilespmem:$0x1D800] =	vst v63  }
0x2d5: {  	_ =	swait.ge [sflag:s8], $0x4000  }
0x2d6: {  	[sflag:s8] =	ssyncset.done $0x0  }
0x2d7: {  	[sflag:s8] =	ssyncadd.s32 $0xFFFFC000  }
0x2d8: {  	[spmem:s2] =	stream.indirect.scatter.add.f32 [tilespmem:s12], [sflag:$0x3], $0x80, s10, s11, $0xb8;
	[tilespmem:$0x1D800] =	vst v63  }
0x2d9: {  	_ =	swait.ge [sflag:s9], $0x4000  }
0x2da: {  	[sflag:s9] =	ssyncset.done $0x0  }
0x2db: {  	[sflag:s9] =	ssyncadd.s32 $0xFFFFC000  }
0x2dc: {  	[tilespmem:s12], [sflag:$0x1] =	stream.indirect.gather [hbm4b:s5+s11], $0x80, s14, s11, $0xb8;
	[tilespmem:$0x1D800] =	vst v63  }
0x2dd: {  	_ =	swait.ge [sflag:s15], $0x4000  }
0x2de: {  	[sflag:s15] =	ssyncset.done $0x0  }
0x2df: {  	[sflag:s15] =	ssyncadd.s32 $0xFFFFC000  }
0x2e0: {  	[spmem:s2] =	stream.indirect.scatter.add.f32 [tilespmem:s13], [sflag:$0x3], $0x80, s16, s11, $0xb8;
	[tilespmem:$0x1D800] =	vst v63  }
0x2e1: {  	_ =	swait.ge [sflag:s9], $0x4000  }
0x2e2: {  	[sflag:s9] =	ssyncset.done $0x0  }
0x2e3: {  	[sflag:s9] =	ssyncadd.s32 $0xFFFFC000  }
0x2e4: {  	[tilespmem:s13], [sflag:$0x2] =	stream.indirect.gather [hbm4b:s5+s11], $0x80, s17, s11, $0xb8;
	[tilespmem:$0x1D800] =	vst v63  }
0x2e5: {  	_ =	swait.ge [sflag:s8], $0x4000  }
0x2e6: {  	[sflag:s8] =	ssyncset.done $0x0  }
0x2e7: {  	[sflag:s8] =	ssyncadd.s32 $0xFFFFC000  }
0x2e8: {  	[spmem:s2] =	stream.indirect.scatter.add.f32 [tilespmem:s12], [sflag:$0x3], $0x80, s18, s11, $0xb8;
	[tilespmem:$0x1D800] =	vst v63  }
0x2e9: {  	_ =	swait.ge [sflag:s9], $0x4000  }
0x2ea: {  	[sflag:s9] =	ssyncset.done $0x0  }
0x2eb: {  	[sflag:s9] =	ssyncadd.s32 $0xFFFFC000  }
0x2ec: {  	[tilespmem:s12], [sflag:$0x1] =	stream.indirect.gather [hbm4b:s5+s11], $0x80, s19, s11, $0xb8;
	[tilespmem:$0x1D800] =	vst v63  }
0x2ed: {  	_ =	swait.ge [sflag:s15], $0x4000  }
0x2ee: {  	[sflag:s15] =	ssyncset.done $0x0  }
0x2ef: {  	[sflag:s15] =	ssyncadd.s32 $0xFFFFC000  }
0x2f0: {  	[spmem:s2] =	stream.indirect.scatter.add.f32 [tilespmem:s13], [sflag:$0x3], $0x80, s23, s11, $0xb8;
	[tilespmem:$0x1D800] =	vst v63  }
0x2f1: {  	_ =	swait.ge [sflag:s9], $0x4000  }
0x2f2: {  	[sflag:s9] =	ssyncset.done $0x0  }
0x2f3: {  	s16 =	simm.s32 $0x580;
	[sflag:s9] =	ssyncadd.s32 $0xFFFFC000  }
0x2f4: {  	[tilespmem:s13], [sflag:$0x2] =	stream.indirect.gather [hbm4b:s5+s11], $0x80, s16, s11, $0xb8;
	[tilespmem:$0x1D800] =	vst v63  }
0x2f5: {  	_ =	swait.ge [sflag:s8], $0x4000  }
0x2f6: {  	[sflag:s8] =	ssyncset.done $0x0  }
0x2f7: {  	s24 =	simm.s32 $0xD00;
	[sflag:s8] =	ssyncadd.s32 $0xFFFFC000  }
0x2f8: {  	[spmem:s2] =	stream.indirect.scatter.add.f32 [tilespmem:s12], [sflag:$0x3], $0x80, s24, s11, $0xb8;
	[tilespmem:$0x1D800] =	vst v63  }
0x2f9: {  	_ =	swait.ge [sflag:s9], $0x4000  }
0x2fa: {  	[sflag:s9] =	ssyncset.done $0x0  }
0x2fb: {  	s28 =	simm.s32 $0x600;
	[sflag:s9] =	ssyncadd.s32 $0xFFFFC000  }
0x2fc: {  	[tilespmem:s12], [sflag:$0x1] =	stream.indirect.gather [hbm4b:s5+s11], $0x80, s28, s11, $0xb8;
	[tilespmem:$0x1D800] =	vst v63  }
0x2fd: {  	_ =	swait.ge [sflag:s15], $0x4000  }
0x2fe: {  	[sflag:s15] =	ssyncset.done $0x0  }
0x2ff: {  	s29 =	simm.s32 $0xD80;
	[sflag:s15] =	ssyncadd.s32 $0xFFFFC000  }
0x300: {  	[spmem:s2] =	stream.indirect.scatter.add.f32 [tilespmem:s13], [sflag:$0x3], $0x80, s29, s11, $0xb8;
	[tilespmem:$0x1D800] =	vst v63  }
0x301: {  	_ =	swait.ge [sflag:s9], $0x4000  }
0x302: {  	[sflag:s9] =	ssyncset.done $0x0  }
0x303: {  	s17 =	simm.s32 $0x680;
	[sflag:s9] =	ssyncadd.s32 $0xFFFFC000  }
0x304: {  	[tilespmem:s13], [sflag:$0x2] =	stream.indirect.gather [hbm4b:s5+s11], $0x80, s17, s11, $0xb8;
	[tilespmem:$0x1D800] =	vst v63  }
0x305: {  	_ =	swait.ge [sflag:s8], $0x4000  }
0x306: {  	[sflag:s8] =	ssyncset.done $0x0  }
0x307: {  	s18 =	simm.s32 $0xE00;
	[sflag:s8] =	ssyncadd.s32 $0xFFFFC000  }
0x308: {  	[spmem:s2] =	stream.indirect.scatter.add.f32 [tilespmem:s12], [sflag:$0x3], $0x80, s18, s11, $0xb8;
	[tilespmem:$0x1D800] =	vst v63  }
0x309: {  	_ =	swait.ge [sflag:s9], $0x4000  }
0x30a: {  	[sflag:s9] =	ssyncset.done $0x0  }
0x30b: {  	s19 =	simm.s32 $0x700;
	[sflag:s9] =	ssyncadd.s32 $0xFFFFC000  }
0x30c: {  	[tilespmem:s12], [sflag:$0x1] =	stream.indirect.gather [hbm4b:s5+s11], $0x80, s19, s11, $0xb8;
	[tilespmem:$0x1D800] =	vst v63  }
0x30d: {  	_ =	swait.ge [sflag:s15], $0x4000  }
0x30e: {  	[sflag:s15] =	ssyncset.done $0x0  }
0x30f: {  	s23 =	simm.s32 $0xE80;
	[sflag:s15] =	ssyncadd.s32 $0xFFFFC000  }
0x310: {  	[spmem:s2] =	stream.indirect.scatter.add.f32 [tilespmem:s13], [sflag:$0x3], $0x80, s23, s11, $0xb8;
	[tilespmem:$0x1D800] =	vst v63  }
0x311: {  	_ =	swait.ge [sflag:s9], $0x4000  }
0x312: {  	[sflag:s9] =	ssyncset.done $0x0  }
0x313: {  	s26 =	simm.s32 $0x780;
	[sflag:s9] =	ssyncadd.s32 $0xFFFFC000  }
0x314: {  	[tilespmem:s13], [sflag:$0x2] =	stream.indirect.gather [hbm4b:s5+s11], $0x80, s26, s11, $0xb8;
	[tilespmem:$0x1D800] =	vst v63  }
0x315: {  	_ =	swait.ge [sflag:s8], $0x4000  }
0x316: {  	[sflag:s8] =	ssyncset.done $0x0  }
0x317: {  	s21 =	simm.s32 $0xF00;
	[sflag:s8] =	ssyncadd.s32 $0xFFFFC000  }
0x318: {  	[spmem:s2] =	stream.indirect.scatter.add.f32 [tilespmem:s12], [sflag:$0x3], $0x80, s21, s11, $0xb8;
	[tilespmem:$0x1D800] =	vst v63  }
0x319: {  	_ =	swait.ge [sflag:s9], $0x4000  }
0x31a: {  	[sflag:s9] =	ssyncset.done $0x0  }
0x31b: {  	[sflag:s9] =	ssyncadd.s32 $0xFFFFC000  }
0x31c: {  	_ =	swait.ge [sflag:s15], $0x4000  }
0x31d: {  	[sflag:s15] =	ssyncset.done $0x0  }
0x31e: {  	s22 =	simm.s32 $0xF80;
	[sflag:s15] =	ssyncadd.s32 $0xFFFFC000  }
0x31f: {  	[spmem:s2] =	stream.indirect.scatter.add.f32 [tilespmem:s13], [sflag:$0x3], $0x80, s22, s11, $0xb8;
	[tilespmem:$0x1D800] =	vst v63  }
0x320: {  	_ =	swait.ge [sflag:s9], $0x4000  }
0x321: {  	s4 =	sld [smem:$0x7F9]  }
0x322: {  	[sflag:s9] =	ssyncset.done $0x0  }
0x323: {  	[sflag:s9] =	ssyncadd.s32 $0xFFFFC000  }
0x324: {  	[tilespmem:s20], [sflag:$0x3] =	stream.linear.gather [hbm4b:s4+s20], $0x800, $0x38;
	[tilespmem:$0x1D800] =	vst v63  }
0x325: {  	_ =	swait.ge [sflag:s9], $0x800  }
0x326: {  	s10 =	sld [smem:$0x7FA]  }
0x327: {  	[sflag:s9] =	ssyncset.done $0x0  }
0x328: {  	[sflag:s9] =	ssyncadd.s32 $0xFFFFF800  }
0x329: {  	[tilespmem:s0], [sflag:$0x3] =	stream.linear.gather [hbm4b:s10+s20], $0x800, $0x38;
	[tilespmem:$0x1D800] =	vst v63  }
0x32a: {  	_ =	swait.ge [sflag:s9], $0x800  }
0x32b: {  	[sflag:s9] =	ssyncset.done $0x0  }
0x32c: {  	[sflag:s9] =	ssyncadd.s32 $0xFFFFF800  }
0x32d: {  	[tilespmem:s12], [sflag:$0x1] =	stream.indirect.gather [hbm4b:s5+s11], $0x80, s20, s11, $0xb8;
	[tilespmem:$0x1D800] =	vst v63  }
0x32e: {  	_ = 	snop  }
0x32f: {  	[tilespmem:s13], [sflag:$0x2] =	stream.indirect.gather [hbm4b:s5+s11], $0x80, s11, s11, $0xb8;
	[tilespmem:$0x1D800] =	vst v63  }
0x330: {  	_ =	swait.ge [sflag:s8], $0x4000  }
0x331: {  	[sflag:s8] =	ssyncset.done $0x0  }
0x332: {  	[sflag:s8] =	ssyncadd.s32 $0xFFFFC000  }
0x333: {  	[spmem:s2] =	stream.indirect.scatter.add.f32 [tilespmem:s12], [sflag:$0x3], $0x80, s0, s11, $0xb8;
	[tilespmem:$0x1D800] =	vst v63  }
0x334: {  	_ =	swait.ge [sflag:s9], $0x4000  }
0x335: {  	[sflag:s9] =	ssyncset.done $0x0  }
0x336: {  	s14 =	simm.s32 $0x100;
	[sflag:s9] =	ssyncadd.s32 $0xFFFFC000  }
0x337: {  	[tilespmem:s12], [sflag:$0x1] =	stream.indirect.gather [hbm4b:s5+s11], $0x80, s14, s11, $0xb8;
	[tilespmem:$0x1D800] =	vst v63  }
0x338: {  	_ =	swait.ge [sflag:s15], $0x4000  }
0x339: {  	[sflag:s15] =	ssyncset.done $0x0  }
0x33a: {  	s16 =	simm.s32 $0x880;
	[sflag:s15] =	ssyncadd.s32 $0xFFFFC000  }
0x33b: {  	[spmem:s2] =	stream.indirect.scatter.add.f32 [tilespmem:s13], [sflag:$0x3], $0x80, s16, s11, $0xb8;
	[tilespmem:$0x1D800] =	vst v63  }
0x33c: {  	_ =	swait.ge [sflag:s9], $0x4000  }
0x33d: {  	[sflag:s9] =	ssyncset.done $0x0  }
0x33e: {  	s17 =	simm.s32 $0x180;
	[sflag:s9] =	ssyncadd.s32 $0xFFFFC000  }
0x33f: {  	[tilespmem:s13], [sflag:$0x2] =	stream.indirect.gather [hbm4b:s5+s11], $0x80, s17, s11, $0xb8;
	[tilespmem:$0x1D800] =	vst v63  }
0x340: {  	_ =	swait.ge [sflag:s8], $0x4000  }
0x341: {  	[sflag:s8] =	ssyncset.done $0x0  }
0x342: {  	s18 =	simm.s32 $0x900;
	[sflag:s8] =	ssyncadd.s32 $0xFFFFC000  }
0x343: {  	[spmem:s2] =	stream.indirect.scatter.add.f32 [tilespmem:s12], [sflag:$0x3], $0x80, s18, s11, $0xb8;
	[tilespmem:$0x1D800] =	vst v63  }
0x344: {  	_ =	swait.ge [sflag:s9], $0x4000  }
0x345: {  	[sflag:s9] =	ssyncset.done $0x0  }
0x346: {  	s1 =	simm.s32 $0x200;
	[sflag:s9] =	ssyncadd.s32 $0xFFFFC000  }
0x347: {  	[tilespmem:s12], [sflag:$0x1] =	stream.indirect.gather [hbm4b:s5+s11], $0x80, s1, s11, $0xb8;
	[tilespmem:$0x1D800] =	vst v63  }
0x348: {  	_ =	swait.ge [sflag:s15], $0x4000  }
0x349: {  	[sflag:s15] =	ssyncset.done $0x0  }
0x34a: {  	s19 =	simm.s32 $0x980;
	[sflag:s15] =	ssyncadd.s32 $0xFFFFC000  }
0x34b: {  	[spmem:s2] =	stream.indirect.scatter.add.f32 [tilespmem:s13], [sflag:$0x3], $0x80, s19, s11, $0xb8;
	[tilespmem:$0x1D800] =	vst v63  }
0x34c: {  	_ =	swait.ge [sflag:s9], $0x4000  }
0x34d: {  	[sflag:s9] =	ssyncset.done $0x0  }
0x34e: {  	s21 =	simm.s32 $0x280;
	[sflag:s9] =	ssyncadd.s32 $0xFFFFC000  }
0x34f: {  	[tilespmem:s13], [sflag:$0x2] =	stream.indirect.gather [hbm4b:s5+s11], $0x80, s21, s11, $0xb8;
	[tilespmem:$0x1D800] =	vst v63  }
0x350: {  	_ =	swait.ge [sflag:s8], $0x4000  }
0x351: {  	[sflag:s8] =	ssyncset.done $0x0  }
0x352: {  	s26 =	simm.s32 $0xA00;
	[sflag:s8] =	ssyncadd.s32 $0xFFFFC000  }
0x353: {  	[spmem:s2] =	stream.indirect.scatter.add.f32 [tilespmem:s12], [sflag:$0x3], $0x80, s26, s11, $0xb8;
	[tilespmem:$0x1D800] =	vst v63  }
0x354: {  	_ =	swait.ge [sflag:s9], $0x4000  }
0x355: {  	[sflag:s9] =	ssyncset.done $0x0  }
0x356: {  	s25 =	simm.s32 $0x300;
	[sflag:s9] =	ssyncadd.s32 $0xFFFFC000  }
0x357: {  	[tilespmem:s12], [sflag:$0x1] =	stream.indirect.gather [hbm4b:s5+s11], $0x80, s25, s11, $0xb8;
	[tilespmem:$0x1D800] =	vst v63  }
0x358: {  	_ =	swait.ge [sflag:s15], $0x4000  }
0x359: {  	[sflag:s15] =	ssyncset.done $0x0  }
0x35a: {  	s30 =	simm.s32 $0xA80;
	[sflag:s15] =	ssyncadd.s32 $0xFFFFC000  }
0x35b: {  	[spmem:s2] =	stream.indirect.scatter.add.f32 [tilespmem:s13], [sflag:$0x3], $0x80, s30, s11, $0xb8;
	[tilespmem:$0x1D800] =	vst v63  }
0x35c: {  	_ =	swait.ge [sflag:s9], $0x4000  }
0x35d: {  	[sflag:s9] =	ssyncset.done $0x0  }
0x35e: {  	s31 =	simm.s32 $0x380;
	[sflag:s9] =	ssyncadd.s32 $0xFFFFC000  }
0x35f: {  	[tilespmem:s13], [sflag:$0x2] =	stream.indirect.gather [hbm4b:s5+s11], $0x80, s31, s11, $0xb8;
	[tilespmem:$0x1D800] =	vst v63  }
0x360: {  	_ =	swait.ge [sflag:s8], $0x4000  }
0x361: {  	[sflag:s8] =	ssyncset.done $0x0  }
0x362: {  	s31 =	simm.s32 $0xB00;
	[sflag:s8] =	ssyncadd.s32 $0xFFFFC000  }
0x363: {  	[spmem:s2] =	stream.indirect.scatter.add.f32 [tilespmem:s12], [sflag:$0x3], $0x80, s31, s11, $0xb8;
	[tilespmem:$0x1D800] =	vst v63  }
0x364: {  	_ =	swait.ge [sflag:s9], $0x4000  }
0x365: {  	[sflag:s9] =	ssyncset.done $0x0  }
0x366: {  	s16 =	simm.s32 $0x400;
	[sflag:s9] =	ssyncadd.s32 $0xFFFFC000  }
0x367: {  	[tilespmem:s12], [sflag:$0x1] =	stream.indirect.gather [hbm4b:s5+s11], $0x80, s16, s11, $0xb8;
	[tilespmem:$0x1D800] =	vst v63  }
0x368: {  	_ =	swait.ge [sflag:s15], $0x4000  }
0x369: {  	[sflag:s15] =	ssyncset.done $0x0  }
0x36a: {  	s17 =	simm.s32 $0xB80;
	[sflag:s15] =	ssyncadd.s32 $0xFFFFC000  }
0x36b: {  	[spmem:s2] =	stream.indirect.scatter.add.f32 [tilespmem:s13], [sflag:$0x3], $0x80, s17, s11, $0xb8;
	[tilespmem:$0x1D800] =	vst v63  }
0x36c: {  	_ =	swait.ge [sflag:s9], $0x4000  }
0x36d: {  	[sflag:s9] =	ssyncset.done $0x0  }
0x36e: {  	s18 =	simm.s32 $0x480;
	[sflag:s9] =	ssyncadd.s32 $0xFFFFC000  }
0x36f: {  	[tilespmem:s13], [sflag:$0x2] =	stream.indirect.gather [hbm4b:s5+s11], $0x80, s18, s11, $0xb8;
	[tilespmem:$0x1D800] =	vst v63  }
0x370: {  	_ =	swait.ge [sflag:s8], $0x4000  }
0x371: {  	[sflag:s8] =	ssyncset.done $0x0  }
0x372: {  	s19 =	simm.s32 $0xC00;
	[sflag:s8] =	ssyncadd.s32 $0xFFFFC000  }
0x373: {  	[spmem:s2] =	stream.indirect.scatter.add.f32 [tilespmem:s12], [sflag:$0x3], $0x80, s19, s11, $0xb8;
	[tilespmem:$0x1D800] =	vst v63  }
0x374: {  	_ =	swait.ge [sflag:s9], $0x4000  }
0x375: {  	[sflag:s9] =	ssyncset.done $0x0  }
0x376: {  	s21 =	simm.s32 $0x500;
	[sflag:s9] =	ssyncadd.s32 $0xFFFFC000  }
0x377: {  	[tilespmem:s12], [sflag:$0x1] =	stream.indirect.gather [hbm4b:s5+s11], $0x80, s21, s11, $0xb8;
	[tilespmem:$0x1D800] =	vst v63  }
0x378: {  	_ =	swait.ge [sflag:s15], $0x4000  }
0x379: {  	[sflag:s15] =	ssyncset.done $0x0  }
0x37a: {  	s3 =	simm.s32 $0xC80;
	[sflag:s15] =	ssyncadd.s32 $0xFFFFC000  }
0x37b: {  	[spmem:s2] =	stream.indirect.scatter.add.f32 [tilespmem:s13], [sflag:$0x3], $0x80, s3, s11, $0xb8;
	[tilespmem:$0x1D800] =	vst v63  }
0x37c: {  	_ =	swait.ge [sflag:s9], $0x4000  }
0x37d: {  	[sflag:s9] =	ssyncset.done $0x0  }
0x37e: {  	s26 =	simm.s32 $0x580;
	[sflag:s9] =	ssyncadd.s32 $0xFFFFC000  }
0x37f: {  	[tilespmem:s13], [sflag:$0x2] =	stream.indirect.gather [hbm4b:s5+s11], $0x80, s26, s11, $0xb8;
	[tilespmem:$0x1D800] =	vst v63  }
0x380: {  	_ =	swait.ge [sflag:s8], $0x4000  }
0x381: {  	[sflag:s8] =	ssyncset.done $0x0  }
0x382: {  	s24 =	simm.s32 $0xD00;
	[sflag:s8] =	ssyncadd.s32 $0xFFFFC000  }
0x383: {  	[spmem:s2] =	stream.indirect.scatter.add.f32 [tilespmem:s12], [sflag:$0x3], $0x80, s24, s11, $0xb8;
	[tilespmem:$0x1D800] =	vst v63  }
0x384: {  	_ =	swait.ge [sflag:s9], $0x4000  }
0x385: {  	[sflag:s9] =	ssyncset.done $0x0  }
0x386: {  	s28 =	simm.s32 $0x600;
	[sflag:s9] =	ssyncadd.s32 $0xFFFFC000  }
0x387: {  	[tilespmem:s12], [sflag:$0x1] =	stream.indirect.gather [hbm4b:s5+s11], $0x80, s28, s11, $0xb8;
	[tilespmem:$0x1D800] =	vst v63  }
0x388: {  	_ =	swait.ge [sflag:s15], $0x4000  }
0x389: {  	[sflag:s15] =	ssyncset.done $0x0  }
0x38a: {  	s29 =	simm.s32 $0xD80;
	[sflag:s15] =	ssyncadd.s32 $0xFFFFC000  }
0x38b: {  	[spmem:s2] =	stream.indirect.scatter.add.f32 [tilespmem:s13], [sflag:$0x3], $0x80, s29, s11, $0xb8;
	[tilespmem:$0x1D800] =	vst v63  }
0x38c: {  	_ =	swait.ge [sflag:s9], $0x4000  }
0x38d: {  	[sflag:s9] =	ssyncset.done $0x0  }
0x38e: {  	s29 =	simm.s32 $0x680;
	[sflag:s9] =	ssyncadd.s32 $0xFFFFC000  }
0x38f: {  	[tilespmem:s13], [sflag:$0x2] =	stream.indirect.gather [hbm4b:s5+s11], $0x80, s29, s11, $0xb8;
	[tilespmem:$0x1D800] =	vst v63  }
0x390: {  	_ =	swait.ge [sflag:s8], $0x4000  }
0x391: {  	[sflag:s8] =	ssyncset.done $0x0  }
0x392: {  	s26 =	simm.s32 $0xE00;
	[sflag:s8] =	ssyncadd.s32 $0xFFFFC000  }
0x393: {  	[spmem:s2] =	stream.indirect.scatter.add.f32 [tilespmem:s12], [sflag:$0x3], $0x80, s26, s11, $0xb8;
	[tilespmem:$0x1D800] =	vst v63  }
0x394: {  	_ =	swait.ge [sflag:s9], $0x4000  }
0x395: {  	[sflag:s9] =	ssyncset.done $0x0  }
0x396: {  	s26 =	simm.s32 $0x700;
	[sflag:s9] =	ssyncadd.s32 $0xFFFFC000  }
0x397: {  	[tilespmem:s12], [sflag:$0x1] =	stream.indirect.gather [hbm4b:s5+s11], $0x80, s26, s11, $0xb8;
	[tilespmem:$0x1D800] =	vst v63  }
0x398: {  	_ =	swait.ge [sflag:s15], $0x4000  }
0x399: {  	[sflag:s15] =	ssyncset.done $0x0  }
0x39a: {  	s26 =	simm.s32 $0xE80;
	[sflag:s15] =	ssyncadd.s32 $0xFFFFC000  }
0x39b: {  	[spmem:s2] =	stream.indirect.scatter.add.f32 [tilespmem:s13], [sflag:$0x3], $0x80, s26, s11, $0xb8;
	[tilespmem:$0x1D800] =	vst v63  }
0x39c: {  	_ =	swait.ge [sflag:s9], $0x4000  }
0x39d: {  	[sflag:s9] =	ssyncset.done $0x0  }
0x39e: {  	s26 =	simm.s32 $0x780;
	[sflag:s9] =	ssyncadd.s32 $0xFFFFC000  }
0x39f: {  	[tilespmem:s13], [sflag:$0x2] =	stream.indirect.gather [hbm4b:s5+s11], $0x80, s26, s11, $0xb8;
	[tilespmem:$0x1D800] =	vst v63  }
0x3a0: {  	_ =	swait.ge [sflag:s8], $0x4000  }
0x3a1: {  	[sflag:s8] =	ssyncset.done $0x0  }
0x3a2: {  	s26 =	simm.s32 $0xF00;
	[sflag:s8] =	ssyncadd.s32 $0xFFFFC000  }
0x3a3: {  	[spmem:s2] =	stream.indirect.scatter.add.f32 [tilespmem:s12], [sflag:$0x3], $0x80, s26, s11, $0xb8;
	[tilespmem:$0x1D800] =	vst v63  }
0x3a4: {  	_ =	swait.ge [sflag:s9], $0x4000  }
0x3a5: {  	[sflag:s9] =	ssyncset.done $0x0  }
0x3a6: {  	[sflag:s9] =	ssyncadd.s32 $0xFFFFC000  }
0x3a7: {  	_ =	swait.ge [sflag:s15], $0x4000  }
0x3a8: {  	[sflag:s15] =	ssyncset.done $0x0  }
0x3a9: {  	s26 =	simm.s32 $0xF80;
	[sflag:s15] =	ssyncadd.s32 $0xFFFFC000  }
0x3aa: {  	[spmem:s2] =	stream.indirect.scatter.add.f32 [tilespmem:s13], [sflag:$0x3], $0x80, s26, s11, $0xb8;
	[tilespmem:$0x1D800] =	vst v63  }
0x3ab: {  	_ =	swait.ge [sflag:s9], $0x4000  }
0x3ac: {  	s26 =	sld [smem:$0x7FB]  }
0x3ad: {  	[sflag:s9] =	ssyncset.done $0x0  }
0x3ae: {  	[sflag:s9] =	ssyncadd.s32 $0xFFFFC000  }
0x3af: {  	[tilespmem:s20], [sflag:$0x3] =	stream.linear.gather [hbm4b:s26+s20], $0x800, $0x38;
	[tilespmem:$0x1D800] =	vst v63  }
0x3b0: {  	_ =	swait.ge [sflag:s9], $0x800  }
0x3b1: {  	s26 =	sld [smem:$0x7FC]  }
0x3b2: {  	[sflag:s9] =	ssyncset.done $0x0  }
0x3b3: {  	[sflag:s9] =	ssyncadd.s32 $0xFFFFF800  }
0x3b4: {  	[tilespmem:s0], [sflag:$0x3] =	stream.linear.gather [hbm4b:s26+s20], $0x800, $0x38;
	[tilespmem:$0x1D800] =	vst v63  }
0x3b5: {  	_ =	swait.ge [sflag:s9], $0x800  }
0x3b6: {  	[sflag:s9] =	ssyncset.done $0x0  }
0x3b7: {  	[sflag:s9] =	ssyncadd.s32 $0xFFFFF800  }
0x3b8: {  	[tilespmem:s12], [sflag:$0x1] =	stream.indirect.gather [hbm4b:s5+s11], $0x80, s20, s11, $0xb8;
	[tilespmem:$0x1D800] =	vst v63  }
0x3b9: {  	_ = 	snop  }
0x3ba: {  	[tilespmem:s13], [sflag:$0x2] =	stream.indirect.gather [hbm4b:s5+s11], $0x80, s11, s11, $0xb8;
	[tilespmem:$0x1D800] =	vst v63  }
0x3bb: {  	_ =	swait.ge [sflag:s8], $0x4000  }
0x3bc: {  	[sflag:s8] =	ssyncset.done $0x0  }
0x3bd: {  	[sflag:s8] =	ssyncadd.s32 $0xFFFFC000  }
0x3be: {  	[spmem:s2] =	stream.indirect.scatter.add.f32 [tilespmem:s12], [sflag:$0x3], $0x80, s0, s11, $0xb8;
	[tilespmem:$0x1D800] =	vst v63  }
0x3bf: {  	_ =	swait.ge [sflag:s9], $0x4000  }
0x3c0: {  	[sflag:s9] =	ssyncset.done $0x0  }
0x3c1: {  	s26 =	simm.s32 $0x100;
	[sflag:s9] =	ssyncadd.s32 $0xFFFFC000  }
0x3c2: {  	[tilespmem:s12], [sflag:$0x1] =	stream.indirect.gather [hbm4b:s5+s11], $0x80, s26, s11, $0xb8;
	[tilespmem:$0x1D800] =	vst v63  }
0x3c3: {  	_ =	swait.ge [sflag:s15], $0x4000  }
0x3c4: {  	[sflag:s15] =	ssyncset.done $0x0  }
0x3c5: {  	s26 =	simm.s32 $0x880;
	[sflag:s15] =	ssyncadd.s32 $0xFFFFC000  }
0x3c6: {  	[spmem:s2] =	stream.indirect.scatter.add.f32 [tilespmem:s13], [sflag:$0x3], $0x80, s26, s11, $0xb8;
	[tilespmem:$0x1D800] =	vst v63  }
0x3c7: {  	_ =	swait.ge [sflag:s9], $0x4000  }
0x3c8: {  	[sflag:s9] =	ssyncset.done $0x0  }
0x3c9: {  	s26 =	simm.s32 $0x180;
	[sflag:s9] =	ssyncadd.s32 $0xFFFFC000  }
0x3ca: {  	[tilespmem:s13], [sflag:$0x2] =	stream.indirect.gather [hbm4b:s5+s11], $0x80, s26, s11, $0xb8;
	[tilespmem:$0x1D800] =	vst v63  }
0x3cb: {  	_ =	swait.ge [sflag:s8], $0x4000  }
0x3cc: {  	[sflag:s8] =	ssyncset.done $0x0  }
0x3cd: {  	s26 =	simm.s32 $0x900;
	[sflag:s8] =	ssyncadd.s32 $0xFFFFC000  }
0x3ce: {  	[spmem:s2] =	stream.indirect.scatter.add.f32 [tilespmem:s12], [sflag:$0x3], $0x80, s26, s11, $0xb8;
	[tilespmem:$0x1D800] =	vst v63  }
0x3cf: {  	_ =	swait.ge [sflag:s9], $0x4000  }
0x3d0: {  	[sflag:s9] =	ssyncset.done $0x0  }
0x3d1: {  	s22 =	simm.s32 $0x200;
	[sflag:s9] =	ssyncadd.s32 $0xFFFFC000  }
0x3d2: {  	[tilespmem:s12], [sflag:$0x1] =	stream.indirect.gather [hbm4b:s5+s11], $0x80, s22, s11, $0xb8;
	[tilespmem:$0x1D800] =	vst v63  }
0x3d3: {  	_ =	swait.ge [sflag:s15], $0x4000  }
0x3d4: {  	[sflag:s15] =	ssyncset.done $0x0  }
0x3d5: {  	s23 =	simm.s32 $0x980;
	[sflag:s15] =	ssyncadd.s32 $0xFFFFC000  }
0x3d6: {  	[spmem:s2] =	stream.indirect.scatter.add.f32 [tilespmem:s13], [sflag:$0x3], $0x80, s23, s11, $0xb8;
	[tilespmem:$0x1D800] =	vst v63  }
0x3d7: {  	_ =	swait.ge [sflag:s9], $0x4000  }
0x3d8: {  	[sflag:s9] =	ssyncset.done $0x0  }
0x3d9: {  	s4 =	simm.s32 $0x280;
	[sflag:s9] =	ssyncadd.s32 $0xFFFFC000  }
0x3da: {  	[tilespmem:s13], [sflag:$0x2] =	stream.indirect.gather [hbm4b:s5+s11], $0x80, s4, s11, $0xb8;
	[tilespmem:$0x1D800] =	vst v63  }
0x3db: {  	_ =	swait.ge [sflag:s8], $0x4000  }
0x3dc: {  	[sflag:s8] =	ssyncset.done $0x0  }
0x3dd: {  	s10 =	simm.s32 $0xA00;
	[sflag:s8] =	ssyncadd.s32 $0xFFFFC000  }
0x3de: {  	[spmem:s2] =	stream.indirect.scatter.add.f32 [tilespmem:s12], [sflag:$0x3], $0x80, s10, s11, $0xb8;
	[tilespmem:$0x1D800] =	vst v63  }
0x3df: {  	_ =	swait.ge [sflag:s9], $0x4000  }
0x3e0: {  	[sflag:s9] =	ssyncset.done $0x0  }
0x3e1: {  	s14 =	simm.s32 $0x300;
	[sflag:s9] =	ssyncadd.s32 $0xFFFFC000  }
0x3e2: {  	[tilespmem:s12], [sflag:$0x1] =	stream.indirect.gather [hbm4b:s5+s11], $0x80, s14, s11, $0xb8;
	[tilespmem:$0x1D800] =	vst v63  }
0x3e3: {  	_ =	swait.ge [sflag:s15], $0x4000  }
0x3e4: {  	[sflag:s15] =	ssyncset.done $0x0  }
0x3e5: {  	s25 =	simm.s32 $0xA80;
	[sflag:s15] =	ssyncadd.s32 $0xFFFFC000  }
0x3e6: {  	[spmem:s2] =	stream.indirect.scatter.add.f32 [tilespmem:s13], [sflag:$0x3], $0x80, s25, s11, $0xb8;
	[tilespmem:$0x1D800] =	vst v63  }
0x3e7: {  	_ =	swait.ge [sflag:s9], $0x4000  }
0x3e8: {  	[sflag:s9] =	ssyncset.done $0x0  }
0x3e9: {  	s30 =	simm.s32 $0x380;
	[sflag:s9] =	ssyncadd.s32 $0xFFFFC000  }
0x3ea: {  	[tilespmem:s13], [sflag:$0x2] =	stream.indirect.gather [hbm4b:s5+s11], $0x80, s30, s11, $0xb8;
	[tilespmem:$0x1D800] =	vst v63  }
0x3eb: {  	_ =	swait.ge [sflag:s8], $0x4000  }
0x3ec: {  	[sflag:s8] =	ssyncset.done $0x0  }
0x3ed: {  	s31 =	simm.s32 $0xB00;
	[sflag:s8] =	ssyncadd.s32 $0xFFFFC000  }
0x3ee: {  	[spmem:s2] =	stream.indirect.scatter.add.f32 [tilespmem:s12], [sflag:$0x3], $0x80, s31, s11, $0xb8;
	[tilespmem:$0x1D800] =	vst v63  }
0x3ef: {  	_ =	swait.ge [sflag:s9], $0x4000  }
0x3f0: {  	[sflag:s9] =	ssyncset.done $0x0  }
0x3f1: {  	s16 =	simm.s32 $0x400;
	[sflag:s9] =	ssyncadd.s32 $0xFFFFC000  }
0x3f2: {  	[tilespmem:s12], [sflag:$0x1] =	stream.indirect.gather [hbm4b:s5+s11], $0x80, s16, s11, $0xb8;
	[tilespmem:$0x1D800] =	vst v63  }
0x3f3: {  	_ =	swait.ge [sflag:s15], $0x4000  }
0x3f4: {  	[sflag:s15] =	ssyncset.done $0x0  }
0x3f5: {  	s17 =	simm.s32 $0xB80;
	[sflag:s15] =	ssyncadd.s32 $0xFFFFC000  }
0x3f6: {  	[spmem:s2] =	stream.indirect.scatter.add.f32 [tilespmem:s13], [sflag:$0x3], $0x80, s17, s11, $0xb8;
	[tilespmem:$0x1D800] =	vst v63  }
0x3f7: {  	_ =	swait.ge [sflag:s9], $0x4000  }
0x3f8: {  	[sflag:s9] =	ssyncset.done $0x0  }
0x3f9: {  	s18 =	simm.s32 $0x480;
	[sflag:s9] =	ssyncadd.s32 $0xFFFFC000  }
0x3fa: {  	[tilespmem:s13], [sflag:$0x2] =	stream.indirect.gather [hbm4b:s5+s11], $0x80, s18, s11, $0xb8;
	[tilespmem:$0x1D800] =	vst v63  }
0x3fb: {  	_ =	swait.ge [sflag:s8], $0x4000  }
0x3fc: {  	[sflag:s8] =	ssyncset.done $0x0  }
0x3fd: {  	s19 =	simm.s32 $0xC00;
	[sflag:s8] =	ssyncadd.s32 $0xFFFFC000  }
0x3fe: {  	[spmem:s2] =	stream.indirect.scatter.add.f32 [tilespmem:s12], [sflag:$0x3], $0x80, s19, s11, $0xb8;
	[tilespmem:$0x1D800] =	vst v63  }
0x3ff: {  	_ =	swait.ge [sflag:s9], $0x4000  }
0x400: {  	[sflag:s9] =	ssyncset.done $0x0  }
0x401: {  	s21 =	simm.s32 $0x500;
	[sflag:s9] =	ssyncadd.s32 $0xFFFFC000  }
0x402: {  	[tilespmem:s12], [sflag:$0x1] =	stream.indirect.gather [hbm4b:s5+s11], $0x80, s21, s11, $0xb8;
	[tilespmem:$0x1D800] =	vst v63  }
0x403: {  	_ =	swait.ge [sflag:s15], $0x4000  }
0x404: {  	[sflag:s15] =	ssyncset.done $0x0  }
0x405: {  	s1 =	simm.s32 $0xC80;
	[sflag:s15] =	ssyncadd.s32 $0xFFFFC000  }
0x406: {  	[spmem:s2] =	stream.indirect.scatter.add.f32 [tilespmem:s13], [sflag:$0x3], $0x80, s1, s11, $0xb8;
	[tilespmem:$0x1D800] =	vst v63  }
0x407: {  	_ =	swait.ge [sflag:s9], $0x4000  }
0x408: {  	[sflag:s9] =	ssyncset.done $0x0  }
0x409: {  	s17 =	simm.s32 $0x580;
	[sflag:s9] =	ssyncadd.s32 $0xFFFFC000  }
0x40a: {  	[tilespmem:s13], [sflag:$0x2] =	stream.indirect.gather [hbm4b:s5+s11], $0x80, s17, s11, $0xb8;
	[tilespmem:$0x1D800] =	vst v63  }
0x40b: {  	_ =	swait.ge [sflag:s8], $0x4000  }
0x40c: {  	[sflag:s8] =	ssyncset.done $0x0  }
0x40d: {  	s3 =	simm.s32 $0xD00;
	[sflag:s8] =	ssyncadd.s32 $0xFFFFC000  }
0x40e: {  	[spmem:s2] =	stream.indirect.scatter.add.f32 [tilespmem:s12], [sflag:$0x3], $0x80, s3, s11, $0xb8;
	[tilespmem:$0x1D800] =	vst v63  }
0x40f: {  	_ =	swait.ge [sflag:s9], $0x4000  }
0x410: {  	[sflag:s9] =	ssyncset.done $0x0  }
0x411: {  	s24 =	simm.s32 $0x600;
	[sflag:s9] =	ssyncadd.s32 $0xFFFFC000  }
0x412: {  	[tilespmem:s12], [sflag:$0x1] =	stream.indirect.gather [hbm4b:s5+s11], $0x80, s24, s11, $0xb8;
	[tilespmem:$0x1D800] =	vst v63  }
0x413: {  	_ =	swait.ge [sflag:s15], $0x4000  }
0x414: {  	[sflag:s15] =	ssyncset.done $0x0  }
0x415: {  	s28 =	simm.s32 $0xD80;
	[sflag:s15] =	ssyncadd.s32 $0xFFFFC000  }
0x416: {  	[spmem:s2] =	stream.indirect.scatter.add.f32 [tilespmem:s13], [sflag:$0x3], $0x80, s28, s11, $0xb8;
	[tilespmem:$0x1D800] =	vst v63  }
0x417: {  	_ =	swait.ge [sflag:s9], $0x4000  }
0x418: {  	[sflag:s9] =	ssyncset.done $0x0  }
0x419: {  	s29 =	simm.s32 $0x680;
	[sflag:s9] =	ssyncadd.s32 $0xFFFFC000  }
0x41a: {  	[tilespmem:s13], [sflag:$0x2] =	stream.indirect.gather [hbm4b:s5+s11], $0x80, s29, s11, $0xb8;
	[tilespmem:$0x1D800] =	vst v63  }
0x41b: {  	_ =	swait.ge [sflag:s8], $0x4000  }
0x41c: {  	[sflag:s8] =	ssyncset.done $0x0  }
0x41d: {  	s18 =	simm.s32 $0xE00;
	[sflag:s8] =	ssyncadd.s32 $0xFFFFC000  }
0x41e: {  	[spmem:s2] =	stream.indirect.scatter.add.f32 [tilespmem:s12], [sflag:$0x3], $0x80, s18, s11, $0xb8;
	[tilespmem:$0x1D800] =	vst v63  }
0x41f: {  	_ =	swait.ge [sflag:s9], $0x4000  }
0x420: {  	[sflag:s9] =	ssyncset.done $0x0  }
0x421: {  	s19 =	simm.s32 $0x700;
	[sflag:s9] =	ssyncadd.s32 $0xFFFFC000  }
0x422: {  	[tilespmem:s12], [sflag:$0x1] =	stream.indirect.gather [hbm4b:s5+s11], $0x80, s19, s11, $0xb8;
	[tilespmem:$0x1D800] =	vst v63  }
0x423: {  	_ =	swait.ge [sflag:s15], $0x4000  }
0x424: {  	[sflag:s15] =	ssyncset.done $0x0  }
0x425: {  	s21 =	simm.s32 $0xE80;
	[sflag:s15] =	ssyncadd.s32 $0xFFFFC000  }
0x426: {  	[spmem:s2] =	stream.indirect.scatter.add.f32 [tilespmem:s13], [sflag:$0x3], $0x80, s21, s11, $0xb8;
	[tilespmem:$0x1D800] =	vst v63  }
0x427: {  	_ =	swait.ge [sflag:s9], $0x4000  }
0x428: {  	[sflag:s9] =	ssyncset.done $0x0  }
0x429: {  	s22 =	simm.s32 $0x780;
	[sflag:s9] =	ssyncadd.s32 $0xFFFFC000  }
0x42a: {  	[tilespmem:s13], [sflag:$0x2] =	stream.indirect.gather [hbm4b:s5+s11], $0x80, s22, s11, $0xb8;
	[tilespmem:$0x1D800] =	vst v63  }
0x42b: {  	_ =	swait.ge [sflag:s8], $0x4000  }
0x42c: {  	[sflag:s8] =	ssyncset.done $0x0  }
0x42d: {  	s23 =	simm.s32 $0xF00;
	[sflag:s8] =	ssyncadd.s32 $0xFFFFC000  }
0x42e: {  	[spmem:s2] =	stream.indirect.scatter.add.f32 [tilespmem:s12], [sflag:$0x3], $0x80, s23, s11, $0xb8;
	[tilespmem:$0x1D800] =	vst v63  }
0x42f: {  	_ =	swait.ge [sflag:s9], $0x4000  }
0x430: {  	[sflag:s9] =	ssyncset.done $0x0  }
0x431: {  	[sflag:s9] =	ssyncadd.s32 $0xFFFFC000  }
0x432: {  	_ =	swait.ge [sflag:s15], $0x4000  }
0x433: {  	[sflag:s15] =	ssyncset.done $0x0  }
0x434: {  	s24 =	simm.s32 $0xF80;
	[sflag:s15] =	ssyncadd.s32 $0xFFFFC000  }
0x435: {  	[spmem:s2] =	stream.indirect.scatter.add.f32 [tilespmem:s13], [sflag:$0x3], $0x80, s24, s11, $0xb8;
	[tilespmem:$0x1D800] =	vst v63  }
0x436: {  	_ =	swait.ge [sflag:s9], $0x4000  }
0x437: {  	[sflag:s9] =	ssyncset.done $0x0  }
0x438: {  	[sflag:s9] =	ssyncadd.s32 $0xFFFFC000  }
0x439: {  	[bflag:$0x0] =	sbarrier.arrive $0xFFFF  }
0x43a: {  	s30 =	sld [smem:$0x7F1]  }
0x43b: {  	s29 =	stileid.u32;
	s25 =	sld [smem:$0x7FD]  }
0x43c: {  	p0 =	sne.s32 s6, $0x1;
	s28 =	sshll.u32 s29, $0x6  }
.Ltmp0:
0x43d: {  	s28 =	sor.u32 $0x1C03, s28;
	s31 =	sshrl.u32 s30, $0x3;
	(pc) =	sbr.rel @p0 .LBB2_1-.Ltmp0, $4  }
0x43e: {  	[hbm:s25], [sflag:s28] =	dma.local [spmem:s31], $0x2800  }
0x43f: {  	_ =	swait.ge [sflag:s9], $0x2800  }
0x440: {  	[sflag:s9] =	ssyncset.done $0x0  }
0x441: {  	s6 =	sadd.s32 $0xFFFFFFFF, s6;
	[sflag:s9] =	ssyncadd.s32 $0xFFFFD800  }
0x442: {  	_ =	sfence.sel $0x180000  }
0x443: {  	[bflag:$0x0] =	sbarrier.arrive $0xFFFF  }
0x444: {  	_ =	strace $0x9000004A  }
0x445: {  	s0 =	stileid.u32;
	[bflag:$0x2] =	sbarrier.arrive $0xFFFF  }
0x446: {  	p0 =	sne.s32 s0, $0x0;
	s0 =	rddreg [dreg:$0x3]  }
0x447: {  	s0 =	sadd.s32 @!p0 $0x100000, s0  }
0x448: {  	[sflag:s0] =	ssyncadd.tile.s32 @!p0 $0x1;
	_ =	shalt  }
.Lfunc_end2:
_tile_overlayer_lowered:
.L_overlay_start_2:
0x449: {  	(tag) =	ssettag $0x2  }
0x44a: {  	s0 =	rddreg [dreg:$0x0];
	s2 =	stileid.u32  }
0x44b: {  	s1 =	rddreg [dreg:$0x1];
	p0 =	sne.s32 s2, $0x0  }
0x44c: {  	s3 =	rddreg [dreg:$0x2];
	[bflag:$0x3] =	sbarrier.arrive $0xFFFF;
	s2 =	simm.s32 @!p0 $0x1C03  }
0x44d: {  	[timem:s3], [sflag:s2] =	dma.local @!p0 [hbm:s0], s1  }
0x44e: {  	s0 =	simm.s32 @!p0 $0x3  }
0x44f: {  	_ =	swait.ge @!p0 [sflag:s0], s1  }
0x450: {  	s1 =	ssub.s32 @!p0 $0x0, s1;
	[sflag:s0] =	ssyncset.done @!p0 $0x0  }
0x451: {  	[sflag:s0] =	ssyncadd.s32 @!p0 s1  }
0x452: {  	[bflag:$0x3] =	sbarrier.arrive $0xFFFF  }
0x453: {  	_ =	shalt  }

</sc_bundles>
